<compile_context>
chip_gen: v7x
topology: tpu7x:2x2x1
jax: 0.10.2.dev20260603
libtpu: 0.0.44.dev20260713+nightly
codegen_flags: <defaults>
</compile_context>

<pallas_src>
import functools

import jax
import jax.numpy as jnp
from jax import lax
from jax.experimental import pallas as pl
from jax.experimental.pallas import tpu as pltpu
from jax.experimental.pallas import tpu_sc as plsc

N_NODES = 100000
D_IN = 128
NM = 32
B_SEG = 2048
FD = 256

NC = 2
NS = 16
NW = NC * NS
SEG_W = B_SEG // NW
OFF_PAD = 96
CHUNK = 512
SSTR = 8
CSUB = -(-N_NODES // SSTR)
CSUB_PAD = ((CSUB + 15) // 16) * 16
COARSE_ROUNDS = 14


def _sc_segmax_body(x_hbm, batch_hbm, bsub_hbm, out_hbm, *rest):
    cid = lax.axis_index("c")
    sid = lax.axis_index("s")
    wid = sid * NC + cid
    _sc_worker(wid, x_hbm, batch_hbm, bsub_hbm, out_hbm, *rest)


def _sc_worker(wid, x_hbm, batch_hbm, bsub_hbm, out_hbm, *rest):
    np_ = SSTR - 1
    offs_v = rest[0]
    idx_bufs = rest[1:1 + np_]
    val_bufs = rest[1 + np_:1 + 2 * np_]
    bsub_v, xbuf, xbuf2, out_loc, semA, semB = rest[1 + 2 * np_:]
    seg0 = wid * SEG_W

    pltpu.sync_copy(bsub_hbm, bsub_v)
    iot16 = lax.iota(jnp.int32, 16)
    nv = OFF_PAD // 16
    bvecs = [seg0 + v0 + iot16 for v0 in range(0, OFF_PAD, 16)]
    clos = [jnp.zeros((16,), jnp.int32) for _ in range(nv)]
    chis = [jnp.full((16,), CSUB, jnp.int32) for _ in range(nv)]
    for _ in range(COARSE_ROUNDS):
        for v in range(nv):
            mid = jnp.minimum((clos[v] + chis[v]) >> 1, CSUB - 1)
            val = plsc.load_gather(bsub_v, [mid])
            pred = val < bvecs[v]
            clos[v] = jnp.where(pred, mid + 1, clos[v])
            chis[v] = jnp.where(pred, chis[v], mid)
    los = [jnp.minimum(jnp.maximum(SSTR * c - (SSTR - 1), 0), N_NODES)
           for c in clos]
    for j in range(np_):
        for v in range(nv):
            pj = jnp.minimum(los[v] + j, N_NODES - 1)
            idx_bufs[j][pl.ds(16 * v, 16)] = pj
    descs = [pltpu.async_copy(batch_hbm.at[idx_bufs[j]], val_bufs[j], semA)
             for j in range(np_)]
    for d in descs:
        d.wait()
    for v in range(nv):
        o = los[v]
        for j in range(np_):
            val = val_bufs[j][pl.ds(16 * v, 16)]
            m = ((los[v] + j) < N_NODES) & (val < bvecs[v])
            o = o + m.astype(jnp.int32)
        offs_v[pl.ds(16 * v, 16)] = o

    neg_inf = jnp.full((16,), -jnp.inf, jnp.float32)
    for j in range(SEG_W):
        out_loc[j, pl.ds(0, 16)] = neg_inf
        out_loc[j, pl.ds(16, 16)] = neg_inf

    row_lo = offs_v[pl.ds(0, 16)][0]
    row_hi = offs_v[pl.ds(SEG_W, 16)][0]
    nch = (row_hi - row_lo + (CHUNK - 1)) // CHUNK

    def chunk_start(k):
        return jnp.minimum(row_lo + k * CHUNK, N_NODES - CHUNK)

    def dma_start(k, buf, dsem):
        return pltpu.async_copy(
            x_hbm.at[pl.ds(chunk_start(k), CHUNK), pl.ds(D_IN - NM, NM)],
            buf, dsem)

    def dma_wait(buf, dsem):
        pltpu.make_async_copy(
            x_hbm.at[pl.ds(0, CHUNK), pl.ds(D_IN - NM, NM)], buf, dsem).wait()

    def process(k, xbuf, carry):
        s_rel, a0, a1 = carry
        start = chunk_start(k)
        b_end = jnp.minimum(row_lo + (k + 1) * CHUNK, row_hi)
        r0 = jnp.minimum(row_lo + k * CHUNK, row_hi)
        nseg = 0
        iot = lax.iota(jnp.int32, 16)
        srel_v = lax.broadcast(s_rel + 1, (16,))
        bend_v = lax.broadcast(b_end, (16,))
        for v0 in range(1, SEG_W + 1, 16):
            ov = offs_v[pl.ds(v0, 16)]
            m = (((v0 + iot) >= srel_v) & (ov <= bend_v)).astype(jnp.int32)
            nseg += jnp.sum(m, axis=0)

        def seg_step(j, st):
            s_rel, a0, a1, r = st
            seg_end = offs_v[pl.ds(s_rel + 1, 16)][0]
            e = jnp.minimum(seg_end, b_end)

            def row_body(i, ac):
                b0, b1 = ac
                li = i - start
                return (jnp.maximum(b0, xbuf[li, pl.ds(0, 16)]),
                        jnp.maximum(b1, xbuf[li, pl.ds(16, 16)]))

            def row8_body(i, ac):
                b0, b1 = ac
                li = (r - start) + 8 * i
                lo = [xbuf[li + u, pl.ds(0, 16)] for u in range(8)]
                hi = [xbuf[li + u, pl.ds(16, 16)] for u in range(8)]
                t0 = jnp.maximum(jnp.maximum(lo[0], lo[1]),
                                 jnp.maximum(lo[2], lo[3]))
                t1 = jnp.maximum(jnp.maximum(lo[4], lo[5]),
                                 jnp.maximum(lo[6], lo[7]))
                u0 = jnp.maximum(jnp.maximum(hi[0], hi[1]),
                                 jnp.maximum(hi[2], hi[3]))
                u1 = jnp.maximum(jnp.maximum(hi[4], hi[5]),
                                 jnp.maximum(hi[6], hi[7]))
                return (jnp.maximum(b0, jnp.maximum(t0, t1)),
                        jnp.maximum(b1, jnp.maximum(u0, u1)))

            n8 = (e - r) >> 3
            a0, a1 = lax.fori_loop(0, n8, row8_body, (a0, a1))
            a0, a1 = lax.fori_loop(r + 8 * n8, e, row_body, (a0, a1))
            done = seg_end <= b_end
            out_loc[s_rel, pl.ds(0, 16)] = a0
            out_loc[s_rel, pl.ds(16, 16)] = a1
            s_rel2 = jnp.where(done, s_rel + 1, s_rel)
            done_v = lax.broadcast(done, (16,))
            a0 = jnp.where(done_v, neg_inf, a0)
            a1 = jnp.where(done_v, neg_inf, a1)
            return (s_rel2, a0, a1, e)

        s_rel, a0, a1, _ = lax.fori_loop(
            0, nseg + 1, seg_step, (s_rel, a0, a1, r0))
        return (s_rel, a0, a1)

    npair = (nch + 1) // 2
    dma_start(0, xbuf, semA)

    def pair_body(m, carry):
        d1 = dma_start(2 * m + 1, xbuf2, semB)
        dma_wait(xbuf, semA)
        carry = process(2 * m, xbuf, carry)
        dma_start(2 * m + 2, xbuf, semA)
        d1.wait()
        carry = process(2 * m + 1, xbuf2, carry)
        return carry

    lax.fori_loop(0, npair, pair_body, (0, neg_inf, neg_inf))
    dma_wait(xbuf, semA)
    pltpu.sync_copy(out_loc.at[pl.ds(0, SEG_W)], out_hbm.at[pl.ds(seg0, SEG_W)])


@jax.jit
def _sc_segmax(x, batch, bsub):
    mesh = plsc.VectorSubcoreMesh(core_axis_name="c", subcore_axis_name="s",
                                  num_cores=NC, num_subcores=NS)
    return pl.kernel(
        _sc_segmax_body,
        out_type=jax.ShapeDtypeStruct((B_SEG, NM), jnp.float32),
        mesh=mesh,
        scratch_types=(
            [pltpu.VMEM((OFF_PAD,), jnp.int32)]
            + [pltpu.VMEM((OFF_PAD,), jnp.int32) for _ in range(SSTR - 1)]
            + [pltpu.VMEM((OFF_PAD,), jnp.int32) for _ in range(SSTR - 1)]
            + [
                pltpu.VMEM((CSUB_PAD,), jnp.int32),
                pltpu.VMEM((CHUNK, NM), jnp.float32),
                pltpu.VMEM((CHUNK, NM), jnp.float32),
                pltpu.VMEM((SEG_W + 8, NM), jnp.float32),
                pltpu.SemaphoreType.DMA,
                pltpu.SemaphoreType.DMA,
            ]
        ),
        compiler_params=pltpu.CompilerParams(
            use_tc_tiling_on_sc=False, needs_layout_passes=False),
    )(x, batch, bsub)


def _ln(x, g, b, eps=1e-5):
    m = jnp.mean(x, axis=-1, keepdims=True)
    v = jnp.var(x, axis=-1, keepdims=True)
    return (x - m) / jnp.sqrt(v + eps) * g + b


def _mlp_body(p_ref, wmol_ref, bmol_ref, g0_ref, be0_ref, w0_ref, b0_ref,
              g1_ref, be1_ref, w1_ref, b1_ref, g2_ref, be2_ref, w2_ref,
              b2_ref, g3_ref, be3_ref, w3_ref, b3_ref, wh1_ref, bh1_ref,
              wh2_ref, o_ref):
    p = p_ref[...]
    p = jnp.where(jnp.isfinite(p), p, 0.0)
    dot = functools.partial(jnp.dot, preferred_element_type=jnp.float32)
    h = dot(p, wmol_ref[...]) + bmol_ref[...]
    h = jax.nn.gelu(dot(_ln(h, g0_ref[...], be0_ref[...]), w0_ref[...])
                    + b0_ref[...])
    h = jax.nn.gelu(dot(_ln(h, g1_ref[...], be1_ref[...]), w1_ref[...])
                    + b1_ref[...])
    h = jax.nn.gelu(dot(_ln(h, g2_ref[...], be2_ref[...]), w2_ref[...])
                    + b2_ref[...])
    h = jax.nn.gelu(dot(_ln(h, g3_ref[...], be3_ref[...]), w3_ref[...])
                    + b3_ref[...])
    h2 = jnp.maximum(dot(h, wh1_ref[...]) + bh1_ref[...], 0.0)
    o_ref[...] = dot(h2, wh2_ref[...])


@jax.jit
def _tc_mlp(pooled, *weights):
    return pl.pallas_call(
        _mlp_body,
        out_shape=jax.ShapeDtypeStruct((B_SEG, 1), jnp.float32),
    )(pooled, *weights)


def kernel(x, batch, W_mol, b_mol, g0, be0, W0, b0, g1, be1, W1, b1,
           g2, be2, W2, b2, g3, be3, W3, b3, Wh1, bh1, Wh2):
    b32 = batch.astype(jnp.int32)
    bsub = b32[::SSTR]
    if CSUB_PAD > CSUB:
        bsub = jnp.concatenate(
            [bsub, jnp.full((CSUB_PAD - CSUB,), 2**30, jnp.int32)])
    pooled = _sc_segmax(x, b32, bsub)
    r2 = lambda a: a.reshape(1, -1)
    return _tc_mlp(pooled, W_mol, r2(b_mol), r2(g0), r2(be0), W0, r2(b0),
                   r2(g1), r2(be1), W1, r2(b1), r2(g2), r2(be2), W2, r2(b2),
                   r2(g3), r2(be3), W3, r2(b3), Wh1, r2(bh1), Wh2)

# --- scband reference (transcript-rebuilt; emitter-appended) ---
"""Pipeline reference for scband-flow-model-51049981281534 (READ-ONLY COPY).

The authoritative reference and input builder live on the scoring server;
editing this copy changes nothing except your own understanding.
"""

import jax, jax.numpy as jnp
import numpy as np

N, D, NM, B, FD = 100000, 128, 32, 2048, 256

def _ln(x, g, b, eps=1e-5):
    m = jnp.mean(x, axis=-1, keepdims=True)
    v = jnp.var(x, axis=-1, keepdims=True)
    return (x - m) / jnp.sqrt(v + eps) * g + b

def _forward(x, batch, W_mol, b_mol, g0, be0, W0, b0, g1, be1, W1, b1, g2, be2, W2, b2, g3, be3, W3, b3, Wh1, bh1, Wh2):
    # data.x[:, -n_mol_feats:] -> global_max_pool (scatter-max by graph id)
    mol_inputs = x[:, -NM:]
    pooled = jax.ops.segment_max(mol_inputs, batch, num_segments=B)
    pooled = jnp.where(jnp.isfinite(pooled), pooled, 0.0)
    # mol_fc
    h = pooled @ W_mol + b_mol
    # fc stack: norm -> linear -> gelu (dropout is identity in eval / p=0)
    h = jax.nn.gelu(_ln(h, g0, be0) @ W0 + b0)
    h = jax.nn.gelu(_ln(h, g1, be1) @ W1 + b1)
    h = jax.nn.gelu(_ln(h, g2, be2) @ W2 + b2)
    h = jax.nn.gelu(_ln(h, g3, be3) @ W3 + b3)
    # single output head: Linear -> ReLU -> Linear(no bias)
    h2 = jax.nn.relu(h @ Wh1 + bh1)
    return h2 @ Wh2

def setup_inputs(seed: int = 0):
    key = jax.random.key(seed)
    ks = jax.random.split(key, 16)
    def w(k, shape, fan_in):
        return (jax.random.normal(k, shape, jnp.float32) / np.sqrt(fan_in)).astype(jnp.float32)
    inp = {}
    inp['x'] = jax.random.normal(ks[0], (N, D), jnp.float32)
    inp['batch'] = jnp.sort(jax.random.randint(ks[1], (N,), 0, B))
    inp['W_mol'] = w(ks[2], (NM, NM), NM)
    inp['b_mol'] = jnp.zeros((NM,), jnp.float32)
    inp['g0'] = jnp.ones((NM,), jnp.float32)
    inp['be0'] = jnp.zeros((NM,), jnp.float32)
    inp['W0'] = w(ks[3], (NM, FD), NM)
    inp['b0'] = jnp.zeros((FD,), jnp.float32)
    inp['g1'] = jnp.ones((FD,), jnp.float32)
    inp['be1'] = jnp.zeros((FD,), jnp.float32)
    inp['W1'] = w(ks[4], (FD, FD), FD)
    inp['b1'] = jnp.zeros((FD,), jnp.float32)
    inp['g2'] = jnp.ones((FD,), jnp.float32)
    inp['be2'] = jnp.zeros((FD,), jnp.float32)
    inp['W2'] = w(ks[5], (FD, FD), FD)
    inp['b2'] = jnp.zeros((FD,), jnp.float32)
    inp['g3'] = jnp.ones((FD,), jnp.float32)
    inp['be3'] = jnp.zeros((FD,), jnp.float32)
    inp['W3'] = w(ks[6], (FD, FD), FD)
    inp['b3'] = jnp.zeros((FD,), jnp.float32)
    inp['Wh1'] = w(ks[7], (FD, FD), FD)
    inp['bh1'] = jnp.zeros((FD,), jnp.float32)
    inp['Wh2'] = w(ks[8], (FD, 1), FD)
    return inp

def reference(x, batch, W_mol, b_mol, g0, be0, W0, b0, g1, be1, W1, b1, g2, be2, W2, b2, g3, be3, W3, b3, Wh1, bh1, Wh2):
    return _forward(x, batch, W_mol, b_mol, g0, be0, W0, b0, g1, be1, W1, b1, g2, be2, W2, b2, g3, be3, W3, b3, Wh1, bh1, Wh2)

if __name__ == "__main__":
    import jax
    _d = setup_inputs()
    print(jax.jit(kernel)(*tuple(_d.values())))

</pallas_src>

<mosaic_0001>
#map = affine_map<(d0, d1) -> (0, 0)>
#map1 = affine_map<(d0, d1) -> (0)>
module attributes {stable_mosaic.version = 14 : i64} {
  func.func @_sc_segmax_body(%arg0: i32, %arg1: i32, %arg2: memref<100000x128xf32, #tpu.memory_space<hbm>>, %arg3: memref<100000xi32, #tpu.memory_space<hbm>>, %arg4: memref<12512xi32, #tpu.memory_space<hbm>>, %arg5: memref<2048x32xf32, #tpu.memory_space<hbm>>, %arg6: memref<96xi32, #tpu.memory_space<vmem>>, %arg7: memref<96xi32, #tpu.memory_space<vmem>>, %arg8: memref<96xi32, #tpu.memory_space<vmem>>, %arg9: memref<96xi32, #tpu.memory_space<vmem>>, %arg10: memref<96xi32, #tpu.memory_space<vmem>>, %arg11: memref<96xi32, #tpu.memory_space<vmem>>, %arg12: memref<96xi32, #tpu.memory_space<vmem>>, %arg13: memref<96xi32, #tpu.memory_space<vmem>>, %arg14: memref<96xi32, #tpu.memory_space<vmem>>, %arg15: memref<96xi32, #tpu.memory_space<vmem>>, %arg16: memref<96xi32, #tpu.memory_space<vmem>>, %arg17: memref<96xi32, #tpu.memory_space<vmem>>, %arg18: memref<96xi32, #tpu.memory_space<vmem>>, %arg19: memref<96xi32, #tpu.memory_space<vmem>>, %arg20: memref<96xi32, #tpu.memory_space<vmem>>, %arg21: memref<12512xi32, #tpu.memory_space<vmem>>, %arg22: memref<512x32xf32, #tpu.memory_space<vmem>>, %arg23: memref<512x32xf32, #tpu.memory_space<vmem>>, %arg24: memref<72x32xf32, #tpu.memory_space<vmem>>, %arg25: memref<!tpu.dma_semaphore, #tpu.memory_space<semaphore_mem>>, %arg26: memref<!tpu.dma_semaphore, #tpu.memory_space<semaphore_mem>>) attributes {dimension_semantics = [#tpu.dimension_semantics<core_parallel>, #tpu.dimension_semantics<subcore_parallel>], iteration_bounds = array<i64: 2, 16>, scalar_prefetch = 0 : i64, scratch_operands = 21 : i64, tpu.core_type = #tpu.core_type<sc_vector_subcore>, window_params = [{transform_indices = #map}, {transform_indices = #map1}, {transform_indices = #map1}, {transform_indices = #map}]} {
    %mul3A = arith.constant 2 : i32
    %mul3A_0 = arith.muli %arg1, %mul3A : i32
    %add3A = arith.addi %mul3A_0, %arg0 : i32
    %mul3A_1 = arith.constant 64 : i32
    %mul3A_2 = arith.muli %add3A, %mul3A_1 : i32
    "tpu.region"() ({
      %run_scoped3A = tpu.sem_alloc : memref<!tpu.dma_semaphore, #tpu.memory_space<semaphore_mem>>
      tpu.enqueue_dma source(%arg4 : memref<12512xi32, #tpu.memory_space<hbm>>) target(%arg21 : memref<12512xi32, #tpu.memory_space<vmem>>) target_semaphore(%run_scoped3A : memref<!tpu.dma_semaphore, #tpu.memory_space<semaphore_mem>>)
      tpu.wait_dma2 semaphore(%run_scoped3A : memref<!tpu.dma_semaphore, #tpu.memory_space<semaphore_mem>>) src(%arg4 : memref<12512xi32, #tpu.memory_space<hbm>>) dst(%arg21 : memref<12512xi32, #tpu.memory_space<vmem>>)
      tpu.yield
    }) : () -> ()
    %iota3A = tpu.iota {dimensions = array<i32: 0>} : vector<16xi32>
    %add3A_3 = arith.constant 0 : i32
    %add3A_4 = arith.addi %mul3A_2, %add3A_3 : i32
    %add3A_5 = vector.broadcast %add3A_4 : i32 to vector<16xi32>
    %add3A_6 = arith.addi %add3A_5, %iota3A : vector<16xi32>
    %add3A_7 = arith.constant 16 : i32
    %add3A_8 = arith.addi %mul3A_2, %add3A_7 : i32
    %add3A_9 = vector.broadcast %add3A_8 : i32 to vector<16xi32>
    %add3A_10 = arith.addi %add3A_9, %iota3A : vector<16xi32>
    %add3A_11 = arith.constant 32 : i32
    %add3A_12 = arith.addi %mul3A_2, %add3A_11 : i32
    %add3A_13 = vector.broadcast %add3A_12 : i32 to vector<16xi32>
    %add3A_14 = arith.addi %add3A_13, %iota3A : vector<16xi32>
    %add3A_15 = arith.constant 48 : i32
    %add3A_16 = arith.addi %mul3A_2, %add3A_15 : i32
    %add3A_17 = vector.broadcast %add3A_16 : i32 to vector<16xi32>
    %add3A_18 = arith.addi %add3A_17, %iota3A : vector<16xi32>
    %add3A_19 = arith.constant 64 : i32
    %add3A_20 = arith.addi %mul3A_2, %add3A_19 : i32
    %add3A_21 = vector.broadcast %add3A_20 : i32 to vector<16xi32>
    %add3A_22 = arith.addi %add3A_21, %iota3A : vector<16xi32>
    %add3A_23 = arith.constant 80 : i32
    %add3A_24 = arith.addi %mul3A_2, %add3A_23 : i32
    %add3A_25 = vector.broadcast %add3A_24 : i32 to vector<16xi32>
    %add3A_26 = arith.addi %add3A_25, %iota3A : vector<16xi32>
    %broadcast_in_dim3A = arith.constant 0 : i32
    %broadcast_in_dim3A_27 = vector.broadcast %broadcast_in_dim3A : i32 to vector<16xi32>
    %broadcast_in_dim3A_28 = arith.constant 0 : i32
    %broadcast_in_dim3A_29 = vector.broadcast %broadcast_in_dim3A_28 : i32 to vector<16xi32>
    %broadcast_in_dim3A_30 = arith.constant 0 : i32
    %broadcast_in_dim3A_31 = vector.broadcast %broadcast_in_dim3A_30 : i32 to vector<16xi32>
    %broadcast_in_dim3A_32 = arith.constant 0 : i32
    %broadcast_in_dim3A_33 = vector.broadcast %broadcast_in_dim3A_32 : i32 to vector<16xi32>
    %broadcast_in_dim3A_34 = arith.constant 0 : i32
    %broadcast_in_dim3A_35 = vector.broadcast %broadcast_in_dim3A_34 : i32 to vector<16xi32>
    %broadcast_in_dim3A_36 = arith.constant 0 : i32
    %broadcast_in_dim3A_37 = vector.broadcast %broadcast_in_dim3A_36 : i32 to vector<16xi32>
    %broadcast_in_dim3A_38 = arith.constant 12500 : i32
    %broadcast_in_dim3A_39 = vector.broadcast %broadcast_in_dim3A_38 : i32 to vector<16xi32>
    %broadcast_in_dim3A_40 = arith.constant 12500 : i32
    %broadcast_in_dim3A_41 = vector.broadcast %broadcast_in_dim3A_40 : i32 to vector<16xi32>
    %broadcast_in_dim3A_42 = arith.constant 12500 : i32
    %broadcast_in_dim3A_43 = vector.broadcast %broadcast_in_dim3A_42 : i32 to vector<16xi32>
    %broadcast_in_dim3A_44 = arith.constant 12500 : i32
    %broadcast_in_dim3A_45 = vector.broadcast %broadcast_in_dim3A_44 : i32 to vector<16xi32>
    %broadcast_in_dim3A_46 = arith.constant 12500 : i32
    %broadcast_in_dim3A_47 = vector.broadcast %broadcast_in_dim3A_46 : i32 to vector<16xi32>
    %broadcast_in_dim3A_48 = arith.constant 12500 : i32
    %broadcast_in_dim3A_49 = vector.broadcast %broadcast_in_dim3A_48 : i32 to vector<16xi32>
    %add3A_50 = arith.addi %broadcast_in_dim3A_27, %broadcast_in_dim3A_39 : vector<16xi32>
    %shift_right_arithmetic3A = arith.constant 1 : i32
    %shift_right_arithmetic3A_51 = vector.broadcast %shift_right_arithmetic3A : i32 to vector<16xi32>
    %shift_right_arithmetic3A_52 = arith.shrsi %add3A_50, %shift_right_arithmetic3A_51 : vector<16xi32>
    %min3A = arith.constant 12499 : i32
    %min3A_53 = vector.broadcast %min3A : i32 to vector<16xi32>
    %min3A_54 = arith.minsi %shift_right_arithmetic3A_52, %min3A_53 : vector<16xi32>
    %gather3A = tpu.vector_load_idx %arg21[%min3A_54] : memref<12512xi32, #tpu.memory_space<vmem>>[vector<16xi32>], vector<16xi32>,
    %lt3A = arith.cmpi slt, %gather3A, %add3A_6 : vector<16xi32>
    %add3A_55 = arith.constant 1 : i32
    %add3A_56 = vector.broadcast %add3A_55 : i32 to vector<16xi32>
    %add3A_57 = arith.addi %min3A_54, %add3A_56 : vector<16xi32>
    %select_n3A = arith.select %lt3A, %add3A_57, %broadcast_in_dim3A_27 : vector<16xi1>, vector<16xi32>
    %select_n3A_58 = arith.select %lt3A, %broadcast_in_dim3A_39, %min3A_54 : vector<16xi1>, vector<16xi32>
    %add3A_59 = arith.addi %broadcast_in_dim3A_29, %broadcast_in_dim3A_41 : vector<16xi32>
    %shift_right_arithmetic3A_60 = arith.constant 1 : i32
    %shift_right_arithmetic3A_61 = vector.broadcast %shift_right_arithmetic3A_60 : i32 to vector<16xi32>
    %shift_right_arithmetic3A_62 = arith.shrsi %add3A_59, %shift_right_arithmetic3A_61 : vector<16xi32>
    %min3A_63 = arith.constant 12499 : i32
    %min3A_64 = vector.broadcast %min3A_63 : i32 to vector<16xi32>
    %min3A_65 = arith.minsi %shift_right_arithmetic3A_62, %min3A_64 : vector<16xi32>
    %gather3A_66 = tpu.vector_load_idx %arg21[%min3A_65] : memref<12512xi32, #tpu.memory_space<vmem>>[vector<16xi32>], vector<16xi32>,
    %lt3A_67 = arith.cmpi slt, %gather3A_66, %add3A_10 : vector<16xi32>
    %add3A_68 = arith.constant 1 : i32
    %add3A_69 = vector.broadcast %add3A_68 : i32 to vector<16xi32>
    %add3A_70 = arith.addi %min3A_65, %add3A_69 : vector<16xi32>
    %select_n3A_71 = arith.select %lt3A_67, %add3A_70, %broadcast_in_dim3A_29 : vector<16xi1>, vector<16xi32>
    %select_n3A_72 = arith.select %lt3A_67, %broadcast_in_dim3A_41, %min3A_65 : vector<16xi1>, vector<16xi32>
    %add3A_73 = arith.addi %broadcast_in_dim3A_31, %broadcast_in_dim3A_43 : vector<16xi32>
    %shift_right_arithmetic3A_74 = arith.constant 1 : i32
    %shift_right_arithmetic3A_75 = vector.broadcast %shift_right_arithmetic3A_74 : i32 to vector<16xi32>
    %shift_right_arithmetic3A_76 = arith.shrsi %add3A_73, %shift_right_arithmetic3A_75 : vector<16xi32>
    %min3A_77 = arith.constant 12499 : i32
    %min3A_78 = vector.broadcast %min3A_77 : i32 to vector<16xi32>
    %min3A_79 = arith.minsi %shift_right_arithmetic3A_76, %min3A_78 : vector<16xi32>
    %gather3A_80 = tpu.vector_load_idx %arg21[%min3A_79] : memref<12512xi32, #tpu.memory_space<vmem>>[vector<16xi32>], vector<16xi32>,
    %lt3A_81 = arith.cmpi slt, %gather3A_80, %add3A_14 : vector<16xi32>
    %add3A_82 = arith.constant 1 : i32
    %add3A_83 = vector.broadcast %add3A_82 : i32 to vector<16xi32>
    %add3A_84 = arith.addi %min3A_79, %add3A_83 : vector<16xi32>
    %select_n3A_85 = arith.select %lt3A_81, %add3A_84, %broadcast_in_dim3A_31 : vector<16xi1>, vector<16xi32>
    %select_n3A_86 = arith.select %lt3A_81, %broadcast_in_dim3A_43, %min3A_79 : vector<16xi1>, vector<16xi32>
    %add3A_87 = arith.addi %broadcast_in_dim3A_33, %broadcast_in_dim3A_45 : vector<16xi32>
    %shift_right_arithmetic3A_88 = arith.constant 1 : i32
    %shift_right_arithmetic3A_89 = vector.broadcast %shift_right_arithmetic3A_88 : i32 to vector<16xi32>
    %shift_right_arithmetic3A_90 = arith.shrsi %add3A_87, %shift_right_arithmetic3A_89 : vector<16xi32>
    %min3A_91 = arith.constant 12499 : i32
    %min3A_92 = vector.broadcast %min3A_91 : i32 to vector<16xi32>
    %min3A_93 = arith.minsi %shift_right_arithmetic3A_90, %min3A_92 : vector<16xi32>
    %gather3A_94 = tpu.vector_load_idx %arg21[%min3A_93] : memref<12512xi32, #tpu.memory_space<vmem>>[vector<16xi32>], vector<16xi32>,
    %lt3A_95 = arith.cmpi slt, %gather3A_94, %add3A_18 : vector<16xi32>
    %add3A_96 = arith.constant 1 : i32
    %add3A_97 = vector.broadcast %add3A_96 : i32 to vector<16xi32>
    %add3A_98 = arith.addi %min3A_93, %add3A_97 : vector<16xi32>
    %select_n3A_99 = arith.select %lt3A_95, %add3A_98, %broadcast_in_dim3A_33 : vector<16xi1>, vector<16xi32>
    %select_n3A_100 = arith.select %lt3A_95, %broadcast_in_dim3A_45, %min3A_93 : vector<16xi1>, vector<16xi32>
    %add3A_101 = arith.addi %broadcast_in_dim3A_35, %broadcast_in_dim3A_47 : vector<16xi32>
    %shift_right_arithmetic3A_102 = arith.constant 1 : i32
    %shift_right_arithmetic3A_103 = vector.broadcast %shift_right_arithmetic3A_102 : i32 to vector<16xi32>
    %shift_right_arithmetic3A_104 = arith.shrsi %add3A_101, %shift_right_arithmetic3A_103 : vector<16xi32>
    %min3A_105 = arith.constant 12499 : i32
    %min3A_106 = vector.broadcast %min3A_105 : i32 to vector<16xi32>
    %min3A_107 = arith.minsi %shift_right_arithmetic3A_104, %min3A_106 : vector<16xi32>
    %gather3A_108 = tpu.vector_load_idx %arg21[%min3A_107] : memref<12512xi32, #tpu.memory_space<vmem>>[vector<16xi32>], vector<16xi32>,
    %lt3A_109 = arith.cmpi slt, %gather3A_108, %add3A_22 : vector<16xi32>
    %add3A_110 = arith.constant 1 : i32
    %add3A_111 = vector.broadcast %add3A_110 : i32 to vector<16xi32>
    %add3A_112 = arith.addi %min3A_107, %add3A_111 : vector<16xi32>
    %select_n3A_113 = arith.select %lt3A_109, %add3A_112, %broadcast_in_dim3A_35 : vector<16xi1>, vector<16xi32>
    %select_n3A_114 = arith.select %lt3A_109, %broadcast_in_dim3A_47, %min3A_107 : vector<16xi1>, vector<16xi32>
    %add3A_115 = arith.addi %broadcast_in_dim3A_37, %broadcast_in_dim3A_49 : vector<16xi32>
    %shift_right_arithmetic3A_116 = arith.constant 1 : i32
    %shift_right_arithmetic3A_117 = vector.broadcast %shift_right_arithmetic3A_116 : i32 to vector<16xi32>
    %shift_right_arithmetic3A_118 = arith.shrsi %add3A_115, %shift_right_arithmetic3A_117 : vector<16xi32>
    %min3A_119 = arith.constant 12499 : i32
    %min3A_120 = vector.broadcast %min3A_119 : i32 to vector<16xi32>
    %min3A_121 = arith.minsi %shift_right_arithmetic3A_118, %min3A_120 : vector<16xi32>
    %gather3A_122 = tpu.vector_load_idx %arg21[%min3A_121] : memref<12512xi32, #tpu.memory_space<vmem>>[vector<16xi32>], vector<16xi32>,
    %lt3A_123 = arith.cmpi slt, %gather3A_122, %add3A_26 : vector<16xi32>
    %add3A_124 = arith.constant 1 : i32
    %add3A_125 = vector.broadcast %add3A_124 : i32 to vector<16xi32>
    %add3A_126 = arith.addi %min3A_121, %add3A_125 : vector<16xi32>
    %select_n3A_127 = arith.select %lt3A_123, %add3A_126, %broadcast_in_dim3A_37 : vector<16xi1>, vector<16xi32>
    %select_n3A_128 = arith.select %lt3A_123, %broadcast_in_dim3A_49, %min3A_121 : vector<16xi1>, vector<16xi32>
    %add3A_129 = arith.addi %select_n3A, %select_n3A_58 : vector<16xi32>
    %shift_right_arithmetic3A_130 = arith.constant 1 : i32
    %shift_right_arithmetic3A_131 = vector.broadcast %shift_right_arithmetic3A_130 : i32 to vector<16xi32>
    %shift_right_arithmetic3A_132 = arith.shrsi %add3A_129, %shift_right_arithmetic3A_131 : vector<16xi32>
    %min3A_133 = arith.constant 12499 : i32
    %min3A_134 = vector.broadcast %min3A_133 : i32 to vector<16xi32>
    %min3A_135 = arith.minsi %shift_right_arithmetic3A_132, %min3A_134 : vector<16xi32>
    %gather3A_136 = tpu.vector_load_idx %arg21[%min3A_135] : memref<12512xi32, #tpu.memory_space<vmem>>[vector<16xi32>], vector<16xi32>,
    %lt3A_137 = arith.cmpi slt, %gather3A_136, %add3A_6 : vector<16xi32>
    %add3A_138 = arith.constant 1 : i32
    %add3A_139 = vector.broadcast %add3A_138 : i32 to vector<16xi32>
    %add3A_140 = arith.addi %min3A_135, %add3A_139 : vector<16xi32>
    %select_n3A_141 = arith.select %lt3A_137, %add3A_140, %select_n3A : vector<16xi1>, vector<16xi32>
    %select_n3A_142 = arith.select %lt3A_137, %select_n3A_58, %min3A_135 : vector<16xi1>, vector<16xi32>
    %add3A_143 = arith.addi %select_n3A_71, %select_n3A_72 : vector<16xi32>
    %shift_right_arithmetic3A_144 = arith.constant 1 : i32
    %shift_right_arithmetic3A_145 = vector.broadcast %shift_right_arithmetic3A_144 : i32 to vector<16xi32>
    %shift_right_arithmetic3A_146 = arith.shrsi %add3A_143, %shift_right_arithmetic3A_145 : vector<16xi32>
    %min3A_147 = arith.constant 12499 : i32
    %min3A_148 = vector.broadcast %min3A_147 : i32 to vector<16xi32>
    %min3A_149 = arith.minsi %shift_right_arithmetic3A_146, %min3A_148 : vector<16xi32>
    %gather3A_150 = tpu.vector_load_idx %arg21[%min3A_149] : memref<12512xi32, #tpu.memory_space<vmem>>[vector<16xi32>], vector<16xi32>,
    %lt3A_151 = arith.cmpi slt, %gather3A_150, %add3A_10 : vector<16xi32>
    %add3A_152 = arith.constant 1 : i32
    %add3A_153 = vector.broadcast %add3A_152 : i32 to vector<16xi32>
    %add3A_154 = arith.addi %min3A_149, %add3A_153 : vector<16xi32>
    %select_n3A_155 = arith.select %lt3A_151, %add3A_154, %select_n3A_71 : vector<16xi1>, vector<16xi32>
    %select_n3A_156 = arith.select %lt3A_151, %select_n3A_72, %min3A_149 : vector<16xi1>, vector<16xi32>
    %add3A_157 = arith.addi %select_n3A_85, %select_n3A_86 : vector<16xi32>
    %shift_right_arithmetic3A_158 = arith.constant 1 : i32
    %shift_right_arithmetic3A_159 = vector.broadcast %shift_right_arithmetic3A_158 : i32 to vector<16xi32>
    %shift_right_arithmetic3A_160 = arith.shrsi %add3A_157, %shift_right_arithmetic3A_159 : vector<16xi32>
    %min3A_161 = arith.constant 12499 : i32
    %min3A_162 = vector.broadcast %min3A_161 : i32 to vector<16xi32>
    %min3A_163 = arith.minsi %shift_right_arithmetic3A_160, %min3A_162 : vector<16xi32>
    %gather3A_164 = tpu.vector_load_idx %arg21[%min3A_163] : memref<12512xi32, #tpu.memory_space<vmem>>[vector<16xi32>], vector<16xi32>,
    %lt3A_165 = arith.cmpi slt, %gather3A_164, %add3A_14 : vector<16xi32>
    %add3A_166 = arith.constant 1 : i32
    %add3A_167 = vector.broadcast %add3A_166 : i32 to vector<16xi32>
    %add3A_168 = arith.addi %min3A_163, %add3A_167 : vector<16xi32>
    %select_n3A_169 = arith.select %lt3A_165, %add3A_168, %select_n3A_85 : vector<16xi1>, vector<16xi32>
    %select_n3A_170 = arith.select %lt3A_165, %select_n3A_86, %min3A_163 : vector<16xi1>, vector<16xi32>
    %add3A_171 = arith.addi %select_n3A_99, %select_n3A_100 : vector<16xi32>
    %shift_right_arithmetic3A_172 = arith.constant 1 : i32
    %shift_right_arithmetic3A_173 = vector.broadcast %shift_right_arithmetic3A_172 : i32 to vector<16xi32>
    %shift_right_arithmetic3A_174 = arith.shrsi %add3A_171, %shift_right_arithmetic3A_173 : vector<16xi32>
    %min3A_175 = arith.constant 12499 : i32
    %min3A_176 = vector.broadcast %min3A_175 : i32 to vector<16xi32>
    %min3A_177 = arith.minsi %shift_right_arithmetic3A_174, %min3A_176 : vector<16xi32>
    %gather3A_178 = tpu.vector_load_idx %arg21[%min3A_177] : memref<12512xi32, #tpu.memory_space<vmem>>[vector<16xi32>], vector<16xi32>,
    %lt3A_179 = arith.cmpi slt, %gather3A_178, %add3A_18 : vector<16xi32>
    %add3A_180 = arith.constant 1 : i32
    %add3A_181 = vector.broadcast %add3A_180 : i32 to vector<16xi32>
    %add3A_182 = arith.addi %min3A_177, %add3A_181 : vector<16xi32>
    %select_n3A_183 = arith.select %lt3A_179, %add3A_182, %select_n3A_99 : vector<16xi1>, vector<16xi32>
    %select_n3A_184 = arith.select %lt3A_179, %select_n3A_100, %min3A_177 : vector<16xi1>, vector<16xi32>
    %add3A_185 = arith.addi %select_n3A_113, %select_n3A_114 : vector<16xi32>
    %shift_right_arithmetic3A_186 = arith.constant 1 : i32
    %shift_right_arithmetic3A_187 = vector.broadcast %shift_right_arithmetic3A_186 : i32 to vector<16xi32>
    %shift_right_arithmetic3A_188 = arith.shrsi %add3A_185, %shift_right_arithmetic3A_187 : vector<16xi32>
    %min3A_189 = arith.constant 12499 : i32
    %min3A_190 = vector.broadcast %min3A_189 : i32 to vector<16xi32>
    %min3A_191 = arith.minsi %shift_right_arithmetic3A_188, %min3A_190 : vector<16xi32>
    %gather3A_192 = tpu.vector_load_idx %arg21[%min3A_191] : memref<12512xi32, #tpu.memory_space<vmem>>[vector<16xi32>], vector<16xi32>,
    %lt3A_193 = arith.cmpi slt, %gather3A_192, %add3A_22 : vector<16xi32>
    %add3A_194 = arith.constant 1 : i32
    %add3A_195 = vector.broadcast %add3A_194 : i32 to vector<16xi32>
    %add3A_196 = arith.addi %min3A_191, %add3A_195 : vector<16xi32>
    %select_n3A_197 = arith.select %lt3A_193, %add3A_196, %select_n3A_113 : vector<16xi1>, vector<16xi32>
    %select_n3A_198 = arith.select %lt3A_193, %select_n3A_114, %min3A_191 : vector<16xi1>, vector<16xi32>
    %add3A_199 = arith.addi %select_n3A_127, %select_n3A_128 : vector<16xi32>
    %shift_right_arithmetic3A_200 = arith.constant 1 : i32
    %shift_right_arithmetic3A_201 = vector.broadcast %shift_right_arithmetic3A_200 : i32 to vector<16xi32>
    %shift_right_arithmetic3A_202 = arith.shrsi %add3A_199, %shift_right_arithmetic3A_201 : vector<16xi32>
    %min3A_203 = arith.constant 12499 : i32
    %min3A_204 = vector.broadcast %min3A_203 : i32 to vector<16xi32>
    %min3A_205 = arith.minsi %shift_right_arithmetic3A_202, %min3A_204 : vector<16xi32>
    %gather3A_206 = tpu.vector_load_idx %arg21[%min3A_205] : memref<12512xi32, #tpu.memory_space<vmem>>[vector<16xi32>], vector<16xi32>,
    %lt3A_207 = arith.cmpi slt, %gather3A_206, %add3A_26 : vector<16xi32>
    %add3A_208 = arith.constant 1 : i32
    %add3A_209 = vector.broadcast %add3A_208 : i32 to vector<16xi32>
    %add3A_210 = arith.addi %min3A_205, %add3A_209 : vector<16xi32>
    %select_n3A_211 = arith.select %lt3A_207, %add3A_210, %select_n3A_127 : vector<16xi1>, vector<16xi32>
    %select_n3A_212 = arith.select %lt3A_207, %select_n3A_128, %min3A_205 : vector<16xi1>, vector<16xi32>
    %add3A_213 = arith.addi %select_n3A_141, %select_n3A_142 : vector<16xi32>
    %shift_right_arithmetic3A_214 = arith.constant 1 : i32
    %shift_right_arithmetic3A_215 = vector.broadcast %shift_right_arithmetic3A_214 : i32 to vector<16xi32>
    %shift_right_arithmetic3A_216 = arith.shrsi %add3A_213, %shift_right_arithmetic3A_215 : vector<16xi32>
    %min3A_217 = arith.constant 12499 : i32
    %min3A_218 = vector.broadcast %min3A_217 : i32 to vector<16xi32>
    %min3A_219 = arith.minsi %shift_right_arithmetic3A_216, %min3A_218 : vector<16xi32>
    %gather3A_220 = tpu.vector_load_idx %arg21[%min3A_219] : memref<12512xi32, #tpu.memory_space<vmem>>[vector<16xi32>], vector<16xi32>,
    %lt3A_221 = arith.cmpi slt, %gather3A_220, %add3A_6 : vector<16xi32>
    %add3A_222 = arith.constant 1 : i32
    %add3A_223 = vector.broadcast %add3A_222 : i32 to vector<16xi32>
    %add3A_224 = arith.addi %min3A_219, %add3A_223 : vector<16xi32>
    %select_n3A_225 = arith.select %lt3A_221, %add3A_224, %select_n3A_141 : vector<16xi1>, vector<16xi32>
    %select_n3A_226 = arith.select %lt3A_221, %select_n3A_142, %min3A_219 : vector<16xi1>, vector<16xi32>
    %add3A_227 = arith.addi %select_n3A_155, %select_n3A_156 : vector<16xi32>
    %shift_right_arithmetic3A_228 = arith.constant 1 : i32
    %shift_right_arithmetic3A_229 = vector.broadcast %shift_right_arithmetic3A_228 : i32 to vector<16xi32>
    %shift_right_arithmetic3A_230 = arith.shrsi %add3A_227, %shift_right_arithmetic3A_229 : vector<16xi32>
    %min3A_231 = arith.constant 12499 : i32
    %min3A_232 = vector.broadcast %min3A_231 : i32 to vector<16xi32>
    %min3A_233 = arith.minsi %shift_right_arithmetic3A_230, %min3A_232 : vector<16xi32>
    %gather3A_234 = tpu.vector_load_idx %arg21[%min3A_233] : memref<12512xi32, #tpu.memory_space<vmem>>[vector<16xi32>], vector<16xi32>,
    %lt3A_235 = arith.cmpi slt, %gather3A_234, %add3A_10 : vector<16xi32>
    %add3A_236 = arith.constant 1 : i32
    %add3A_237 = vector.broadcast %add3A_236 : i32 to vector<16xi32>
    %add3A_238 = arith.addi %min3A_233, %add3A_237 : vector<16xi32>
    %select_n3A_239 = arith.select %lt3A_235, %add3A_238, %select_n3A_155 : vector<16xi1>, vector<16xi32>
    %select_n3A_240 = arith.select %lt3A_235, %select_n3A_156, %min3A_233 : vector<16xi1>, vector<16xi32>
    %add3A_241 = arith.addi %select_n3A_169, %select_n3A_170 : vector<16xi32>
    %shift_right_arithmetic3A_242 = arith.constant 1 : i32
    %shift_right_arithmetic3A_243 = vector.broadcast %shift_right_arithmetic3A_242 : i32 to vector<16xi32>
    %shift_right_arithmetic3A_244 = arith.shrsi %add3A_241, %shift_right_arithmetic3A_243 : vector<16xi32>
    %min3A_245 = arith.constant 12499 : i32
    %min3A_246 = vector.broadcast %min3A_245 : i32 to vector<16xi32>
    %min3A_247 = arith.minsi %shift_right_arithmetic3A_244, %min3A_246 : vector<16xi32>
    %gather3A_248 = tpu.vector_load_idx %arg21[%min3A_247] : memref<12512xi32, #tpu.memory_space<vmem>>[vector<16xi32>], vector<16xi32>,
    %lt3A_249 = arith.cmpi slt, %gather3A_248, %add3A_14 : vector<16xi32>
    %add3A_250 = arith.constant 1 : i32
    %add3A_251 = vector.broadcast %add3A_250 : i32 to vector<16xi32>
    %add3A_252 = arith.addi %min3A_247, %add3A_251 : vector<16xi32>
    %select_n3A_253 = arith.select %lt3A_249, %add3A_252, %select_n3A_169 : vector<16xi1>, vector<16xi32>
    %select_n3A_254 = arith.select %lt3A_249, %select_n3A_170, %min3A_247 : vector<16xi1>, vector<16xi32>
    %add3A_255 = arith.addi %select_n3A_183, %select_n3A_184 : vector<16xi32>
    %shift_right_arithmetic3A_256 = arith.constant 1 : i32
    %shift_right_arithmetic3A_257 = vector.broadcast %shift_right_arithmetic3A_256 : i32 to vector<16xi32>
    %shift_right_arithmetic3A_258 = arith.shrsi %add3A_255, %shift_right_arithmetic3A_257 : vector<16xi32>
    %min3A_259 = arith.constant 12499 : i32
    %min3A_260 = vector.broadcast %min3A_259 : i32 to vector<16xi32>
    %min3A_261 = arith.minsi %shift_right_arithmetic3A_258, %min3A_260 : vector<16xi32>
    %gather3A_262 = tpu.vector_load_idx %arg21[%min3A_261] : memref<12512xi32, #tpu.memory_space<vmem>>[vector<16xi32>], vector<16xi32>,
    %lt3A_263 = arith.cmpi slt, %gather3A_262, %add3A_18 : vector<16xi32>
    %add3A_264 = arith.constant 1 : i32
    %add3A_265 = vector.broadcast %add3A_264 : i32 to vector<16xi32>
    %add3A_266 = arith.addi %min3A_261, %add3A_265 : vector<16xi32>
    %select_n3A_267 = arith.select %lt3A_263, %add3A_266, %select_n3A_183 : vector<16xi1>, vector<16xi32>
    %select_n3A_268 = arith.select %lt3A_263, %select_n3A_184, %min3A_261 : vector<16xi1>, vector<16xi32>
    %add3A_269 = arith.addi %select_n3A_197, %select_n3A_198 : vector<16xi32>
    %shift_right_arithmetic3A_270 = arith.constant 1 : i32
    %shift_right_arithmetic3A_271 = vector.broadcast %shift_right_arithmetic3A_270 : i32 to vector<16xi32>
    %shift_right_arithmetic3A_272 = arith.shrsi %add3A_269, %shift_right_arithmetic3A_271 : vector<16xi32>
    %min3A_273 = arith.constant 12499 : i32
    %min3A_274 = vector.broadcast %min3A_273 : i32 to vector<16xi32>
    %min3A_275 = arith.minsi %shift_right_arithmetic3A_272, %min3A_274 : vector<16xi32>
    %gather3A_276 = tpu.vector_load_idx %arg21[%min3A_275] : memref<12512xi32, #tpu.memory_space<vmem>>[vector<16xi32>], vector<16xi32>,
    %lt3A_277 = arith.cmpi slt, %gather3A_276, %add3A_22 : vector<16xi32>
    %add3A_278 = arith.constant 1 : i32
    %add3A_279 = vector.broadcast %add3A_278 : i32 to vector<16xi32>
    %add3A_280 = arith.addi %min3A_275, %add3A_279 : vector<16xi32>
    %select_n3A_281 = arith.select %lt3A_277, %add3A_280, %select_n3A_197 : vector<16xi1>, vector<16xi32>
    %select_n3A_282 = arith.select %lt3A_277, %select_n3A_198, %min3A_275 : vector<16xi1>, vector<16xi32>
    %add3A_283 = arith.addi %select_n3A_211, %select_n3A_212 : vector<16xi32>
    %shift_right_arithmetic3A_284 = arith.constant 1 : i32
    %shift_right_arithmetic3A_285 = vector.broadcast %shift_right_arithmetic3A_284 : i32 to vector<16xi32>
    %shift_right_arithmetic3A_286 = arith.shrsi %add3A_283, %shift_right_arithmetic3A_285 : vector<16xi32>
    %min3A_287 = arith.constant 12499 : i32
    %min3A_288 = vector.broadcast %min3A_287 : i32 to vector<16xi32>
    %min3A_289 = arith.minsi %shift_right_arithmetic3A_286, %min3A_288 : vector<16xi32>
    %gather3A_290 = tpu.vector_load_idx %arg21[%min3A_289] : memref<12512xi32, #tpu.memory_space<vmem>>[vector<16xi32>], vector<16xi32>,
    %lt3A_291 = arith.cmpi slt, %gather3A_290, %add3A_26 : vector<16xi32>
    %add3A_292 = arith.constant 1 : i32
    %add3A_293 = vector.broadcast %add3A_292 : i32 to vector<16xi32>
    %add3A_294 = arith.addi %min3A_289, %add3A_293 : vector<16xi32>
    %select_n3A_295 = arith.select %lt3A_291, %add3A_294, %select_n3A_211 : vector<16xi1>, vector<16xi32>
    %select_n3A_296 = arith.select %lt3A_291, %select_n3A_212, %min3A_289 : vector<16xi1>, vector<16xi32>
    %add3A_297 = arith.addi %select_n3A_225, %select_n3A_226 : vector<16xi32>
    %shift_right_arithmetic3A_298 = arith.constant 1 : i32
    %shift_right_arithmetic3A_299 = vector.broadcast %shift_right_arithmetic3A_298 : i32 to vector<16xi32>
    %shift_right_arithmetic3A_300 = arith.shrsi %add3A_297, %shift_right_arithmetic3A_299 : vector<16xi32>
    %min3A_301 = arith.constant 12499 : i32
    %min3A_302 = vector.broadcast %min3A_301 : i32 to vector<16xi32>
    %min3A_303 = arith.minsi %shift_right_arithmetic3A_300, %min3A_302 : vector<16xi32>
    %gather3A_304 = tpu.vector_load_idx %arg21[%min3A_303] : memref<12512xi32, #tpu.memory_space<vmem>>[vector<16xi32>], vector<16xi32>,
    %lt3A_305 = arith.cmpi slt, %gather3A_304, %add3A_6 : vector<16xi32>
    %add3A_306 = arith.constant 1 : i32
    %add3A_307 = vector.broadcast %add3A_306 : i32 to vector<16xi32>
    %add3A_308 = arith.addi %min3A_303, %add3A_307 : vector<16xi32>
    %select_n3A_309 = arith.select %lt3A_305, %add3A_308, %select_n3A_225 : vector<16xi1>, vector<16xi32>
    %select_n3A_310 = arith.select %lt3A_305, %select_n3A_226, %min3A_303 : vector<16xi1>, vector<16xi32>
    %add3A_311 = arith.addi %select_n3A_239, %select_n3A_240 : vector<16xi32>
    %shift_right_arithmetic3A_312 = arith.constant 1 : i32
    %shift_right_arithmetic3A_313 = vector.broadcast %shift_right_arithmetic3A_312 : i32 to vector<16xi32>
    %shift_right_arithmetic3A_314 = arith.shrsi %add3A_311, %shift_right_arithmetic3A_313 : vector<16xi32>
    %min3A_315 = arith.constant 12499 : i32
    %min3A_316 = vector.broadcast %min3A_315 : i32 to vector<16xi32>
    %min3A_317 = arith.minsi %shift_right_arithmetic3A_314, %min3A_316 : vector<16xi32>
    %gather3A_318 = tpu.vector_load_idx %arg21[%min3A_317] : memref<12512xi32, #tpu.memory_space<vmem>>[vector<16xi32>], vector<16xi32>,
    %lt3A_319 = arith.cmpi slt, %gather3A_318, %add3A_10 : vector<16xi32>
    %add3A_320 = arith.constant 1 : i32
    %add3A_321 = vector.broadcast %add3A_320 : i32 to vector<16xi32>
    %add3A_322 = arith.addi %min3A_317, %add3A_321 : vector<16xi32>
    %select_n3A_323 = arith.select %lt3A_319, %add3A_322, %select_n3A_239 : vector<16xi1>, vector<16xi32>
    %select_n3A_324 = arith.select %lt3A_319, %select_n3A_240, %min3A_317 : vector<16xi1>, vector<16xi32>
    %add3A_325 = arith.addi %select_n3A_253, %select_n3A_254 : vector<16xi32>
    %shift_right_arithmetic3A_326 = arith.constant 1 : i32
    %shift_right_arithmetic3A_327 = vector.broadcast %shift_right_arithmetic3A_326 : i32 to vector<16xi32>
    %shift_right_arithmetic3A_328 = arith.shrsi %add3A_325, %shift_right_arithmetic3A_327 : vector<16xi32>
    %min3A_329 = arith.constant 12499 : i32
    %min3A_330 = vector.broadcast %min3A_329 : i32 to vector<16xi32>
    %min3A_331 = arith.minsi %shift_right_arithmetic3A_328, %min3A_330 : vector<16xi32>
    %gather3A_332 = tpu.vector_load_idx %arg21[%min3A_331] : memref<12512xi32, #tpu.memory_space<vmem>>[vector<16xi32>], vector<16xi32>,
    %lt3A_333 = arith.cmpi slt, %gather3A_332, %add3A_14 : vector<16xi32>
    %add3A_334 = arith.constant 1 : i32
    %add3A_335 = vector.broadcast %add3A_334 : i32 to vector<16xi32>
    %add3A_336 = arith.addi %min3A_331, %add3A_335 : vector<16xi32>
    %select_n3A_337 = arith.select %lt3A_333, %add3A_336, %select_n3A_253 : vector<16xi1>, vector<16xi32>
    %select_n3A_338 = arith.select %lt3A_333, %select_n3A_254, %min3A_331 : vector<16xi1>, vector<16xi32>
    %add3A_339 = arith.addi %select_n3A_267, %select_n3A_268 : vector<16xi32>
    %shift_right_arithmetic3A_340 = arith.constant 1 : i32
    %shift_right_arithmetic3A_341 = vector.broadcast %shift_right_arithmetic3A_340 : i32 to vector<16xi32>
    %shift_right_arithmetic3A_342 = arith.shrsi %add3A_339, %shift_right_arithmetic3A_341 : vector<16xi32>
    %min3A_343 = arith.constant 12499 : i32
    %min3A_344 = vector.broadcast %min3A_343 : i32 to vector<16xi32>
    %min3A_345 = arith.minsi %shift_right_arithmetic3A_342, %min3A_344 : vector<16xi32>
    %gather3A_346 = tpu.vector_load_idx %arg21[%min3A_345] : memref<12512xi32, #tpu.memory_space<vmem>>[vector<16xi32>], vector<16xi32>,
    %lt3A_347 = arith.cmpi slt, %gather3A_346, %add3A_18 : vector<16xi32>
    %add3A_348 = arith.constant 1 : i32
    %add3A_349 = vector.broadcast %add3A_348 : i32 to vector<16xi32>
    %add3A_350 = arith.addi %min3A_345, %add3A_349 : vector<16xi32>
    %select_n3A_351 = arith.select %lt3A_347, %add3A_350, %select_n3A_267 : vector<16xi1>, vector<16xi32>
    %select_n3A_352 = arith.select %lt3A_347, %select_n3A_268, %min3A_345 : vector<16xi1>, vector<16xi32>
    %add3A_353 = arith.addi %select_n3A_281, %select_n3A_282 : vector<16xi32>
    %shift_right_arithmetic3A_354 = arith.constant 1 : i32
    %shift_right_arithmetic3A_355 = vector.broadcast %shift_right_arithmetic3A_354 : i32 to vector<16xi32>
    %shift_right_arithmetic3A_356 = arith.shrsi %add3A_353, %shift_right_arithmetic3A_355 : vector<16xi32>
    %min3A_357 = arith.constant 12499 : i32
    %min3A_358 = vector.broadcast %min3A_357 : i32 to vector<16xi32>
    %min3A_359 = arith.minsi %shift_right_arithmetic3A_356, %min3A_358 : vector<16xi32>
    %gather3A_360 = tpu.vector_load_idx %arg21[%min3A_359] : memref<12512xi32, #tpu.memory_space<vmem>>[vector<16xi32>], vector<16xi32>,
    %lt3A_361 = arith.cmpi slt, %gather3A_360, %add3A_22 : vector<16xi32>
    %add3A_362 = arith.constant 1 : i32
    %add3A_363 = vector.broadcast %add3A_362 : i32 to vector<16xi32>
    %add3A_364 = arith.addi %min3A_359, %add3A_363 : vector<16xi32>
    %select_n3A_365 = arith.select %lt3A_361, %add3A_364, %select_n3A_281 : vector<16xi1>, vector<16xi32>
    %select_n3A_366 = arith.select %lt3A_361, %select_n3A_282, %min3A_359 : vector<16xi1>, vector<16xi32>
    %add3A_367 = arith.addi %select_n3A_295, %select_n3A_296 : vector<16xi32>
    %shift_right_arithmetic3A_368 = arith.constant 1 : i32
    %shift_right_arithmetic3A_369 = vector.broadcast %shift_right_arithmetic3A_368 : i32 to vector<16xi32>
    %shift_right_arithmetic3A_370 = arith.shrsi %add3A_367, %shift_right_arithmetic3A_369 : vector<16xi32>
    %min3A_371 = arith.constant 12499 : i32
    %min3A_372 = vector.broadcast %min3A_371 : i32 to vector<16xi32>
    %min3A_373 = arith.minsi %shift_right_arithmetic3A_370, %min3A_372 : vector<16xi32>
    %gather3A_374 = tpu.vector_load_idx %arg21[%min3A_373] : memref<12512xi32, #tpu.memory_space<vmem>>[vector<16xi32>], vector<16xi32>,
    %lt3A_375 = arith.cmpi slt, %gather3A_374, %add3A_26 : vector<16xi32>
    %add3A_376 = arith.constant 1 : i32
    %add3A_377 = vector.broadcast %add3A_376 : i32 to vector<16xi32>
    %add3A_378 = arith.addi %min3A_373, %add3A_377 : vector<16xi32>
    %select_n3A_379 = arith.select %lt3A_375, %add3A_378, %select_n3A_295 : vector<16xi1>, vector<16xi32>
    %select_n3A_380 = arith.select %lt3A_375, %select_n3A_296, %min3A_373 : vector<16xi1>, vector<16xi32>
    %add3A_381 = arith.addi %select_n3A_309, %select_n3A_310 : vector<16xi32>
    %shift_right_arithmetic3A_382 = arith.constant 1 : i32
    %shift_right_arithmetic3A_383 = vector.broadcast %shift_right_arithmetic3A_382 : i32 to vector<16xi32>
    %shift_right_arithmetic3A_384 = arith.shrsi %add3A_381, %shift_right_arithmetic3A_383 : vector<16xi32>
    %min3A_385 = arith.constant 12499 : i32
    %min3A_386 = vector.broadcast %min3A_385 : i32 to vector<16xi32>
    %min3A_387 = arith.minsi %shift_right_arithmetic3A_384, %min3A_386 : vector<16xi32>
    %gather3A_388 = tpu.vector_load_idx %arg21[%min3A_387] : memref<12512xi32, #tpu.memory_space<vmem>>[vector<16xi32>], vector<16xi32>,
    %lt3A_389 = arith.cmpi slt, %gather3A_388, %add3A_6 : vector<16xi32>
    %add3A_390 = arith.constant 1 : i32
    %add3A_391 = vector.broadcast %add3A_390 : i32 to vector<16xi32>
    %add3A_392 = arith.addi %min3A_387, %add3A_391 : vector<16xi32>
    %select_n3A_393 = arith.select %lt3A_389, %add3A_392, %select_n3A_309 : vector<16xi1>, vector<16xi32>
    %select_n3A_394 = arith.select %lt3A_389, %select_n3A_310, %min3A_387 : vector<16xi1>, vector<16xi32>
    %add3A_395 = arith.addi %select_n3A_323, %select_n3A_324 : vector<16xi32>
    %shift_right_arithmetic3A_396 = arith.constant 1 : i32
    %shift_right_arithmetic3A_397 = vector.broadcast %shift_right_arithmetic3A_396 : i32 to vector<16xi32>
    %shift_right_arithmetic3A_398 = arith.shrsi %add3A_395, %shift_right_arithmetic3A_397 : vector<16xi32>
    %min3A_399 = arith.constant 12499 : i32
    %min3A_400 = vector.broadcast %min3A_399 : i32 to vector<16xi32>
    %min3A_401 = arith.minsi %shift_right_arithmetic3A_398, %min3A_400 : vector<16xi32>
    %gather3A_402 = tpu.vector_load_idx %arg21[%min3A_401] : memref<12512xi32, #tpu.memory_space<vmem>>[vector<16xi32>], vector<16xi32>,
    %lt3A_403 = arith.cmpi slt, %gather3A_402, %add3A_10 : vector<16xi32>
    %add3A_404 = arith.constant 1 : i32
    %add3A_405 = vector.broadcast %add3A_404 : i32 to vector<16xi32>
    %add3A_406 = arith.addi %min3A_401, %add3A_405 : vector<16xi32>
    %select_n3A_407 = arith.select %lt3A_403, %add3A_406, %select_n3A_323 : vector<16xi1>, vector<16xi32>
    %select_n3A_408 = arith.select %lt3A_403, %select_n3A_324, %min3A_401 : vector<16xi1>, vector<16xi32>
    %add3A_409 = arith.addi %select_n3A_337, %select_n3A_338 : vector<16xi32>
    %shift_right_arithmetic3A_410 = arith.constant 1 : i32
    %shift_right_arithmetic3A_411 = vector.broadcast %shift_right_arithmetic3A_410 : i32 to vector<16xi32>
    %shift_right_arithmetic3A_412 = arith.shrsi %add3A_409, %shift_right_arithmetic3A_411 : vector<16xi32>
    %min3A_413 = arith.constant 12499 : i32
    %min3A_414 = vector.broadcast %min3A_413 : i32 to vector<16xi32>
    %min3A_415 = arith.minsi %shift_right_arithmetic3A_412, %min3A_414 : vector<16xi32>
    %gather3A_416 = tpu.vector_load_idx %arg21[%min3A_415] : memref<12512xi32, #tpu.memory_space<vmem>>[vector<16xi32>], vector<16xi32>,
    %lt3A_417 = arith.cmpi slt, %gather3A_416, %add3A_14 : vector<16xi32>
    %add3A_418 = arith.constant 1 : i32
    %add3A_419 = vector.broadcast %add3A_418 : i32 to vector<16xi32>
    %add3A_420 = arith.addi %min3A_415, %add3A_419 : vector<16xi32>
    %select_n3A_421 = arith.select %lt3A_417, %add3A_420, %select_n3A_337 : vector<16xi1>, vector<16xi32>
    %select_n3A_422 = arith.select %lt3A_417, %select_n3A_338, %min3A_415 : vector<16xi1>, vector<16xi32>
    %add3A_423 = arith.addi %select_n3A_351, %select_n3A_352 : vector<16xi32>
    %shift_right_arithmetic3A_424 = arith.constant 1 : i32
    %shift_right_arithmetic3A_425 = vector.broadcast %shift_right_arithmetic3A_424 : i32 to vector<16xi32>
    %shift_right_arithmetic3A_426 = arith.shrsi %add3A_423, %shift_right_arithmetic3A_425 : vector<16xi32>
    %min3A_427 = arith.constant 12499 : i32
    %min3A_428 = vector.broadcast %min3A_427 : i32 to vector<16xi32>
    %min3A_429 = arith.minsi %shift_right_arithmetic3A_426, %min3A_428 : vector<16xi32>
    %gather3A_430 = tpu.vector_load_idx %arg21[%min3A_429] : memref<12512xi32, #tpu.memory_space<vmem>>[vector<16xi32>], vector<16xi32>,
    %lt3A_431 = arith.cmpi slt, %gather3A_430, %add3A_18 : vector<16xi32>
    %add3A_432 = arith.constant 1 : i32
    %add3A_433 = vector.broadcast %add3A_432 : i32 to vector<16xi32>
    %add3A_434 = arith.addi %min3A_429, %add3A_433 : vector<16xi32>
    %select_n3A_435 = arith.select %lt3A_431, %add3A_434, %select_n3A_351 : vector<16xi1>, vector<16xi32>
    %select_n3A_436 = arith.select %lt3A_431, %select_n3A_352, %min3A_429 : vector<16xi1>, vector<16xi32>
    %add3A_437 = arith.addi %select_n3A_365, %select_n3A_366 : vector<16xi32>
    %shift_right_arithmetic3A_438 = arith.constant 1 : i32
    %shift_right_arithmetic3A_439 = vector.broadcast %shift_right_arithmetic3A_438 : i32 to vector<16xi32>
    %shift_right_arithmetic3A_440 = arith.shrsi %add3A_437, %shift_right_arithmetic3A_439 : vector<16xi32>
    %min3A_441 = arith.constant 12499 : i32
    %min3A_442 = vector.broadcast %min3A_441 : i32 to vector<16xi32>
    %min3A_443 = arith.minsi %shift_right_arithmetic3A_440, %min3A_442 : vector<16xi32>
    %gather3A_444 = tpu.vector_load_idx %arg21[%min3A_443] : memref<12512xi32, #tpu.memory_space<vmem>>[vector<16xi32>], vector<16xi32>,
    %lt3A_445 = arith.cmpi slt, %gather3A_444, %add3A_22 : vector<16xi32>
    %add3A_446 = arith.constant 1 : i32
    %add3A_447 = vector.broadcast %add3A_446 : i32 to vector<16xi32>
    %add3A_448 = arith.addi %min3A_443, %add3A_447 : vector<16xi32>
    %select_n3A_449 = arith.select %lt3A_445, %add3A_448, %select_n3A_365 : vector<16xi1>, vector<16xi32>
    %select_n3A_450 = arith.select %lt3A_445, %select_n3A_366, %min3A_443 : vector<16xi1>, vector<16xi32>
    %add3A_451 = arith.addi %select_n3A_379, %select_n3A_380 : vector<16xi32>
    %shift_right_arithmetic3A_452 = arith.constant 1 : i32
    %shift_right_arithmetic3A_453 = vector.broadcast %shift_right_arithmetic3A_452 : i32 to vector<16xi32>
    %shift_right_arithmetic3A_454 = arith.shrsi %add3A_451, %shift_right_arithmetic3A_453 : vector<16xi32>
    %min3A_455 = arith.constant 12499 : i32
    %min3A_456 = vector.broadcast %min3A_455 : i32 to vector<16xi32>
    %min3A_457 = arith.minsi %shift_right_arithmetic3A_454, %min3A_456 : vector<16xi32>
    %gather3A_458 = tpu.vector_load_idx %arg21[%min3A_457] : memref<12512xi32, #tpu.memory_space<vmem>>[vector<16xi32>], vector<16xi32>,
    %lt3A_459 = arith.cmpi slt, %gather3A_458, %add3A_26 : vector<16xi32>
    %add3A_460 = arith.constant 1 : i32
    %add3A_461 = vector.broadcast %add3A_460 : i32 to vector<16xi32>
    %add3A_462 = arith.addi %min3A_457, %add3A_461 : vector<16xi32>
    %select_n3A_463 = arith.select %lt3A_459, %add3A_462, %select_n3A_379 : vector<16xi1>, vector<16xi32>
    %select_n3A_464 = arith.select %lt3A_459, %select_n3A_380, %min3A_457 : vector<16xi1>, vector<16xi32>
    %add3A_465 = arith.addi %select_n3A_393, %select_n3A_394 : vector<16xi32>
    %shift_right_arithmetic3A_466 = arith.constant 1 : i32
    %shift_right_arithmetic3A_467 = vector.broadcast %shift_right_arithmetic3A_466 : i32 to vector<16xi32>
    %shift_right_arithmetic3A_468 = arith.shrsi %add3A_465, %shift_right_arithmetic3A_467 : vector<16xi32>
    %min3A_469 = arith.constant 12499 : i32
    %min3A_470 = vector.broadcast %min3A_469 : i32 to vector<16xi32>
    %min3A_471 = arith.minsi %shift_right_arithmetic3A_468, %min3A_470 : vector<16xi32>
    %gather3A_472 = tpu.vector_load_idx %arg21[%min3A_471] : memref<12512xi32, #tpu.memory_space<vmem>>[vector<16xi32>], vector<16xi32>,
    %lt3A_473 = arith.cmpi slt, %gather3A_472, %add3A_6 : vector<16xi32>
    %add3A_474 = arith.constant 1 : i32
    %add3A_475 = vector.broadcast %add3A_474 : i32 to vector<16xi32>
    %add3A_476 = arith.addi %min3A_471, %add3A_475 : vector<16xi32>
    %select_n3A_477 = arith.select %lt3A_473, %add3A_476, %select_n3A_393 : vector<16xi1>, vector<16xi32>
    %select_n3A_478 = arith.select %lt3A_473, %select_n3A_394, %min3A_471 : vector<16xi1>, vector<16xi32>
    %add3A_479 = arith.addi %select_n3A_407, %select_n3A_408 : vector<16xi32>
    %shift_right_arithmetic3A_480 = arith.constant 1 : i32
    %shift_right_arithmetic3A_481 = vector.broadcast %shift_right_arithmetic3A_480 : i32 to vector<16xi32>
    %shift_right_arithmetic3A_482 = arith.shrsi %add3A_479, %shift_right_arithmetic3A_481 : vector<16xi32>
    %min3A_483 = arith.constant 12499 : i32
    %min3A_484 = vector.broadcast %min3A_483 : i32 to vector<16xi32>
    %min3A_485 = arith.minsi %shift_right_arithmetic3A_482, %min3A_484 : vector<16xi32>
    %gather3A_486 = tpu.vector_load_idx %arg21[%min3A_485] : memref<12512xi32, #tpu.memory_space<vmem>>[vector<16xi32>], vector<16xi32>,
    %lt3A_487 = arith.cmpi slt, %gather3A_486, %add3A_10 : vector<16xi32>
    %add3A_488 = arith.constant 1 : i32
    %add3A_489 = vector.broadcast %add3A_488 : i32 to vector<16xi32>
    %add3A_490 = arith.addi %min3A_485, %add3A_489 : vector<16xi32>
    %select_n3A_491 = arith.select %lt3A_487, %add3A_490, %select_n3A_407 : vector<16xi1>, vector<16xi32>
    %select_n3A_492 = arith.select %lt3A_487, %select_n3A_408, %min3A_485 : vector<16xi1>, vector<16xi32>
    %add3A_493 = arith.addi %select_n3A_421, %select_n3A_422 : vector<16xi32>
    %shift_right_arithmetic3A_494 = arith.constant 1 : i32
    %shift_right_arithmetic3A_495 = vector.broadcast %shift_right_arithmetic3A_494 : i32 to vector<16xi32>
    %shift_right_arithmetic3A_496 = arith.shrsi %add3A_493, %shift_right_arithmetic3A_495 : vector<16xi32>
    %min3A_497 = arith.constant 12499 : i32
    %min3A_498 = vector.broadcast %min3A_497 : i32 to vector<16xi32>
    %min3A_499 = arith.minsi %shift_right_arithmetic3A_496, %min3A_498 : vector<16xi32>
    %gather3A_500 = tpu.vector_load_idx %arg21[%min3A_499] : memref<12512xi32, #tpu.memory_space<vmem>>[vector<16xi32>], vector<16xi32>,
    %lt3A_501 = arith.cmpi slt, %gather3A_500, %add3A_14 : vector<16xi32>
    %add3A_502 = arith.constant 1 : i32
    %add3A_503 = vector.broadcast %add3A_502 : i32 to vector<16xi32>
    %add3A_504 = arith.addi %min3A_499, %add3A_503 : vector<16xi32>
    %select_n3A_505 = arith.select %lt3A_501, %add3A_504, %select_n3A_421 : vector<16xi1>, vector<16xi32>
    %select_n3A_506 = arith.select %lt3A_501, %select_n3A_422, %min3A_499 : vector<16xi1>, vector<16xi32>
    %add3A_507 = arith.addi %select_n3A_435, %select_n3A_436 : vector<16xi32>
    %shift_right_arithmetic3A_508 = arith.constant 1 : i32
    %shift_right_arithmetic3A_509 = vector.broadcast %shift_right_arithmetic3A_508 : i32 to vector<16xi32>
    %shift_right_arithmetic3A_510 = arith.shrsi %add3A_507, %shift_right_arithmetic3A_509 : vector<16xi32>
    %min3A_511 = arith.constant 12499 : i32
    %min3A_512 = vector.broadcast %min3A_511 : i32 to vector<16xi32>
    %min3A_513 = arith.minsi %shift_right_arithmetic3A_510, %min3A_512 : vector<16xi32>
    %gather3A_514 = tpu.vector_load_idx %arg21[%min3A_513] : memref<12512xi32, #tpu.memory_space<vmem>>[vector<16xi32>], vector<16xi32>,
    %lt3A_515 = arith.cmpi slt, %gather3A_514, %add3A_18 : vector<16xi32>
    %add3A_516 = arith.constant 1 : i32
    %add3A_517 = vector.broadcast %add3A_516 : i32 to vector<16xi32>
    %add3A_518 = arith.addi %min3A_513, %add3A_517 : vector<16xi32>
    %select_n3A_519 = arith.select %lt3A_515, %add3A_518, %select_n3A_435 : vector<16xi1>, vector<16xi32>
    %select_n3A_520 = arith.select %lt3A_515, %select_n3A_436, %min3A_513 : vector<16xi1>, vector<16xi32>
    %add3A_521 = arith.addi %select_n3A_449, %select_n3A_450 : vector<16xi32>
    %shift_right_arithmetic3A_522 = arith.constant 1 : i32
    %shift_right_arithmetic3A_523 = vector.broadcast %shift_right_arithmetic3A_522 : i32 to vector<16xi32>
    %shift_right_arithmetic3A_524 = arith.shrsi %add3A_521, %shift_right_arithmetic3A_523 : vector<16xi32>
    %min3A_525 = arith.constant 12499 : i32
    %min3A_526 = vector.broadcast %min3A_525 : i32 to vector<16xi32>
    %min3A_527 = arith.minsi %shift_right_arithmetic3A_524, %min3A_526 : vector<16xi32>
    %gather3A_528 = tpu.vector_load_idx %arg21[%min3A_527] : memref<12512xi32, #tpu.memory_space<vmem>>[vector<16xi32>], vector<16xi32>,
    %lt3A_529 = arith.cmpi slt, %gather3A_528, %add3A_22 : vector<16xi32>
    %add3A_530 = arith.constant 1 : i32
    %add3A_531 = vector.broadcast %add3A_530 : i32 to vector<16xi32>
    %add3A_532 = arith.addi %min3A_527, %add3A_531 : vector<16xi32>
    %select_n3A_533 = arith.select %lt3A_529, %add3A_532, %select_n3A_449 : vector<16xi1>, vector<16xi32>
    %select_n3A_534 = arith.select %lt3A_529, %select_n3A_450, %min3A_527 : vector<16xi1>, vector<16xi32>
    %add3A_535 = arith.addi %select_n3A_463, %select_n3A_464 : vector<16xi32>
    %shift_right_arithmetic3A_536 = arith.constant 1 : i32
    %shift_right_arithmetic3A_537 = vector.broadcast %shift_right_arithmetic3A_536 : i32 to vector<16xi32>
    %shift_right_arithmetic3A_538 = arith.shrsi %add3A_535, %shift_right_arithmetic3A_537 : vector<16xi32>
    %min3A_539 = arith.constant 12499 : i32
    %min3A_540 = vector.broadcast %min3A_539 : i32 to vector<16xi32>
    %min3A_541 = arith.minsi %shift_right_arithmetic3A_538, %min3A_540 : vector<16xi32>
    %gather3A_542 = tpu.vector_load_idx %arg21[%min3A_541] : memref<12512xi32, #tpu.memory_space<vmem>>[vector<16xi32>], vector<16xi32>,
    %lt3A_543 = arith.cmpi slt, %gather3A_542, %add3A_26 : vector<16xi32>
    %add3A_544 = arith.constant 1 : i32
    %add3A_545 = vector.broadcast %add3A_544 : i32 to vector<16xi32>
    %add3A_546 = arith.addi %min3A_541, %add3A_545 : vector<16xi32>
    %select_n3A_547 = arith.select %lt3A_543, %add3A_546, %select_n3A_463 : vector<16xi1>, vector<16xi32>
    %select_n3A_548 = arith.select %lt3A_543, %select_n3A_464, %min3A_541 : vector<16xi1>, vector<16xi32>
    %add3A_549 = arith.addi %select_n3A_477, %select_n3A_478 : vector<16xi32>
    %shift_right_arithmetic3A_550 = arith.constant 1 : i32
    %shift_right_arithmetic3A_551 = vector.broadcast %shift_right_arithmetic3A_550 : i32 to vector<16xi32>
    %shift_right_arithmetic3A_552 = arith.shrsi %add3A_549, %shift_right_arithmetic3A_551 : vector<16xi32>
    %min3A_553 = arith.constant 12499 : i32
    %min3A_554 = vector.broadcast %min3A_553 : i32 to vector<16xi32>
    %min3A_555 = arith.minsi %shift_right_arithmetic3A_552, %min3A_554 : vector<16xi32>
    %gather3A_556 = tpu.vector_load_idx %arg21[%min3A_555] : memref<12512xi32, #tpu.memory_space<vmem>>[vector<16xi32>], vector<16xi32>,
    %lt3A_557 = arith.cmpi slt, %gather3A_556, %add3A_6 : vector<16xi32>
    %add3A_558 = arith.constant 1 : i32
    %add3A_559 = vector.broadcast %add3A_558 : i32 to vector<16xi32>
    %add3A_560 = arith.addi %min3A_555, %add3A_559 : vector<16xi32>
    %select_n3A_561 = arith.select %lt3A_557, %add3A_560, %select_n3A_477 : vector<16xi1>, vector<16xi32>
    %select_n3A_562 = arith.select %lt3A_557, %select_n3A_478, %min3A_555 : vector<16xi1>, vector<16xi32>
    %add3A_563 = arith.addi %select_n3A_491, %select_n3A_492 : vector<16xi32>
    %shift_right_arithmetic3A_564 = arith.constant 1 : i32
    %shift_right_arithmetic3A_565 = vector.broadcast %shift_right_arithmetic3A_564 : i32 to vector<16xi32>
    %shift_right_arithmetic3A_566 = arith.shrsi %add3A_563, %shift_right_arithmetic3A_565 : vector<16xi32>
    %min3A_567 = arith.constant 12499 : i32
    %min3A_568 = vector.broadcast %min3A_567 : i32 to vector<16xi32>
    %min3A_569 = arith.minsi %shift_right_arithmetic3A_566, %min3A_568 : vector<16xi32>
    %gather3A_570 = tpu.vector_load_idx %arg21[%min3A_569] : memref<12512xi32, #tpu.memory_space<vmem>>[vector<16xi32>], vector<16xi32>,
    %lt3A_571 = arith.cmpi slt, %gather3A_570, %add3A_10 : vector<16xi32>
    %add3A_572 = arith.constant 1 : i32
    %add3A_573 = vector.broadcast %add3A_572 : i32 to vector<16xi32>
    %add3A_574 = arith.addi %min3A_569, %add3A_573 : vector<16xi32>
    %select_n3A_575 = arith.select %lt3A_571, %add3A_574, %select_n3A_491 : vector<16xi1>, vector<16xi32>
    %select_n3A_576 = arith.select %lt3A_571, %select_n3A_492, %min3A_569 : vector<16xi1>, vector<16xi32>
    %add3A_577 = arith.addi %select_n3A_505, %select_n3A_506 : vector<16xi32>
    %shift_right_arithmetic3A_578 = arith.constant 1 : i32
    %shift_right_arithmetic3A_579 = vector.broadcast %shift_right_arithmetic3A_578 : i32 to vector<16xi32>
    %shift_right_arithmetic3A_580 = arith.shrsi %add3A_577, %shift_right_arithmetic3A_579 : vector<16xi32>
    %min3A_581 = arith.constant 12499 : i32
    %min3A_582 = vector.broadcast %min3A_581 : i32 to vector<16xi32>
    %min3A_583 = arith.minsi %shift_right_arithmetic3A_580, %min3A_582 : vector<16xi32>
    %gather3A_584 = tpu.vector_load_idx %arg21[%min3A_583] : memref<12512xi32, #tpu.memory_space<vmem>>[vector<16xi32>], vector<16xi32>,
    %lt3A_585 = arith.cmpi slt, %gather3A_584, %add3A_14 : vector<16xi32>
    %add3A_586 = arith.constant 1 : i32
    %add3A_587 = vector.broadcast %add3A_586 : i32 to vector<16xi32>
    %add3A_588 = arith.addi %min3A_583, %add3A_587 : vector<16xi32>
    %select_n3A_589 = arith.select %lt3A_585, %add3A_588, %select_n3A_505 : vector<16xi1>, vector<16xi32>
    %select_n3A_590 = arith.select %lt3A_585, %select_n3A_506, %min3A_583 : vector<16xi1>, vector<16xi32>
    %add3A_591 = arith.addi %select_n3A_519, %select_n3A_520 : vector<16xi32>
    %shift_right_arithmetic3A_592 = arith.constant 1 : i32
    %shift_right_arithmetic3A_593 = vector.broadcast %shift_right_arithmetic3A_592 : i32 to vector<16xi32>
    %shift_right_arithmetic3A_594 = arith.shrsi %add3A_591, %shift_right_arithmetic3A_593 : vector<16xi32>
    %min3A_595 = arith.constant 12499 : i32
    %min3A_596 = vector.broadcast %min3A_595 : i32 to vector<16xi32>
    %min3A_597 = arith.minsi %shift_right_arithmetic3A_594, %min3A_596 : vector<16xi32>
    %gather3A_598 = tpu.vector_load_idx %arg21[%min3A_597] : memref<12512xi32, #tpu.memory_space<vmem>>[vector<16xi32>], vector<16xi32>,
    %lt3A_599 = arith.cmpi slt, %gather3A_598, %add3A_18 : vector<16xi32>
    %add3A_600 = arith.constant 1 : i32
    %add3A_601 = vector.broadcast %add3A_600 : i32 to vector<16xi32>
    %add3A_602 = arith.addi %min3A_597, %add3A_601 : vector<16xi32>
    %select_n3A_603 = arith.select %lt3A_599, %add3A_602, %select_n3A_519 : vector<16xi1>, vector<16xi32>
    %select_n3A_604 = arith.select %lt3A_599, %select_n3A_520, %min3A_597 : vector<16xi1>, vector<16xi32>
    %add3A_605 = arith.addi %select_n3A_533, %select_n3A_534 : vector<16xi32>
    %shift_right_arithmetic3A_606 = arith.constant 1 : i32
    %shift_right_arithmetic3A_607 = vector.broadcast %shift_right_arithmetic3A_606 : i32 to vector<16xi32>
    %shift_right_arithmetic3A_608 = arith.shrsi %add3A_605, %shift_right_arithmetic3A_607 : vector<16xi32>
    %min3A_609 = arith.constant 12499 : i32
    %min3A_610 = vector.broadcast %min3A_609 : i32 to vector<16xi32>
    %min3A_611 = arith.minsi %shift_right_arithmetic3A_608, %min3A_610 : vector<16xi32>
    %gather3A_612 = tpu.vector_load_idx %arg21[%min3A_611] : memref<12512xi32, #tpu.memory_space<vmem>>[vector<16xi32>], vector<16xi32>,
    %lt3A_613 = arith.cmpi slt, %gather3A_612, %add3A_22 : vector<16xi32>
    %add3A_614 = arith.constant 1 : i32
    %add3A_615 = vector.broadcast %add3A_614 : i32 to vector<16xi32>
    %add3A_616 = arith.addi %min3A_611, %add3A_615 : vector<16xi32>
    %select_n3A_617 = arith.select %lt3A_613, %add3A_616, %select_n3A_533 : vector<16xi1>, vector<16xi32>
    %select_n3A_618 = arith.select %lt3A_613, %select_n3A_534, %min3A_611 : vector<16xi1>, vector<16xi32>
    %add3A_619 = arith.addi %select_n3A_547, %select_n3A_548 : vector<16xi32>
    %shift_right_arithmetic3A_620 = arith.constant 1 : i32
    %shift_right_arithmetic3A_621 = vector.broadcast %shift_right_arithmetic3A_620 : i32 to vector<16xi32>
    %shift_right_arithmetic3A_622 = arith.shrsi %add3A_619, %shift_right_arithmetic3A_621 : vector<16xi32>
    %min3A_623 = arith.constant 12499 : i32
    %min3A_624 = vector.broadcast %min3A_623 : i32 to vector<16xi32>
    %min3A_625 = arith.minsi %shift_right_arithmetic3A_622, %min3A_624 : vector<16xi32>
    %gather3A_626 = tpu.vector_load_idx %arg21[%min3A_625] : memref<12512xi32, #tpu.memory_space<vmem>>[vector<16xi32>], vector<16xi32>,
    %lt3A_627 = arith.cmpi slt, %gather3A_626, %add3A_26 : vector<16xi32>
    %add3A_628 = arith.constant 1 : i32
    %add3A_629 = vector.broadcast %add3A_628 : i32 to vector<16xi32>
    %add3A_630 = arith.addi %min3A_625, %add3A_629 : vector<16xi32>
    %select_n3A_631 = arith.select %lt3A_627, %add3A_630, %select_n3A_547 : vector<16xi1>, vector<16xi32>
    %select_n3A_632 = arith.select %lt3A_627, %select_n3A_548, %min3A_625 : vector<16xi1>, vector<16xi32>
    %add3A_633 = arith.addi %select_n3A_561, %select_n3A_562 : vector<16xi32>
    %shift_right_arithmetic3A_634 = arith.constant 1 : i32
    %shift_right_arithmetic3A_635 = vector.broadcast %shift_right_arithmetic3A_634 : i32 to vector<16xi32>
    %shift_right_arithmetic3A_636 = arith.shrsi %add3A_633, %shift_right_arithmetic3A_635 : vector<16xi32>
    %min3A_637 = arith.constant 12499 : i32
    %min3A_638 = vector.broadcast %min3A_637 : i32 to vector<16xi32>
    %min3A_639 = arith.minsi %shift_right_arithmetic3A_636, %min3A_638 : vector<16xi32>
    %gather3A_640 = tpu.vector_load_idx %arg21[%min3A_639] : memref<12512xi32, #tpu.memory_space<vmem>>[vector<16xi32>], vector<16xi32>,
    %lt3A_641 = arith.cmpi slt, %gather3A_640, %add3A_6 : vector<16xi32>
    %add3A_642 = arith.constant 1 : i32
    %add3A_643 = vector.broadcast %add3A_642 : i32 to vector<16xi32>
    %add3A_644 = arith.addi %min3A_639, %add3A_643 : vector<16xi32>
    %select_n3A_645 = arith.select %lt3A_641, %add3A_644, %select_n3A_561 : vector<16xi1>, vector<16xi32>
    %select_n3A_646 = arith.select %lt3A_641, %select_n3A_562, %min3A_639 : vector<16xi1>, vector<16xi32>
    %add3A_647 = arith.addi %select_n3A_575, %select_n3A_576 : vector<16xi32>
    %shift_right_arithmetic3A_648 = arith.constant 1 : i32
    %shift_right_arithmetic3A_649 = vector.broadcast %shift_right_arithmetic3A_648 : i32 to vector<16xi32>
    %shift_right_arithmetic3A_650 = arith.shrsi %add3A_647, %shift_right_arithmetic3A_649 : vector<16xi32>
    %min3A_651 = arith.constant 12499 : i32
    %min3A_652 = vector.broadcast %min3A_651 : i32 to vector<16xi32>
    %min3A_653 = arith.minsi %shift_right_arithmetic3A_650, %min3A_652 : vector<16xi32>
    %gather3A_654 = tpu.vector_load_idx %arg21[%min3A_653] : memref<12512xi32, #tpu.memory_space<vmem>>[vector<16xi32>], vector<16xi32>,
    %lt3A_655 = arith.cmpi slt, %gather3A_654, %add3A_10 : vector<16xi32>
    %add3A_656 = arith.constant 1 : i32
    %add3A_657 = vector.broadcast %add3A_656 : i32 to vector<16xi32>
    %add3A_658 = arith.addi %min3A_653, %add3A_657 : vector<16xi32>
    %select_n3A_659 = arith.select %lt3A_655, %add3A_658, %select_n3A_575 : vector<16xi1>, vector<16xi32>
    %select_n3A_660 = arith.select %lt3A_655, %select_n3A_576, %min3A_653 : vector<16xi1>, vector<16xi32>
    %add3A_661 = arith.addi %select_n3A_589, %select_n3A_590 : vector<16xi32>
    %shift_right_arithmetic3A_662 = arith.constant 1 : i32
    %shift_right_arithmetic3A_663 = vector.broadcast %shift_right_arithmetic3A_662 : i32 to vector<16xi32>
    %shift_right_arithmetic3A_664 = arith.shrsi %add3A_661, %shift_right_arithmetic3A_663 : vector<16xi32>
    %min3A_665 = arith.constant 12499 : i32
    %min3A_666 = vector.broadcast %min3A_665 : i32 to vector<16xi32>
    %min3A_667 = arith.minsi %shift_right_arithmetic3A_664, %min3A_666 : vector<16xi32>
    %gather3A_668 = tpu.vector_load_idx %arg21[%min3A_667] : memref<12512xi32, #tpu.memory_space<vmem>>[vector<16xi32>], vector<16xi32>,
    %lt3A_669 = arith.cmpi slt, %gather3A_668, %add3A_14 : vector<16xi32>
    %add3A_670 = arith.constant 1 : i32
    %add3A_671 = vector.broadcast %add3A_670 : i32 to vector<16xi32>
    %add3A_672 = arith.addi %min3A_667, %add3A_671 : vector<16xi32>
    %select_n3A_673 = arith.select %lt3A_669, %add3A_672, %select_n3A_589 : vector<16xi1>, vector<16xi32>
    %select_n3A_674 = arith.select %lt3A_669, %select_n3A_590, %min3A_667 : vector<16xi1>, vector<16xi32>
    %add3A_675 = arith.addi %select_n3A_603, %select_n3A_604 : vector<16xi32>
    %shift_right_arithmetic3A_676 = arith.constant 1 : i32
    %shift_right_arithmetic3A_677 = vector.broadcast %shift_right_arithmetic3A_676 : i32 to vector<16xi32>
    %shift_right_arithmetic3A_678 = arith.shrsi %add3A_675, %shift_right_arithmetic3A_677 : vector<16xi32>
    %min3A_679 = arith.constant 12499 : i32
    %min3A_680 = vector.broadcast %min3A_679 : i32 to vector<16xi32>
    %min3A_681 = arith.minsi %shift_right_arithmetic3A_678, %min3A_680 : vector<16xi32>
    %gather3A_682 = tpu.vector_load_idx %arg21[%min3A_681] : memref<12512xi32, #tpu.memory_space<vmem>>[vector<16xi32>], vector<16xi32>,
    %lt3A_683 = arith.cmpi slt, %gather3A_682, %add3A_18 : vector<16xi32>
    %add3A_684 = arith.constant 1 : i32
    %add3A_685 = vector.broadcast %add3A_684 : i32 to vector<16xi32>
    %add3A_686 = arith.addi %min3A_681, %add3A_685 : vector<16xi32>
    %select_n3A_687 = arith.select %lt3A_683, %add3A_686, %select_n3A_603 : vector<16xi1>, vector<16xi32>
    %select_n3A_688 = arith.select %lt3A_683, %select_n3A_604, %min3A_681 : vector<16xi1>, vector<16xi32>
    %add3A_689 = arith.addi %select_n3A_617, %select_n3A_618 : vector<16xi32>
    %shift_right_arithmetic3A_690 = arith.constant 1 : i32
    %shift_right_arithmetic3A_691 = vector.broadcast %shift_right_arithmetic3A_690 : i32 to vector<16xi32>
    %shift_right_arithmetic3A_692 = arith.shrsi %add3A_689, %shift_right_arithmetic3A_691 : vector<16xi32>
    %min3A_693 = arith.constant 12499 : i32
    %min3A_694 = vector.broadcast %min3A_693 : i32 to vector<16xi32>
    %min3A_695 = arith.minsi %shift_right_arithmetic3A_692, %min3A_694 : vector<16xi32>
    %gather3A_696 = tpu.vector_load_idx %arg21[%min3A_695] : memref<12512xi32, #tpu.memory_space<vmem>>[vector<16xi32>], vector<16xi32>,
    %lt3A_697 = arith.cmpi slt, %gather3A_696, %add3A_22 : vector<16xi32>
    %add3A_698 = arith.constant 1 : i32
    %add3A_699 = vector.broadcast %add3A_698 : i32 to vector<16xi32>
    %add3A_700 = arith.addi %min3A_695, %add3A_699 : vector<16xi32>
    %select_n3A_701 = arith.select %lt3A_697, %add3A_700, %select_n3A_617 : vector<16xi1>, vector<16xi32>
    %select_n3A_702 = arith.select %lt3A_697, %select_n3A_618, %min3A_695 : vector<16xi1>, vector<16xi32>
    %add3A_703 = arith.addi %select_n3A_631, %select_n3A_632 : vector<16xi32>
    %shift_right_arithmetic3A_704 = arith.constant 1 : i32
    %shift_right_arithmetic3A_705 = vector.broadcast %shift_right_arithmetic3A_704 : i32 to vector<16xi32>
    %shift_right_arithmetic3A_706 = arith.shrsi %add3A_703, %shift_right_arithmetic3A_705 : vector<16xi32>
    %min3A_707 = arith.constant 12499 : i32
    %min3A_708 = vector.broadcast %min3A_707 : i32 to vector<16xi32>
    %min3A_709 = arith.minsi %shift_right_arithmetic3A_706, %min3A_708 : vector<16xi32>
    %gather3A_710 = tpu.vector_load_idx %arg21[%min3A_709] : memref<12512xi32, #tpu.memory_space<vmem>>[vector<16xi32>], vector<16xi32>,
    %lt3A_711 = arith.cmpi slt, %gather3A_710, %add3A_26 : vector<16xi32>
    %add3A_712 = arith.constant 1 : i32
    %add3A_713 = vector.broadcast %add3A_712 : i32 to vector<16xi32>
    %add3A_714 = arith.addi %min3A_709, %add3A_713 : vector<16xi32>
    %select_n3A_715 = arith.select %lt3A_711, %add3A_714, %select_n3A_631 : vector<16xi1>, vector<16xi32>
    %select_n3A_716 = arith.select %lt3A_711, %select_n3A_632, %min3A_709 : vector<16xi1>, vector<16xi32>
    %add3A_717 = arith.addi %select_n3A_645, %select_n3A_646 : vector<16xi32>
    %shift_right_arithmetic3A_718 = arith.constant 1 : i32
    %shift_right_arithmetic3A_719 = vector.broadcast %shift_right_arithmetic3A_718 : i32 to vector<16xi32>
    %shift_right_arithmetic3A_720 = arith.shrsi %add3A_717, %shift_right_arithmetic3A_719 : vector<16xi32>
    %min3A_721 = arith.constant 12499 : i32
    %min3A_722 = vector.broadcast %min3A_721 : i32 to vector<16xi32>
    %min3A_723 = arith.minsi %shift_right_arithmetic3A_720, %min3A_722 : vector<16xi32>
    %gather3A_724 = tpu.vector_load_idx %arg21[%min3A_723] : memref<12512xi32, #tpu.memory_space<vmem>>[vector<16xi32>], vector<16xi32>,
    %lt3A_725 = arith.cmpi slt, %gather3A_724, %add3A_6 : vector<16xi32>
    %add3A_726 = arith.constant 1 : i32
    %add3A_727 = vector.broadcast %add3A_726 : i32 to vector<16xi32>
    %add3A_728 = arith.addi %min3A_723, %add3A_727 : vector<16xi32>
    %select_n3A_729 = arith.select %lt3A_725, %add3A_728, %select_n3A_645 : vector<16xi1>, vector<16xi32>
    %select_n3A_730 = arith.select %lt3A_725, %select_n3A_646, %min3A_723 : vector<16xi1>, vector<16xi32>
    %add3A_731 = arith.addi %select_n3A_659, %select_n3A_660 : vector<16xi32>
    %shift_right_arithmetic3A_732 = arith.constant 1 : i32
    %shift_right_arithmetic3A_733 = vector.broadcast %shift_right_arithmetic3A_732 : i32 to vector<16xi32>
    %shift_right_arithmetic3A_734 = arith.shrsi %add3A_731, %shift_right_arithmetic3A_733 : vector<16xi32>
    %min3A_735 = arith.constant 12499 : i32
    %min3A_736 = vector.broadcast %min3A_735 : i32 to vector<16xi32>
    %min3A_737 = arith.minsi %shift_right_arithmetic3A_734, %min3A_736 : vector<16xi32>
    %gather3A_738 = tpu.vector_load_idx %arg21[%min3A_737] : memref<12512xi32, #tpu.memory_space<vmem>>[vector<16xi32>], vector<16xi32>,
    %lt3A_739 = arith.cmpi slt, %gather3A_738, %add3A_10 : vector<16xi32>
    %add3A_740 = arith.constant 1 : i32
    %add3A_741 = vector.broadcast %add3A_740 : i32 to vector<16xi32>
    %add3A_742 = arith.addi %min3A_737, %add3A_741 : vector<16xi32>
    %select_n3A_743 = arith.select %lt3A_739, %add3A_742, %select_n3A_659 : vector<16xi1>, vector<16xi32>
    %select_n3A_744 = arith.select %lt3A_739, %select_n3A_660, %min3A_737 : vector<16xi1>, vector<16xi32>
    %add3A_745 = arith.addi %select_n3A_673, %select_n3A_674 : vector<16xi32>
    %shift_right_arithmetic3A_746 = arith.constant 1 : i32
    %shift_right_arithmetic3A_747 = vector.broadcast %shift_right_arithmetic3A_746 : i32 to vector<16xi32>
    %shift_right_arithmetic3A_748 = arith.shrsi %add3A_745, %shift_right_arithmetic3A_747 : vector<16xi32>
    %min3A_749 = arith.constant 12499 : i32
    %min3A_750 = vector.broadcast %min3A_749 : i32 to vector<16xi32>
    %min3A_751 = arith.minsi %shift_right_arithmetic3A_748, %min3A_750 : vector<16xi32>
    %gather3A_752 = tpu.vector_load_idx %arg21[%min3A_751] : memref<12512xi32, #tpu.memory_space<vmem>>[vector<16xi32>], vector<16xi32>,
    %lt3A_753 = arith.cmpi slt, %gather3A_752, %add3A_14 : vector<16xi32>
    %add3A_754 = arith.constant 1 : i32
    %add3A_755 = vector.broadcast %add3A_754 : i32 to vector<16xi32>
    %add3A_756 = arith.addi %min3A_751, %add3A_755 : vector<16xi32>
    %select_n3A_757 = arith.select %lt3A_753, %add3A_756, %select_n3A_673 : vector<16xi1>, vector<16xi32>
    %select_n3A_758 = arith.select %lt3A_753, %select_n3A_674, %min3A_751 : vector<16xi1>, vector<16xi32>
    %add3A_759 = arith.addi %select_n3A_687, %select_n3A_688 : vector<16xi32>
    %shift_right_arithmetic3A_760 = arith.constant 1 : i32
    %shift_right_arithmetic3A_761 = vector.broadcast %shift_right_arithmetic3A_760 : i32 to vector<16xi32>
    %shift_right_arithmetic3A_762 = arith.shrsi %add3A_759, %shift_right_arithmetic3A_761 : vector<16xi32>
    %min3A_763 = arith.constant 12499 : i32
    %min3A_764 = vector.broadcast %min3A_763 : i32 to vector<16xi32>
    %min3A_765 = arith.minsi %shift_right_arithmetic3A_762, %min3A_764 : vector<16xi32>
    %gather3A_766 = tpu.vector_load_idx %arg21[%min3A_765] : memref<12512xi32, #tpu.memory_space<vmem>>[vector<16xi32>], vector<16xi32>,
    %lt3A_767 = arith.cmpi slt, %gather3A_766, %add3A_18 : vector<16xi32>
    %add3A_768 = arith.constant 1 : i32
    %add3A_769 = vector.broadcast %add3A_768 : i32 to vector<16xi32>
    %add3A_770 = arith.addi %min3A_765, %add3A_769 : vector<16xi32>
    %select_n3A_771 = arith.select %lt3A_767, %add3A_770, %select_n3A_687 : vector<16xi1>, vector<16xi32>
    %select_n3A_772 = arith.select %lt3A_767, %select_n3A_688, %min3A_765 : vector<16xi1>, vector<16xi32>
    %add3A_773 = arith.addi %select_n3A_701, %select_n3A_702 : vector<16xi32>
    %shift_right_arithmetic3A_774 = arith.constant 1 : i32
    %shift_right_arithmetic3A_775 = vector.broadcast %shift_right_arithmetic3A_774 : i32 to vector<16xi32>
    %shift_right_arithmetic3A_776 = arith.shrsi %add3A_773, %shift_right_arithmetic3A_775 : vector<16xi32>
    %min3A_777 = arith.constant 12499 : i32
    %min3A_778 = vector.broadcast %min3A_777 : i32 to vector<16xi32>
    %min3A_779 = arith.minsi %shift_right_arithmetic3A_776, %min3A_778 : vector<16xi32>
    %gather3A_780 = tpu.vector_load_idx %arg21[%min3A_779] : memref<12512xi32, #tpu.memory_space<vmem>>[vector<16xi32>], vector<16xi32>,
    %lt3A_781 = arith.cmpi slt, %gather3A_780, %add3A_22 : vector<16xi32>
    %add3A_782 = arith.constant 1 : i32
    %add3A_783 = vector.broadcast %add3A_782 : i32 to vector<16xi32>
    %add3A_784 = arith.addi %min3A_779, %add3A_783 : vector<16xi32>
    %select_n3A_785 = arith.select %lt3A_781, %add3A_784, %select_n3A_701 : vector<16xi1>, vector<16xi32>
    %select_n3A_786 = arith.select %lt3A_781, %select_n3A_702, %min3A_779 : vector<16xi1>, vector<16xi32>
    %add3A_787 = arith.addi %select_n3A_715, %select_n3A_716 : vector<16xi32>
    %shift_right_arithmetic3A_788 = arith.constant 1 : i32
    %shift_right_arithmetic3A_789 = vector.broadcast %shift_right_arithmetic3A_788 : i32 to vector<16xi32>
    %shift_right_arithmetic3A_790 = arith.shrsi %add3A_787, %shift_right_arithmetic3A_789 : vector<16xi32>
    %min3A_791 = arith.constant 12499 : i32
    %min3A_792 = vector.broadcast %min3A_791 : i32 to vector<16xi32>
    %min3A_793 = arith.minsi %shift_right_arithmetic3A_790, %min3A_792 : vector<16xi32>
    %gather3A_794 = tpu.vector_load_idx %arg21[%min3A_793] : memref<12512xi32, #tpu.memory_space<vmem>>[vector<16xi32>], vector<16xi32>,
    %lt3A_795 = arith.cmpi slt, %gather3A_794, %add3A_26 : vector<16xi32>
    %add3A_796 = arith.constant 1 : i32
    %add3A_797 = vector.broadcast %add3A_796 : i32 to vector<16xi32>
    %add3A_798 = arith.addi %min3A_793, %add3A_797 : vector<16xi32>
    %select_n3A_799 = arith.select %lt3A_795, %add3A_798, %select_n3A_715 : vector<16xi1>, vector<16xi32>
    %select_n3A_800 = arith.select %lt3A_795, %select_n3A_716, %min3A_793 : vector<16xi1>, vector<16xi32>
    %add3A_801 = arith.addi %select_n3A_729, %select_n3A_730 : vector<16xi32>
    %shift_right_arithmetic3A_802 = arith.constant 1 : i32
    %shift_right_arithmetic3A_803 = vector.broadcast %shift_right_arithmetic3A_802 : i32 to vector<16xi32>
    %shift_right_arithmetic3A_804 = arith.shrsi %add3A_801, %shift_right_arithmetic3A_803 : vector<16xi32>
    %min3A_805 = arith.constant 12499 : i32
    %min3A_806 = vector.broadcast %min3A_805 : i32 to vector<16xi32>
    %min3A_807 = arith.minsi %shift_right_arithmetic3A_804, %min3A_806 : vector<16xi32>
    %gather3A_808 = tpu.vector_load_idx %arg21[%min3A_807] : memref<12512xi32, #tpu.memory_space<vmem>>[vector<16xi32>], vector<16xi32>,
    %lt3A_809 = arith.cmpi slt, %gather3A_808, %add3A_6 : vector<16xi32>
    %add3A_810 = arith.constant 1 : i32
    %add3A_811 = vector.broadcast %add3A_810 : i32 to vector<16xi32>
    %add3A_812 = arith.addi %min3A_807, %add3A_811 : vector<16xi32>
    %select_n3A_813 = arith.select %lt3A_809, %add3A_812, %select_n3A_729 : vector<16xi1>, vector<16xi32>
    %select_n3A_814 = arith.select %lt3A_809, %select_n3A_730, %min3A_807 : vector<16xi1>, vector<16xi32>
    %add3A_815 = arith.addi %select_n3A_743, %select_n3A_744 : vector<16xi32>
    %shift_right_arithmetic3A_816 = arith.constant 1 : i32
    %shift_right_arithmetic3A_817 = vector.broadcast %shift_right_arithmetic3A_816 : i32 to vector<16xi32>
    %shift_right_arithmetic3A_818 = arith.shrsi %add3A_815, %shift_right_arithmetic3A_817 : vector<16xi32>
    %min3A_819 = arith.constant 12499 : i32
    %min3A_820 = vector.broadcast %min3A_819 : i32 to vector<16xi32>
    %min3A_821 = arith.minsi %shift_right_arithmetic3A_818, %min3A_820 : vector<16xi32>
    %gather3A_822 = tpu.vector_load_idx %arg21[%min3A_821] : memref<12512xi32, #tpu.memory_space<vmem>>[vector<16xi32>], vector<16xi32>,
    %lt3A_823 = arith.cmpi slt, %gather3A_822, %add3A_10 : vector<16xi32>
    %add3A_824 = arith.constant 1 : i32
    %add3A_825 = vector.broadcast %add3A_824 : i32 to vector<16xi32>
    %add3A_826 = arith.addi %min3A_821, %add3A_825 : vector<16xi32>
    %select_n3A_827 = arith.select %lt3A_823, %add3A_826, %select_n3A_743 : vector<16xi1>, vector<16xi32>
    %select_n3A_828 = arith.select %lt3A_823, %select_n3A_744, %min3A_821 : vector<16xi1>, vector<16xi32>
    %add3A_829 = arith.addi %select_n3A_757, %select_n3A_758 : vector<16xi32>
    %shift_right_arithmetic3A_830 = arith.constant 1 : i32
    %shift_right_arithmetic3A_831 = vector.broadcast %shift_right_arithmetic3A_830 : i32 to vector<16xi32>
    %shift_right_arithmetic3A_832 = arith.shrsi %add3A_829, %shift_right_arithmetic3A_831 : vector<16xi32>
    %min3A_833 = arith.constant 12499 : i32
    %min3A_834 = vector.broadcast %min3A_833 : i32 to vector<16xi32>
    %min3A_835 = arith.minsi %shift_right_arithmetic3A_832, %min3A_834 : vector<16xi32>
    %gather3A_836 = tpu.vector_load_idx %arg21[%min3A_835] : memref<12512xi32, #tpu.memory_space<vmem>>[vector<16xi32>], vector<16xi32>,
    %lt3A_837 = arith.cmpi slt, %gather3A_836, %add3A_14 : vector<16xi32>
    %add3A_838 = arith.constant 1 : i32
    %add3A_839 = vector.broadcast %add3A_838 : i32 to vector<16xi32>
    %add3A_840 = arith.addi %min3A_835, %add3A_839 : vector<16xi32>
    %select_n3A_841 = arith.select %lt3A_837, %add3A_840, %select_n3A_757 : vector<16xi1>, vector<16xi32>
    %select_n3A_842 = arith.select %lt3A_837, %select_n3A_758, %min3A_835 : vector<16xi1>, vector<16xi32>
    %add3A_843 = arith.addi %select_n3A_771, %select_n3A_772 : vector<16xi32>
    %shift_right_arithmetic3A_844 = arith.constant 1 : i32
    %shift_right_arithmetic3A_845 = vector.broadcast %shift_right_arithmetic3A_844 : i32 to vector<16xi32>
    %shift_right_arithmetic3A_846 = arith.shrsi %add3A_843, %shift_right_arithmetic3A_845 : vector<16xi32>
    %min3A_847 = arith.constant 12499 : i32
    %min3A_848 = vector.broadcast %min3A_847 : i32 to vector<16xi32>
    %min3A_849 = arith.minsi %shift_right_arithmetic3A_846, %min3A_848 : vector<16xi32>
    %gather3A_850 = tpu.vector_load_idx %arg21[%min3A_849] : memref<12512xi32, #tpu.memory_space<vmem>>[vector<16xi32>], vector<16xi32>,
    %lt3A_851 = arith.cmpi slt, %gather3A_850, %add3A_18 : vector<16xi32>
    %add3A_852 = arith.constant 1 : i32
    %add3A_853 = vector.broadcast %add3A_852 : i32 to vector<16xi32>
    %add3A_854 = arith.addi %min3A_849, %add3A_853 : vector<16xi32>
    %select_n3A_855 = arith.select %lt3A_851, %add3A_854, %select_n3A_771 : vector<16xi1>, vector<16xi32>
    %select_n3A_856 = arith.select %lt3A_851, %select_n3A_772, %min3A_849 : vector<16xi1>, vector<16xi32>
    %add3A_857 = arith.addi %select_n3A_785, %select_n3A_786 : vector<16xi32>
    %shift_right_arithmetic3A_858 = arith.constant 1 : i32
    %shift_right_arithmetic3A_859 = vector.broadcast %shift_right_arithmetic3A_858 : i32 to vector<16xi32>
    %shift_right_arithmetic3A_860 = arith.shrsi %add3A_857, %shift_right_arithmetic3A_859 : vector<16xi32>
    %min3A_861 = arith.constant 12499 : i32
    %min3A_862 = vector.broadcast %min3A_861 : i32 to vector<16xi32>
    %min3A_863 = arith.minsi %shift_right_arithmetic3A_860, %min3A_862 : vector<16xi32>
    %gather3A_864 = tpu.vector_load_idx %arg21[%min3A_863] : memref<12512xi32, #tpu.memory_space<vmem>>[vector<16xi32>], vector<16xi32>,
    %lt3A_865 = arith.cmpi slt, %gather3A_864, %add3A_22 : vector<16xi32>
    %add3A_866 = arith.constant 1 : i32
    %add3A_867 = vector.broadcast %add3A_866 : i32 to vector<16xi32>
    %add3A_868 = arith.addi %min3A_863, %add3A_867 : vector<16xi32>
    %select_n3A_869 = arith.select %lt3A_865, %add3A_868, %select_n3A_785 : vector<16xi1>, vector<16xi32>
    %select_n3A_870 = arith.select %lt3A_865, %select_n3A_786, %min3A_863 : vector<16xi1>, vector<16xi32>
    %add3A_871 = arith.addi %select_n3A_799, %select_n3A_800 : vector<16xi32>
    %shift_right_arithmetic3A_872 = arith.constant 1 : i32
    %shift_right_arithmetic3A_873 = vector.broadcast %shift_right_arithmetic3A_872 : i32 to vector<16xi32>
    %shift_right_arithmetic3A_874 = arith.shrsi %add3A_871, %shift_right_arithmetic3A_873 : vector<16xi32>
    %min3A_875 = arith.constant 12499 : i32
    %min3A_876 = vector.broadcast %min3A_875 : i32 to vector<16xi32>
    %min3A_877 = arith.minsi %shift_right_arithmetic3A_874, %min3A_876 : vector<16xi32>
    %gather3A_878 = tpu.vector_load_idx %arg21[%min3A_877] : memref<12512xi32, #tpu.memory_space<vmem>>[vector<16xi32>], vector<16xi32>,
    %lt3A_879 = arith.cmpi slt, %gather3A_878, %add3A_26 : vector<16xi32>
    %add3A_880 = arith.constant 1 : i32
    %add3A_881 = vector.broadcast %add3A_880 : i32 to vector<16xi32>
    %add3A_882 = arith.addi %min3A_877, %add3A_881 : vector<16xi32>
    %select_n3A_883 = arith.select %lt3A_879, %add3A_882, %select_n3A_799 : vector<16xi1>, vector<16xi32>
    %select_n3A_884 = arith.select %lt3A_879, %select_n3A_800, %min3A_877 : vector<16xi1>, vector<16xi32>
    %add3A_885 = arith.addi %select_n3A_813, %select_n3A_814 : vector<16xi32>
    %shift_right_arithmetic3A_886 = arith.constant 1 : i32
    %shift_right_arithmetic3A_887 = vector.broadcast %shift_right_arithmetic3A_886 : i32 to vector<16xi32>
    %shift_right_arithmetic3A_888 = arith.shrsi %add3A_885, %shift_right_arithmetic3A_887 : vector<16xi32>
    %min3A_889 = arith.constant 12499 : i32
    %min3A_890 = vector.broadcast %min3A_889 : i32 to vector<16xi32>
    %min3A_891 = arith.minsi %shift_right_arithmetic3A_888, %min3A_890 : vector<16xi32>
    %gather3A_892 = tpu.vector_load_idx %arg21[%min3A_891] : memref<12512xi32, #tpu.memory_space<vmem>>[vector<16xi32>], vector<16xi32>,
    %lt3A_893 = arith.cmpi slt, %gather3A_892, %add3A_6 : vector<16xi32>
    %add3A_894 = arith.constant 1 : i32
    %add3A_895 = vector.broadcast %add3A_894 : i32 to vector<16xi32>
    %add3A_896 = arith.addi %min3A_891, %add3A_895 : vector<16xi32>
    %select_n3A_897 = arith.select %lt3A_893, %add3A_896, %select_n3A_813 : vector<16xi1>, vector<16xi32>
    %select_n3A_898 = arith.select %lt3A_893, %select_n3A_814, %min3A_891 : vector<16xi1>, vector<16xi32>
    %add3A_899 = arith.addi %select_n3A_827, %select_n3A_828 : vector<16xi32>
    %shift_right_arithmetic3A_900 = arith.constant 1 : i32
    %shift_right_arithmetic3A_901 = vector.broadcast %shift_right_arithmetic3A_900 : i32 to vector<16xi32>
    %shift_right_arithmetic3A_902 = arith.shrsi %add3A_899, %shift_right_arithmetic3A_901 : vector<16xi32>
    %min3A_903 = arith.constant 12499 : i32
    %min3A_904 = vector.broadcast %min3A_903 : i32 to vector<16xi32>
    %min3A_905 = arith.minsi %shift_right_arithmetic3A_902, %min3A_904 : vector<16xi32>
    %gather3A_906 = tpu.vector_load_idx %arg21[%min3A_905] : memref<12512xi32, #tpu.memory_space<vmem>>[vector<16xi32>], vector<16xi32>,
    %lt3A_907 = arith.cmpi slt, %gather3A_906, %add3A_10 : vector<16xi32>
    %add3A_908 = arith.constant 1 : i32
    %add3A_909 = vector.broadcast %add3A_908 : i32 to vector<16xi32>
    %add3A_910 = arith.addi %min3A_905, %add3A_909 : vector<16xi32>
    %select_n3A_911 = arith.select %lt3A_907, %add3A_910, %select_n3A_827 : vector<16xi1>, vector<16xi32>
    %select_n3A_912 = arith.select %lt3A_907, %select_n3A_828, %min3A_905 : vector<16xi1>, vector<16xi32>
    %add3A_913 = arith.addi %select_n3A_841, %select_n3A_842 : vector<16xi32>
    %shift_right_arithmetic3A_914 = arith.constant 1 : i32
    %shift_right_arithmetic3A_915 = vector.broadcast %shift_right_arithmetic3A_914 : i32 to vector<16xi32>
    %shift_right_arithmetic3A_916 = arith.shrsi %add3A_913, %shift_right_arithmetic3A_915 : vector<16xi32>
    %min3A_917 = arith.constant 12499 : i32
    %min3A_918 = vector.broadcast %min3A_917 : i32 to vector<16xi32>
    %min3A_919 = arith.minsi %shift_right_arithmetic3A_916, %min3A_918 : vector<16xi32>
    %gather3A_920 = tpu.vector_load_idx %arg21[%min3A_919] : memref<12512xi32, #tpu.memory_space<vmem>>[vector<16xi32>], vector<16xi32>,
    %lt3A_921 = arith.cmpi slt, %gather3A_920, %add3A_14 : vector<16xi32>
    %add3A_922 = arith.constant 1 : i32
    %add3A_923 = vector.broadcast %add3A_922 : i32 to vector<16xi32>
    %add3A_924 = arith.addi %min3A_919, %add3A_923 : vector<16xi32>
    %select_n3A_925 = arith.select %lt3A_921, %add3A_924, %select_n3A_841 : vector<16xi1>, vector<16xi32>
    %select_n3A_926 = arith.select %lt3A_921, %select_n3A_842, %min3A_919 : vector<16xi1>, vector<16xi32>
    %add3A_927 = arith.addi %select_n3A_855, %select_n3A_856 : vector<16xi32>
    %shift_right_arithmetic3A_928 = arith.constant 1 : i32
    %shift_right_arithmetic3A_929 = vector.broadcast %shift_right_arithmetic3A_928 : i32 to vector<16xi32>
    %shift_right_arithmetic3A_930 = arith.shrsi %add3A_927, %shift_right_arithmetic3A_929 : vector<16xi32>
    %min3A_931 = arith.constant 12499 : i32
    %min3A_932 = vector.broadcast %min3A_931 : i32 to vector<16xi32>
    %min3A_933 = arith.minsi %shift_right_arithmetic3A_930, %min3A_932 : vector<16xi32>
    %gather3A_934 = tpu.vector_load_idx %arg21[%min3A_933] : memref<12512xi32, #tpu.memory_space<vmem>>[vector<16xi32>], vector<16xi32>,
    %lt3A_935 = arith.cmpi slt, %gather3A_934, %add3A_18 : vector<16xi32>
    %add3A_936 = arith.constant 1 : i32
    %add3A_937 = vector.broadcast %add3A_936 : i32 to vector<16xi32>
    %add3A_938 = arith.addi %min3A_933, %add3A_937 : vector<16xi32>
    %select_n3A_939 = arith.select %lt3A_935, %add3A_938, %select_n3A_855 : vector<16xi1>, vector<16xi32>
    %select_n3A_940 = arith.select %lt3A_935, %select_n3A_856, %min3A_933 : vector<16xi1>, vector<16xi32>
    %add3A_941 = arith.addi %select_n3A_869, %select_n3A_870 : vector<16xi32>
    %shift_right_arithmetic3A_942 = arith.constant 1 : i32
    %shift_right_arithmetic3A_943 = vector.broadcast %shift_right_arithmetic3A_942 : i32 to vector<16xi32>
    %shift_right_arithmetic3A_944 = arith.shrsi %add3A_941, %shift_right_arithmetic3A_943 : vector<16xi32>
    %min3A_945 = arith.constant 12499 : i32
    %min3A_946 = vector.broadcast %min3A_945 : i32 to vector<16xi32>
    %min3A_947 = arith.minsi %shift_right_arithmetic3A_944, %min3A_946 : vector<16xi32>
    %gather3A_948 = tpu.vector_load_idx %arg21[%min3A_947] : memref<12512xi32, #tpu.memory_space<vmem>>[vector<16xi32>], vector<16xi32>,
    %lt3A_949 = arith.cmpi slt, %gather3A_948, %add3A_22 : vector<16xi32>
    %add3A_950 = arith.constant 1 : i32
    %add3A_951 = vector.broadcast %add3A_950 : i32 to vector<16xi32>
    %add3A_952 = arith.addi %min3A_947, %add3A_951 : vector<16xi32>
    %select_n3A_953 = arith.select %lt3A_949, %add3A_952, %select_n3A_869 : vector<16xi1>, vector<16xi32>
    %select_n3A_954 = arith.select %lt3A_949, %select_n3A_870, %min3A_947 : vector<16xi1>, vector<16xi32>
    %add3A_955 = arith.addi %select_n3A_883, %select_n3A_884 : vector<16xi32>
    %shift_right_arithmetic3A_956 = arith.constant 1 : i32
    %shift_right_arithmetic3A_957 = vector.broadcast %shift_right_arithmetic3A_956 : i32 to vector<16xi32>
    %shift_right_arithmetic3A_958 = arith.shrsi %add3A_955, %shift_right_arithmetic3A_957 : vector<16xi32>
    %min3A_959 = arith.constant 12499 : i32
    %min3A_960 = vector.broadcast %min3A_959 : i32 to vector<16xi32>
    %min3A_961 = arith.minsi %shift_right_arithmetic3A_958, %min3A_960 : vector<16xi32>
    %gather3A_962 = tpu.vector_load_idx %arg21[%min3A_961] : memref<12512xi32, #tpu.memory_space<vmem>>[vector<16xi32>], vector<16xi32>,
    %lt3A_963 = arith.cmpi slt, %gather3A_962, %add3A_26 : vector<16xi32>
    %add3A_964 = arith.constant 1 : i32
    %add3A_965 = vector.broadcast %add3A_964 : i32 to vector<16xi32>
    %add3A_966 = arith.addi %min3A_961, %add3A_965 : vector<16xi32>
    %select_n3A_967 = arith.select %lt3A_963, %add3A_966, %select_n3A_883 : vector<16xi1>, vector<16xi32>
    %select_n3A_968 = arith.select %lt3A_963, %select_n3A_884, %min3A_961 : vector<16xi1>, vector<16xi32>
    %add3A_969 = arith.addi %select_n3A_897, %select_n3A_898 : vector<16xi32>
    %shift_right_arithmetic3A_970 = arith.constant 1 : i32
    %shift_right_arithmetic3A_971 = vector.broadcast %shift_right_arithmetic3A_970 : i32 to vector<16xi32>
    %shift_right_arithmetic3A_972 = arith.shrsi %add3A_969, %shift_right_arithmetic3A_971 : vector<16xi32>
    %min3A_973 = arith.constant 12499 : i32
    %min3A_974 = vector.broadcast %min3A_973 : i32 to vector<16xi32>
    %min3A_975 = arith.minsi %shift_right_arithmetic3A_972, %min3A_974 : vector<16xi32>
    %gather3A_976 = tpu.vector_load_idx %arg21[%min3A_975] : memref<12512xi32, #tpu.memory_space<vmem>>[vector<16xi32>], vector<16xi32>,
    %lt3A_977 = arith.cmpi slt, %gather3A_976, %add3A_6 : vector<16xi32>
    %add3A_978 = arith.constant 1 : i32
    %add3A_979 = vector.broadcast %add3A_978 : i32 to vector<16xi32>
    %add3A_980 = arith.addi %min3A_975, %add3A_979 : vector<16xi32>
    %select_n3A_981 = arith.select %lt3A_977, %add3A_980, %select_n3A_897 : vector<16xi1>, vector<16xi32>
    %select_n3A_982 = arith.select %lt3A_977, %select_n3A_898, %min3A_975 : vector<16xi1>, vector<16xi32>
    %add3A_983 = arith.addi %select_n3A_911, %select_n3A_912 : vector<16xi32>
    %shift_right_arithmetic3A_984 = arith.constant 1 : i32
    %shift_right_arithmetic3A_985 = vector.broadcast %shift_right_arithmetic3A_984 : i32 to vector<16xi32>
    %shift_right_arithmetic3A_986 = arith.shrsi %add3A_983, %shift_right_arithmetic3A_985 : vector<16xi32>
    %min3A_987 = arith.constant 12499 : i32
    %min3A_988 = vector.broadcast %min3A_987 : i32 to vector<16xi32>
    %min3A_989 = arith.minsi %shift_right_arithmetic3A_986, %min3A_988 : vector<16xi32>
    %gather3A_990 = tpu.vector_load_idx %arg21[%min3A_989] : memref<12512xi32, #tpu.memory_space<vmem>>[vector<16xi32>], vector<16xi32>,
    %lt3A_991 = arith.cmpi slt, %gather3A_990, %add3A_10 : vector<16xi32>
    %add3A_992 = arith.constant 1 : i32
    %add3A_993 = vector.broadcast %add3A_992 : i32 to vector<16xi32>
    %add3A_994 = arith.addi %min3A_989, %add3A_993 : vector<16xi32>
    %select_n3A_995 = arith.select %lt3A_991, %add3A_994, %select_n3A_911 : vector<16xi1>, vector<16xi32>
    %select_n3A_996 = arith.select %lt3A_991, %select_n3A_912, %min3A_989 : vector<16xi1>, vector<16xi32>
    %add3A_997 = arith.addi %select_n3A_925, %select_n3A_926 : vector<16xi32>
    %shift_right_arithmetic3A_998 = arith.constant 1 : i32
    %shift_right_arithmetic3A_999 = vector.broadcast %shift_right_arithmetic3A_998 : i32 to vector<16xi32>
    %shift_right_arithmetic3A_1000 = arith.shrsi %add3A_997, %shift_right_arithmetic3A_999 : vector<16xi32>
    %min3A_1001 = arith.constant 12499 : i32
    %min3A_1002 = vector.broadcast %min3A_1001 : i32 to vector<16xi32>
    %min3A_1003 = arith.minsi %shift_right_arithmetic3A_1000, %min3A_1002 : vector<16xi32>
    %gather3A_1004 = tpu.vector_load_idx %arg21[%min3A_1003] : memref<12512xi32, #tpu.memory_space<vmem>>[vector<16xi32>], vector<16xi32>,
    %lt3A_1005 = arith.cmpi slt, %gather3A_1004, %add3A_14 : vector<16xi32>
    %add3A_1006 = arith.constant 1 : i32
    %add3A_1007 = vector.broadcast %add3A_1006 : i32 to vector<16xi32>
    %add3A_1008 = arith.addi %min3A_1003, %add3A_1007 : vector<16xi32>
    %select_n3A_1009 = arith.select %lt3A_1005, %add3A_1008, %select_n3A_925 : vector<16xi1>, vector<16xi32>
    %select_n3A_1010 = arith.select %lt3A_1005, %select_n3A_926, %min3A_1003 : vector<16xi1>, vector<16xi32>
    %add3A_1011 = arith.addi %select_n3A_939, %select_n3A_940 : vector<16xi32>
    %shift_right_arithmetic3A_1012 = arith.constant 1 : i32
    %shift_right_arithmetic3A_1013 = vector.broadcast %shift_right_arithmetic3A_1012 : i32 to vector<16xi32>
    %shift_right_arithmetic3A_1014 = arith.shrsi %add3A_1011, %shift_right_arithmetic3A_1013 : vector<16xi32>
    %min3A_1015 = arith.constant 12499 : i32
    %min3A_1016 = vector.broadcast %min3A_1015 : i32 to vector<16xi32>
    %min3A_1017 = arith.minsi %shift_right_arithmetic3A_1014, %min3A_1016 : vector<16xi32>
    %gather3A_1018 = tpu.vector_load_idx %arg21[%min3A_1017] : memref<12512xi32, #tpu.memory_space<vmem>>[vector<16xi32>], vector<16xi32>,
    %lt3A_1019 = arith.cmpi slt, %gather3A_1018, %add3A_18 : vector<16xi32>
    %add3A_1020 = arith.constant 1 : i32
    %add3A_1021 = vector.broadcast %add3A_1020 : i32 to vector<16xi32>
    %add3A_1022 = arith.addi %min3A_1017, %add3A_1021 : vector<16xi32>
    %select_n3A_1023 = arith.select %lt3A_1019, %add3A_1022, %select_n3A_939 : vector<16xi1>, vector<16xi32>
    %select_n3A_1024 = arith.select %lt3A_1019, %select_n3A_940, %min3A_1017 : vector<16xi1>, vector<16xi32>
    %add3A_1025 = arith.addi %select_n3A_953, %select_n3A_954 : vector<16xi32>
    %shift_right_arithmetic3A_1026 = arith.constant 1 : i32
    %shift_right_arithmetic3A_1027 = vector.broadcast %shift_right_arithmetic3A_1026 : i32 to vector<16xi32>
    %shift_right_arithmetic3A_1028 = arith.shrsi %add3A_1025, %shift_right_arithmetic3A_1027 : vector<16xi32>
    %min3A_1029 = arith.constant 12499 : i32
    %min3A_1030 = vector.broadcast %min3A_1029 : i32 to vector<16xi32>
    %min3A_1031 = arith.minsi %shift_right_arithmetic3A_1028, %min3A_1030 : vector<16xi32>
    %gather3A_1032 = tpu.vector_load_idx %arg21[%min3A_1031] : memref<12512xi32, #tpu.memory_space<vmem>>[vector<16xi32>], vector<16xi32>,
    %lt3A_1033 = arith.cmpi slt, %gather3A_1032, %add3A_22 : vector<16xi32>
    %add3A_1034 = arith.constant 1 : i32
    %add3A_1035 = vector.broadcast %add3A_1034 : i32 to vector<16xi32>
    %add3A_1036 = arith.addi %min3A_1031, %add3A_1035 : vector<16xi32>
    %select_n3A_1037 = arith.select %lt3A_1033, %add3A_1036, %select_n3A_953 : vector<16xi1>, vector<16xi32>
    %select_n3A_1038 = arith.select %lt3A_1033, %select_n3A_954, %min3A_1031 : vector<16xi1>, vector<16xi32>
    %add3A_1039 = arith.addi %select_n3A_967, %select_n3A_968 : vector<16xi32>
    %shift_right_arithmetic3A_1040 = arith.constant 1 : i32
    %shift_right_arithmetic3A_1041 = vector.broadcast %shift_right_arithmetic3A_1040 : i32 to vector<16xi32>
    %shift_right_arithmetic3A_1042 = arith.shrsi %add3A_1039, %shift_right_arithmetic3A_1041 : vector<16xi32>
    %min3A_1043 = arith.constant 12499 : i32
    %min3A_1044 = vector.broadcast %min3A_1043 : i32 to vector<16xi32>
    %min3A_1045 = arith.minsi %shift_right_arithmetic3A_1042, %min3A_1044 : vector<16xi32>
    %gather3A_1046 = tpu.vector_load_idx %arg21[%min3A_1045] : memref<12512xi32, #tpu.memory_space<vmem>>[vector<16xi32>], vector<16xi32>,
    %lt3A_1047 = arith.cmpi slt, %gather3A_1046, %add3A_26 : vector<16xi32>
    %add3A_1048 = arith.constant 1 : i32
    %add3A_1049 = vector.broadcast %add3A_1048 : i32 to vector<16xi32>
    %add3A_1050 = arith.addi %min3A_1045, %add3A_1049 : vector<16xi32>
    %select_n3A_1051 = arith.select %lt3A_1047, %add3A_1050, %select_n3A_967 : vector<16xi1>, vector<16xi32>
    %select_n3A_1052 = arith.select %lt3A_1047, %select_n3A_968, %min3A_1045 : vector<16xi1>, vector<16xi32>
    %add3A_1053 = arith.addi %select_n3A_981, %select_n3A_982 : vector<16xi32>
    %shift_right_arithmetic3A_1054 = arith.constant 1 : i32
    %shift_right_arithmetic3A_1055 = vector.broadcast %shift_right_arithmetic3A_1054 : i32 to vector<16xi32>
    %shift_right_arithmetic3A_1056 = arith.shrsi %add3A_1053, %shift_right_arithmetic3A_1055 : vector<16xi32>
    %min3A_1057 = arith.constant 12499 : i32
    %min3A_1058 = vector.broadcast %min3A_1057 : i32 to vector<16xi32>
    %min3A_1059 = arith.minsi %shift_right_arithmetic3A_1056, %min3A_1058 : vector<16xi32>
    %gather3A_1060 = tpu.vector_load_idx %arg21[%min3A_1059] : memref<12512xi32, #tpu.memory_space<vmem>>[vector<16xi32>], vector<16xi32>,
    %lt3A_1061 = arith.cmpi slt, %gather3A_1060, %add3A_6 : vector<16xi32>
    %add3A_1062 = arith.constant 1 : i32
    %add3A_1063 = vector.broadcast %add3A_1062 : i32 to vector<16xi32>
    %add3A_1064 = arith.addi %min3A_1059, %add3A_1063 : vector<16xi32>
    %select_n3A_1065 = arith.select %lt3A_1061, %add3A_1064, %select_n3A_981 : vector<16xi1>, vector<16xi32>
    %select_n3A_1066 = arith.select %lt3A_1061, %select_n3A_982, %min3A_1059 : vector<16xi1>, vector<16xi32>
    %add3A_1067 = arith.addi %select_n3A_995, %select_n3A_996 : vector<16xi32>
    %shift_right_arithmetic3A_1068 = arith.constant 1 : i32
    %shift_right_arithmetic3A_1069 = vector.broadcast %shift_right_arithmetic3A_1068 : i32 to vector<16xi32>
    %shift_right_arithmetic3A_1070 = arith.shrsi %add3A_1067, %shift_right_arithmetic3A_1069 : vector<16xi32>
    %min3A_1071 = arith.constant 12499 : i32
    %min3A_1072 = vector.broadcast %min3A_1071 : i32 to vector<16xi32>
    %min3A_1073 = arith.minsi %shift_right_arithmetic3A_1070, %min3A_1072 : vector<16xi32>
    %gather3A_1074 = tpu.vector_load_idx %arg21[%min3A_1073] : memref<12512xi32, #tpu.memory_space<vmem>>[vector<16xi32>], vector<16xi32>,
    %lt3A_1075 = arith.cmpi slt, %gather3A_1074, %add3A_10 : vector<16xi32>
    %add3A_1076 = arith.constant 1 : i32
    %add3A_1077 = vector.broadcast %add3A_1076 : i32 to vector<16xi32>
    %add3A_1078 = arith.addi %min3A_1073, %add3A_1077 : vector<16xi32>
    %select_n3A_1079 = arith.select %lt3A_1075, %add3A_1078, %select_n3A_995 : vector<16xi1>, vector<16xi32>
    %select_n3A_1080 = arith.select %lt3A_1075, %select_n3A_996, %min3A_1073 : vector<16xi1>, vector<16xi32>
    %add3A_1081 = arith.addi %select_n3A_1009, %select_n3A_1010 : vector<16xi32>
    %shift_right_arithmetic3A_1082 = arith.constant 1 : i32
    %shift_right_arithmetic3A_1083 = vector.broadcast %shift_right_arithmetic3A_1082 : i32 to vector<16xi32>
    %shift_right_arithmetic3A_1084 = arith.shrsi %add3A_1081, %shift_right_arithmetic3A_1083 : vector<16xi32>
    %min3A_1085 = arith.constant 12499 : i32
    %min3A_1086 = vector.broadcast %min3A_1085 : i32 to vector<16xi32>
    %min3A_1087 = arith.minsi %shift_right_arithmetic3A_1084, %min3A_1086 : vector<16xi32>
    %gather3A_1088 = tpu.vector_load_idx %arg21[%min3A_1087] : memref<12512xi32, #tpu.memory_space<vmem>>[vector<16xi32>], vector<16xi32>,
    %lt3A_1089 = arith.cmpi slt, %gather3A_1088, %add3A_14 : vector<16xi32>
    %add3A_1090 = arith.constant 1 : i32
    %add3A_1091 = vector.broadcast %add3A_1090 : i32 to vector<16xi32>
    %add3A_1092 = arith.addi %min3A_1087, %add3A_1091 : vector<16xi32>
    %select_n3A_1093 = arith.select %lt3A_1089, %add3A_1092, %select_n3A_1009 : vector<16xi1>, vector<16xi32>
    %select_n3A_1094 = arith.select %lt3A_1089, %select_n3A_1010, %min3A_1087 : vector<16xi1>, vector<16xi32>
    %add3A_1095 = arith.addi %select_n3A_1023, %select_n3A_1024 : vector<16xi32>
    %shift_right_arithmetic3A_1096 = arith.constant 1 : i32
    %shift_right_arithmetic3A_1097 = vector.broadcast %shift_right_arithmetic3A_1096 : i32 to vector<16xi32>
    %shift_right_arithmetic3A_1098 = arith.shrsi %add3A_1095, %shift_right_arithmetic3A_1097 : vector<16xi32>
    %min3A_1099 = arith.constant 12499 : i32
    %min3A_1100 = vector.broadcast %min3A_1099 : i32 to vector<16xi32>
    %min3A_1101 = arith.minsi %shift_right_arithmetic3A_1098, %min3A_1100 : vector<16xi32>
    %gather3A_1102 = tpu.vector_load_idx %arg21[%min3A_1101] : memref<12512xi32, #tpu.memory_space<vmem>>[vector<16xi32>], vector<16xi32>,
    %lt3A_1103 = arith.cmpi slt, %gather3A_1102, %add3A_18 : vector<16xi32>
    %add3A_1104 = arith.constant 1 : i32
    %add3A_1105 = vector.broadcast %add3A_1104 : i32 to vector<16xi32>
    %add3A_1106 = arith.addi %min3A_1101, %add3A_1105 : vector<16xi32>
    %select_n3A_1107 = arith.select %lt3A_1103, %add3A_1106, %select_n3A_1023 : vector<16xi1>, vector<16xi32>
    %select_n3A_1108 = arith.select %lt3A_1103, %select_n3A_1024, %min3A_1101 : vector<16xi1>, vector<16xi32>
    %add3A_1109 = arith.addi %select_n3A_1037, %select_n3A_1038 : vector<16xi32>
    %shift_right_arithmetic3A_1110 = arith.constant 1 : i32
    %shift_right_arithmetic3A_1111 = vector.broadcast %shift_right_arithmetic3A_1110 : i32 to vector<16xi32>
    %shift_right_arithmetic3A_1112 = arith.shrsi %add3A_1109, %shift_right_arithmetic3A_1111 : vector<16xi32>
    %min3A_1113 = arith.constant 12499 : i32
    %min3A_1114 = vector.broadcast %min3A_1113 : i32 to vector<16xi32>
    %min3A_1115 = arith.minsi %shift_right_arithmetic3A_1112, %min3A_1114 : vector<16xi32>
    %gather3A_1116 = tpu.vector_load_idx %arg21[%min3A_1115] : memref<12512xi32, #tpu.memory_space<vmem>>[vector<16xi32>], vector<16xi32>,
    %lt3A_1117 = arith.cmpi slt, %gather3A_1116, %add3A_22 : vector<16xi32>
    %add3A_1118 = arith.constant 1 : i32
    %add3A_1119 = vector.broadcast %add3A_1118 : i32 to vector<16xi32>
    %add3A_1120 = arith.addi %min3A_1115, %add3A_1119 : vector<16xi32>
    %select_n3A_1121 = arith.select %lt3A_1117, %add3A_1120, %select_n3A_1037 : vector<16xi1>, vector<16xi32>
    %select_n3A_1122 = arith.select %lt3A_1117, %select_n3A_1038, %min3A_1115 : vector<16xi1>, vector<16xi32>
    %add3A_1123 = arith.addi %select_n3A_1051, %select_n3A_1052 : vector<16xi32>
    %shift_right_arithmetic3A_1124 = arith.constant 1 : i32
    %shift_right_arithmetic3A_1125 = vector.broadcast %shift_right_arithmetic3A_1124 : i32 to vector<16xi32>
    %shift_right_arithmetic3A_1126 = arith.shrsi %add3A_1123, %shift_right_arithmetic3A_1125 : vector<16xi32>
    %min3A_1127 = arith.constant 12499 : i32
    %min3A_1128 = vector.broadcast %min3A_1127 : i32 to vector<16xi32>
    %min3A_1129 = arith.minsi %shift_right_arithmetic3A_1126, %min3A_1128 : vector<16xi32>
    %gather3A_1130 = tpu.vector_load_idx %arg21[%min3A_1129] : memref<12512xi32, #tpu.memory_space<vmem>>[vector<16xi32>], vector<16xi32>,
    %lt3A_1131 = arith.cmpi slt, %gather3A_1130, %add3A_26 : vector<16xi32>
    %add3A_1132 = arith.constant 1 : i32
    %add3A_1133 = vector.broadcast %add3A_1132 : i32 to vector<16xi32>
    %add3A_1134 = arith.addi %min3A_1129, %add3A_1133 : vector<16xi32>
    %select_n3A_1135 = arith.select %lt3A_1131, %add3A_1134, %select_n3A_1051 : vector<16xi1>, vector<16xi32>
    %select_n3A_1136 = arith.select %lt3A_1131, %select_n3A_1052, %min3A_1129 : vector<16xi1>, vector<16xi32>
    %add3A_1137 = arith.addi %select_n3A_1065, %select_n3A_1066 : vector<16xi32>
    %shift_right_arithmetic3A_1138 = arith.constant 1 : i32
    %shift_right_arithmetic3A_1139 = vector.broadcast %shift_right_arithmetic3A_1138 : i32 to vector<16xi32>
    %shift_right_arithmetic3A_1140 = arith.shrsi %add3A_1137, %shift_right_arithmetic3A_1139 : vector<16xi32>
    %min3A_1141 = arith.constant 12499 : i32
    %min3A_1142 = vector.broadcast %min3A_1141 : i32 to vector<16xi32>
    %min3A_1143 = arith.minsi %shift_right_arithmetic3A_1140, %min3A_1142 : vector<16xi32>
    %gather3A_1144 = tpu.vector_load_idx %arg21[%min3A_1143] : memref<12512xi32, #tpu.memory_space<vmem>>[vector<16xi32>], vector<16xi32>,
    %lt3A_1145 = arith.cmpi slt, %gather3A_1144, %add3A_6 : vector<16xi32>
    %add3A_1146 = arith.constant 1 : i32
    %add3A_1147 = vector.broadcast %add3A_1146 : i32 to vector<16xi32>
    %add3A_1148 = arith.addi %min3A_1143, %add3A_1147 : vector<16xi32>
    %select_n3A_1149 = arith.select %lt3A_1145, %add3A_1148, %select_n3A_1065 : vector<16xi1>, vector<16xi32>
    %select_n3A_1150 = arith.select %lt3A_1145, %select_n3A_1066, %min3A_1143 : vector<16xi1>, vector<16xi32>
    %add3A_1151 = arith.addi %select_n3A_1079, %select_n3A_1080 : vector<16xi32>
    %shift_right_arithmetic3A_1152 = arith.constant 1 : i32
    %shift_right_arithmetic3A_1153 = vector.broadcast %shift_right_arithmetic3A_1152 : i32 to vector<16xi32>
    %shift_right_arithmetic3A_1154 = arith.shrsi %add3A_1151, %shift_right_arithmetic3A_1153 : vector<16xi32>
    %min3A_1155 = arith.constant 12499 : i32
    %min3A_1156 = vector.broadcast %min3A_1155 : i32 to vector<16xi32>
    %min3A_1157 = arith.minsi %shift_right_arithmetic3A_1154, %min3A_1156 : vector<16xi32>
    %gather3A_1158 = tpu.vector_load_idx %arg21[%min3A_1157] : memref<12512xi32, #tpu.memory_space<vmem>>[vector<16xi32>], vector<16xi32>,
    %lt3A_1159 = arith.cmpi slt, %gather3A_1158, %add3A_10 : vector<16xi32>
    %add3A_1160 = arith.constant 1 : i32
    %add3A_1161 = vector.broadcast %add3A_1160 : i32 to vector<16xi32>
    %add3A_1162 = arith.addi %min3A_1157, %add3A_1161 : vector<16xi32>
    %select_n3A_1163 = arith.select %lt3A_1159, %add3A_1162, %select_n3A_1079 : vector<16xi1>, vector<16xi32>
    %select_n3A_1164 = arith.select %lt3A_1159, %select_n3A_1080, %min3A_1157 : vector<16xi1>, vector<16xi32>
    %add3A_1165 = arith.addi %select_n3A_1093, %select_n3A_1094 : vector<16xi32>
    %shift_right_arithmetic3A_1166 = arith.constant 1 : i32
    %shift_right_arithmetic3A_1167 = vector.broadcast %shift_right_arithmetic3A_1166 : i32 to vector<16xi32>
    %shift_right_arithmetic3A_1168 = arith.shrsi %add3A_1165, %shift_right_arithmetic3A_1167 : vector<16xi32>
    %min3A_1169 = arith.constant 12499 : i32
    %min3A_1170 = vector.broadcast %min3A_1169 : i32 to vector<16xi32>
    %min3A_1171 = arith.minsi %shift_right_arithmetic3A_1168, %min3A_1170 : vector<16xi32>
    %gather3A_1172 = tpu.vector_load_idx %arg21[%min3A_1171] : memref<12512xi32, #tpu.memory_space<vmem>>[vector<16xi32>], vector<16xi32>,
    %lt3A_1173 = arith.cmpi slt, %gather3A_1172, %add3A_14 : vector<16xi32>
    %add3A_1174 = arith.constant 1 : i32
    %add3A_1175 = vector.broadcast %add3A_1174 : i32 to vector<16xi32>
    %add3A_1176 = arith.addi %min3A_1171, %add3A_1175 : vector<16xi32>
    %select_n3A_1177 = arith.select %lt3A_1173, %add3A_1176, %select_n3A_1093 : vector<16xi1>, vector<16xi32>
    %select_n3A_1178 = arith.select %lt3A_1173, %select_n3A_1094, %min3A_1171 : vector<16xi1>, vector<16xi32>
    %add3A_1179 = arith.addi %select_n3A_1107, %select_n3A_1108 : vector<16xi32>
    %shift_right_arithmetic3A_1180 = arith.constant 1 : i32
    %shift_right_arithmetic3A_1181 = vector.broadcast %shift_right_arithmetic3A_1180 : i32 to vector<16xi32>
    %shift_right_arithmetic3A_1182 = arith.shrsi %add3A_1179, %shift_right_arithmetic3A_1181 : vector<16xi32>
    %min3A_1183 = arith.constant 12499 : i32
    %min3A_1184 = vector.broadcast %min3A_1183 : i32 to vector<16xi32>
    %min3A_1185 = arith.minsi %shift_right_arithmetic3A_1182, %min3A_1184 : vector<16xi32>
    %gather3A_1186 = tpu.vector_load_idx %arg21[%min3A_1185] : memref<12512xi32, #tpu.memory_space<vmem>>[vector<16xi32>], vector<16xi32>,
    %lt3A_1187 = arith.cmpi slt, %gather3A_1186, %add3A_18 : vector<16xi32>
    %add3A_1188 = arith.constant 1 : i32
    %add3A_1189 = vector.broadcast %add3A_1188 : i32 to vector<16xi32>
    %add3A_1190 = arith.addi %min3A_1185, %add3A_1189 : vector<16xi32>
    %select_n3A_1191 = arith.select %lt3A_1187, %add3A_1190, %select_n3A_1107 : vector<16xi1>, vector<16xi32>
    %select_n3A_1192 = arith.select %lt3A_1187, %select_n3A_1108, %min3A_1185 : vector<16xi1>, vector<16xi32>
    %add3A_1193 = arith.addi %select_n3A_1121, %select_n3A_1122 : vector<16xi32>
    %shift_right_arithmetic3A_1194 = arith.constant 1 : i32
    %shift_right_arithmetic3A_1195 = vector.broadcast %shift_right_arithmetic3A_1194 : i32 to vector<16xi32>
    %shift_right_arithmetic3A_1196 = arith.shrsi %add3A_1193, %shift_right_arithmetic3A_1195 : vector<16xi32>
    %min3A_1197 = arith.constant 12499 : i32
    %min3A_1198 = vector.broadcast %min3A_1197 : i32 to vector<16xi32>
    %min3A_1199 = arith.minsi %shift_right_arithmetic3A_1196, %min3A_1198 : vector<16xi32>
    %gather3A_1200 = tpu.vector_load_idx %arg21[%min3A_1199] : memref<12512xi32, #tpu.memory_space<vmem>>[vector<16xi32>], vector<16xi32>,
    %lt3A_1201 = arith.cmpi slt, %gather3A_1200, %add3A_22 : vector<16xi32>
    %add3A_1202 = arith.constant 1 : i32
    %add3A_1203 = vector.broadcast %add3A_1202 : i32 to vector<16xi32>
    %add3A_1204 = arith.addi %min3A_1199, %add3A_1203 : vector<16xi32>
    %select_n3A_1205 = arith.select %lt3A_1201, %add3A_1204, %select_n3A_1121 : vector<16xi1>, vector<16xi32>
    %select_n3A_1206 = arith.select %lt3A_1201, %select_n3A_1122, %min3A_1199 : vector<16xi1>, vector<16xi32>
    %add3A_1207 = arith.addi %select_n3A_1135, %select_n3A_1136 : vector<16xi32>
    %shift_right_arithmetic3A_1208 = arith.constant 1 : i32
    %shift_right_arithmetic3A_1209 = vector.broadcast %shift_right_arithmetic3A_1208 : i32 to vector<16xi32>
    %shift_right_arithmetic3A_1210 = arith.shrsi %add3A_1207, %shift_right_arithmetic3A_1209 : vector<16xi32>
    %min3A_1211 = arith.constant 12499 : i32
    %min3A_1212 = vector.broadcast %min3A_1211 : i32 to vector<16xi32>
    %min3A_1213 = arith.minsi %shift_right_arithmetic3A_1210, %min3A_1212 : vector<16xi32>
    %gather3A_1214 = tpu.vector_load_idx %arg21[%min3A_1213] : memref<12512xi32, #tpu.memory_space<vmem>>[vector<16xi32>], vector<16xi32>,
    %lt3A_1215 = arith.cmpi slt, %gather3A_1214, %add3A_26 : vector<16xi32>
    %add3A_1216 = arith.constant 1 : i32
    %add3A_1217 = vector.broadcast %add3A_1216 : i32 to vector<16xi32>
    %add3A_1218 = arith.addi %min3A_1213, %add3A_1217 : vector<16xi32>
    %select_n3A_1219 = arith.select %lt3A_1215, %add3A_1218, %select_n3A_1135 : vector<16xi1>, vector<16xi32>
    %select_n3A_1220 = arith.select %lt3A_1215, %select_n3A_1136, %min3A_1213 : vector<16xi1>, vector<16xi32>
    %mul3A_1221 = arith.constant 8 : i32
    %mul3A_1222 = vector.broadcast %mul3A_1221 : i32 to vector<16xi32>
    %mul3A_1223 = arith.muli %mul3A_1222, %select_n3A_1149 : vector<16xi32>
    %sub3A = arith.constant 7 : i32
    %sub3A_1224 = vector.broadcast %sub3A : i32 to vector<16xi32>
    %sub3A_1225 = arith.subi %mul3A_1223, %sub3A_1224 : vector<16xi32>
    %max3A = arith.constant 0 : i32
    %max3A_1226 = vector.broadcast %max3A : i32 to vector<16xi32>
    %max3A_1227 = arith.maxsi %sub3A_1225, %max3A_1226 : vector<16xi32>
    %min3A_1228 = arith.constant 100000 : i32
    %min3A_1229 = vector.broadcast %min3A_1228 : i32 to vector<16xi32>
    %min3A_1230 = arith.minsi %max3A_1227, %min3A_1229 : vector<16xi32>
    %mul3A_1231 = arith.constant 8 : i32
    %mul3A_1232 = vector.broadcast %mul3A_1231 : i32 to vector<16xi32>
    %mul3A_1233 = arith.muli %mul3A_1232, %select_n3A_1163 : vector<16xi32>
    %sub3A_1234 = arith.constant 7 : i32
    %sub3A_1235 = vector.broadcast %sub3A_1234 : i32 to vector<16xi32>
    %sub3A_1236 = arith.subi %mul3A_1233, %sub3A_1235 : vector<16xi32>
    %max3A_1237 = arith.constant 0 : i32
    %max3A_1238 = vector.broadcast %max3A_1237 : i32 to vector<16xi32>
    %max3A_1239 = arith.maxsi %sub3A_1236, %max3A_1238 : vector<16xi32>
    %min3A_1240 = arith.constant 100000 : i32
    %min3A_1241 = vector.broadcast %min3A_1240 : i32 to vector<16xi32>
    %min3A_1242 = arith.minsi %max3A_1239, %min3A_1241 : vector<16xi32>
    %mul3A_1243 = arith.constant 8 : i32
    %mul3A_1244 = vector.broadcast %mul3A_1243 : i32 to vector<16xi32>
    %mul3A_1245 = arith.muli %mul3A_1244, %select_n3A_1177 : vector<16xi32>
    %sub3A_1246 = arith.constant 7 : i32
    %sub3A_1247 = vector.broadcast %sub3A_1246 : i32 to vector<16xi32>
    %sub3A_1248 = arith.subi %mul3A_1245, %sub3A_1247 : vector<16xi32>
    %max3A_1249 = arith.constant 0 : i32
    %max3A_1250 = vector.broadcast %max3A_1249 : i32 to vector<16xi32>
    %max3A_1251 = arith.maxsi %sub3A_1248, %max3A_1250 : vector<16xi32>
    %min3A_1252 = arith.constant 100000 : i32
    %min3A_1253 = vector.broadcast %min3A_1252 : i32 to vector<16xi32>
    %min3A_1254 = arith.minsi %max3A_1251, %min3A_1253 : vector<16xi32>
    %mul3A_1255 = arith.constant 8 : i32
    %mul3A_1256 = vector.broadcast %mul3A_1255 : i32 to vector<16xi32>
    %mul3A_1257 = arith.muli %mul3A_1256, %select_n3A_1191 : vector<16xi32>
    %sub3A_1258 = arith.constant 7 : i32
    %sub3A_1259 = vector.broadcast %sub3A_1258 : i32 to vector<16xi32>
    %sub3A_1260 = arith.subi %mul3A_1257, %sub3A_1259 : vector<16xi32>
    %max3A_1261 = arith.constant 0 : i32
    %max3A_1262 = vector.broadcast %max3A_1261 : i32 to vector<16xi32>
    %max3A_1263 = arith.maxsi %sub3A_1260, %max3A_1262 : vector<16xi32>
    %min3A_1264 = arith.constant 100000 : i32
    %min3A_1265 = vector.broadcast %min3A_1264 : i32 to vector<16xi32>
    %min3A_1266 = arith.minsi %max3A_1263, %min3A_1265 : vector<16xi32>
    %mul3A_1267 = arith.constant 8 : i32
    %mul3A_1268 = vector.broadcast %mul3A_1267 : i32 to vector<16xi32>
    %mul3A_1269 = arith.muli %mul3A_1268, %select_n3A_1205 : vector<16xi32>
    %sub3A_1270 = arith.constant 7 : i32
    %sub3A_1271 = vector.broadcast %sub3A_1270 : i32 to vector<16xi32>
    %sub3A_1272 = arith.subi %mul3A_1269, %sub3A_1271 : vector<16xi32>
    %max3A_1273 = arith.constant 0 : i32
    %max3A_1274 = vector.broadcast %max3A_1273 : i32 to vector<16xi32>
    %max3A_1275 = arith.maxsi %sub3A_1272, %max3A_1274 : vector<16xi32>
    %min3A_1276 = arith.constant 100000 : i32
    %min3A_1277 = vector.broadcast %min3A_1276 : i32 to vector<16xi32>
    %min3A_1278 = arith.minsi %max3A_1275, %min3A_1277 : vector<16xi32>
    %mul3A_1279 = arith.constant 8 : i32
    %mul3A_1280 = vector.broadcast %mul3A_1279 : i32 to vector<16xi32>
    %mul3A_1281 = arith.muli %mul3A_1280, %select_n3A_1219 : vector<16xi32>
    %sub3A_1282 = arith.constant 7 : i32
    %sub3A_1283 = vector.broadcast %sub3A_1282 : i32 to vector<16xi32>
    %sub3A_1284 = arith.subi %mul3A_1281, %sub3A_1283 : vector<16xi32>
    %max3A_1285 = arith.constant 0 : i32
    %max3A_1286 = vector.broadcast %max3A_1285 : i32 to vector<16xi32>
    %max3A_1287 = arith.maxsi %sub3A_1284, %max3A_1286 : vector<16xi32>
    %min3A_1288 = arith.constant 100000 : i32
    %min3A_1289 = vector.broadcast %min3A_1288 : i32 to vector<16xi32>
    %min3A_1290 = arith.minsi %max3A_1287, %min3A_1289 : vector<16xi32>
    %add3A_1291 = arith.constant 0 : i32
    %add3A_1292 = vector.broadcast %add3A_1291 : i32 to vector<16xi32>
    %add3A_1293 = arith.addi %min3A_1230, %add3A_1292 : vector<16xi32>
    %min3A_1294 = arith.constant 99999 : i32
    %min3A_1295 = vector.broadcast %min3A_1294 : i32 to vector<16xi32>
    %min3A_1296 = arith.minsi %add3A_1293, %min3A_1295 : vector<16xi32>
    %swap3A = arith.constant 0 : index
    %swap3A_1297 = tpu.vector_load %arg7[%swap3A] {strides = array<i32>} : memref<96xi32, #tpu.memory_space<vmem>>, vector<16xi32>,
    tpu.vector_store %arg7[%swap3A], %min3A_1296 {strides = array<i32>} : memref<96xi32, #tpu.memory_space<vmem>>, vector<16xi32>,
    %add3A_1298 = arith.constant 0 : i32
    %add3A_1299 = vector.broadcast %add3A_1298 : i32 to vector<16xi32>
    %add3A_1300 = arith.addi %min3A_1242, %add3A_1299 : vector<16xi32>
    %min3A_1301 = arith.constant 99999 : i32
    %min3A_1302 = vector.broadcast %min3A_1301 : i32 to vector<16xi32>
    %min3A_1303 = arith.minsi %add3A_1300, %min3A_1302 : vector<16xi32>
    %swap3A_1304 = arith.constant 16 : index
    %swap3A_1305 = tpu.vector_load %arg7[%swap3A_1304] {strides = array<i32>} : memref<96xi32, #tpu.memory_space<vmem>>, vector<16xi32>,
    tpu.vector_store %arg7[%swap3A_1304], %min3A_1303 {strides = array<i32>} : memref<96xi32, #tpu.memory_space<vmem>>, vector<16xi32>,
    %add3A_1306 = arith.constant 0 : i32
    %add3A_1307 = vector.broadcast %add3A_1306 : i32 to vector<16xi32>
    %add3A_1308 = arith.addi %min3A_1254, %add3A_1307 : vector<16xi32>
    %min3A_1309 = arith.constant 99999 : i32
    %min3A_1310 = vector.broadcast %min3A_1309 : i32 to vector<16xi32>
    %min3A_1311 = arith.minsi %add3A_1308, %min3A_1310 : vector<16xi32>
    %swap3A_1312 = arith.constant 32 : index
    %swap3A_1313 = tpu.vector_load %arg7[%swap3A_1312] {strides = array<i32>} : memref<96xi32, #tpu.memory_space<vmem>>, vector<16xi32>,
    tpu.vector_store %arg7[%swap3A_1312], %min3A_1311 {strides = array<i32>} : memref<96xi32, #tpu.memory_space<vmem>>, vector<16xi32>,
    %add3A_1314 = arith.constant 0 : i32
    %add3A_1315 = vector.broadcast %add3A_1314 : i32 to vector<16xi32>
    %add3A_1316 = arith.addi %min3A_1266, %add3A_1315 : vector<16xi32>
    %min3A_1317 = arith.constant 99999 : i32
    %min3A_1318 = vector.broadcast %min3A_1317 : i32 to vector<16xi32>
    %min3A_1319 = arith.minsi %add3A_1316, %min3A_1318 : vector<16xi32>
    %swap3A_1320 = arith.constant 48 : index
    %swap3A_1321 = tpu.vector_load %arg7[%swap3A_1320] {strides = array<i32>} : memref<96xi32, #tpu.memory_space<vmem>>, vector<16xi32>,
    tpu.vector_store %arg7[%swap3A_1320], %min3A_1319 {strides = array<i32>} : memref<96xi32, #tpu.memory_space<vmem>>, vector<16xi32>,
    %add3A_1322 = arith.constant 0 : i32
    %add3A_1323 = vector.broadcast %add3A_1322 : i32 to vector<16xi32>
    %add3A_1324 = arith.addi %min3A_1278, %add3A_1323 : vector<16xi32>
    %min3A_1325 = arith.constant 99999 : i32
    %min3A_1326 = vector.broadcast %min3A_1325 : i32 to vector<16xi32>
    %min3A_1327 = arith.minsi %add3A_1324, %min3A_1326 : vector<16xi32>
    %swap3A_1328 = arith.constant 64 : index
    %swap3A_1329 = tpu.vector_load %arg7[%swap3A_1328] {strides = array<i32>} : memref<96xi32, #tpu.memory_space<vmem>>, vector<16xi32>,
    tpu.vector_store %arg7[%swap3A_1328], %min3A_1327 {strides = array<i32>} : memref<96xi32, #tpu.memory_space<vmem>>, vector<16xi32>,
    %add3A_1330 = arith.constant 0 : i32
    %add3A_1331 = vector.broadcast %add3A_1330 : i32 to vector<16xi32>
    %add3A_1332 = arith.addi %min3A_1290, %add3A_1331 : vector<16xi32>
    %min3A_1333 = arith.constant 99999 : i32
    %min3A_1334 = vector.broadcast %min3A_1333 : i32 to vector<16xi32>
    %min3A_1335 = arith.minsi %add3A_1332, %min3A_1334 : vector<16xi32>
    %swap3A_1336 = arith.constant 80 : index
    %swap3A_1337 = tpu.vector_load %arg7[%swap3A_1336] {strides = array<i32>} : memref<96xi32, #tpu.memory_space<vmem>>, vector<16xi32>,
    tpu.vector_store %arg7[%swap3A_1336], %min3A_1335 {strides = array<i32>} : memref<96xi32, #tpu.memory_space<vmem>>, vector<16xi32>,
    %add3A_1338 = arith.constant 1 : i32
    %add3A_1339 = vector.broadcast %add3A_1338 : i32 to vector<16xi32>
    %add3A_1340 = arith.addi %min3A_1230, %add3A_1339 : vector<16xi32>
    %min3A_1341 = arith.constant 99999 : i32
    %min3A_1342 = vector.broadcast %min3A_1341 : i32 to vector<16xi32>
    %min3A_1343 = arith.minsi %add3A_1340, %min3A_1342 : vector<16xi32>
    %swap3A_1344 = arith.constant 0 : index
    %swap3A_1345 = tpu.vector_load %arg8[%swap3A_1344] {strides = array<i32>} : memref<96xi32, #tpu.memory_space<vmem>>, vector<16xi32>,
    tpu.vector_store %arg8[%swap3A_1344], %min3A_1343 {strides = array<i32>} : memref<96xi32, #tpu.memory_space<vmem>>, vector<16xi32>,
    %add3A_1346 = arith.constant 1 : i32
    %add3A_1347 = vector.broadcast %add3A_1346 : i32 to vector<16xi32>
    %add3A_1348 = arith.addi %min3A_1242, %add3A_1347 : vector<16xi32>
    %min3A_1349 = arith.constant 99999 : i32
    %min3A_1350 = vector.broadcast %min3A_1349 : i32 to vector<16xi32>
    %min3A_1351 = arith.minsi %add3A_1348, %min3A_1350 : vector<16xi32>
    %swap3A_1352 = arith.constant 16 : index
    %swap3A_1353 = tpu.vector_load %arg8[%swap3A_1352] {strides = array<i32>} : memref<96xi32, #tpu.memory_space<vmem>>, vector<16xi32>,
    tpu.vector_store %arg8[%swap3A_1352], %min3A_1351 {strides = array<i32>} : memref<96xi32, #tpu.memory_space<vmem>>, vector<16xi32>,
    %add3A_1354 = arith.constant 1 : i32
    %add3A_1355 = vector.broadcast %add3A_1354 : i32 to vector<16xi32>
    %add3A_1356 = arith.addi %min3A_1254, %add3A_1355 : vector<16xi32>
    %min3A_1357 = arith.constant 99999 : i32
    %min3A_1358 = vector.broadcast %min3A_1357 : i32 to vector<16xi32>
    %min3A_1359 = arith.minsi %add3A_1356, %min3A_1358 : vector<16xi32>
    %swap3A_1360 = arith.constant 32 : index
    %swap3A_1361 = tpu.vector_load %arg8[%swap3A_1360] {strides = array<i32>} : memref<96xi32, #tpu.memory_space<vmem>>, vector<16xi32>,
    tpu.vector_store %arg8[%swap3A_1360], %min3A_1359 {strides = array<i32>} : memref<96xi32, #tpu.memory_space<vmem>>, vector<16xi32>,
    %add3A_1362 = arith.constant 1 : i32
    %add3A_1363 = vector.broadcast %add3A_1362 : i32 to vector<16xi32>
    %add3A_1364 = arith.addi %min3A_1266, %add3A_1363 : vector<16xi32>
    %min3A_1365 = arith.constant 99999 : i32
    %min3A_1366 = vector.broadcast %min3A_1365 : i32 to vector<16xi32>
    %min3A_1367 = arith.minsi %add3A_1364, %min3A_1366 : vector<16xi32>
    %swap3A_1368 = arith.constant 48 : index
    %swap3A_1369 = tpu.vector_load %arg8[%swap3A_1368] {strides = array<i32>} : memref<96xi32, #tpu.memory_space<vmem>>, vector<16xi32>,
    tpu.vector_store %arg8[%swap3A_1368], %min3A_1367 {strides = array<i32>} : memref<96xi32, #tpu.memory_space<vmem>>, vector<16xi32>,
    %add3A_1370 = arith.constant 1 : i32
    %add3A_1371 = vector.broadcast %add3A_1370 : i32 to vector<16xi32>
    %add3A_1372 = arith.addi %min3A_1278, %add3A_1371 : vector<16xi32>
    %min3A_1373 = arith.constant 99999 : i32
    %min3A_1374 = vector.broadcast %min3A_1373 : i32 to vector<16xi32>
    %min3A_1375 = arith.minsi %add3A_1372, %min3A_1374 : vector<16xi32>
    %swap3A_1376 = arith.constant 64 : index
    %swap3A_1377 = tpu.vector_load %arg8[%swap3A_1376] {strides = array<i32>} : memref<96xi32, #tpu.memory_space<vmem>>, vector<16xi32>,
    tpu.vector_store %arg8[%swap3A_1376], %min3A_1375 {strides = array<i32>} : memref<96xi32, #tpu.memory_space<vmem>>, vector<16xi32>,
    %add3A_1378 = arith.constant 1 : i32
    %add3A_1379 = vector.broadcast %add3A_1378 : i32 to vector<16xi32>
    %add3A_1380 = arith.addi %min3A_1290, %add3A_1379 : vector<16xi32>
    %min3A_1381 = arith.constant 99999 : i32
    %min3A_1382 = vector.broadcast %min3A_1381 : i32 to vector<16xi32>
    %min3A_1383 = arith.minsi %add3A_1380, %min3A_1382 : vector<16xi32>
    %swap3A_1384 = arith.constant 80 : index
    %swap3A_1385 = tpu.vector_load %arg8[%swap3A_1384] {strides = array<i32>} : memref<96xi32, #tpu.memory_space<vmem>>, vector<16xi32>,
    tpu.vector_store %arg8[%swap3A_1384], %min3A_1383 {strides = array<i32>} : memref<96xi32, #tpu.memory_space<vmem>>, vector<16xi32>,
    %add3A_1386 = arith.constant 2 : i32
    %add3A_1387 = vector.broadcast %add3A_1386 : i32 to vector<16xi32>
    %add3A_1388 = arith.addi %min3A_1230, %add3A_1387 : vector<16xi32>
    %min3A_1389 = arith.constant 99999 : i32
    %min3A_1390 = vector.broadcast %min3A_1389 : i32 to vector<16xi32>
    %min3A_1391 = arith.minsi %add3A_1388, %min3A_1390 : vector<16xi32>
    %swap3A_1392 = arith.constant 0 : index
    %swap3A_1393 = tpu.vector_load %arg9[%swap3A_1392] {strides = array<i32>} : memref<96xi32, #tpu.memory_space<vmem>>, vector<16xi32>,
    tpu.vector_store %arg9[%swap3A_1392], %min3A_1391 {strides = array<i32>} : memref<96xi32, #tpu.memory_space<vmem>>, vector<16xi32>,
    %add3A_1394 = arith.constant 2 : i32
    %add3A_1395 = vector.broadcast %add3A_1394 : i32 to vector<16xi32>
    %add3A_1396 = arith.addi %min3A_1242, %add3A_1395 : vector<16xi32>
    %min3A_1397 = arith.constant 99999 : i32
    %min3A_1398 = vector.broadcast %min3A_1397 : i32 to vector<16xi32>
    %min3A_1399 = arith.minsi %add3A_1396, %min3A_1398 : vector<16xi32>
    %swap3A_1400 = arith.constant 16 : index
    %swap3A_1401 = tpu.vector_load %arg9[%swap3A_1400] {strides = array<i32>} : memref<96xi32, #tpu.memory_space<vmem>>, vector<16xi32>,
    tpu.vector_store %arg9[%swap3A_1400], %min3A_1399 {strides = array<i32>} : memref<96xi32, #tpu.memory_space<vmem>>, vector<16xi32>,
    %add3A_1402 = arith.constant 2 : i32
    %add3A_1403 = vector.broadcast %add3A_1402 : i32 to vector<16xi32>
    %add3A_1404 = arith.addi %min3A_1254, %add3A_1403 : vector<16xi32>
    %min3A_1405 = arith.constant 99999 : i32
    %min3A_1406 = vector.broadcast %min3A_1405 : i32 to vector<16xi32>
    %min3A_1407 = arith.minsi %add3A_1404, %min3A_1406 : vector<16xi32>
    %swap3A_1408 = arith.constant 32 : index
    %swap3A_1409 = tpu.vector_load %arg9[%swap3A_1408] {strides = array<i32>} : memref<96xi32, #tpu.memory_space<vmem>>, vector<16xi32>,
    tpu.vector_store %arg9[%swap3A_1408], %min3A_1407 {strides = array<i32>} : memref<96xi32, #tpu.memory_space<vmem>>, vector<16xi32>,
    %add3A_1410 = arith.constant 2 : i32
    %add3A_1411 = vector.broadcast %add3A_1410 : i32 to vector<16xi32>
    %add3A_1412 = arith.addi %min3A_1266, %add3A_1411 : vector<16xi32>
    %min3A_1413 = arith.constant 99999 : i32
    %min3A_1414 = vector.broadcast %min3A_1413 : i32 to vector<16xi32>
    %min3A_1415 = arith.minsi %add3A_1412, %min3A_1414 : vector<16xi32>
    %swap3A_1416 = arith.constant 48 : index
    %swap3A_1417 = tpu.vector_load %arg9[%swap3A_1416] {strides = array<i32>} : memref<96xi32, #tpu.memory_space<vmem>>, vector<16xi32>,
    tpu.vector_store %arg9[%swap3A_1416], %min3A_1415 {strides = array<i32>} : memref<96xi32, #tpu.memory_space<vmem>>, vector<16xi32>,
    %add3A_1418 = arith.constant 2 : i32
    %add3A_1419 = vector.broadcast %add3A_1418 : i32 to vector<16xi32>
    %add3A_1420 = arith.addi %min3A_1278, %add3A_1419 : vector<16xi32>
    %min3A_1421 = arith.constant 99999 : i32
    %min3A_1422 = vector.broadcast %min3A_1421 : i32 to vector<16xi32>
    %min3A_1423 = arith.minsi %add3A_1420, %min3A_1422 : vector<16xi32>
    %swap3A_1424 = arith.constant 64 : index
    %swap3A_1425 = tpu.vector_load %arg9[%swap3A_1424] {strides = array<i32>} : memref<96xi32, #tpu.memory_space<vmem>>, vector<16xi32>,
    tpu.vector_store %arg9[%swap3A_1424], %min3A_1423 {strides = array<i32>} : memref<96xi32, #tpu.memory_space<vmem>>, vector<16xi32>,
    %add3A_1426 = arith.constant 2 : i32
    %add3A_1427 = vector.broadcast %add3A_1426 : i32 to vector<16xi32>
    %add3A_1428 = arith.addi %min3A_1290, %add3A_1427 : vector<16xi32>
    %min3A_1429 = arith.constant 99999 : i32
    %min3A_1430 = vector.broadcast %min3A_1429 : i32 to vector<16xi32>
    %min3A_1431 = arith.minsi %add3A_1428, %min3A_1430 : vector<16xi32>
    %swap3A_1432 = arith.constant 80 : index
    %swap3A_1433 = tpu.vector_load %arg9[%swap3A_1432] {strides = array<i32>} : memref<96xi32, #tpu.memory_space<vmem>>, vector<16xi32>,
    tpu.vector_store %arg9[%swap3A_1432], %min3A_1431 {strides = array<i32>} : memref<96xi32, #tpu.memory_space<vmem>>, vector<16xi32>,
    %add3A_1434 = arith.constant 3 : i32
    %add3A_1435 = vector.broadcast %add3A_1434 : i32 to vector<16xi32>
    %add3A_1436 = arith.addi %min3A_1230, %add3A_1435 : vector<16xi32>
    %min3A_1437 = arith.constant 99999 : i32
    %min3A_1438 = vector.broadcast %min3A_1437 : i32 to vector<16xi32>
    %min3A_1439 = arith.minsi %add3A_1436, %min3A_1438 : vector<16xi32>
    %swap3A_1440 = arith.constant 0 : index
    %swap3A_1441 = tpu.vector_load %arg10[%swap3A_1440] {strides = array<i32>} : memref<96xi32, #tpu.memory_space<vmem>>, vector<16xi32>,
    tpu.vector_store %arg10[%swap3A_1440], %min3A_1439 {strides = array<i32>} : memref<96xi32, #tpu.memory_space<vmem>>, vector<16xi32>,
    %add3A_1442 = arith.constant 3 : i32
    %add3A_1443 = vector.broadcast %add3A_1442 : i32 to vector<16xi32>
    %add3A_1444 = arith.addi %min3A_1242, %add3A_1443 : vector<16xi32>
    %min3A_1445 = arith.constant 99999 : i32
    %min3A_1446 = vector.broadcast %min3A_1445 : i32 to vector<16xi32>
    %min3A_1447 = arith.minsi %add3A_1444, %min3A_1446 : vector<16xi32>
    %swap3A_1448 = arith.constant 16 : index
    %swap3A_1449 = tpu.vector_load %arg10[%swap3A_1448] {strides = array<i32>} : memref<96xi32, #tpu.memory_space<vmem>>, vector<16xi32>,
    tpu.vector_store %arg10[%swap3A_1448], %min3A_1447 {strides = array<i32>} : memref<96xi32, #tpu.memory_space<vmem>>, vector<16xi32>,
    %add3A_1450 = arith.constant 3 : i32
    %add3A_1451 = vector.broadcast %add3A_1450 : i32 to vector<16xi32>
    %add3A_1452 = arith.addi %min3A_1254, %add3A_1451 : vector<16xi32>
    %min3A_1453 = arith.constant 99999 : i32
    %min3A_1454 = vector.broadcast %min3A_1453 : i32 to vector<16xi32>
    %min3A_1455 = arith.minsi %add3A_1452, %min3A_1454 : vector<16xi32>
    %swap3A_1456 = arith.constant 32 : index
    %swap3A_1457 = tpu.vector_load %arg10[%swap3A_1456] {strides = array<i32>} : memref<96xi32, #tpu.memory_space<vmem>>, vector<16xi32>,
    tpu.vector_store %arg10[%swap3A_1456], %min3A_1455 {strides = array<i32>} : memref<96xi32, #tpu.memory_space<vmem>>, vector<16xi32>,
    %add3A_1458 = arith.constant 3 : i32
    %add3A_1459 = vector.broadcast %add3A_1458 : i32 to vector<16xi32>
    %add3A_1460 = arith.addi %min3A_1266, %add3A_1459 : vector<16xi32>
    %min3A_1461 = arith.constant 99999 : i32
    %min3A_1462 = vector.broadcast %min3A_1461 : i32 to vector<16xi32>
    %min3A_1463 = arith.minsi %add3A_1460, %min3A_1462 : vector<16xi32>
    %swap3A_1464 = arith.constant 48 : index
    %swap3A_1465 = tpu.vector_load %arg10[%swap3A_1464] {strides = array<i32>} : memref<96xi32, #tpu.memory_space<vmem>>, vector<16xi32>,
    tpu.vector_store %arg10[%swap3A_1464], %min3A_1463 {strides = array<i32>} : memref<96xi32, #tpu.memory_space<vmem>>, vector<16xi32>,
    %add3A_1466 = arith.constant 3 : i32
    %add3A_1467 = vector.broadcast %add3A_1466 : i32 to vector<16xi32>
    %add3A_1468 = arith.addi %min3A_1278, %add3A_1467 : vector<16xi32>
    %min3A_1469 = arith.constant 99999 : i32
    %min3A_1470 = vector.broadcast %min3A_1469 : i32 to vector<16xi32>
    %min3A_1471 = arith.minsi %add3A_1468, %min3A_1470 : vector<16xi32>
    %swap3A_1472 = arith.constant 64 : index
    %swap3A_1473 = tpu.vector_load %arg10[%swap3A_1472] {strides = array<i32>} : memref<96xi32, #tpu.memory_space<vmem>>, vector<16xi32>,
    tpu.vector_store %arg10[%swap3A_1472], %min3A_1471 {strides = array<i32>} : memref<96xi32, #tpu.memory_space<vmem>>, vector<16xi32>,
    %add3A_1474 = arith.constant 3 : i32
    %add3A_1475 = vector.broadcast %add3A_1474 : i32 to vector<16xi32>
    %add3A_1476 = arith.addi %min3A_1290, %add3A_1475 : vector<16xi32>
    %min3A_1477 = arith.constant 99999 : i32
    %min3A_1478 = vector.broadcast %min3A_1477 : i32 to vector<16xi32>
    %min3A_1479 = arith.minsi %add3A_1476, %min3A_1478 : vector<16xi32>
    %swap3A_1480 = arith.constant 80 : index
    %swap3A_1481 = tpu.vector_load %arg10[%swap3A_1480] {strides = array<i32>} : memref<96xi32, #tpu.memory_space<vmem>>, vector<16xi32>,
    tpu.vector_store %arg10[%swap3A_1480], %min3A_1479 {strides = array<i32>} : memref<96xi32, #tpu.memory_space<vmem>>, vector<16xi32>,
    %add3A_1482 = arith.constant 4 : i32
    %add3A_1483 = vector.broadcast %add3A_1482 : i32 to vector<16xi32>
    %add3A_1484 = arith.addi %min3A_1230, %add3A_1483 : vector<16xi32>
    %min3A_1485 = arith.constant 99999 : i32
    %min3A_1486 = vector.broadcast %min3A_1485 : i32 to vector<16xi32>
    %min3A_1487 = arith.minsi %add3A_1484, %min3A_1486 : vector<16xi32>
    %swap3A_1488 = arith.constant 0 : index
    %swap3A_1489 = tpu.vector_load %arg11[%swap3A_1488] {strides = array<i32>} : memref<96xi32, #tpu.memory_space<vmem>>, vector<16xi32>,
    tpu.vector_store %arg11[%swap3A_1488], %min3A_1487 {strides = array<i32>} : memref<96xi32, #tpu.memory_space<vmem>>, vector<16xi32>,
    %add3A_1490 = arith.constant 4 : i32
    %add3A_1491 = vector.broadcast %add3A_1490 : i32 to vector<16xi32>
    %add3A_1492 = arith.addi %min3A_1242, %add3A_1491 : vector<16xi32>
    %min3A_1493 = arith.constant 99999 : i32
    %min3A_1494 = vector.broadcast %min3A_1493 : i32 to vector<16xi32>
    %min3A_1495 = arith.minsi %add3A_1492, %min3A_1494 : vector<16xi32>
    %swap3A_1496 = arith.constant 16 : index
    %swap3A_1497 = tpu.vector_load %arg11[%swap3A_1496] {strides = array<i32>} : memref<96xi32, #tpu.memory_space<vmem>>, vector<16xi32>,
    tpu.vector_store %arg11[%swap3A_1496], %min3A_1495 {strides = array<i32>} : memref<96xi32, #tpu.memory_space<vmem>>, vector<16xi32>,
    %add3A_1498 = arith.constant 4 : i32
    %add3A_1499 = vector.broadcast %add3A_1498 : i32 to vector<16xi32>
    %add3A_1500 = arith.addi %min3A_1254, %add3A_1499 : vector<16xi32>
    %min3A_1501 = arith.constant 99999 : i32
    %min3A_1502 = vector.broadcast %min3A_1501 : i32 to vector<16xi32>
    %min3A_1503 = arith.minsi %add3A_1500, %min3A_1502 : vector<16xi32>
    %swap3A_1504 = arith.constant 32 : index
    %swap3A_1505 = tpu.vector_load %arg11[%swap3A_1504] {strides = array<i32>} : memref<96xi32, #tpu.memory_space<vmem>>, vector<16xi32>,
    tpu.vector_store %arg11[%swap3A_1504], %min3A_1503 {strides = array<i32>} : memref<96xi32, #tpu.memory_space<vmem>>, vector<16xi32>,
    %add3A_1506 = arith.constant 4 : i32
    %add3A_1507 = vector.broadcast %add3A_1506 : i32 to vector<16xi32>
    %add3A_1508 = arith.addi %min3A_1266, %add3A_1507 : vector<16xi32>
    %min3A_1509 = arith.constant 99999 : i32
    %min3A_1510 = vector.broadcast %min3A_1509 : i32 to vector<16xi32>
    %min3A_1511 = arith.minsi %add3A_1508, %min3A_1510 : vector<16xi32>
    %swap3A_1512 = arith.constant 48 : index
    %swap3A_1513 = tpu.vector_load %arg11[%swap3A_1512] {strides = array<i32>} : memref<96xi32, #tpu.memory_space<vmem>>, vector<16xi32>,
    tpu.vector_store %arg11[%swap3A_1512], %min3A_1511 {strides = array<i32>} : memref<96xi32, #tpu.memory_space<vmem>>, vector<16xi32>,
    %add3A_1514 = arith.constant 4 : i32
    %add3A_1515 = vector.broadcast %add3A_1514 : i32 to vector<16xi32>
    %add3A_1516 = arith.addi %min3A_1278, %add3A_1515 : vector<16xi32>
    %min3A_1517 = arith.constant 99999 : i32
    %min3A_1518 = vector.broadcast %min3A_1517 : i32 to vector<16xi32>
    %min3A_1519 = arith.minsi %add3A_1516, %min3A_1518 : vector<16xi32>
    %swap3A_1520 = arith.constant 64 : index
    %swap3A_1521 = tpu.vector_load %arg11[%swap3A_1520] {strides = array<i32>} : memref<96xi32, #tpu.memory_space<vmem>>, vector<16xi32>,
    tpu.vector_store %arg11[%swap3A_1520], %min3A_1519 {strides = array<i32>} : memref<96xi32, #tpu.memory_space<vmem>>, vector<16xi32>,
    %add3A_1522 = arith.constant 4 : i32
    %add3A_1523 = vector.broadcast %add3A_1522 : i32 to vector<16xi32>
    %add3A_1524 = arith.addi %min3A_1290, %add3A_1523 : vector<16xi32>
    %min3A_1525 = arith.constant 99999 : i32
    %min3A_1526 = vector.broadcast %min3A_1525 : i32 to vector<16xi32>
    %min3A_1527 = arith.minsi %add3A_1524, %min3A_1526 : vector<16xi32>
    %swap3A_1528 = arith.constant 80 : index
    %swap3A_1529 = tpu.vector_load %arg11[%swap3A_1528] {strides = array<i32>} : memref<96xi32, #tpu.memory_space<vmem>>, vector<16xi32>,
    tpu.vector_store %arg11[%swap3A_1528], %min3A_1527 {strides = array<i32>} : memref<96xi32, #tpu.memory_space<vmem>>, vector<16xi32>,
    %add3A_1530 = arith.constant 5 : i32
    %add3A_1531 = vector.broadcast %add3A_1530 : i32 to vector<16xi32>
    %add3A_1532 = arith.addi %min3A_1230, %add3A_1531 : vector<16xi32>
    %min3A_1533 = arith.constant 99999 : i32
    %min3A_1534 = vector.broadcast %min3A_1533 : i32 to vector<16xi32>
    %min3A_1535 = arith.minsi %add3A_1532, %min3A_1534 : vector<16xi32>
    %swap3A_1536 = arith.constant 0 : index
    %swap3A_1537 = tpu.vector_load %arg12[%swap3A_1536] {strides = array<i32>} : memref<96xi32, #tpu.memory_space<vmem>>, vector<16xi32>,
    tpu.vector_store %arg12[%swap3A_1536], %min3A_1535 {strides = array<i32>} : memref<96xi32, #tpu.memory_space<vmem>>, vector<16xi32>,
    %add3A_1538 = arith.constant 5 : i32
    %add3A_1539 = vector.broadcast %add3A_1538 : i32 to vector<16xi32>
    %add3A_1540 = arith.addi %min3A_1242, %add3A_1539 : vector<16xi32>
    %min3A_1541 = arith.constant 99999 : i32
    %min3A_1542 = vector.broadcast %min3A_1541 : i32 to vector<16xi32>
    %min3A_1543 = arith.minsi %add3A_1540, %min3A_1542 : vector<16xi32>
    %swap3A_1544 = arith.constant 16 : index
    %swap3A_1545 = tpu.vector_load %arg12[%swap3A_1544] {strides = array<i32>} : memref<96xi32, #tpu.memory_space<vmem>>, vector<16xi32>,
    tpu.vector_store %arg12[%swap3A_1544], %min3A_1543 {strides = array<i32>} : memref<96xi32, #tpu.memory_space<vmem>>, vector<16xi32>,
    %add3A_1546 = arith.constant 5 : i32
    %add3A_1547 = vector.broadcast %add3A_1546 : i32 to vector<16xi32>
    %add3A_1548 = arith.addi %min3A_1254, %add3A_1547 : vector<16xi32>
    %min3A_1549 = arith.constant 99999 : i32
    %min3A_1550 = vector.broadcast %min3A_1549 : i32 to vector<16xi32>
    %min3A_1551 = arith.minsi %add3A_1548, %min3A_1550 : vector<16xi32>
    %swap3A_1552 = arith.constant 32 : index
    %swap3A_1553 = tpu.vector_load %arg12[%swap3A_1552] {strides = array<i32>} : memref<96xi32, #tpu.memory_space<vmem>>, vector<16xi32>,
    tpu.vector_store %arg12[%swap3A_1552], %min3A_1551 {strides = array<i32>} : memref<96xi32, #tpu.memory_space<vmem>>, vector<16xi32>,
    %add3A_1554 = arith.constant 5 : i32
    %add3A_1555 = vector.broadcast %add3A_1554 : i32 to vector<16xi32>
    %add3A_1556 = arith.addi %min3A_1266, %add3A_1555 : vector<16xi32>
    %min3A_1557 = arith.constant 99999 : i32
    %min3A_1558 = vector.broadcast %min3A_1557 : i32 to vector<16xi32>
    %min3A_1559 = arith.minsi %add3A_1556, %min3A_1558 : vector<16xi32>
    %swap3A_1560 = arith.constant 48 : index
    %swap3A_1561 = tpu.vector_load %arg12[%swap3A_1560] {strides = array<i32>} : memref<96xi32, #tpu.memory_space<vmem>>, vector<16xi32>,
    tpu.vector_store %arg12[%swap3A_1560], %min3A_1559 {strides = array<i32>} : memref<96xi32, #tpu.memory_space<vmem>>, vector<16xi32>,
    %add3A_1562 = arith.constant 5 : i32
    %add3A_1563 = vector.broadcast %add3A_1562 : i32 to vector<16xi32>
    %add3A_1564 = arith.addi %min3A_1278, %add3A_1563 : vector<16xi32>
    %min3A_1565 = arith.constant 99999 : i32
    %min3A_1566 = vector.broadcast %min3A_1565 : i32 to vector<16xi32>
    %min3A_1567 = arith.minsi %add3A_1564, %min3A_1566 : vector<16xi32>
    %swap3A_1568 = arith.constant 64 : index
    %swap3A_1569 = tpu.vector_load %arg12[%swap3A_1568] {strides = array<i32>} : memref<96xi32, #tpu.memory_space<vmem>>, vector<16xi32>,
    tpu.vector_store %arg12[%swap3A_1568], %min3A_1567 {strides = array<i32>} : memref<96xi32, #tpu.memory_space<vmem>>, vector<16xi32>,
    %add3A_1570 = arith.constant 5 : i32
    %add3A_1571 = vector.broadcast %add3A_1570 : i32 to vector<16xi32>
    %add3A_1572 = arith.addi %min3A_1290, %add3A_1571 : vector<16xi32>
    %min3A_1573 = arith.constant 99999 : i32
    %min3A_1574 = vector.broadcast %min3A_1573 : i32 to vector<16xi32>
    %min3A_1575 = arith.minsi %add3A_1572, %min3A_1574 : vector<16xi32>
    %swap3A_1576 = arith.constant 80 : index
    %swap3A_1577 = tpu.vector_load %arg12[%swap3A_1576] {strides = array<i32>} : memref<96xi32, #tpu.memory_space<vmem>>, vector<16xi32>,
    tpu.vector_store %arg12[%swap3A_1576], %min3A_1575 {strides = array<i32>} : memref<96xi32, #tpu.memory_space<vmem>>, vector<16xi32>,
    %add3A_1578 = arith.constant 6 : i32
    %add3A_1579 = vector.broadcast %add3A_1578 : i32 to vector<16xi32>
    %add3A_1580 = arith.addi %min3A_1230, %add3A_1579 : vector<16xi32>
    %min3A_1581 = arith.constant 99999 : i32
    %min3A_1582 = vector.broadcast %min3A_1581 : i32 to vector<16xi32>
    %min3A_1583 = arith.minsi %add3A_1580, %min3A_1582 : vector<16xi32>
    %swap3A_1584 = arith.constant 0 : index
    %swap3A_1585 = tpu.vector_load %arg13[%swap3A_1584] {strides = array<i32>} : memref<96xi32, #tpu.memory_space<vmem>>, vector<16xi32>,
    tpu.vector_store %arg13[%swap3A_1584], %min3A_1583 {strides = array<i32>} : memref<96xi32, #tpu.memory_space<vmem>>, vector<16xi32>,
    %add3A_1586 = arith.constant 6 : i32
    %add3A_1587 = vector.broadcast %add3A_1586 : i32 to vector<16xi32>
    %add3A_1588 = arith.addi %min3A_1242, %add3A_1587 : vector<16xi32>
    %min3A_1589 = arith.constant 99999 : i32
    %min3A_1590 = vector.broadcast %min3A_1589 : i32 to vector<16xi32>
    %min3A_1591 = arith.minsi %add3A_1588, %min3A_1590 : vector<16xi32>
    %swap3A_1592 = arith.constant 16 : index
    %swap3A_1593 = tpu.vector_load %arg13[%swap3A_1592] {strides = array<i32>} : memref<96xi32, #tpu.memory_space<vmem>>, vector<16xi32>,
    tpu.vector_store %arg13[%swap3A_1592], %min3A_1591 {strides = array<i32>} : memref<96xi32, #tpu.memory_space<vmem>>, vector<16xi32>,
    %add3A_1594 = arith.constant 6 : i32
    %add3A_1595 = vector.broadcast %add3A_1594 : i32 to vector<16xi32>
    %add3A_1596 = arith.addi %min3A_1254, %add3A_1595 : vector<16xi32>
    %min3A_1597 = arith.constant 99999 : i32
    %min3A_1598 = vector.broadcast %min3A_1597 : i32 to vector<16xi32>
    %min3A_1599 = arith.minsi %add3A_1596, %min3A_1598 : vector<16xi32>
    %swap3A_1600 = arith.constant 32 : index
    %swap3A_1601 = tpu.vector_load %arg13[%swap3A_1600] {strides = array<i32>} : memref<96xi32, #tpu.memory_space<vmem>>, vector<16xi32>,
    tpu.vector_store %arg13[%swap3A_1600], %min3A_1599 {strides = array<i32>} : memref<96xi32, #tpu.memory_space<vmem>>, vector<16xi32>,
    %add3A_1602 = arith.constant 6 : i32
    %add3A_1603 = vector.broadcast %add3A_1602 : i32 to vector<16xi32>
    %add3A_1604 = arith.addi %min3A_1266, %add3A_1603 : vector<16xi32>
    %min3A_1605 = arith.constant 99999 : i32
    %min3A_1606 = vector.broadcast %min3A_1605 : i32 to vector<16xi32>
    %min3A_1607 = arith.minsi %add3A_1604, %min3A_1606 : vector<16xi32>
    %swap3A_1608 = arith.constant 48 : index
    %swap3A_1609 = tpu.vector_load %arg13[%swap3A_1608] {strides = array<i32>} : memref<96xi32, #tpu.memory_space<vmem>>, vector<16xi32>,
    tpu.vector_store %arg13[%swap3A_1608], %min3A_1607 {strides = array<i32>} : memref<96xi32, #tpu.memory_space<vmem>>, vector<16xi32>,
    %add3A_1610 = arith.constant 6 : i32
    %add3A_1611 = vector.broadcast %add3A_1610 : i32 to vector<16xi32>
    %add3A_1612 = arith.addi %min3A_1278, %add3A_1611 : vector<16xi32>
    %min3A_1613 = arith.constant 99999 : i32
    %min3A_1614 = vector.broadcast %min3A_1613 : i32 to vector<16xi32>
    %min3A_1615 = arith.minsi %add3A_1612, %min3A_1614 : vector<16xi32>
    %swap3A_1616 = arith.constant 64 : index
    %swap3A_1617 = tpu.vector_load %arg13[%swap3A_1616] {strides = array<i32>} : memref<96xi32, #tpu.memory_space<vmem>>, vector<16xi32>,
    tpu.vector_store %arg13[%swap3A_1616], %min3A_1615 {strides = array<i32>} : memref<96xi32, #tpu.memory_space<vmem>>, vector<16xi32>,
    %add3A_1618 = arith.constant 6 : i32
    %add3A_1619 = vector.broadcast %add3A_1618 : i32 to vector<16xi32>
    %add3A_1620 = arith.addi %min3A_1290, %add3A_1619 : vector<16xi32>
    %min3A_1621 = arith.constant 99999 : i32
    %min3A_1622 = vector.broadcast %min3A_1621 : i32 to vector<16xi32>
    %min3A_1623 = arith.minsi %add3A_1620, %min3A_1622 : vector<16xi32>
    %swap3A_1624 = arith.constant 80 : index
    %swap3A_1625 = tpu.vector_load %arg13[%swap3A_1624] {strides = array<i32>} : memref<96xi32, #tpu.memory_space<vmem>>, vector<16xi32>,
    tpu.vector_store %arg13[%swap3A_1624], %min3A_1623 {strides = array<i32>} : memref<96xi32, #tpu.memory_space<vmem>>, vector<16xi32>,
    %dma_start3A = arith.constant 0 : i32
    %dma_start3A_1626 = tpu.memref_slice %arg3[%dma_start3A] : memref<100000xi32, #tpu.memory_space<hbm>> -> memref<100000xi32, #tpu.memory_space<hbm>>
    tpu.enqueue_indirect_dma source(%dma_start3A_1626 : memref<100000xi32, #tpu.memory_space<hbm>>) target(%arg14 : memref<96xi32, #tpu.memory_space<vmem>>) offsets(%arg7 : memref<96xi32, #tpu.memory_space<vmem>>) semaphore(%arg25 : memref<!tpu.dma_semaphore, #tpu.memory_space<semaphore_mem>>)
    %dma_start3A_1627 = arith.constant 0 : i32
    %dma_start3A_1628 = tpu.memref_slice %arg3[%dma_start3A_1627] : memref<100000xi32, #tpu.memory_space<hbm>> -> memref<100000xi32, #tpu.memory_space<hbm>>
    tpu.enqueue_indirect_dma source(%dma_start3A_1628 : memref<100000xi32, #tpu.memory_space<hbm>>) target(%arg15 : memref<96xi32, #tpu.memory_space<vmem>>) offsets(%arg8 : memref<96xi32, #tpu.memory_space<vmem>>) semaphore(%arg25 : memref<!tpu.dma_semaphore, #tpu.memory_space<semaphore_mem>>)
    %dma_start3A_1629 = arith.constant 0 : i32
    %dma_start3A_1630 = tpu.memref_slice %arg3[%dma_start3A_1629] : memref<100000xi32, #tpu.memory_space<hbm>> -> memref<100000xi32, #tpu.memory_space<hbm>>
    tpu.enqueue_indirect_dma source(%dma_start3A_1630 : memref<100000xi32, #tpu.memory_space<hbm>>) target(%arg16 : memref<96xi32, #tpu.memory_space<vmem>>) offsets(%arg9 : memref<96xi32, #tpu.memory_space<vmem>>) semaphore(%arg25 : memref<!tpu.dma_semaphore, #tpu.memory_space<semaphore_mem>>)
    %dma_start3A_1631 = arith.constant 0 : i32
    %dma_start3A_1632 = tpu.memref_slice %arg3[%dma_start3A_1631] : memref<100000xi32, #tpu.memory_space<hbm>> -> memref<100000xi32, #tpu.memory_space<hbm>>
    tpu.enqueue_indirect_dma source(%dma_start3A_1632 : memref<100000xi32, #tpu.memory_space<hbm>>) target(%arg17 : memref<96xi32, #tpu.memory_space<vmem>>) offsets(%arg10 : memref<96xi32, #tpu.memory_space<vmem>>) semaphore(%arg25 : memref<!tpu.dma_semaphore, #tpu.memory_space<semaphore_mem>>)
    %dma_start3A_1633 = arith.constant 0 : i32
    %dma_start3A_1634 = tpu.memref_slice %arg3[%dma_start3A_1633] : memref<100000xi32, #tpu.memory_space<hbm>> -> memref<100000xi32, #tpu.memory_space<hbm>>
    tpu.enqueue_indirect_dma source(%dma_start3A_1634 : memref<100000xi32, #tpu.memory_space<hbm>>) target(%arg18 : memref<96xi32, #tpu.memory_space<vmem>>) offsets(%arg11 : memref<96xi32, #tpu.memory_space<vmem>>) semaphore(%arg25 : memref<!tpu.dma_semaphore, #tpu.memory_space<semaphore_mem>>)
    %dma_start3A_1635 = arith.constant 0 : i32
    %dma_start3A_1636 = tpu.memref_slice %arg3[%dma_start3A_1635] : memref<100000xi32, #tpu.memory_space<hbm>> -> memref<100000xi32, #tpu.memory_space<hbm>>
    tpu.enqueue_indirect_dma source(%dma_start3A_1636 : memref<100000xi32, #tpu.memory_space<hbm>>) target(%arg19 : memref<96xi32, #tpu.memory_space<vmem>>) offsets(%arg12 : memref<96xi32, #tpu.memory_space<vmem>>) semaphore(%arg25 : memref<!tpu.dma_semaphore, #tpu.memory_space<semaphore_mem>>)
    %dma_start3A_1637 = arith.constant 0 : i32
    %dma_start3A_1638 = tpu.memref_slice %arg3[%dma_start3A_1637] : memref<100000xi32, #tpu.memory_space<hbm>> -> memref<100000xi32, #tpu.memory_space<hbm>>
    tpu.enqueue_indirect_dma source(%dma_start3A_1638 : memref<100000xi32, #tpu.memory_space<hbm>>) target(%arg20 : memref<96xi32, #tpu.memory_space<vmem>>) offsets(%arg13 : memref<96xi32, #tpu.memory_space<vmem>>) semaphore(%arg25 : memref<!tpu.dma_semaphore, #tpu.memory_space<semaphore_mem>>)
    %dma_wait3A = arith.constant 0 : i32
    %dma_wait3A_1639 = tpu.memref_slice %arg3[%dma_wait3A] : memref<100000xi32, #tpu.memory_space<hbm>> -> memref<100000xi32, #tpu.memory_space<hbm>>
    tpu.wait_indirect_dma semaphore(%arg25 : memref<!tpu.dma_semaphore, #tpu.memory_space<semaphore_mem>>) src(%dma_wait3A_1639 : memref<100000xi32, #tpu.memory_space<hbm>>) dst(%arg14 : memref<96xi32, #tpu.memory_space<vmem>>)
    %dma_wait3A_1640 = arith.constant 0 : i32
    %dma_wait3A_1641 = tpu.memref_slice %arg3[%dma_wait3A_1640] : memref<100000xi32, #tpu.memory_space<hbm>> -> memref<100000xi32, #tpu.memory_space<hbm>>
    tpu.wait_indirect_dma semaphore(%arg25 : memref<!tpu.dma_semaphore, #tpu.memory_space<semaphore_mem>>) src(%dma_wait3A_1641 : memref<100000xi32, #tpu.memory_space<hbm>>) dst(%arg15 : memref<96xi32, #tpu.memory_space<vmem>>)
    %dma_wait3A_1642 = arith.constant 0 : i32
    %dma_wait3A_1643 = tpu.memref_slice %arg3[%dma_wait3A_1642] : memref<100000xi32, #tpu.memory_space<hbm>> -> memref<100000xi32, #tpu.memory_space<hbm>>
    tpu.wait_indirect_dma semaphore(%arg25 : memref<!tpu.dma_semaphore, #tpu.memory_space<semaphore_mem>>) src(%dma_wait3A_1643 : memref<100000xi32, #tpu.memory_space<hbm>>) dst(%arg16 : memref<96xi32, #tpu.memory_space<vmem>>)
    %dma_wait3A_1644 = arith.constant 0 : i32
    %dma_wait3A_1645 = tpu.memref_slice %arg3[%dma_wait3A_1644] : memref<100000xi32, #tpu.memory_space<hbm>> -> memref<100000xi32, #tpu.memory_space<hbm>>
    tpu.wait_indirect_dma semaphore(%arg25 : memref<!tpu.dma_semaphore, #tpu.memory_space<semaphore_mem>>) src(%dma_wait3A_1645 : memref<100000xi32, #tpu.memory_space<hbm>>) dst(%arg17 : memref<96xi32, #tpu.memory_space<vmem>>)
    %dma_wait3A_1646 = arith.constant 0 : i32
    %dma_wait3A_1647 = tpu.memref_slice %arg3[%dma_wait3A_1646] : memref<100000xi32, #tpu.memory_space<hbm>> -> memref<100000xi32, #tpu.memory_space<hbm>>
    tpu.wait_indirect_dma semaphore(%arg25 : memref<!tpu.dma_semaphore, #tpu.memory_space<semaphore_mem>>) src(%dma_wait3A_1647 : memref<100000xi32, #tpu.memory_space<hbm>>) dst(%arg18 : memref<96xi32, #tpu.memory_space<vmem>>)
    %dma_wait3A_1648 = arith.constant 0 : i32
    %dma_wait3A_1649 = tpu.memref_slice %arg3[%dma_wait3A_1648] : memref<100000xi32, #tpu.memory_space<hbm>> -> memref<100000xi32, #tpu.memory_space<hbm>>
    tpu.wait_indirect_dma semaphore(%arg25 : memref<!tpu.dma_semaphore, #tpu.memory_space<semaphore_mem>>) src(%dma_wait3A_1649 : memref<100000xi32, #tpu.memory_space<hbm>>) dst(%arg19 : memref<96xi32, #tpu.memory_space<vmem>>)
    %dma_wait3A_1650 = arith.constant 0 : i32
    %dma_wait3A_1651 = tpu.memref_slice %arg3[%dma_wait3A_1650] : memref<100000xi32, #tpu.memory_space<hbm>> -> memref<100000xi32, #tpu.memory_space<hbm>>
    tpu.wait_indirect_dma semaphore(%arg25 : memref<!tpu.dma_semaphore, #tpu.memory_space<semaphore_mem>>) src(%dma_wait3A_1651 : memref<100000xi32, #tpu.memory_space<hbm>>) dst(%arg20 : memref<96xi32, #tpu.memory_space<vmem>>)
    %get3A = arith.constant 0 : index
    %get3A_1652 = tpu.vector_load %arg14[%get3A] {strides = array<i32>} : memref<96xi32, #tpu.memory_space<vmem>>, vector<16xi32>,
    %add3A_1653 = arith.constant 0 : i32
    %add3A_1654 = vector.broadcast %add3A_1653 : i32 to vector<16xi32>
    %add3A_1655 = arith.addi %min3A_1230, %add3A_1654 : vector<16xi32>
    %lt3A_1656 = arith.constant 100000 : i32
    %lt3A_1657 = vector.broadcast %lt3A_1656 : i32 to vector<16xi32>
    %lt3A_1658 = arith.cmpi slt, %add3A_1655, %lt3A_1657 : vector<16xi32>
    %lt3A_1659 = arith.cmpi slt, %get3A_1652, %add3A_6 : vector<16xi32>
    %and3A = arith.andi %lt3A_1658, %lt3A_1659 : vector<16xi1>
    %convert_element_type3A = arith.extui %and3A : vector<16xi1> to vector<16xi32>
    %add3A_1660 = arith.addi %min3A_1230, %convert_element_type3A : vector<16xi32>
    %get3A_1661 = arith.constant 0 : index
    %get3A_1662 = tpu.vector_load %arg15[%get3A_1661] {strides = array<i32>} : memref<96xi32, #tpu.memory_space<vmem>>, vector<16xi32>,
    %add3A_1663 = arith.constant 1 : i32
    %add3A_1664 = vector.broadcast %add3A_1663 : i32 to vector<16xi32>
    %add3A_1665 = arith.addi %min3A_1230, %add3A_1664 : vector<16xi32>
    %lt3A_1666 = arith.constant 100000 : i32
    %lt3A_1667 = vector.broadcast %lt3A_1666 : i32 to vector<16xi32>
    %lt3A_1668 = arith.cmpi slt, %add3A_1665, %lt3A_1667 : vector<16xi32>
    %lt3A_1669 = arith.cmpi slt, %get3A_1662, %add3A_6 : vector<16xi32>
    %and3A_1670 = arith.andi %lt3A_1668, %lt3A_1669 : vector<16xi1>
    %convert_element_type3A_1671 = arith.extui %and3A_1670 : vector<16xi1> to vector<16xi32>
    %add3A_1672 = arith.addi %add3A_1660, %convert_element_type3A_1671 : vector<16xi32>
    %get3A_1673 = arith.constant 0 : index
    %get3A_1674 = tpu.vector_load %arg16[%get3A_1673] {strides = array<i32>} : memref<96xi32, #tpu.memory_space<vmem>>, vector<16xi32>,
    %add3A_1675 = arith.constant 2 : i32
    %add3A_1676 = vector.broadcast %add3A_1675 : i32 to vector<16xi32>
    %add3A_1677 = arith.addi %min3A_1230, %add3A_1676 : vector<16xi32>
    %lt3A_1678 = arith.constant 100000 : i32
    %lt3A_1679 = vector.broadcast %lt3A_1678 : i32 to vector<16xi32>
    %lt3A_1680 = arith.cmpi slt, %add3A_1677, %lt3A_1679 : vector<16xi32>
    %lt3A_1681 = arith.cmpi slt, %get3A_1674, %add3A_6 : vector<16xi32>
    %and3A_1682 = arith.andi %lt3A_1680, %lt3A_1681 : vector<16xi1>
    %convert_element_type3A_1683 = arith.extui %and3A_1682 : vector<16xi1> to vector<16xi32>
    %add3A_1684 = arith.addi %add3A_1672, %convert_element_type3A_1683 : vector<16xi32>
    %get3A_1685 = arith.constant 0 : index
    %get3A_1686 = tpu.vector_load %arg17[%get3A_1685] {strides = array<i32>} : memref<96xi32, #tpu.memory_space<vmem>>, vector<16xi32>,
    %add3A_1687 = arith.constant 3 : i32
    %add3A_1688 = vector.broadcast %add3A_1687 : i32 to vector<16xi32>
    %add3A_1689 = arith.addi %min3A_1230, %add3A_1688 : vector<16xi32>
    %lt3A_1690 = arith.constant 100000 : i32
    %lt3A_1691 = vector.broadcast %lt3A_1690 : i32 to vector<16xi32>
    %lt3A_1692 = arith.cmpi slt, %add3A_1689, %lt3A_1691 : vector<16xi32>
    %lt3A_1693 = arith.cmpi slt, %get3A_1686, %add3A_6 : vector<16xi32>
    %and3A_1694 = arith.andi %lt3A_1692, %lt3A_1693 : vector<16xi1>
    %convert_element_type3A_1695 = arith.extui %and3A_1694 : vector<16xi1> to vector<16xi32>
    %add3A_1696 = arith.addi %add3A_1684, %convert_element_type3A_1695 : vector<16xi32>
    %get3A_1697 = arith.constant 0 : index
    %get3A_1698 = tpu.vector_load %arg18[%get3A_1697] {strides = array<i32>} : memref<96xi32, #tpu.memory_space<vmem>>, vector<16xi32>,
    %add3A_1699 = arith.constant 4 : i32
    %add3A_1700 = vector.broadcast %add3A_1699 : i32 to vector<16xi32>
    %add3A_1701 = arith.addi %min3A_1230, %add3A_1700 : vector<16xi32>
    %lt3A_1702 = arith.constant 100000 : i32
    %lt3A_1703 = vector.broadcast %lt3A_1702 : i32 to vector<16xi32>
    %lt3A_1704 = arith.cmpi slt, %add3A_1701, %lt3A_1703 : vector<16xi32>
    %lt3A_1705 = arith.cmpi slt, %get3A_1698, %add3A_6 : vector<16xi32>
    %and3A_1706 = arith.andi %lt3A_1704, %lt3A_1705 : vector<16xi1>
    %convert_element_type3A_1707 = arith.extui %and3A_1706 : vector<16xi1> to vector<16xi32>
    %add3A_1708 = arith.addi %add3A_1696, %convert_element_type3A_1707 : vector<16xi32>
    %get3A_1709 = arith.constant 0 : index
    %get3A_1710 = tpu.vector_load %arg19[%get3A_1709] {strides = array<i32>} : memref<96xi32, #tpu.memory_space<vmem>>, vector<16xi32>,
    %add3A_1711 = arith.constant 5 : i32
    %add3A_1712 = vector.broadcast %add3A_1711 : i32 to vector<16xi32>
    %add3A_1713 = arith.addi %min3A_1230, %add3A_1712 : vector<16xi32>
    %lt3A_1714 = arith.constant 100000 : i32
    %lt3A_1715 = vector.broadcast %lt3A_1714 : i32 to vector<16xi32>
    %lt3A_1716 = arith.cmpi slt, %add3A_1713, %lt3A_1715 : vector<16xi32>
    %lt3A_1717 = arith.cmpi slt, %get3A_1710, %add3A_6 : vector<16xi32>
    %and3A_1718 = arith.andi %lt3A_1716, %lt3A_1717 : vector<16xi1>
    %convert_element_type3A_1719 = arith.extui %and3A_1718 : vector<16xi1> to vector<16xi32>
    %add3A_1720 = arith.addi %add3A_1708, %convert_element_type3A_1719 : vector<16xi32>
    %get3A_1721 = arith.constant 0 : index
    %get3A_1722 = tpu.vector_load %arg20[%get3A_1721] {strides = array<i32>} : memref<96xi32, #tpu.memory_space<vmem>>, vector<16xi32>,
    %add3A_1723 = arith.constant 6 : i32
    %add3A_1724 = vector.broadcast %add3A_1723 : i32 to vector<16xi32>
    %add3A_1725 = arith.addi %min3A_1230, %add3A_1724 : vector<16xi32>
    %lt3A_1726 = arith.constant 100000 : i32
    %lt3A_1727 = vector.broadcast %lt3A_1726 : i32 to vector<16xi32>
    %lt3A_1728 = arith.cmpi slt, %add3A_1725, %lt3A_1727 : vector<16xi32>
    %lt3A_1729 = arith.cmpi slt, %get3A_1722, %add3A_6 : vector<16xi32>
    %and3A_1730 = arith.andi %lt3A_1728, %lt3A_1729 : vector<16xi1>
    %convert_element_type3A_1731 = arith.extui %and3A_1730 : vector<16xi1> to vector<16xi32>
    %add3A_1732 = arith.addi %add3A_1720, %convert_element_type3A_1731 : vector<16xi32>
    %swap3A_1733 = arith.constant 0 : index
    %swap3A_1734 = tpu.vector_load %arg6[%swap3A_1733] {strides = array<i32>} : memref<96xi32, #tpu.memory_space<vmem>>, vector<16xi32>,
    tpu.vector_store %arg6[%swap3A_1733], %add3A_1732 {strides = array<i32>} : memref<96xi32, #tpu.memory_space<vmem>>, vector<16xi32>,
    %get3A_1735 = arith.constant 16 : index
    %get3A_1736 = tpu.vector_load %arg14[%get3A_1735] {strides = array<i32>} : memref<96xi32, #tpu.memory_space<vmem>>, vector<16xi32>,
    %add3A_1737 = arith.constant 0 : i32
    %add3A_1738 = vector.broadcast %add3A_1737 : i32 to vector<16xi32>
    %add3A_1739 = arith.addi %min3A_1242, %add3A_1738 : vector<16xi32>
    %lt3A_1740 = arith.constant 100000 : i32
    %lt3A_1741 = vector.broadcast %lt3A_1740 : i32 to vector<16xi32>
    %lt3A_1742 = arith.cmpi slt, %add3A_1739, %lt3A_1741 : vector<16xi32>
    %lt3A_1743 = arith.cmpi slt, %get3A_1736, %add3A_10 : vector<16xi32>
    %and3A_1744 = arith.andi %lt3A_1742, %lt3A_1743 : vector<16xi1>
    %convert_element_type3A_1745 = arith.extui %and3A_1744 : vector<16xi1> to vector<16xi32>
    %add3A_1746 = arith.addi %min3A_1242, %convert_element_type3A_1745 : vector<16xi32>
    %get3A_1747 = arith.constant 16 : index
    %get3A_1748 = tpu.vector_load %arg15[%get3A_1747] {strides = array<i32>} : memref<96xi32, #tpu.memory_space<vmem>>, vector<16xi32>,
    %add3A_1749 = arith.constant 1 : i32
    %add3A_1750 = vector.broadcast %add3A_1749 : i32 to vector<16xi32>
    %add3A_1751 = arith.addi %min3A_1242, %add3A_1750 : vector<16xi32>
    %lt3A_1752 = arith.constant 100000 : i32
    %lt3A_1753 = vector.broadcast %lt3A_1752 : i32 to vector<16xi32>
    %lt3A_1754 = arith.cmpi slt, %add3A_1751, %lt3A_1753 : vector<16xi32>
    %lt3A_1755 = arith.cmpi slt, %get3A_1748, %add3A_10 : vector<16xi32>
    %and3A_1756 = arith.andi %lt3A_1754, %lt3A_1755 : vector<16xi1>
    %convert_element_type3A_1757 = arith.extui %and3A_1756 : vector<16xi1> to vector<16xi32>
    %add3A_1758 = arith.addi %add3A_1746, %convert_element_type3A_1757 : vector<16xi32>
    %get3A_1759 = arith.constant 16 : index
    %get3A_1760 = tpu.vector_load %arg16[%get3A_1759] {strides = array<i32>} : memref<96xi32, #tpu.memory_space<vmem>>, vector<16xi32>,
    %add3A_1761 = arith.constant 2 : i32
    %add3A_1762 = vector.broadcast %add3A_1761 : i32 to vector<16xi32>
    %add3A_1763 = arith.addi %min3A_1242, %add3A_1762 : vector<16xi32>
    %lt3A_1764 = arith.constant 100000 : i32
    %lt3A_1765 = vector.broadcast %lt3A_1764 : i32 to vector<16xi32>
    %lt3A_1766 = arith.cmpi slt, %add3A_1763, %lt3A_1765 : vector<16xi32>
    %lt3A_1767 = arith.cmpi slt, %get3A_1760, %add3A_10 : vector<16xi32>
    %and3A_1768 = arith.andi %lt3A_1766, %lt3A_1767 : vector<16xi1>
    %convert_element_type3A_1769 = arith.extui %and3A_1768 : vector<16xi1> to vector<16xi32>
    %add3A_1770 = arith.addi %add3A_1758, %convert_element_type3A_1769 : vector<16xi32>
    %get3A_1771 = arith.constant 16 : index
    %get3A_1772 = tpu.vector_load %arg17[%get3A_1771] {strides = array<i32>} : memref<96xi32, #tpu.memory_space<vmem>>, vector<16xi32>,
    %add3A_1773 = arith.constant 3 : i32
    %add3A_1774 = vector.broadcast %add3A_1773 : i32 to vector<16xi32>
    %add3A_1775 = arith.addi %min3A_1242, %add3A_1774 : vector<16xi32>
    %lt3A_1776 = arith.constant 100000 : i32
    %lt3A_1777 = vector.broadcast %lt3A_1776 : i32 to vector<16xi32>
    %lt3A_1778 = arith.cmpi slt, %add3A_1775, %lt3A_1777 : vector<16xi32>
    %lt3A_1779 = arith.cmpi slt, %get3A_1772, %add3A_10 : vector<16xi32>
    %and3A_1780 = arith.andi %lt3A_1778, %lt3A_1779 : vector<16xi1>
    %convert_element_type3A_1781 = arith.extui %and3A_1780 : vector<16xi1> to vector<16xi32>
    %add3A_1782 = arith.addi %add3A_1770, %convert_element_type3A_1781 : vector<16xi32>
    %get3A_1783 = arith.constant 16 : index
    %get3A_1784 = tpu.vector_load %arg18[%get3A_1783] {strides = array<i32>} : memref<96xi32, #tpu.memory_space<vmem>>, vector<16xi32>,
    %add3A_1785 = arith.constant 4 : i32
    %add3A_1786 = vector.broadcast %add3A_1785 : i32 to vector<16xi32>
    %add3A_1787 = arith.addi %min3A_1242, %add3A_1786 : vector<16xi32>
    %lt3A_1788 = arith.constant 100000 : i32
    %lt3A_1789 = vector.broadcast %lt3A_1788 : i32 to vector<16xi32>
    %lt3A_1790 = arith.cmpi slt, %add3A_1787, %lt3A_1789 : vector<16xi32>
    %lt3A_1791 = arith.cmpi slt, %get3A_1784, %add3A_10 : vector<16xi32>
    %and3A_1792 = arith.andi %lt3A_1790, %lt3A_1791 : vector<16xi1>
    %convert_element_type3A_1793 = arith.extui %and3A_1792 : vector<16xi1> to vector<16xi32>
    %add3A_1794 = arith.addi %add3A_1782, %convert_element_type3A_1793 : vector<16xi32>
    %get3A_1795 = arith.constant 16 : index
    %get3A_1796 = tpu.vector_load %arg19[%get3A_1795] {strides = array<i32>} : memref<96xi32, #tpu.memory_space<vmem>>, vector<16xi32>,
    %add3A_1797 = arith.constant 5 : i32
    %add3A_1798 = vector.broadcast %add3A_1797 : i32 to vector<16xi32>
    %add3A_1799 = arith.addi %min3A_1242, %add3A_1798 : vector<16xi32>
    %lt3A_1800 = arith.constant 100000 : i32
    %lt3A_1801 = vector.broadcast %lt3A_1800 : i32 to vector<16xi32>
    %lt3A_1802 = arith.cmpi slt, %add3A_1799, %lt3A_1801 : vector<16xi32>
    %lt3A_1803 = arith.cmpi slt, %get3A_1796, %add3A_10 : vector<16xi32>
    %and3A_1804 = arith.andi %lt3A_1802, %lt3A_1803 : vector<16xi1>
    %convert_element_type3A_1805 = arith.extui %and3A_1804 : vector<16xi1> to vector<16xi32>
    %add3A_1806 = arith.addi %add3A_1794, %convert_element_type3A_1805 : vector<16xi32>
    %get3A_1807 = arith.constant 16 : index
    %get3A_1808 = tpu.vector_load %arg20[%get3A_1807] {strides = array<i32>} : memref<96xi32, #tpu.memory_space<vmem>>, vector<16xi32>,
    %add3A_1809 = arith.constant 6 : i32
    %add3A_1810 = vector.broadcast %add3A_1809 : i32 to vector<16xi32>
    %add3A_1811 = arith.addi %min3A_1242, %add3A_1810 : vector<16xi32>
    %lt3A_1812 = arith.constant 100000 : i32
    %lt3A_1813 = vector.broadcast %lt3A_1812 : i32 to vector<16xi32>
    %lt3A_1814 = arith.cmpi slt, %add3A_1811, %lt3A_1813 : vector<16xi32>
    %lt3A_1815 = arith.cmpi slt, %get3A_1808, %add3A_10 : vector<16xi32>
    %and3A_1816 = arith.andi %lt3A_1814, %lt3A_1815 : vector<16xi1>
    %convert_element_type3A_1817 = arith.extui %and3A_1816 : vector<16xi1> to vector<16xi32>
    %add3A_1818 = arith.addi %add3A_1806, %convert_element_type3A_1817 : vector<16xi32>
    %swap3A_1819 = arith.constant 16 : index
    %swap3A_1820 = tpu.vector_load %arg6[%swap3A_1819] {strides = array<i32>} : memref<96xi32, #tpu.memory_space<vmem>>, vector<16xi32>,
    tpu.vector_store %arg6[%swap3A_1819], %add3A_1818 {strides = array<i32>} : memref<96xi32, #tpu.memory_space<vmem>>, vector<16xi32>,
    %get3A_1821 = arith.constant 32 : index
    %get3A_1822 = tpu.vector_load %arg14[%get3A_1821] {strides = array<i32>} : memref<96xi32, #tpu.memory_space<vmem>>, vector<16xi32>,
    %add3A_1823 = arith.constant 0 : i32
    %add3A_1824 = vector.broadcast %add3A_1823 : i32 to vector<16xi32>
    %add3A_1825 = arith.addi %min3A_1254, %add3A_1824 : vector<16xi32>
    %lt3A_1826 = arith.constant 100000 : i32
    %lt3A_1827 = vector.broadcast %lt3A_1826 : i32 to vector<16xi32>
    %lt3A_1828 = arith.cmpi slt, %add3A_1825, %lt3A_1827 : vector<16xi32>
    %lt3A_1829 = arith.cmpi slt, %get3A_1822, %add3A_14 : vector<16xi32>
    %and3A_1830 = arith.andi %lt3A_1828, %lt3A_1829 : vector<16xi1>
    %convert_element_type3A_1831 = arith.extui %and3A_1830 : vector<16xi1> to vector<16xi32>
    %add3A_1832 = arith.addi %min3A_1254, %convert_element_type3A_1831 : vector<16xi32>
    %get3A_1833 = arith.constant 32 : index
    %get3A_1834 = tpu.vector_load %arg15[%get3A_1833] {strides = array<i32>} : memref<96xi32, #tpu.memory_space<vmem>>, vector<16xi32>,
    %add3A_1835 = arith.constant 1 : i32
    %add3A_1836 = vector.broadcast %add3A_1835 : i32 to vector<16xi32>
    %add3A_1837 = arith.addi %min3A_1254, %add3A_1836 : vector<16xi32>
    %lt3A_1838 = arith.constant 100000 : i32
    %lt3A_1839 = vector.broadcast %lt3A_1838 : i32 to vector<16xi32>
    %lt3A_1840 = arith.cmpi slt, %add3A_1837, %lt3A_1839 : vector<16xi32>
    %lt3A_1841 = arith.cmpi slt, %get3A_1834, %add3A_14 : vector<16xi32>
    %and3A_1842 = arith.andi %lt3A_1840, %lt3A_1841 : vector<16xi1>
    %convert_element_type3A_1843 = arith.extui %and3A_1842 : vector<16xi1> to vector<16xi32>
    %add3A_1844 = arith.addi %add3A_1832, %convert_element_type3A_1843 : vector<16xi32>
    %get3A_1845 = arith.constant 32 : index
    %get3A_1846 = tpu.vector_load %arg16[%get3A_1845] {strides = array<i32>} : memref<96xi32, #tpu.memory_space<vmem>>, vector<16xi32>,
    %add3A_1847 = arith.constant 2 : i32
    %add3A_1848 = vector.broadcast %add3A_1847 : i32 to vector<16xi32>
    %add3A_1849 = arith.addi %min3A_1254, %add3A_1848 : vector<16xi32>
    %lt3A_1850 = arith.constant 100000 : i32
    %lt3A_1851 = vector.broadcast %lt3A_1850 : i32 to vector<16xi32>
    %lt3A_1852 = arith.cmpi slt, %add3A_1849, %lt3A_1851 : vector<16xi32>
    %lt3A_1853 = arith.cmpi slt, %get3A_1846, %add3A_14 : vector<16xi32>
    %and3A_1854 = arith.andi %lt3A_1852, %lt3A_1853 : vector<16xi1>
    %convert_element_type3A_1855 = arith.extui %and3A_1854 : vector<16xi1> to vector<16xi32>
    %add3A_1856 = arith.addi %add3A_1844, %convert_element_type3A_1855 : vector<16xi32>
    %get3A_1857 = arith.constant 32 : index
    %get3A_1858 = tpu.vector_load %arg17[%get3A_1857] {strides = array<i32>} : memref<96xi32, #tpu.memory_space<vmem>>, vector<16xi32>,
    %add3A_1859 = arith.constant 3 : i32
    %add3A_1860 = vector.broadcast %add3A_1859 : i32 to vector<16xi32>
    %add3A_1861 = arith.addi %min3A_1254, %add3A_1860 : vector<16xi32>
    %lt3A_1862 = arith.constant 100000 : i32
    %lt3A_1863 = vector.broadcast %lt3A_1862 : i32 to vector<16xi32>
    %lt3A_1864 = arith.cmpi slt, %add3A_1861, %lt3A_1863 : vector<16xi32>
    %lt3A_1865 = arith.cmpi slt, %get3A_1858, %add3A_14 : vector<16xi32>
    %and3A_1866 = arith.andi %lt3A_1864, %lt3A_1865 : vector<16xi1>
    %convert_element_type3A_1867 = arith.extui %and3A_1866 : vector<16xi1> to vector<16xi32>
    %add3A_1868 = arith.addi %add3A_1856, %convert_element_type3A_1867 : vector<16xi32>
    %get3A_1869 = arith.constant 32 : index
    %get3A_1870 = tpu.vector_load %arg18[%get3A_1869] {strides = array<i32>} : memref<96xi32, #tpu.memory_space<vmem>>, vector<16xi32>,
    %add3A_1871 = arith.constant 4 : i32
    %add3A_1872 = vector.broadcast %add3A_1871 : i32 to vector<16xi32>
    %add3A_1873 = arith.addi %min3A_1254, %add3A_1872 : vector<16xi32>
    %lt3A_1874 = arith.constant 100000 : i32
    %lt3A_1875 = vector.broadcast %lt3A_1874 : i32 to vector<16xi32>
    %lt3A_1876 = arith.cmpi slt, %add3A_1873, %lt3A_1875 : vector<16xi32>
    %lt3A_1877 = arith.cmpi slt, %get3A_1870, %add3A_14 : vector<16xi32>
    %and3A_1878 = arith.andi %lt3A_1876, %lt3A_1877 : vector<16xi1>
    %convert_element_type3A_1879 = arith.extui %and3A_1878 : vector<16xi1> to vector<16xi32>
    %add3A_1880 = arith.addi %add3A_1868, %convert_element_type3A_1879 : vector<16xi32>
    %get3A_1881 = arith.constant 32 : index
    %get3A_1882 = tpu.vector_load %arg19[%get3A_1881] {strides = array<i32>} : memref<96xi32, #tpu.memory_space<vmem>>, vector<16xi32>,
    %add3A_1883 = arith.constant 5 : i32
    %add3A_1884 = vector.broadcast %add3A_1883 : i32 to vector<16xi32>
    %add3A_1885 = arith.addi %min3A_1254, %add3A_1884 : vector<16xi32>
    %lt3A_1886 = arith.constant 100000 : i32
    %lt3A_1887 = vector.broadcast %lt3A_1886 : i32 to vector<16xi32>
    %lt3A_1888 = arith.cmpi slt, %add3A_1885, %lt3A_1887 : vector<16xi32>
    %lt3A_1889 = arith.cmpi slt, %get3A_1882, %add3A_14 : vector<16xi32>
    %and3A_1890 = arith.andi %lt3A_1888, %lt3A_1889 : vector<16xi1>
    %convert_element_type3A_1891 = arith.extui %and3A_1890 : vector<16xi1> to vector<16xi32>
    %add3A_1892 = arith.addi %add3A_1880, %convert_element_type3A_1891 : vector<16xi32>
    %get3A_1893 = arith.constant 32 : index
    %get3A_1894 = tpu.vector_load %arg20[%get3A_1893] {strides = array<i32>} : memref<96xi32, #tpu.memory_space<vmem>>, vector<16xi32>,
    %add3A_1895 = arith.constant 6 : i32
    %add3A_1896 = vector.broadcast %add3A_1895 : i32 to vector<16xi32>
    %add3A_1897 = arith.addi %min3A_1254, %add3A_1896 : vector<16xi32>
    %lt3A_1898 = arith.constant 100000 : i32
    %lt3A_1899 = vector.broadcast %lt3A_1898 : i32 to vector<16xi32>
    %lt3A_1900 = arith.cmpi slt, %add3A_1897, %lt3A_1899 : vector<16xi32>
    %lt3A_1901 = arith.cmpi slt, %get3A_1894, %add3A_14 : vector<16xi32>
    %and3A_1902 = arith.andi %lt3A_1900, %lt3A_1901 : vector<16xi1>
    %convert_element_type3A_1903 = arith.extui %and3A_1902 : vector<16xi1> to vector<16xi32>
    %add3A_1904 = arith.addi %add3A_1892, %convert_element_type3A_1903 : vector<16xi32>
    %swap3A_1905 = arith.constant 32 : index
    %swap3A_1906 = tpu.vector_load %arg6[%swap3A_1905] {strides = array<i32>} : memref<96xi32, #tpu.memory_space<vmem>>, vector<16xi32>,
    tpu.vector_store %arg6[%swap3A_1905], %add3A_1904 {strides = array<i32>} : memref<96xi32, #tpu.memory_space<vmem>>, vector<16xi32>,
    %get3A_1907 = arith.constant 48 : index
    %get3A_1908 = tpu.vector_load %arg14[%get3A_1907] {strides = array<i32>} : memref<96xi32, #tpu.memory_space<vmem>>, vector<16xi32>,
    %add3A_1909 = arith.constant 0 : i32
    %add3A_1910 = vector.broadcast %add3A_1909 : i32 to vector<16xi32>
    %add3A_1911 = arith.addi %min3A_1266, %add3A_1910 : vector<16xi32>
    %lt3A_1912 = arith.constant 100000 : i32
    %lt3A_1913 = vector.broadcast %lt3A_1912 : i32 to vector<16xi32>
    %lt3A_1914 = arith.cmpi slt, %add3A_1911, %lt3A_1913 : vector<16xi32>
    %lt3A_1915 = arith.cmpi slt, %get3A_1908, %add3A_18 : vector<16xi32>
    %and3A_1916 = arith.andi %lt3A_1914, %lt3A_1915 : vector<16xi1>
    %convert_element_type3A_1917 = arith.extui %and3A_1916 : vector<16xi1> to vector<16xi32>
    %add3A_1918 = arith.addi %min3A_1266, %convert_element_type3A_1917 : vector<16xi32>
    %get3A_1919 = arith.constant 48 : index
    %get3A_1920 = tpu.vector_load %arg15[%get3A_1919] {strides = array<i32>} : memref<96xi32, #tpu.memory_space<vmem>>, vector<16xi32>,
    %add3A_1921 = arith.constant 1 : i32
    %add3A_1922 = vector.broadcast %add3A_1921 : i32 to vector<16xi32>
    %add3A_1923 = arith.addi %min3A_1266, %add3A_1922 : vector<16xi32>
    %lt3A_1924 = arith.constant 100000 : i32
    %lt3A_1925 = vector.broadcast %lt3A_1924 : i32 to vector<16xi32>
    %lt3A_1926 = arith.cmpi slt, %add3A_1923, %lt3A_1925 : vector<16xi32>
    %lt3A_1927 = arith.cmpi slt, %get3A_1920, %add3A_18 : vector<16xi32>
    %and3A_1928 = arith.andi %lt3A_1926, %lt3A_1927 : vector<16xi1>
    %convert_element_type3A_1929 = arith.extui %and3A_1928 : vector<16xi1> to vector<16xi32>
    %add3A_1930 = arith.addi %add3A_1918, %convert_element_type3A_1929 : vector<16xi32>
    %get3A_1931 = arith.constant 48 : index
    %get3A_1932 = tpu.vector_load %arg16[%get3A_1931] {strides = array<i32>} : memref<96xi32, #tpu.memory_space<vmem>>, vector<16xi32>,
    %add3A_1933 = arith.constant 2 : i32
    %add3A_1934 = vector.broadcast %add3A_1933 : i32 to vector<16xi32>
    %add3A_1935 = arith.addi %min3A_1266, %add3A_1934 : vector<16xi32>
    %lt3A_1936 = arith.constant 100000 : i32
    %lt3A_1937 = vector.broadcast %lt3A_1936 : i32 to vector<16xi32>
    %lt3A_1938 = arith.cmpi slt, %add3A_1935, %lt3A_1937 : vector<16xi32>
    %lt3A_1939 = arith.cmpi slt, %get3A_1932, %add3A_18 : vector<16xi32>
    %and3A_1940 = arith.andi %lt3A_1938, %lt3A_1939 : vector<16xi1>
    %convert_element_type3A_1941 = arith.extui %and3A_1940 : vector<16xi1> to vector<16xi32>
    %add3A_1942 = arith.addi %add3A_1930, %convert_element_type3A_1941 : vector<16xi32>
    %get3A_1943 = arith.constant 48 : index
    %get3A_1944 = tpu.vector_load %arg17[%get3A_1943] {strides = array<i32>} : memref<96xi32, #tpu.memory_space<vmem>>, vector<16xi32>,
    %add3A_1945 = arith.constant 3 : i32
    %add3A_1946 = vector.broadcast %add3A_1945 : i32 to vector<16xi32>
    %add3A_1947 = arith.addi %min3A_1266, %add3A_1946 : vector<16xi32>
    %lt3A_1948 = arith.constant 100000 : i32
    %lt3A_1949 = vector.broadcast %lt3A_1948 : i32 to vector<16xi32>
    %lt3A_1950 = arith.cmpi slt, %add3A_1947, %lt3A_1949 : vector<16xi32>
    %lt3A_1951 = arith.cmpi slt, %get3A_1944, %add3A_18 : vector<16xi32>
    %and3A_1952 = arith.andi %lt3A_1950, %lt3A_1951 : vector<16xi1>
    %convert_element_type3A_1953 = arith.extui %and3A_1952 : vector<16xi1> to vector<16xi32>
    %add3A_1954 = arith.addi %add3A_1942, %convert_element_type3A_1953 : vector<16xi32>
    %get3A_1955 = arith.constant 48 : index
    %get3A_1956 = tpu.vector_load %arg18[%get3A_1955] {strides = array<i32>} : memref<96xi32, #tpu.memory_space<vmem>>, vector<16xi32>,
    %add3A_1957 = arith.constant 4 : i32
    %add3A_1958 = vector.broadcast %add3A_1957 : i32 to vector<16xi32>
    %add3A_1959 = arith.addi %min3A_1266, %add3A_1958 : vector<16xi32>
    %lt3A_1960 = arith.constant 100000 : i32
    %lt3A_1961 = vector.broadcast %lt3A_1960 : i32 to vector<16xi32>
    %lt3A_1962 = arith.cmpi slt, %add3A_1959, %lt3A_1961 : vector<16xi32>
    %lt3A_1963 = arith.cmpi slt, %get3A_1956, %add3A_18 : vector<16xi32>
    %and3A_1964 = arith.andi %lt3A_1962, %lt3A_1963 : vector<16xi1>
    %convert_element_type3A_1965 = arith.extui %and3A_1964 : vector<16xi1> to vector<16xi32>
    %add3A_1966 = arith.addi %add3A_1954, %convert_element_type3A_1965 : vector<16xi32>
    %get3A_1967 = arith.constant 48 : index
    %get3A_1968 = tpu.vector_load %arg19[%get3A_1967] {strides = array<i32>} : memref<96xi32, #tpu.memory_space<vmem>>, vector<16xi32>,
    %add3A_1969 = arith.constant 5 : i32
    %add3A_1970 = vector.broadcast %add3A_1969 : i32 to vector<16xi32>
    %add3A_1971 = arith.addi %min3A_1266, %add3A_1970 : vector<16xi32>
    %lt3A_1972 = arith.constant 100000 : i32
    %lt3A_1973 = vector.broadcast %lt3A_1972 : i32 to vector<16xi32>
    %lt3A_1974 = arith.cmpi slt, %add3A_1971, %lt3A_1973 : vector<16xi32>
    %lt3A_1975 = arith.cmpi slt, %get3A_1968, %add3A_18 : vector<16xi32>
    %and3A_1976 = arith.andi %lt3A_1974, %lt3A_1975 : vector<16xi1>
    %convert_element_type3A_1977 = arith.extui %and3A_1976 : vector<16xi1> to vector<16xi32>
    %add3A_1978 = arith.addi %add3A_1966, %convert_element_type3A_1977 : vector<16xi32>
    %get3A_1979 = arith.constant 48 : index
    %get3A_1980 = tpu.vector_load %arg20[%get3A_1979] {strides = array<i32>} : memref<96xi32, #tpu.memory_space<vmem>>, vector<16xi32>,
    %add3A_1981 = arith.constant 6 : i32
    %add3A_1982 = vector.broadcast %add3A_1981 : i32 to vector<16xi32>
    %add3A_1983 = arith.addi %min3A_1266, %add3A_1982 : vector<16xi32>
    %lt3A_1984 = arith.constant 100000 : i32
    %lt3A_1985 = vector.broadcast %lt3A_1984 : i32 to vector<16xi32>
    %lt3A_1986 = arith.cmpi slt, %add3A_1983, %lt3A_1985 : vector<16xi32>
    %lt3A_1987 = arith.cmpi slt, %get3A_1980, %add3A_18 : vector<16xi32>
    %and3A_1988 = arith.andi %lt3A_1986, %lt3A_1987 : vector<16xi1>
    %convert_element_type3A_1989 = arith.extui %and3A_1988 : vector<16xi1> to vector<16xi32>
    %add3A_1990 = arith.addi %add3A_1978, %convert_element_type3A_1989 : vector<16xi32>
    %swap3A_1991 = arith.constant 48 : index
    %swap3A_1992 = tpu.vector_load %arg6[%swap3A_1991] {strides = array<i32>} : memref<96xi32, #tpu.memory_space<vmem>>, vector<16xi32>,
    tpu.vector_store %arg6[%swap3A_1991], %add3A_1990 {strides = array<i32>} : memref<96xi32, #tpu.memory_space<vmem>>, vector<16xi32>,
    %get3A_1993 = arith.constant 64 : index
    %get3A_1994 = tpu.vector_load %arg14[%get3A_1993] {strides = array<i32>} : memref<96xi32, #tpu.memory_space<vmem>>, vector<16xi32>,
    %add3A_1995 = arith.constant 0 : i32
    %add3A_1996 = vector.broadcast %add3A_1995 : i32 to vector<16xi32>
    %add3A_1997 = arith.addi %min3A_1278, %add3A_1996 : vector<16xi32>
    %lt3A_1998 = arith.constant 100000 : i32
    %lt3A_1999 = vector.broadcast %lt3A_1998 : i32 to vector<16xi32>
    %lt3A_2000 = arith.cmpi slt, %add3A_1997, %lt3A_1999 : vector<16xi32>
    %lt3A_2001 = arith.cmpi slt, %get3A_1994, %add3A_22 : vector<16xi32>
    %and3A_2002 = arith.andi %lt3A_2000, %lt3A_2001 : vector<16xi1>
    %convert_element_type3A_2003 = arith.extui %and3A_2002 : vector<16xi1> to vector<16xi32>
    %add3A_2004 = arith.addi %min3A_1278, %convert_element_type3A_2003 : vector<16xi32>
    %get3A_2005 = arith.constant 64 : index
    %get3A_2006 = tpu.vector_load %arg15[%get3A_2005] {strides = array<i32>} : memref<96xi32, #tpu.memory_space<vmem>>, vector<16xi32>,
    %add3A_2007 = arith.constant 1 : i32
    %add3A_2008 = vector.broadcast %add3A_2007 : i32 to vector<16xi32>
    %add3A_2009 = arith.addi %min3A_1278, %add3A_2008 : vector<16xi32>
    %lt3A_2010 = arith.constant 100000 : i32
    %lt3A_2011 = vector.broadcast %lt3A_2010 : i32 to vector<16xi32>
    %lt3A_2012 = arith.cmpi slt, %add3A_2009, %lt3A_2011 : vector<16xi32>
    %lt3A_2013 = arith.cmpi slt, %get3A_2006, %add3A_22 : vector<16xi32>
    %and3A_2014 = arith.andi %lt3A_2012, %lt3A_2013 : vector<16xi1>
    %convert_element_type3A_2015 = arith.extui %and3A_2014 : vector<16xi1> to vector<16xi32>
    %add3A_2016 = arith.addi %add3A_2004, %convert_element_type3A_2015 : vector<16xi32>
    %get3A_2017 = arith.constant 64 : index
    %get3A_2018 = tpu.vector_load %arg16[%get3A_2017] {strides = array<i32>} : memref<96xi32, #tpu.memory_space<vmem>>, vector<16xi32>,
    %add3A_2019 = arith.constant 2 : i32
    %add3A_2020 = vector.broadcast %add3A_2019 : i32 to vector<16xi32>
    %add3A_2021 = arith.addi %min3A_1278, %add3A_2020 : vector<16xi32>
    %lt3A_2022 = arith.constant 100000 : i32
    %lt3A_2023 = vector.broadcast %lt3A_2022 : i32 to vector<16xi32>
    %lt3A_2024 = arith.cmpi slt, %add3A_2021, %lt3A_2023 : vector<16xi32>
    %lt3A_2025 = arith.cmpi slt, %get3A_2018, %add3A_22 : vector<16xi32>
    %and3A_2026 = arith.andi %lt3A_2024, %lt3A_2025 : vector<16xi1>
    %convert_element_type3A_2027 = arith.extui %and3A_2026 : vector<16xi1> to vector<16xi32>
    %add3A_2028 = arith.addi %add3A_2016, %convert_element_type3A_2027 : vector<16xi32>
    %get3A_2029 = arith.constant 64 : index
    %get3A_2030 = tpu.vector_load %arg17[%get3A_2029] {strides = array<i32>} : memref<96xi32, #tpu.memory_space<vmem>>, vector<16xi32>,
    %add3A_2031 = arith.constant 3 : i32
    %add3A_2032 = vector.broadcast %add3A_2031 : i32 to vector<16xi32>
    %add3A_2033 = arith.addi %min3A_1278, %add3A_2032 : vector<16xi32>
    %lt3A_2034 = arith.constant 100000 : i32
    %lt3A_2035 = vector.broadcast %lt3A_2034 : i32 to vector<16xi32>
    %lt3A_2036 = arith.cmpi slt, %add3A_2033, %lt3A_2035 : vector<16xi32>
    %lt3A_2037 = arith.cmpi slt, %get3A_2030, %add3A_22 : vector<16xi32>
    %and3A_2038 = arith.andi %lt3A_2036, %lt3A_2037 : vector<16xi1>
    %convert_element_type3A_2039 = arith.extui %and3A_2038 : vector<16xi1> to vector<16xi32>
    %add3A_2040 = arith.addi %add3A_2028, %convert_element_type3A_2039 : vector<16xi32>
    %get3A_2041 = arith.constant 64 : index
    %get3A_2042 = tpu.vector_load %arg18[%get3A_2041] {strides = array<i32>} : memref<96xi32, #tpu.memory_space<vmem>>, vector<16xi32>,
    %add3A_2043 = arith.constant 4 : i32
    %add3A_2044 = vector.broadcast %add3A_2043 : i32 to vector<16xi32>
    %add3A_2045 = arith.addi %min3A_1278, %add3A_2044 : vector<16xi32>
    %lt3A_2046 = arith.constant 100000 : i32
    %lt3A_2047 = vector.broadcast %lt3A_2046 : i32 to vector<16xi32>
    %lt3A_2048 = arith.cmpi slt, %add3A_2045, %lt3A_2047 : vector<16xi32>
    %lt3A_2049 = arith.cmpi slt, %get3A_2042, %add3A_22 : vector<16xi32>
    %and3A_2050 = arith.andi %lt3A_2048, %lt3A_2049 : vector<16xi1>
    %convert_element_type3A_2051 = arith.extui %and3A_2050 : vector<16xi1> to vector<16xi32>
    %add3A_2052 = arith.addi %add3A_2040, %convert_element_type3A_2051 : vector<16xi32>
    %get3A_2053 = arith.constant 64 : index
    %get3A_2054 = tpu.vector_load %arg19[%get3A_2053] {strides = array<i32>} : memref<96xi32, #tpu.memory_space<vmem>>, vector<16xi32>,
    %add3A_2055 = arith.constant 5 : i32
    %add3A_2056 = vector.broadcast %add3A_2055 : i32 to vector<16xi32>
    %add3A_2057 = arith.addi %min3A_1278, %add3A_2056 : vector<16xi32>
    %lt3A_2058 = arith.constant 100000 : i32
    %lt3A_2059 = vector.broadcast %lt3A_2058 : i32 to vector<16xi32>
    %lt3A_2060 = arith.cmpi slt, %add3A_2057, %lt3A_2059 : vector<16xi32>
    %lt3A_2061 = arith.cmpi slt, %get3A_2054, %add3A_22 : vector<16xi32>
    %and3A_2062 = arith.andi %lt3A_2060, %lt3A_2061 : vector<16xi1>
    %convert_element_type3A_2063 = arith.extui %and3A_2062 : vector<16xi1> to vector<16xi32>
    %add3A_2064 = arith.addi %add3A_2052, %convert_element_type3A_2063 : vector<16xi32>
    %get3A_2065 = arith.constant 64 : index
    %get3A_2066 = tpu.vector_load %arg20[%get3A_2065] {strides = array<i32>} : memref<96xi32, #tpu.memory_space<vmem>>, vector<16xi32>,
    %add3A_2067 = arith.constant 6 : i32
    %add3A_2068 = vector.broadcast %add3A_2067 : i32 to vector<16xi32>
    %add3A_2069 = arith.addi %min3A_1278, %add3A_2068 : vector<16xi32>
    %lt3A_2070 = arith.constant 100000 : i32
    %lt3A_2071 = vector.broadcast %lt3A_2070 : i32 to vector<16xi32>
    %lt3A_2072 = arith.cmpi slt, %add3A_2069, %lt3A_2071 : vector<16xi32>
    %lt3A_2073 = arith.cmpi slt, %get3A_2066, %add3A_22 : vector<16xi32>
    %and3A_2074 = arith.andi %lt3A_2072, %lt3A_2073 : vector<16xi1>
    %convert_element_type3A_2075 = arith.extui %and3A_2074 : vector<16xi1> to vector<16xi32>
    %add3A_2076 = arith.addi %add3A_2064, %convert_element_type3A_2075 : vector<16xi32>
    %swap3A_2077 = arith.constant 64 : index
    %swap3A_2078 = tpu.vector_load %arg6[%swap3A_2077] {strides = array<i32>} : memref<96xi32, #tpu.memory_space<vmem>>, vector<16xi32>,
    tpu.vector_store %arg6[%swap3A_2077], %add3A_2076 {strides = array<i32>} : memref<96xi32, #tpu.memory_space<vmem>>, vector<16xi32>,
    %get3A_2079 = arith.constant 80 : index
    %get3A_2080 = tpu.vector_load %arg14[%get3A_2079] {strides = array<i32>} : memref<96xi32, #tpu.memory_space<vmem>>, vector<16xi32>,
    %add3A_2081 = arith.constant 0 : i32
    %add3A_2082 = vector.broadcast %add3A_2081 : i32 to vector<16xi32>
    %add3A_2083 = arith.addi %min3A_1290, %add3A_2082 : vector<16xi32>
    %lt3A_2084 = arith.constant 100000 : i32
    %lt3A_2085 = vector.broadcast %lt3A_2084 : i32 to vector<16xi32>
    %lt3A_2086 = arith.cmpi slt, %add3A_2083, %lt3A_2085 : vector<16xi32>
    %lt3A_2087 = arith.cmpi slt, %get3A_2080, %add3A_26 : vector<16xi32>
    %and3A_2088 = arith.andi %lt3A_2086, %lt3A_2087 : vector<16xi1>
    %convert_element_type3A_2089 = arith.extui %and3A_2088 : vector<16xi1> to vector<16xi32>
    %add3A_2090 = arith.addi %min3A_1290, %convert_element_type3A_2089 : vector<16xi32>
    %get3A_2091 = arith.constant 80 : index
    %get3A_2092 = tpu.vector_load %arg15[%get3A_2091] {strides = array<i32>} : memref<96xi32, #tpu.memory_space<vmem>>, vector<16xi32>,
    %add3A_2093 = arith.constant 1 : i32
    %add3A_2094 = vector.broadcast %add3A_2093 : i32 to vector<16xi32>
    %add3A_2095 = arith.addi %min3A_1290, %add3A_2094 : vector<16xi32>
    %lt3A_2096 = arith.constant 100000 : i32
    %lt3A_2097 = vector.broadcast %lt3A_2096 : i32 to vector<16xi32>
    %lt3A_2098 = arith.cmpi slt, %add3A_2095, %lt3A_2097 : vector<16xi32>
    %lt3A_2099 = arith.cmpi slt, %get3A_2092, %add3A_26 : vector<16xi32>
    %and3A_2100 = arith.andi %lt3A_2098, %lt3A_2099 : vector<16xi1>
    %convert_element_type3A_2101 = arith.extui %and3A_2100 : vector<16xi1> to vector<16xi32>
    %add3A_2102 = arith.addi %add3A_2090, %convert_element_type3A_2101 : vector<16xi32>
    %get3A_2103 = arith.constant 80 : index
    %get3A_2104 = tpu.vector_load %arg16[%get3A_2103] {strides = array<i32>} : memref<96xi32, #tpu.memory_space<vmem>>, vector<16xi32>,
    %add3A_2105 = arith.constant 2 : i32
    %add3A_2106 = vector.broadcast %add3A_2105 : i32 to vector<16xi32>
    %add3A_2107 = arith.addi %min3A_1290, %add3A_2106 : vector<16xi32>
    %lt3A_2108 = arith.constant 100000 : i32
    %lt3A_2109 = vector.broadcast %lt3A_2108 : i32 to vector<16xi32>
    %lt3A_2110 = arith.cmpi slt, %add3A_2107, %lt3A_2109 : vector<16xi32>
    %lt3A_2111 = arith.cmpi slt, %get3A_2104, %add3A_26 : vector<16xi32>
    %and3A_2112 = arith.andi %lt3A_2110, %lt3A_2111 : vector<16xi1>
    %convert_element_type3A_2113 = arith.extui %and3A_2112 : vector<16xi1> to vector<16xi32>
    %add3A_2114 = arith.addi %add3A_2102, %convert_element_type3A_2113 : vector<16xi32>
    %get3A_2115 = arith.constant 80 : index
    %get3A_2116 = tpu.vector_load %arg17[%get3A_2115] {strides = array<i32>} : memref<96xi32, #tpu.memory_space<vmem>>, vector<16xi32>,
    %add3A_2117 = arith.constant 3 : i32
    %add3A_2118 = vector.broadcast %add3A_2117 : i32 to vector<16xi32>
    %add3A_2119 = arith.addi %min3A_1290, %add3A_2118 : vector<16xi32>
    %lt3A_2120 = arith.constant 100000 : i32
    %lt3A_2121 = vector.broadcast %lt3A_2120 : i32 to vector<16xi32>
    %lt3A_2122 = arith.cmpi slt, %add3A_2119, %lt3A_2121 : vector<16xi32>
    %lt3A_2123 = arith.cmpi slt, %get3A_2116, %add3A_26 : vector<16xi32>
    %and3A_2124 = arith.andi %lt3A_2122, %lt3A_2123 : vector<16xi1>
    %convert_element_type3A_2125 = arith.extui %and3A_2124 : vector<16xi1> to vector<16xi32>
    %add3A_2126 = arith.addi %add3A_2114, %convert_element_type3A_2125 : vector<16xi32>
    %get3A_2127 = arith.constant 80 : index
    %get3A_2128 = tpu.vector_load %arg18[%get3A_2127] {strides = array<i32>} : memref<96xi32, #tpu.memory_space<vmem>>, vector<16xi32>,
    %add3A_2129 = arith.constant 4 : i32
    %add3A_2130 = vector.broadcast %add3A_2129 : i32 to vector<16xi32>
    %add3A_2131 = arith.addi %min3A_1290, %add3A_2130 : vector<16xi32>
    %lt3A_2132 = arith.constant 100000 : i32
    %lt3A_2133 = vector.broadcast %lt3A_2132 : i32 to vector<16xi32>
    %lt3A_2134 = arith.cmpi slt, %add3A_2131, %lt3A_2133 : vector<16xi32>
    %lt3A_2135 = arith.cmpi slt, %get3A_2128, %add3A_26 : vector<16xi32>
    %and3A_2136 = arith.andi %lt3A_2134, %lt3A_2135 : vector<16xi1>
    %convert_element_type3A_2137 = arith.extui %and3A_2136 : vector<16xi1> to vector<16xi32>
    %add3A_2138 = arith.addi %add3A_2126, %convert_element_type3A_2137 : vector<16xi32>
    %get3A_2139 = arith.constant 80 : index
    %get3A_2140 = tpu.vector_load %arg19[%get3A_2139] {strides = array<i32>} : memref<96xi32, #tpu.memory_space<vmem>>, vector<16xi32>,
    %add3A_2141 = arith.constant 5 : i32
    %add3A_2142 = vector.broadcast %add3A_2141 : i32 to vector<16xi32>
    %add3A_2143 = arith.addi %min3A_1290, %add3A_2142 : vector<16xi32>
    %lt3A_2144 = arith.constant 100000 : i32
    %lt3A_2145 = vector.broadcast %lt3A_2144 : i32 to vector<16xi32>
    %lt3A_2146 = arith.cmpi slt, %add3A_2143, %lt3A_2145 : vector<16xi32>
    %lt3A_2147 = arith.cmpi slt, %get3A_2140, %add3A_26 : vector<16xi32>
    %and3A_2148 = arith.andi %lt3A_2146, %lt3A_2147 : vector<16xi1>
    %convert_element_type3A_2149 = arith.extui %and3A_2148 : vector<16xi1> to vector<16xi32>
    %add3A_2150 = arith.addi %add3A_2138, %convert_element_type3A_2149 : vector<16xi32>
    %get3A_2151 = arith.constant 80 : index
    %get3A_2152 = tpu.vector_load %arg20[%get3A_2151] {strides = array<i32>} : memref<96xi32, #tpu.memory_space<vmem>>, vector<16xi32>,
    %add3A_2153 = arith.constant 6 : i32
    %add3A_2154 = vector.broadcast %add3A_2153 : i32 to vector<16xi32>
    %add3A_2155 = arith.addi %min3A_1290, %add3A_2154 : vector<16xi32>
    %lt3A_2156 = arith.constant 100000 : i32
    %lt3A_2157 = vector.broadcast %lt3A_2156 : i32 to vector<16xi32>
    %lt3A_2158 = arith.cmpi slt, %add3A_2155, %lt3A_2157 : vector<16xi32>
    %lt3A_2159 = arith.cmpi slt, %get3A_2152, %add3A_26 : vector<16xi32>
    %and3A_2160 = arith.andi %lt3A_2158, %lt3A_2159 : vector<16xi1>
    %convert_element_type3A_2161 = arith.extui %and3A_2160 : vector<16xi1> to vector<16xi32>
    %add3A_2162 = arith.addi %add3A_2150, %convert_element_type3A_2161 : vector<16xi32>
    %swap3A_2163 = arith.constant 80 : index
    %swap3A_2164 = tpu.vector_load %arg6[%swap3A_2163] {strides = array<i32>} : memref<96xi32, #tpu.memory_space<vmem>>, vector<16xi32>,
    tpu.vector_store %arg6[%swap3A_2163], %add3A_2162 {strides = array<i32>} : memref<96xi32, #tpu.memory_space<vmem>>, vector<16xi32>,
    %broadcast_in_dim3A_2165 = arith.constant 0xFF800000 : f32
    %broadcast_in_dim3A_2166 = vector.broadcast %broadcast_in_dim3A_2165 : f32 to vector<16xf32>
    %swap3A_2167 = arith.constant 0 : i32
    %swap3A_2168 = arith.index_cast %swap3A_2167 : i32 to index
    %swap3A_2169 = arith.constant 0 : index
    %swap3A_2170 = tpu.vector_load %arg24[%swap3A_2168, %swap3A_2169] {strides = array<i32>} : memref<72x32xf32, #tpu.memory_space<vmem>>, vector<16xf32>,
    tpu.vector_store %arg24[%swap3A_2168, %swap3A_2169], %broadcast_in_dim3A_2166 {strides = array<i32>} : memref<72x32xf32, #tpu.memory_space<vmem>>, vector<16xf32>,
    %swap3A_2171 = arith.constant 0 : i32
    %swap3A_2172 = arith.index_cast %swap3A_2171 : i32 to index
    %swap3A_2173 = arith.constant 16 : index
    %swap3A_2174 = tpu.vector_load %arg24[%swap3A_2172, %swap3A_2173] {strides = array<i32>} : memref<72x32xf32, #tpu.memory_space<vmem>>, vector<16xf32>,
    tpu.vector_store %arg24[%swap3A_2172, %swap3A_2173], %broadcast_in_dim3A_2166 {strides = array<i32>} : memref<72x32xf32, #tpu.memory_space<vmem>>, vector<16xf32>,
    %swap3A_2175 = arith.constant 1 : i32
    %swap3A_2176 = arith.index_cast %swap3A_2175 : i32 to index
    %swap3A_2177 = arith.constant 0 : index
    %swap3A_2178 = tpu.vector_load %arg24[%swap3A_2176, %swap3A_2177] {strides = array<i32>} : memref<72x32xf32, #tpu.memory_space<vmem>>, vector<16xf32>,
    tpu.vector_store %arg24[%swap3A_2176, %swap3A_2177], %broadcast_in_dim3A_2166 {strides = array<i32>} : memref<72x32xf32, #tpu.memory_space<vmem>>, vector<16xf32>,
    %swap3A_2179 = arith.constant 1 : i32
    %swap3A_2180 = arith.index_cast %swap3A_2179 : i32 to index
    %swap3A_2181 = arith.constant 16 : index
    %swap3A_2182 = tpu.vector_load %arg24[%swap3A_2180, %swap3A_2181] {strides = array<i32>} : memref<72x32xf32, #tpu.memory_space<vmem>>, vector<16xf32>,
    tpu.vector_store %arg24[%swap3A_2180, %swap3A_2181], %broadcast_in_dim3A_2166 {strides = array<i32>} : memref<72x32xf32, #tpu.memory_space<vmem>>, vector<16xf32>,
    %swap3A_2183 = arith.constant 2 : i32
    %swap3A_2184 = arith.index_cast %swap3A_2183 : i32 to index
    %swap3A_2185 = arith.constant 0 : index
    %swap3A_2186 = tpu.vector_load %arg24[%swap3A_2184, %swap3A_2185] {strides = array<i32>} : memref<72x32xf32, #tpu.memory_space<vmem>>, vector<16xf32>,
    tpu.vector_store %arg24[%swap3A_2184, %swap3A_2185], %broadcast_in_dim3A_2166 {strides = array<i32>} : memref<72x32xf32, #tpu.memory_space<vmem>>, vector<16xf32>,
    %swap3A_2187 = arith.constant 2 : i32
    %swap3A_2188 = arith.index_cast %swap3A_2187 : i32 to index
    %swap3A_2189 = arith.constant 16 : index
    %swap3A_2190 = tpu.vector_load %arg24[%swap3A_2188, %swap3A_2189] {strides = array<i32>} : memref<72x32xf32, #tpu.memory_space<vmem>>, vector<16xf32>,
    tpu.vector_store %arg24[%swap3A_2188, %swap3A_2189], %broadcast_in_dim3A_2166 {strides = array<i32>} : memref<72x32xf32, #tpu.memory_space<vmem>>, vector<16xf32>,
    %swap3A_2191 = arith.constant 3 : i32
    %swap3A_2192 = arith.index_cast %swap3A_2191 : i32 to index
    %swap3A_2193 = arith.constant 0 : index
    %swap3A_2194 = tpu.vector_load %arg24[%swap3A_2192, %swap3A_2193] {strides = array<i32>} : memref<72x32xf32, #tpu.memory_space<vmem>>, vector<16xf32>,
    tpu.vector_store %arg24[%swap3A_2192, %swap3A_2193], %broadcast_in_dim3A_2166 {strides = array<i32>} : memref<72x32xf32, #tpu.memory_space<vmem>>, vector<16xf32>,
    %swap3A_2195 = arith.constant 3 : i32
    %swap3A_2196 = arith.index_cast %swap3A_2195 : i32 to index
    %swap3A_2197 = arith.constant 16 : index
    %swap3A_2198 = tpu.vector_load %arg24[%swap3A_2196, %swap3A_2197] {strides = array<i32>} : memref<72x32xf32, #tpu.memory_space<vmem>>, vector<16xf32>,
    tpu.vector_store %arg24[%swap3A_2196, %swap3A_2197], %broadcast_in_dim3A_2166 {strides = array<i32>} : memref<72x32xf32, #tpu.memory_space<vmem>>, vector<16xf32>,
    %swap3A_2199 = arith.constant 4 : i32
    %swap3A_2200 = arith.index_cast %swap3A_2199 : i32 to index
    %swap3A_2201 = arith.constant 0 : index
    %swap3A_2202 = tpu.vector_load %arg24[%swap3A_2200, %swap3A_2201] {strides = array<i32>} : memref<72x32xf32, #tpu.memory_space<vmem>>, vector<16xf32>,
    tpu.vector_store %arg24[%swap3A_2200, %swap3A_2201], %broadcast_in_dim3A_2166 {strides = array<i32>} : memref<72x32xf32, #tpu.memory_space<vmem>>, vector<16xf32>,
    %swap3A_2203 = arith.constant 4 : i32
    %swap3A_2204 = arith.index_cast %swap3A_2203 : i32 to index
    %swap3A_2205 = arith.constant 16 : index
    %swap3A_2206 = tpu.vector_load %arg24[%swap3A_2204, %swap3A_2205] {strides = array<i32>} : memref<72x32xf32, #tpu.memory_space<vmem>>, vector<16xf32>,
    tpu.vector_store %arg24[%swap3A_2204, %swap3A_2205], %broadcast_in_dim3A_2166 {strides = array<i32>} : memref<72x32xf32, #tpu.memory_space<vmem>>, vector<16xf32>,
    %swap3A_2207 = arith.constant 5 : i32
    %swap3A_2208 = arith.index_cast %swap3A_2207 : i32 to index
    %swap3A_2209 = arith.constant 0 : index
    %swap3A_2210 = tpu.vector_load %arg24[%swap3A_2208, %swap3A_2209] {strides = array<i32>} : memref<72x32xf32, #tpu.memory_space<vmem>>, vector<16xf32>,
    tpu.vector_store %arg24[%swap3A_2208, %swap3A_2209], %broadcast_in_dim3A_2166 {strides = array<i32>} : memref<72x32xf32, #tpu.memory_space<vmem>>, vector<16xf32>,
    %swap3A_2211 = arith.constant 5 : i32
    %swap3A_2212 = arith.index_cast %swap3A_2211 : i32 to index
    %swap3A_2213 = arith.constant 16 : index
    %swap3A_2214 = tpu.vector_load %arg24[%swap3A_2212, %swap3A_2213] {strides = array<i32>} : memref<72x32xf32, #tpu.memory_space<vmem>>, vector<16xf32>,
    tpu.vector_store %arg24[%swap3A_2212, %swap3A_2213], %broadcast_in_dim3A_2166 {strides = array<i32>} : memref<72x32xf32, #tpu.memory_space<vmem>>, vector<16xf32>,
    %swap3A_2215 = arith.constant 6 : i32
    %swap3A_2216 = arith.index_cast %swap3A_2215 : i32 to index
    %swap3A_2217 = arith.constant 0 : index
    %swap3A_2218 = tpu.vector_load %arg24[%swap3A_2216, %swap3A_2217] {strides = array<i32>} : memref<72x32xf32, #tpu.memory_space<vmem>>, vector<16xf32>,
    tpu.vector_store %arg24[%swap3A_2216, %swap3A_2217], %broadcast_in_dim3A_2166 {strides = array<i32>} : memref<72x32xf32, #tpu.memory_space<vmem>>, vector<16xf32>,
    %swap3A_2219 = arith.constant 6 : i32
    %swap3A_2220 = arith.index_cast %swap3A_2219 : i32 to index
    %swap3A_2221 = arith.constant 16 : index
    %swap3A_2222 = tpu.vector_load %arg24[%swap3A_2220, %swap3A_2221] {strides = array<i32>} : memref<72x32xf32, #tpu.memory_space<vmem>>, vector<16xf32>,
    tpu.vector_store %arg24[%swap3A_2220, %swap3A_2221], %broadcast_in_dim3A_2166 {strides = array<i32>} : memref<72x32xf32, #tpu.memory_space<vmem>>, vector<16xf32>,
    %swap3A_2223 = arith.constant 7 : i32
    %swap3A_2224 = arith.index_cast %swap3A_2223 : i32 to index
    %swap3A_2225 = arith.constant 0 : index
    %swap3A_2226 = tpu.vector_load %arg24[%swap3A_2224, %swap3A_2225] {strides = array<i32>} : memref<72x32xf32, #tpu.memory_space<vmem>>, vector<16xf32>,
    tpu.vector_store %arg24[%swap3A_2224, %swap3A_2225], %broadcast_in_dim3A_2166 {strides = array<i32>} : memref<72x32xf32, #tpu.memory_space<vmem>>, vector<16xf32>,
    %swap3A_2227 = arith.constant 7 : i32
    %swap3A_2228 = arith.index_cast %swap3A_2227 : i32 to index
    %swap3A_2229 = arith.constant 16 : index
    %swap3A_2230 = tpu.vector_load %arg24[%swap3A_2228, %swap3A_2229] {strides = array<i32>} : memref<72x32xf32, #tpu.memory_space<vmem>>, vector<16xf32>,
    tpu.vector_store %arg24[%swap3A_2228, %swap3A_2229], %broadcast_in_dim3A_2166 {strides = array<i32>} : memref<72x32xf32, #tpu.memory_space<vmem>>, vector<16xf32>,
    %swap3A_2231 = arith.constant 8 : i32
    %swap3A_2232 = arith.index_cast %swap3A_2231 : i32 to index
    %swap3A_2233 = arith.constant 0 : index
    %swap3A_2234 = tpu.vector_load %arg24[%swap3A_2232, %swap3A_2233] {strides = array<i32>} : memref<72x32xf32, #tpu.memory_space<vmem>>, vector<16xf32>,
    tpu.vector_store %arg24[%swap3A_2232, %swap3A_2233], %broadcast_in_dim3A_2166 {strides = array<i32>} : memref<72x32xf32, #tpu.memory_space<vmem>>, vector<16xf32>,
    %swap3A_2235 = arith.constant 8 : i32
    %swap3A_2236 = arith.index_cast %swap3A_2235 : i32 to index
    %swap3A_2237 = arith.constant 16 : index
    %swap3A_2238 = tpu.vector_load %arg24[%swap3A_2236, %swap3A_2237] {strides = array<i32>} : memref<72x32xf32, #tpu.memory_space<vmem>>, vector<16xf32>,
    tpu.vector_store %arg24[%swap3A_2236, %swap3A_2237], %broadcast_in_dim3A_2166 {strides = array<i32>} : memref<72x32xf32, #tpu.memory_space<vmem>>, vector<16xf32>,
    %swap3A_2239 = arith.constant 9 : i32
    %swap3A_2240 = arith.index_cast %swap3A_2239 : i32 to index
    %swap3A_2241 = arith.constant 0 : index
    %swap3A_2242 = tpu.vector_load %arg24[%swap3A_2240, %swap3A_2241] {strides = array<i32>} : memref<72x32xf32, #tpu.memory_space<vmem>>, vector<16xf32>,
    tpu.vector_store %arg24[%swap3A_2240, %swap3A_2241], %broadcast_in_dim3A_2166 {strides = array<i32>} : memref<72x32xf32, #tpu.memory_space<vmem>>, vector<16xf32>,
    %swap3A_2243 = arith.constant 9 : i32
    %swap3A_2244 = arith.index_cast %swap3A_2243 : i32 to index
    %swap3A_2245 = arith.constant 16 : index
    %swap3A_2246 = tpu.vector_load %arg24[%swap3A_2244, %swap3A_2245] {strides = array<i32>} : memref<72x32xf32, #tpu.memory_space<vmem>>, vector<16xf32>,
    tpu.vector_store %arg24[%swap3A_2244, %swap3A_2245], %broadcast_in_dim3A_2166 {strides = array<i32>} : memref<72x32xf32, #tpu.memory_space<vmem>>, vector<16xf32>,
    %swap3A_2247 = arith.constant 10 : i32
    %swap3A_2248 = arith.index_cast %swap3A_2247 : i32 to index
    %swap3A_2249 = arith.constant 0 : index
    %swap3A_2250 = tpu.vector_load %arg24[%swap3A_2248, %swap3A_2249] {strides = array<i32>} : memref<72x32xf32, #tpu.memory_space<vmem>>, vector<16xf32>,
    tpu.vector_store %arg24[%swap3A_2248, %swap3A_2249], %broadcast_in_dim3A_2166 {strides = array<i32>} : memref<72x32xf32, #tpu.memory_space<vmem>>, vector<16xf32>,
    %swap3A_2251 = arith.constant 10 : i32
    %swap3A_2252 = arith.index_cast %swap3A_2251 : i32 to index
    %swap3A_2253 = arith.constant 16 : index
    %swap3A_2254 = tpu.vector_load %arg24[%swap3A_2252, %swap3A_2253] {strides = array<i32>} : memref<72x32xf32, #tpu.memory_space<vmem>>, vector<16xf32>,
    tpu.vector_store %arg24[%swap3A_2252, %swap3A_2253], %broadcast_in_dim3A_2166 {strides = array<i32>} : memref<72x32xf32, #tpu.memory_space<vmem>>, vector<16xf32>,
    %swap3A_2255 = arith.constant 11 : i32
    %swap3A_2256 = arith.index_cast %swap3A_2255 : i32 to index
    %swap3A_2257 = arith.constant 0 : index
    %swap3A_2258 = tpu.vector_load %arg24[%swap3A_2256, %swap3A_2257] {strides = array<i32>} : memref<72x32xf32, #tpu.memory_space<vmem>>, vector<16xf32>,
    tpu.vector_store %arg24[%swap3A_2256, %swap3A_2257], %broadcast_in_dim3A_2166 {strides = array<i32>} : memref<72x32xf32, #tpu.memory_space<vmem>>, vector<16xf32>,
    %swap3A_2259 = arith.constant 11 : i32
    %swap3A_2260 = arith.index_cast %swap3A_2259 : i32 to index
    %swap3A_2261 = arith.constant 16 : index
    %swap3A_2262 = tpu.vector_load %arg24[%swap3A_2260, %swap3A_2261] {strides = array<i32>} : memref<72x32xf32, #tpu.memory_space<vmem>>, vector<16xf32>,
    tpu.vector_store %arg24[%swap3A_2260, %swap3A_2261], %broadcast_in_dim3A_2166 {strides = array<i32>} : memref<72x32xf32, #tpu.memory_space<vmem>>, vector<16xf32>,
    %swap3A_2263 = arith.constant 12 : i32
    %swap3A_2264 = arith.index_cast %swap3A_2263 : i32 to index
    %swap3A_2265 = arith.constant 0 : index
    %swap3A_2266 = tpu.vector_load %arg24[%swap3A_2264, %swap3A_2265] {strides = array<i32>} : memref<72x32xf32, #tpu.memory_space<vmem>>, vector<16xf32>,
    tpu.vector_store %arg24[%swap3A_2264, %swap3A_2265], %broadcast_in_dim3A_2166 {strides = array<i32>} : memref<72x32xf32, #tpu.memory_space<vmem>>, vector<16xf32>,
    %swap3A_2267 = arith.constant 12 : i32
    %swap3A_2268 = arith.index_cast %swap3A_2267 : i32 to index
    %swap3A_2269 = arith.constant 16 : index
    %swap3A_2270 = tpu.vector_load %arg24[%swap3A_2268, %swap3A_2269] {strides = array<i32>} : memref<72x32xf32, #tpu.memory_space<vmem>>, vector<16xf32>,
    tpu.vector_store %arg24[%swap3A_2268, %swap3A_2269], %broadcast_in_dim3A_2166 {strides = array<i32>} : memref<72x32xf32, #tpu.memory_space<vmem>>, vector<16xf32>,
    %swap3A_2271 = arith.constant 13 : i32
    %swap3A_2272 = arith.index_cast %swap3A_2271 : i32 to index
    %swap3A_2273 = arith.constant 0 : index
    %swap3A_2274 = tpu.vector_load %arg24[%swap3A_2272, %swap3A_2273] {strides = array<i32>} : memref<72x32xf32, #tpu.memory_space<vmem>>, vector<16xf32>,
    tpu.vector_store %arg24[%swap3A_2272, %swap3A_2273], %broadcast_in_dim3A_2166 {strides = array<i32>} : memref<72x32xf32, #tpu.memory_space<vmem>>, vector<16xf32>,
    %swap3A_2275 = arith.constant 13 : i32
    %swap3A_2276 = arith.index_cast %swap3A_2275 : i32 to index
    %swap3A_2277 = arith.constant 16 : index
    %swap3A_2278 = tpu.vector_load %arg24[%swap3A_2276, %swap3A_2277] {strides = array<i32>} : memref<72x32xf32, #tpu.memory_space<vmem>>, vector<16xf32>,
    tpu.vector_store %arg24[%swap3A_2276, %swap3A_2277], %broadcast_in_dim3A_2166 {strides = array<i32>} : memref<72x32xf32, #tpu.memory_space<vmem>>, vector<16xf32>,
    %swap3A_2279 = arith.constant 14 : i32
    %swap3A_2280 = arith.index_cast %swap3A_2279 : i32 to index
    %swap3A_2281 = arith.constant 0 : index
    %swap3A_2282 = tpu.vector_load %arg24[%swap3A_2280, %swap3A_2281] {strides = array<i32>} : memref<72x32xf32, #tpu.memory_space<vmem>>, vector<16xf32>,
    tpu.vector_store %arg24[%swap3A_2280, %swap3A_2281], %broadcast_in_dim3A_2166 {strides = array<i32>} : memref<72x32xf32, #tpu.memory_space<vmem>>, vector<16xf32>,
    %swap3A_2283 = arith.constant 14 : i32
    %swap3A_2284 = arith.index_cast %swap3A_2283 : i32 to index
    %swap3A_2285 = arith.constant 16 : index
    %swap3A_2286 = tpu.vector_load %arg24[%swap3A_2284, %swap3A_2285] {strides = array<i32>} : memref<72x32xf32, #tpu.memory_space<vmem>>, vector<16xf32>,
    tpu.vector_store %arg24[%swap3A_2284, %swap3A_2285], %broadcast_in_dim3A_2166 {strides = array<i32>} : memref<72x32xf32, #tpu.memory_space<vmem>>, vector<16xf32>,
    %swap3A_2287 = arith.constant 15 : i32
    %swap3A_2288 = arith.index_cast %swap3A_2287 : i32 to index
    %swap3A_2289 = arith.constant 0 : index
    %swap3A_2290 = tpu.vector_load %arg24[%swap3A_2288, %swap3A_2289] {strides = array<i32>} : memref<72x32xf32, #tpu.memory_space<vmem>>, vector<16xf32>,
    tpu.vector_store %arg24[%swap3A_2288, %swap3A_2289], %broadcast_in_dim3A_2166 {strides = array<i32>} : memref<72x32xf32, #tpu.memory_space<vmem>>, vector<16xf32>,
    %swap3A_2291 = arith.constant 15 : i32
    %swap3A_2292 = arith.index_cast %swap3A_2291 : i32 to index
    %swap3A_2293 = arith.constant 16 : index
    %swap3A_2294 = tpu.vector_load %arg24[%swap3A_2292, %swap3A_2293] {strides = array<i32>} : memref<72x32xf32, #tpu.memory_space<vmem>>, vector<16xf32>,
    tpu.vector_store %arg24[%swap3A_2292, %swap3A_2293], %broadcast_in_dim3A_2166 {strides = array<i32>} : memref<72x32xf32, #tpu.memory_space<vmem>>, vector<16xf32>,
    %swap3A_2295 = arith.constant 16 : i32
    %swap3A_2296 = arith.index_cast %swap3A_2295 : i32 to index
    %swap3A_2297 = arith.constant 0 : index
    %swap3A_2298 = tpu.vector_load %arg24[%swap3A_2296, %swap3A_2297] {strides = array<i32>} : memref<72x32xf32, #tpu.memory_space<vmem>>, vector<16xf32>,
    tpu.vector_store %arg24[%swap3A_2296, %swap3A_2297], %broadcast_in_dim3A_2166 {strides = array<i32>} : memref<72x32xf32, #tpu.memory_space<vmem>>, vector<16xf32>,
    %swap3A_2299 = arith.constant 16 : i32
    %swap3A_2300 = arith.index_cast %swap3A_2299 : i32 to index
    %swap3A_2301 = arith.constant 16 : index
    %swap3A_2302 = tpu.vector_load %arg24[%swap3A_2300, %swap3A_2301] {strides = array<i32>} : memref<72x32xf32, #tpu.memory_space<vmem>>, vector<16xf32>,
    tpu.vector_store %arg24[%swap3A_2300, %swap3A_2301], %broadcast_in_dim3A_2166 {strides = array<i32>} : memref<72x32xf32, #tpu.memory_space<vmem>>, vector<16xf32>,
    %swap3A_2303 = arith.constant 17 : i32
    %swap3A_2304 = arith.index_cast %swap3A_2303 : i32 to index
    %swap3A_2305 = arith.constant 0 : index
    %swap3A_2306 = tpu.vector_load %arg24[%swap3A_2304, %swap3A_2305] {strides = array<i32>} : memref<72x32xf32, #tpu.memory_space<vmem>>, vector<16xf32>,
    tpu.vector_store %arg24[%swap3A_2304, %swap3A_2305], %broadcast_in_dim3A_2166 {strides = array<i32>} : memref<72x32xf32, #tpu.memory_space<vmem>>, vector<16xf32>,
    %swap3A_2307 = arith.constant 17 : i32
    %swap3A_2308 = arith.index_cast %swap3A_2307 : i32 to index
    %swap3A_2309 = arith.constant 16 : index
    %swap3A_2310 = tpu.vector_load %arg24[%swap3A_2308, %swap3A_2309] {strides = array<i32>} : memref<72x32xf32, #tpu.memory_space<vmem>>, vector<16xf32>,
    tpu.vector_store %arg24[%swap3A_2308, %swap3A_2309], %broadcast_in_dim3A_2166 {strides = array<i32>} : memref<72x32xf32, #tpu.memory_space<vmem>>, vector<16xf32>,
    %swap3A_2311 = arith.constant 18 : i32
    %swap3A_2312 = arith.index_cast %swap3A_2311 : i32 to index
    %swap3A_2313 = arith.constant 0 : index
    %swap3A_2314 = tpu.vector_load %arg24[%swap3A_2312, %swap3A_2313] {strides = array<i32>} : memref<72x32xf32, #tpu.memory_space<vmem>>, vector<16xf32>,
    tpu.vector_store %arg24[%swap3A_2312, %swap3A_2313], %broadcast_in_dim3A_2166 {strides = array<i32>} : memref<72x32xf32, #tpu.memory_space<vmem>>, vector<16xf32>,
    %swap3A_2315 = arith.constant 18 : i32
    %swap3A_2316 = arith.index_cast %swap3A_2315 : i32 to index
    %swap3A_2317 = arith.constant 16 : index
    %swap3A_2318 = tpu.vector_load %arg24[%swap3A_2316, %swap3A_2317] {strides = array<i32>} : memref<72x32xf32, #tpu.memory_space<vmem>>, vector<16xf32>,
    tpu.vector_store %arg24[%swap3A_2316, %swap3A_2317], %broadcast_in_dim3A_2166 {strides = array<i32>} : memref<72x32xf32, #tpu.memory_space<vmem>>, vector<16xf32>,
    %swap3A_2319 = arith.constant 19 : i32
    %swap3A_2320 = arith.index_cast %swap3A_2319 : i32 to index
    %swap3A_2321 = arith.constant 0 : index
    %swap3A_2322 = tpu.vector_load %arg24[%swap3A_2320, %swap3A_2321] {strides = array<i32>} : memref<72x32xf32, #tpu.memory_space<vmem>>, vector<16xf32>,
    tpu.vector_store %arg24[%swap3A_2320, %swap3A_2321], %broadcast_in_dim3A_2166 {strides = array<i32>} : memref<72x32xf32, #tpu.memory_space<vmem>>, vector<16xf32>,
    %swap3A_2323 = arith.constant 19 : i32
    %swap3A_2324 = arith.index_cast %swap3A_2323 : i32 to index
    %swap3A_2325 = arith.constant 16 : index
    %swap3A_2326 = tpu.vector_load %arg24[%swap3A_2324, %swap3A_2325] {strides = array<i32>} : memref<72x32xf32, #tpu.memory_space<vmem>>, vector<16xf32>,
    tpu.vector_store %arg24[%swap3A_2324, %swap3A_2325], %broadcast_in_dim3A_2166 {strides = array<i32>} : memref<72x32xf32, #tpu.memory_space<vmem>>, vector<16xf32>,
    %swap3A_2327 = arith.constant 20 : i32
    %swap3A_2328 = arith.index_cast %swap3A_2327 : i32 to index
    %swap3A_2329 = arith.constant 0 : index
    %swap3A_2330 = tpu.vector_load %arg24[%swap3A_2328, %swap3A_2329] {strides = array<i32>} : memref<72x32xf32, #tpu.memory_space<vmem>>, vector<16xf32>,
    tpu.vector_store %arg24[%swap3A_2328, %swap3A_2329], %broadcast_in_dim3A_2166 {strides = array<i32>} : memref<72x32xf32, #tpu.memory_space<vmem>>, vector<16xf32>,
    %swap3A_2331 = arith.constant 20 : i32
    %swap3A_2332 = arith.index_cast %swap3A_2331 : i32 to index
    %swap3A_2333 = arith.constant 16 : index
    %swap3A_2334 = tpu.vector_load %arg24[%swap3A_2332, %swap3A_2333] {strides = array<i32>} : memref<72x32xf32, #tpu.memory_space<vmem>>, vector<16xf32>,
    tpu.vector_store %arg24[%swap3A_2332, %swap3A_2333], %broadcast_in_dim3A_2166 {strides = array<i32>} : memref<72x32xf32, #tpu.memory_space<vmem>>, vector<16xf32>,
    %swap3A_2335 = arith.constant 21 : i32
    %swap3A_2336 = arith.index_cast %swap3A_2335 : i32 to index
    %swap3A_2337 = arith.constant 0 : index
    %swap3A_2338 = tpu.vector_load %arg24[%swap3A_2336, %swap3A_2337] {strides = array<i32>} : memref<72x32xf32, #tpu.memory_space<vmem>>, vector<16xf32>,
    tpu.vector_store %arg24[%swap3A_2336, %swap3A_2337], %broadcast_in_dim3A_2166 {strides = array<i32>} : memref<72x32xf32, #tpu.memory_space<vmem>>, vector<16xf32>,
    %swap3A_2339 = arith.constant 21 : i32
    %swap3A_2340 = arith.index_cast %swap3A_2339 : i32 to index
    %swap3A_2341 = arith.constant 16 : index
    %swap3A_2342 = tpu.vector_load %arg24[%swap3A_2340, %swap3A_2341] {strides = array<i32>} : memref<72x32xf32, #tpu.memory_space<vmem>>, vector<16xf32>,
    tpu.vector_store %arg24[%swap3A_2340, %swap3A_2341], %broadcast_in_dim3A_2166 {strides = array<i32>} : memref<72x32xf32, #tpu.memory_space<vmem>>, vector<16xf32>,
    %swap3A_2343 = arith.constant 22 : i32
    %swap3A_2344 = arith.index_cast %swap3A_2343 : i32 to index
    %swap3A_2345 = arith.constant 0 : index
    %swap3A_2346 = tpu.vector_load %arg24[%swap3A_2344, %swap3A_2345] {strides = array<i32>} : memref<72x32xf32, #tpu.memory_space<vmem>>, vector<16xf32>,
    tpu.vector_store %arg24[%swap3A_2344, %swap3A_2345], %broadcast_in_dim3A_2166 {strides = array<i32>} : memref<72x32xf32, #tpu.memory_space<vmem>>, vector<16xf32>,
    %swap3A_2347 = arith.constant 22 : i32
    %swap3A_2348 = arith.index_cast %swap3A_2347 : i32 to index
    %swap3A_2349 = arith.constant 16 : index
    %swap3A_2350 = tpu.vector_load %arg24[%swap3A_2348, %swap3A_2349] {strides = array<i32>} : memref<72x32xf32, #tpu.memory_space<vmem>>, vector<16xf32>,
    tpu.vector_store %arg24[%swap3A_2348, %swap3A_2349], %broadcast_in_dim3A_2166 {strides = array<i32>} : memref<72x32xf32, #tpu.memory_space<vmem>>, vector<16xf32>,
    %swap3A_2351 = arith.constant 23 : i32
    %swap3A_2352 = arith.index_cast %swap3A_2351 : i32 to index
    %swap3A_2353 = arith.constant 0 : index
    %swap3A_2354 = tpu.vector_load %arg24[%swap3A_2352, %swap3A_2353] {strides = array<i32>} : memref<72x32xf32, #tpu.memory_space<vmem>>, vector<16xf32>,
    tpu.vector_store %arg24[%swap3A_2352, %swap3A_2353], %broadcast_in_dim3A_2166 {strides = array<i32>} : memref<72x32xf32, #tpu.memory_space<vmem>>, vector<16xf32>,
    %swap3A_2355 = arith.constant 23 : i32
    %swap3A_2356 = arith.index_cast %swap3A_2355 : i32 to index
    %swap3A_2357 = arith.constant 16 : index
    %swap3A_2358 = tpu.vector_load %arg24[%swap3A_2356, %swap3A_2357] {strides = array<i32>} : memref<72x32xf32, #tpu.memory_space<vmem>>, vector<16xf32>,
    tpu.vector_store %arg24[%swap3A_2356, %swap3A_2357], %broadcast_in_dim3A_2166 {strides = array<i32>} : memref<72x32xf32, #tpu.memory_space<vmem>>, vector<16xf32>,
    %swap3A_2359 = arith.constant 24 : i32
    %swap3A_2360 = arith.index_cast %swap3A_2359 : i32 to index
    %swap3A_2361 = arith.constant 0 : index
    %swap3A_2362 = tpu.vector_load %arg24[%swap3A_2360, %swap3A_2361] {strides = array<i32>} : memref<72x32xf32, #tpu.memory_space<vmem>>, vector<16xf32>,
    tpu.vector_store %arg24[%swap3A_2360, %swap3A_2361], %broadcast_in_dim3A_2166 {strides = array<i32>} : memref<72x32xf32, #tpu.memory_space<vmem>>, vector<16xf32>,
    %swap3A_2363 = arith.constant 24 : i32
    %swap3A_2364 = arith.index_cast %swap3A_2363 : i32 to index
    %swap3A_2365 = arith.constant 16 : index
    %swap3A_2366 = tpu.vector_load %arg24[%swap3A_2364, %swap3A_2365] {strides = array<i32>} : memref<72x32xf32, #tpu.memory_space<vmem>>, vector<16xf32>,
    tpu.vector_store %arg24[%swap3A_2364, %swap3A_2365], %broadcast_in_dim3A_2166 {strides = array<i32>} : memref<72x32xf32, #tpu.memory_space<vmem>>, vector<16xf32>,
    %swap3A_2367 = arith.constant 25 : i32
    %swap3A_2368 = arith.index_cast %swap3A_2367 : i32 to index
    %swap3A_2369 = arith.constant 0 : index
    %swap3A_2370 = tpu.vector_load %arg24[%swap3A_2368, %swap3A_2369] {strides = array<i32>} : memref<72x32xf32, #tpu.memory_space<vmem>>, vector<16xf32>,
    tpu.vector_store %arg24[%swap3A_2368, %swap3A_2369], %broadcast_in_dim3A_2166 {strides = array<i32>} : memref<72x32xf32, #tpu.memory_space<vmem>>, vector<16xf32>,
    %swap3A_2371 = arith.constant 25 : i32
    %swap3A_2372 = arith.index_cast %swap3A_2371 : i32 to index
    %swap3A_2373 = arith.constant 16 : index
    %swap3A_2374 = tpu.vector_load %arg24[%swap3A_2372, %swap3A_2373] {strides = array<i32>} : memref<72x32xf32, #tpu.memory_space<vmem>>, vector<16xf32>,
    tpu.vector_store %arg24[%swap3A_2372, %swap3A_2373], %broadcast_in_dim3A_2166 {strides = array<i32>} : memref<72x32xf32, #tpu.memory_space<vmem>>, vector<16xf32>,
    %swap3A_2375 = arith.constant 26 : i32
    %swap3A_2376 = arith.index_cast %swap3A_2375 : i32 to index
    %swap3A_2377 = arith.constant 0 : index
    %swap3A_2378 = tpu.vector_load %arg24[%swap3A_2376, %swap3A_2377] {strides = array<i32>} : memref<72x32xf32, #tpu.memory_space<vmem>>, vector<16xf32>,
    tpu.vector_store %arg24[%swap3A_2376, %swap3A_2377], %broadcast_in_dim3A_2166 {strides = array<i32>} : memref<72x32xf32, #tpu.memory_space<vmem>>, vector<16xf32>,
    %swap3A_2379 = arith.constant 26 : i32
    %swap3A_2380 = arith.index_cast %swap3A_2379 : i32 to index
    %swap3A_2381 = arith.constant 16 : index
    %swap3A_2382 = tpu.vector_load %arg24[%swap3A_2380, %swap3A_2381] {strides = array<i32>} : memref<72x32xf32, #tpu.memory_space<vmem>>, vector<16xf32>,
    tpu.vector_store %arg24[%swap3A_2380, %swap3A_2381], %broadcast_in_dim3A_2166 {strides = array<i32>} : memref<72x32xf32, #tpu.memory_space<vmem>>, vector<16xf32>,
    %swap3A_2383 = arith.constant 27 : i32
    %swap3A_2384 = arith.index_cast %swap3A_2383 : i32 to index
    %swap3A_2385 = arith.constant 0 : index
    %swap3A_2386 = tpu.vector_load %arg24[%swap3A_2384, %swap3A_2385] {strides = array<i32>} : memref<72x32xf32, #tpu.memory_space<vmem>>, vector<16xf32>,
    tpu.vector_store %arg24[%swap3A_2384, %swap3A_2385], %broadcast_in_dim3A_2166 {strides = array<i32>} : memref<72x32xf32, #tpu.memory_space<vmem>>, vector<16xf32>,
    %swap3A_2387 = arith.constant 27 : i32
    %swap3A_2388 = arith.index_cast %swap3A_2387 : i32 to index
    %swap3A_2389 = arith.constant 16 : index
    %swap3A_2390 = tpu.vector_load %arg24[%swap3A_2388, %swap3A_2389] {strides = array<i32>} : memref<72x32xf32, #tpu.memory_space<vmem>>, vector<16xf32>,
    tpu.vector_store %arg24[%swap3A_2388, %swap3A_2389], %broadcast_in_dim3A_2166 {strides = array<i32>} : memref<72x32xf32, #tpu.memory_space<vmem>>, vector<16xf32>,
    %swap3A_2391 = arith.constant 28 : i32
    %swap3A_2392 = arith.index_cast %swap3A_2391 : i32 to index
    %swap3A_2393 = arith.constant 0 : index
    %swap3A_2394 = tpu.vector_load %arg24[%swap3A_2392, %swap3A_2393] {strides = array<i32>} : memref<72x32xf32, #tpu.memory_space<vmem>>, vector<16xf32>,
    tpu.vector_store %arg24[%swap3A_2392, %swap3A_2393], %broadcast_in_dim3A_2166 {strides = array<i32>} : memref<72x32xf32, #tpu.memory_space<vmem>>, vector<16xf32>,
    %swap3A_2395 = arith.constant 28 : i32
    %swap3A_2396 = arith.index_cast %swap3A_2395 : i32 to index
    %swap3A_2397 = arith.constant 16 : index
    %swap3A_2398 = tpu.vector_load %arg24[%swap3A_2396, %swap3A_2397] {strides = array<i32>} : memref<72x32xf32, #tpu.memory_space<vmem>>, vector<16xf32>,
    tpu.vector_store %arg24[%swap3A_2396, %swap3A_2397], %broadcast_in_dim3A_2166 {strides = array<i32>} : memref<72x32xf32, #tpu.memory_space<vmem>>, vector<16xf32>,
    %swap3A_2399 = arith.constant 29 : i32
    %swap3A_2400 = arith.index_cast %swap3A_2399 : i32 to index
    %swap3A_2401 = arith.constant 0 : index
    %swap3A_2402 = tpu.vector_load %arg24[%swap3A_2400, %swap3A_2401] {strides = array<i32>} : memref<72x32xf32, #tpu.memory_space<vmem>>, vector<16xf32>,
    tpu.vector_store %arg24[%swap3A_2400, %swap3A_2401], %broadcast_in_dim3A_2166 {strides = array<i32>} : memref<72x32xf32, #tpu.memory_space<vmem>>, vector<16xf32>,
    %swap3A_2403 = arith.constant 29 : i32
    %swap3A_2404 = arith.index_cast %swap3A_2403 : i32 to index
    %swap3A_2405 = arith.constant 16 : index
    %swap3A_2406 = tpu.vector_load %arg24[%swap3A_2404, %swap3A_2405] {strides = array<i32>} : memref<72x32xf32, #tpu.memory_space<vmem>>, vector<16xf32>,
    tpu.vector_store %arg24[%swap3A_2404, %swap3A_2405], %broadcast_in_dim3A_2166 {strides = array<i32>} : memref<72x32xf32, #tpu.memory_space<vmem>>, vector<16xf32>,
    %swap3A_2407 = arith.constant 30 : i32
    %swap3A_2408 = arith.index_cast %swap3A_2407 : i32 to index
    %swap3A_2409 = arith.constant 0 : index
    %swap3A_2410 = tpu.vector_load %arg24[%swap3A_2408, %swap3A_2409] {strides = array<i32>} : memref<72x32xf32, #tpu.memory_space<vmem>>, vector<16xf32>,
    tpu.vector_store %arg24[%swap3A_2408, %swap3A_2409], %broadcast_in_dim3A_2166 {strides = array<i32>} : memref<72x32xf32, #tpu.memory_space<vmem>>, vector<16xf32>,
    %swap3A_2411 = arith.constant 30 : i32
    %swap3A_2412 = arith.index_cast %swap3A_2411 : i32 to index
    %swap3A_2413 = arith.constant 16 : index
    %swap3A_2414 = tpu.vector_load %arg24[%swap3A_2412, %swap3A_2413] {strides = array<i32>} : memref<72x32xf32, #tpu.memory_space<vmem>>, vector<16xf32>,
    tpu.vector_store %arg24[%swap3A_2412, %swap3A_2413], %broadcast_in_dim3A_2166 {strides = array<i32>} : memref<72x32xf32, #tpu.memory_space<vmem>>, vector<16xf32>,
    %swap3A_2415 = arith.constant 31 : i32
    %swap3A_2416 = arith.index_cast %swap3A_2415 : i32 to index
    %swap3A_2417 = arith.constant 0 : index
    %swap3A_2418 = tpu.vector_load %arg24[%swap3A_2416, %swap3A_2417] {strides = array<i32>} : memref<72x32xf32, #tpu.memory_space<vmem>>, vector<16xf32>,
    tpu.vector_store %arg24[%swap3A_2416, %swap3A_2417], %broadcast_in_dim3A_2166 {strides = array<i32>} : memref<72x32xf32, #tpu.memory_space<vmem>>, vector<16xf32>,
    %swap3A_2419 = arith.constant 31 : i32
    %swap3A_2420 = arith.index_cast %swap3A_2419 : i32 to index
    %swap3A_2421 = arith.constant 16 : index
    %swap3A_2422 = tpu.vector_load %arg24[%swap3A_2420, %swap3A_2421] {strides = array<i32>} : memref<72x32xf32, #tpu.memory_space<vmem>>, vector<16xf32>,
    tpu.vector_store %arg24[%swap3A_2420, %swap3A_2421], %broadcast_in_dim3A_2166 {strides = array<i32>} : memref<72x32xf32, #tpu.memory_space<vmem>>, vector<16xf32>,
    %swap3A_2423 = arith.constant 32 : i32
    %swap3A_2424 = arith.index_cast %swap3A_2423 : i32 to index
    %swap3A_2425 = arith.constant 0 : index
    %swap3A_2426 = tpu.vector_load %arg24[%swap3A_2424, %swap3A_2425] {strides = array<i32>} : memref<72x32xf32, #tpu.memory_space<vmem>>, vector<16xf32>,
    tpu.vector_store %arg24[%swap3A_2424, %swap3A_2425], %broadcast_in_dim3A_2166 {strides = array<i32>} : memref<72x32xf32, #tpu.memory_space<vmem>>, vector<16xf32>,
    %swap3A_2427 = arith.constant 32 : i32
    %swap3A_2428 = arith.index_cast %swap3A_2427 : i32 to index
    %swap3A_2429 = arith.constant 16 : index
    %swap3A_2430 = tpu.vector_load %arg24[%swap3A_2428, %swap3A_2429] {strides = array<i32>} : memref<72x32xf32, #tpu.memory_space<vmem>>, vector<16xf32>,
    tpu.vector_store %arg24[%swap3A_2428, %swap3A_2429], %broadcast_in_dim3A_2166 {strides = array<i32>} : memref<72x32xf32, #tpu.memory_space<vmem>>, vector<16xf32>,
    %swap3A_2431 = arith.constant 33 : i32
    %swap3A_2432 = arith.index_cast %swap3A_2431 : i32 to index
    %swap3A_2433 = arith.constant 0 : index
    %swap3A_2434 = tpu.vector_load %arg24[%swap3A_2432, %swap3A_2433] {strides = array<i32>} : memref<72x32xf32, #tpu.memory_space<vmem>>, vector<16xf32>,
    tpu.vector_store %arg24[%swap3A_2432, %swap3A_2433], %broadcast_in_dim3A_2166 {strides = array<i32>} : memref<72x32xf32, #tpu.memory_space<vmem>>, vector<16xf32>,
    %swap3A_2435 = arith.constant 33 : i32
    %swap3A_2436 = arith.index_cast %swap3A_2435 : i32 to index
    %swap3A_2437 = arith.constant 16 : index
    %swap3A_2438 = tpu.vector_load %arg24[%swap3A_2436, %swap3A_2437] {strides = array<i32>} : memref<72x32xf32, #tpu.memory_space<vmem>>, vector<16xf32>,
    tpu.vector_store %arg24[%swap3A_2436, %swap3A_2437], %broadcast_in_dim3A_2166 {strides = array<i32>} : memref<72x32xf32, #tpu.memory_space<vmem>>, vector<16xf32>,
    %swap3A_2439 = arith.constant 34 : i32
    %swap3A_2440 = arith.index_cast %swap3A_2439 : i32 to index
    %swap3A_2441 = arith.constant 0 : index
    %swap3A_2442 = tpu.vector_load %arg24[%swap3A_2440, %swap3A_2441] {strides = array<i32>} : memref<72x32xf32, #tpu.memory_space<vmem>>, vector<16xf32>,
    tpu.vector_store %arg24[%swap3A_2440, %swap3A_2441], %broadcast_in_dim3A_2166 {strides = array<i32>} : memref<72x32xf32, #tpu.memory_space<vmem>>, vector<16xf32>,
    %swap3A_2443 = arith.constant 34 : i32
    %swap3A_2444 = arith.index_cast %swap3A_2443 : i32 to index
    %swap3A_2445 = arith.constant 16 : index
    %swap3A_2446 = tpu.vector_load %arg24[%swap3A_2444, %swap3A_2445] {strides = array<i32>} : memref<72x32xf32, #tpu.memory_space<vmem>>, vector<16xf32>,
    tpu.vector_store %arg24[%swap3A_2444, %swap3A_2445], %broadcast_in_dim3A_2166 {strides = array<i32>} : memref<72x32xf32, #tpu.memory_space<vmem>>, vector<16xf32>,
    %swap3A_2447 = arith.constant 35 : i32
    %swap3A_2448 = arith.index_cast %swap3A_2447 : i32 to index
    %swap3A_2449 = arith.constant 0 : index
    %swap3A_2450 = tpu.vector_load %arg24[%swap3A_2448, %swap3A_2449] {strides = array<i32>} : memref<72x32xf32, #tpu.memory_space<vmem>>, vector<16xf32>,
    tpu.vector_store %arg24[%swap3A_2448, %swap3A_2449], %broadcast_in_dim3A_2166 {strides = array<i32>} : memref<72x32xf32, #tpu.memory_space<vmem>>, vector<16xf32>,
    %swap3A_2451 = arith.constant 35 : i32
    %swap3A_2452 = arith.index_cast %swap3A_2451 : i32 to index
    %swap3A_2453 = arith.constant 16 : index
    %swap3A_2454 = tpu.vector_load %arg24[%swap3A_2452, %swap3A_2453] {strides = array<i32>} : memref<72x32xf32, #tpu.memory_space<vmem>>, vector<16xf32>,
    tpu.vector_store %arg24[%swap3A_2452, %swap3A_2453], %broadcast_in_dim3A_2166 {strides = array<i32>} : memref<72x32xf32, #tpu.memory_space<vmem>>, vector<16xf32>,
    %swap3A_2455 = arith.constant 36 : i32
    %swap3A_2456 = arith.index_cast %swap3A_2455 : i32 to index
    %swap3A_2457 = arith.constant 0 : index
    %swap3A_2458 = tpu.vector_load %arg24[%swap3A_2456, %swap3A_2457] {strides = array<i32>} : memref<72x32xf32, #tpu.memory_space<vmem>>, vector<16xf32>,
    tpu.vector_store %arg24[%swap3A_2456, %swap3A_2457], %broadcast_in_dim3A_2166 {strides = array<i32>} : memref<72x32xf32, #tpu.memory_space<vmem>>, vector<16xf32>,
    %swap3A_2459 = arith.constant 36 : i32
    %swap3A_2460 = arith.index_cast %swap3A_2459 : i32 to index
    %swap3A_2461 = arith.constant 16 : index
    %swap3A_2462 = tpu.vector_load %arg24[%swap3A_2460, %swap3A_2461] {strides = array<i32>} : memref<72x32xf32, #tpu.memory_space<vmem>>, vector<16xf32>,
    tpu.vector_store %arg24[%swap3A_2460, %swap3A_2461], %broadcast_in_dim3A_2166 {strides = array<i32>} : memref<72x32xf32, #tpu.memory_space<vmem>>, vector<16xf32>,
    %swap3A_2463 = arith.constant 37 : i32
    %swap3A_2464 = arith.index_cast %swap3A_2463 : i32 to index
    %swap3A_2465 = arith.constant 0 : index
    %swap3A_2466 = tpu.vector_load %arg24[%swap3A_2464, %swap3A_2465] {strides = array<i32>} : memref<72x32xf32, #tpu.memory_space<vmem>>, vector<16xf32>,
    tpu.vector_store %arg24[%swap3A_2464, %swap3A_2465], %broadcast_in_dim3A_2166 {strides = array<i32>} : memref<72x32xf32, #tpu.memory_space<vmem>>, vector<16xf32>,
    %swap3A_2467 = arith.constant 37 : i32
    %swap3A_2468 = arith.index_cast %swap3A_2467 : i32 to index
    %swap3A_2469 = arith.constant 16 : index
    %swap3A_2470 = tpu.vector_load %arg24[%swap3A_2468, %swap3A_2469] {strides = array<i32>} : memref<72x32xf32, #tpu.memory_space<vmem>>, vector<16xf32>,
    tpu.vector_store %arg24[%swap3A_2468, %swap3A_2469], %broadcast_in_dim3A_2166 {strides = array<i32>} : memref<72x32xf32, #tpu.memory_space<vmem>>, vector<16xf32>,
    %swap3A_2471 = arith.constant 38 : i32
    %swap3A_2472 = arith.index_cast %swap3A_2471 : i32 to index
    %swap3A_2473 = arith.constant 0 : index
    %swap3A_2474 = tpu.vector_load %arg24[%swap3A_2472, %swap3A_2473] {strides = array<i32>} : memref<72x32xf32, #tpu.memory_space<vmem>>, vector<16xf32>,
    tpu.vector_store %arg24[%swap3A_2472, %swap3A_2473], %broadcast_in_dim3A_2166 {strides = array<i32>} : memref<72x32xf32, #tpu.memory_space<vmem>>, vector<16xf32>,
    %swap3A_2475 = arith.constant 38 : i32
    %swap3A_2476 = arith.index_cast %swap3A_2475 : i32 to index
    %swap3A_2477 = arith.constant 16 : index
    %swap3A_2478 = tpu.vector_load %arg24[%swap3A_2476, %swap3A_2477] {strides = array<i32>} : memref<72x32xf32, #tpu.memory_space<vmem>>, vector<16xf32>,
    tpu.vector_store %arg24[%swap3A_2476, %swap3A_2477], %broadcast_in_dim3A_2166 {strides = array<i32>} : memref<72x32xf32, #tpu.memory_space<vmem>>, vector<16xf32>,
    %swap3A_2479 = arith.constant 39 : i32
    %swap3A_2480 = arith.index_cast %swap3A_2479 : i32 to index
    %swap3A_2481 = arith.constant 0 : index
    %swap3A_2482 = tpu.vector_load %arg24[%swap3A_2480, %swap3A_2481] {strides = array<i32>} : memref<72x32xf32, #tpu.memory_space<vmem>>, vector<16xf32>,
    tpu.vector_store %arg24[%swap3A_2480, %swap3A_2481], %broadcast_in_dim3A_2166 {strides = array<i32>} : memref<72x32xf32, #tpu.memory_space<vmem>>, vector<16xf32>,
    %swap3A_2483 = arith.constant 39 : i32
    %swap3A_2484 = arith.index_cast %swap3A_2483 : i32 to index
    %swap3A_2485 = arith.constant 16 : index
    %swap3A_2486 = tpu.vector_load %arg24[%swap3A_2484, %swap3A_2485] {strides = array<i32>} : memref<72x32xf32, #tpu.memory_space<vmem>>, vector<16xf32>,
    tpu.vector_store %arg24[%swap3A_2484, %swap3A_2485], %broadcast_in_dim3A_2166 {strides = array<i32>} : memref<72x32xf32, #tpu.memory_space<vmem>>, vector<16xf32>,
    %swap3A_2487 = arith.constant 40 : i32
    %swap3A_2488 = arith.index_cast %swap3A_2487 : i32 to index
    %swap3A_2489 = arith.constant 0 : index
    %swap3A_2490 = tpu.vector_load %arg24[%swap3A_2488, %swap3A_2489] {strides = array<i32>} : memref<72x32xf32, #tpu.memory_space<vmem>>, vector<16xf32>,
    tpu.vector_store %arg24[%swap3A_2488, %swap3A_2489], %broadcast_in_dim3A_2166 {strides = array<i32>} : memref<72x32xf32, #tpu.memory_space<vmem>>, vector<16xf32>,
    %swap3A_2491 = arith.constant 40 : i32
    %swap3A_2492 = arith.index_cast %swap3A_2491 : i32 to index
    %swap3A_2493 = arith.constant 16 : index
    %swap3A_2494 = tpu.vector_load %arg24[%swap3A_2492, %swap3A_2493] {strides = array<i32>} : memref<72x32xf32, #tpu.memory_space<vmem>>, vector<16xf32>,
    tpu.vector_store %arg24[%swap3A_2492, %swap3A_2493], %broadcast_in_dim3A_2166 {strides = array<i32>} : memref<72x32xf32, #tpu.memory_space<vmem>>, vector<16xf32>,
    %swap3A_2495 = arith.constant 41 : i32
    %swap3A_2496 = arith.index_cast %swap3A_2495 : i32 to index
    %swap3A_2497 = arith.constant 0 : index
    %swap3A_2498 = tpu.vector_load %arg24[%swap3A_2496, %swap3A_2497] {strides = array<i32>} : memref<72x32xf32, #tpu.memory_space<vmem>>, vector<16xf32>,
    tpu.vector_store %arg24[%swap3A_2496, %swap3A_2497], %broadcast_in_dim3A_2166 {strides = array<i32>} : memref<72x32xf32, #tpu.memory_space<vmem>>, vector<16xf32>,
    %swap3A_2499 = arith.constant 41 : i32
    %swap3A_2500 = arith.index_cast %swap3A_2499 : i32 to index
    %swap3A_2501 = arith.constant 16 : index
    %swap3A_2502 = tpu.vector_load %arg24[%swap3A_2500, %swap3A_2501] {strides = array<i32>} : memref<72x32xf32, #tpu.memory_space<vmem>>, vector<16xf32>,
    tpu.vector_store %arg24[%swap3A_2500, %swap3A_2501], %broadcast_in_dim3A_2166 {strides = array<i32>} : memref<72x32xf32, #tpu.memory_space<vmem>>, vector<16xf32>,
    %swap3A_2503 = arith.constant 42 : i32
    %swap3A_2504 = arith.index_cast %swap3A_2503 : i32 to index
    %swap3A_2505 = arith.constant 0 : index
    %swap3A_2506 = tpu.vector_load %arg24[%swap3A_2504, %swap3A_2505] {strides = array<i32>} : memref<72x32xf32, #tpu.memory_space<vmem>>, vector<16xf32>,
    tpu.vector_store %arg24[%swap3A_2504, %swap3A_2505], %broadcast_in_dim3A_2166 {strides = array<i32>} : memref<72x32xf32, #tpu.memory_space<vmem>>, vector<16xf32>,
    %swap3A_2507 = arith.constant 42 : i32
    %swap3A_2508 = arith.index_cast %swap3A_2507 : i32 to index
    %swap3A_2509 = arith.constant 16 : index
    %swap3A_2510 = tpu.vector_load %arg24[%swap3A_2508, %swap3A_2509] {strides = array<i32>} : memref<72x32xf32, #tpu.memory_space<vmem>>, vector<16xf32>,
    tpu.vector_store %arg24[%swap3A_2508, %swap3A_2509], %broadcast_in_dim3A_2166 {strides = array<i32>} : memref<72x32xf32, #tpu.memory_space<vmem>>, vector<16xf32>,
    %swap3A_2511 = arith.constant 43 : i32
    %swap3A_2512 = arith.index_cast %swap3A_2511 : i32 to index
    %swap3A_2513 = arith.constant 0 : index
    %swap3A_2514 = tpu.vector_load %arg24[%swap3A_2512, %swap3A_2513] {strides = array<i32>} : memref<72x32xf32, #tpu.memory_space<vmem>>, vector<16xf32>,
    tpu.vector_store %arg24[%swap3A_2512, %swap3A_2513], %broadcast_in_dim3A_2166 {strides = array<i32>} : memref<72x32xf32, #tpu.memory_space<vmem>>, vector<16xf32>,
    %swap3A_2515 = arith.constant 43 : i32
    %swap3A_2516 = arith.index_cast %swap3A_2515 : i32 to index
    %swap3A_2517 = arith.constant 16 : index
    %swap3A_2518 = tpu.vector_load %arg24[%swap3A_2516, %swap3A_2517] {strides = array<i32>} : memref<72x32xf32, #tpu.memory_space<vmem>>, vector<16xf32>,
    tpu.vector_store %arg24[%swap3A_2516, %swap3A_2517], %broadcast_in_dim3A_2166 {strides = array<i32>} : memref<72x32xf32, #tpu.memory_space<vmem>>, vector<16xf32>,
    %swap3A_2519 = arith.constant 44 : i32
    %swap3A_2520 = arith.index_cast %swap3A_2519 : i32 to index
    %swap3A_2521 = arith.constant 0 : index
    %swap3A_2522 = tpu.vector_load %arg24[%swap3A_2520, %swap3A_2521] {strides = array<i32>} : memref<72x32xf32, #tpu.memory_space<vmem>>, vector<16xf32>,
    tpu.vector_store %arg24[%swap3A_2520, %swap3A_2521], %broadcast_in_dim3A_2166 {strides = array<i32>} : memref<72x32xf32, #tpu.memory_space<vmem>>, vector<16xf32>,
    %swap3A_2523 = arith.constant 44 : i32
    %swap3A_2524 = arith.index_cast %swap3A_2523 : i32 to index
    %swap3A_2525 = arith.constant 16 : index
    %swap3A_2526 = tpu.vector_load %arg24[%swap3A_2524, %swap3A_2525] {strides = array<i32>} : memref<72x32xf32, #tpu.memory_space<vmem>>, vector<16xf32>,
    tpu.vector_store %arg24[%swap3A_2524, %swap3A_2525], %broadcast_in_dim3A_2166 {strides = array<i32>} : memref<72x32xf32, #tpu.memory_space<vmem>>, vector<16xf32>,
    %swap3A_2527 = arith.constant 45 : i32
    %swap3A_2528 = arith.index_cast %swap3A_2527 : i32 to index
    %swap3A_2529 = arith.constant 0 : index
    %swap3A_2530 = tpu.vector_load %arg24[%swap3A_2528, %swap3A_2529] {strides = array<i32>} : memref<72x32xf32, #tpu.memory_space<vmem>>, vector<16xf32>,
    tpu.vector_store %arg24[%swap3A_2528, %swap3A_2529], %broadcast_in_dim3A_2166 {strides = array<i32>} : memref<72x32xf32, #tpu.memory_space<vmem>>, vector<16xf32>,
    %swap3A_2531 = arith.constant 45 : i32
    %swap3A_2532 = arith.index_cast %swap3A_2531 : i32 to index
    %swap3A_2533 = arith.constant 16 : index
    %swap3A_2534 = tpu.vector_load %arg24[%swap3A_2532, %swap3A_2533] {strides = array<i32>} : memref<72x32xf32, #tpu.memory_space<vmem>>, vector<16xf32>,
    tpu.vector_store %arg24[%swap3A_2532, %swap3A_2533], %broadcast_in_dim3A_2166 {strides = array<i32>} : memref<72x32xf32, #tpu.memory_space<vmem>>, vector<16xf32>,
    %swap3A_2535 = arith.constant 46 : i32
    %swap3A_2536 = arith.index_cast %swap3A_2535 : i32 to index
    %swap3A_2537 = arith.constant 0 : index
    %swap3A_2538 = tpu.vector_load %arg24[%swap3A_2536, %swap3A_2537] {strides = array<i32>} : memref<72x32xf32, #tpu.memory_space<vmem>>, vector<16xf32>,
    tpu.vector_store %arg24[%swap3A_2536, %swap3A_2537], %broadcast_in_dim3A_2166 {strides = array<i32>} : memref<72x32xf32, #tpu.memory_space<vmem>>, vector<16xf32>,
    %swap3A_2539 = arith.constant 46 : i32
    %swap3A_2540 = arith.index_cast %swap3A_2539 : i32 to index
    %swap3A_2541 = arith.constant 16 : index
    %swap3A_2542 = tpu.vector_load %arg24[%swap3A_2540, %swap3A_2541] {strides = array<i32>} : memref<72x32xf32, #tpu.memory_space<vmem>>, vector<16xf32>,
    tpu.vector_store %arg24[%swap3A_2540, %swap3A_2541], %broadcast_in_dim3A_2166 {strides = array<i32>} : memref<72x32xf32, #tpu.memory_space<vmem>>, vector<16xf32>,
    %swap3A_2543 = arith.constant 47 : i32
    %swap3A_2544 = arith.index_cast %swap3A_2543 : i32 to index
    %swap3A_2545 = arith.constant 0 : index
    %swap3A_2546 = tpu.vector_load %arg24[%swap3A_2544, %swap3A_2545] {strides = array<i32>} : memref<72x32xf32, #tpu.memory_space<vmem>>, vector<16xf32>,
    tpu.vector_store %arg24[%swap3A_2544, %swap3A_2545], %broadcast_in_dim3A_2166 {strides = array<i32>} : memref<72x32xf32, #tpu.memory_space<vmem>>, vector<16xf32>,
    %swap3A_2547 = arith.constant 47 : i32
    %swap3A_2548 = arith.index_cast %swap3A_2547 : i32 to index
    %swap3A_2549 = arith.constant 16 : index
    %swap3A_2550 = tpu.vector_load %arg24[%swap3A_2548, %swap3A_2549] {strides = array<i32>} : memref<72x32xf32, #tpu.memory_space<vmem>>, vector<16xf32>,
    tpu.vector_store %arg24[%swap3A_2548, %swap3A_2549], %broadcast_in_dim3A_2166 {strides = array<i32>} : memref<72x32xf32, #tpu.memory_space<vmem>>, vector<16xf32>,
    %swap3A_2551 = arith.constant 48 : i32
    %swap3A_2552 = arith.index_cast %swap3A_2551 : i32 to index
    %swap3A_2553 = arith.constant 0 : index
    %swap3A_2554 = tpu.vector_load %arg24[%swap3A_2552, %swap3A_2553] {strides = array<i32>} : memref<72x32xf32, #tpu.memory_space<vmem>>, vector<16xf32>,
    tpu.vector_store %arg24[%swap3A_2552, %swap3A_2553], %broadcast_in_dim3A_2166 {strides = array<i32>} : memref<72x32xf32, #tpu.memory_space<vmem>>, vector<16xf32>,
    %swap3A_2555 = arith.constant 48 : i32
    %swap3A_2556 = arith.index_cast %swap3A_2555 : i32 to index
    %swap3A_2557 = arith.constant 16 : index
    %swap3A_2558 = tpu.vector_load %arg24[%swap3A_2556, %swap3A_2557] {strides = array<i32>} : memref<72x32xf32, #tpu.memory_space<vmem>>, vector<16xf32>,
    tpu.vector_store %arg24[%swap3A_2556, %swap3A_2557], %broadcast_in_dim3A_2166 {strides = array<i32>} : memref<72x32xf32, #tpu.memory_space<vmem>>, vector<16xf32>,
    %swap3A_2559 = arith.constant 49 : i32
    %swap3A_2560 = arith.index_cast %swap3A_2559 : i32 to index
    %swap3A_2561 = arith.constant 0 : index
    %swap3A_2562 = tpu.vector_load %arg24[%swap3A_2560, %swap3A_2561] {strides = array<i32>} : memref<72x32xf32, #tpu.memory_space<vmem>>, vector<16xf32>,
    tpu.vector_store %arg24[%swap3A_2560, %swap3A_2561], %broadcast_in_dim3A_2166 {strides = array<i32>} : memref<72x32xf32, #tpu.memory_space<vmem>>, vector<16xf32>,
    %swap3A_2563 = arith.constant 49 : i32
    %swap3A_2564 = arith.index_cast %swap3A_2563 : i32 to index
    %swap3A_2565 = arith.constant 16 : index
    %swap3A_2566 = tpu.vector_load %arg24[%swap3A_2564, %swap3A_2565] {strides = array<i32>} : memref<72x32xf32, #tpu.memory_space<vmem>>, vector<16xf32>,
    tpu.vector_store %arg24[%swap3A_2564, %swap3A_2565], %broadcast_in_dim3A_2166 {strides = array<i32>} : memref<72x32xf32, #tpu.memory_space<vmem>>, vector<16xf32>,
    %swap3A_2567 = arith.constant 50 : i32
    %swap3A_2568 = arith.index_cast %swap3A_2567 : i32 to index
    %swap3A_2569 = arith.constant 0 : index
    %swap3A_2570 = tpu.vector_load %arg24[%swap3A_2568, %swap3A_2569] {strides = array<i32>} : memref<72x32xf32, #tpu.memory_space<vmem>>, vector<16xf32>,
    tpu.vector_store %arg24[%swap3A_2568, %swap3A_2569], %broadcast_in_dim3A_2166 {strides = array<i32>} : memref<72x32xf32, #tpu.memory_space<vmem>>, vector<16xf32>,
    %swap3A_2571 = arith.constant 50 : i32
    %swap3A_2572 = arith.index_cast %swap3A_2571 : i32 to index
    %swap3A_2573 = arith.constant 16 : index
    %swap3A_2574 = tpu.vector_load %arg24[%swap3A_2572, %swap3A_2573] {strides = array<i32>} : memref<72x32xf32, #tpu.memory_space<vmem>>, vector<16xf32>,
    tpu.vector_store %arg24[%swap3A_2572, %swap3A_2573], %broadcast_in_dim3A_2166 {strides = array<i32>} : memref<72x32xf32, #tpu.memory_space<vmem>>, vector<16xf32>,
    %swap3A_2575 = arith.constant 51 : i32
    %swap3A_2576 = arith.index_cast %swap3A_2575 : i32 to index
    %swap3A_2577 = arith.constant 0 : index
    %swap3A_2578 = tpu.vector_load %arg24[%swap3A_2576, %swap3A_2577] {strides = array<i32>} : memref<72x32xf32, #tpu.memory_space<vmem>>, vector<16xf32>,
    tpu.vector_store %arg24[%swap3A_2576, %swap3A_2577], %broadcast_in_dim3A_2166 {strides = array<i32>} : memref<72x32xf32, #tpu.memory_space<vmem>>, vector<16xf32>,
    %swap3A_2579 = arith.constant 51 : i32
    %swap3A_2580 = arith.index_cast %swap3A_2579 : i32 to index
    %swap3A_2581 = arith.constant 16 : index
    %swap3A_2582 = tpu.vector_load %arg24[%swap3A_2580, %swap3A_2581] {strides = array<i32>} : memref<72x32xf32, #tpu.memory_space<vmem>>, vector<16xf32>,
    tpu.vector_store %arg24[%swap3A_2580, %swap3A_2581], %broadcast_in_dim3A_2166 {strides = array<i32>} : memref<72x32xf32, #tpu.memory_space<vmem>>, vector<16xf32>,
    %swap3A_2583 = arith.constant 52 : i32
    %swap3A_2584 = arith.index_cast %swap3A_2583 : i32 to index
    %swap3A_2585 = arith.constant 0 : index
    %swap3A_2586 = tpu.vector_load %arg24[%swap3A_2584, %swap3A_2585] {strides = array<i32>} : memref<72x32xf32, #tpu.memory_space<vmem>>, vector<16xf32>,
    tpu.vector_store %arg24[%swap3A_2584, %swap3A_2585], %broadcast_in_dim3A_2166 {strides = array<i32>} : memref<72x32xf32, #tpu.memory_space<vmem>>, vector<16xf32>,
    %swap3A_2587 = arith.constant 52 : i32
    %swap3A_2588 = arith.index_cast %swap3A_2587 : i32 to index
    %swap3A_2589 = arith.constant 16 : index
    %swap3A_2590 = tpu.vector_load %arg24[%swap3A_2588, %swap3A_2589] {strides = array<i32>} : memref<72x32xf32, #tpu.memory_space<vmem>>, vector<16xf32>,
    tpu.vector_store %arg24[%swap3A_2588, %swap3A_2589], %broadcast_in_dim3A_2166 {strides = array<i32>} : memref<72x32xf32, #tpu.memory_space<vmem>>, vector<16xf32>,
    %swap3A_2591 = arith.constant 53 : i32
    %swap3A_2592 = arith.index_cast %swap3A_2591 : i32 to index
    %swap3A_2593 = arith.constant 0 : index
    %swap3A_2594 = tpu.vector_load %arg24[%swap3A_2592, %swap3A_2593] {strides = array<i32>} : memref<72x32xf32, #tpu.memory_space<vmem>>, vector<16xf32>,
    tpu.vector_store %arg24[%swap3A_2592, %swap3A_2593], %broadcast_in_dim3A_2166 {strides = array<i32>} : memref<72x32xf32, #tpu.memory_space<vmem>>, vector<16xf32>,
    %swap3A_2595 = arith.constant 53 : i32
    %swap3A_2596 = arith.index_cast %swap3A_2595 : i32 to index
    %swap3A_2597 = arith.constant 16 : index
    %swap3A_2598 = tpu.vector_load %arg24[%swap3A_2596, %swap3A_2597] {strides = array<i32>} : memref<72x32xf32, #tpu.memory_space<vmem>>, vector<16xf32>,
    tpu.vector_store %arg24[%swap3A_2596, %swap3A_2597], %broadcast_in_dim3A_2166 {strides = array<i32>} : memref<72x32xf32, #tpu.memory_space<vmem>>, vector<16xf32>,
    %swap3A_2599 = arith.constant 54 : i32
    %swap3A_2600 = arith.index_cast %swap3A_2599 : i32 to index
    %swap3A_2601 = arith.constant 0 : index
    %swap3A_2602 = tpu.vector_load %arg24[%swap3A_2600, %swap3A_2601] {strides = array<i32>} : memref<72x32xf32, #tpu.memory_space<vmem>>, vector<16xf32>,
    tpu.vector_store %arg24[%swap3A_2600, %swap3A_2601], %broadcast_in_dim3A_2166 {strides = array<i32>} : memref<72x32xf32, #tpu.memory_space<vmem>>, vector<16xf32>,
    %swap3A_2603 = arith.constant 54 : i32
    %swap3A_2604 = arith.index_cast %swap3A_2603 : i32 to index
    %swap3A_2605 = arith.constant 16 : index
    %swap3A_2606 = tpu.vector_load %arg24[%swap3A_2604, %swap3A_2605] {strides = array<i32>} : memref<72x32xf32, #tpu.memory_space<vmem>>, vector<16xf32>,
    tpu.vector_store %arg24[%swap3A_2604, %swap3A_2605], %broadcast_in_dim3A_2166 {strides = array<i32>} : memref<72x32xf32, #tpu.memory_space<vmem>>, vector<16xf32>,
    %swap3A_2607 = arith.constant 55 : i32
    %swap3A_2608 = arith.index_cast %swap3A_2607 : i32 to index
    %swap3A_2609 = arith.constant 0 : index
    %swap3A_2610 = tpu.vector_load %arg24[%swap3A_2608, %swap3A_2609] {strides = array<i32>} : memref<72x32xf32, #tpu.memory_space<vmem>>, vector<16xf32>,
    tpu.vector_store %arg24[%swap3A_2608, %swap3A_2609], %broadcast_in_dim3A_2166 {strides = array<i32>} : memref<72x32xf32, #tpu.memory_space<vmem>>, vector<16xf32>,
    %swap3A_2611 = arith.constant 55 : i32
    %swap3A_2612 = arith.index_cast %swap3A_2611 : i32 to index
    %swap3A_2613 = arith.constant 16 : index
    %swap3A_2614 = tpu.vector_load %arg24[%swap3A_2612, %swap3A_2613] {strides = array<i32>} : memref<72x32xf32, #tpu.memory_space<vmem>>, vector<16xf32>,
    tpu.vector_store %arg24[%swap3A_2612, %swap3A_2613], %broadcast_in_dim3A_2166 {strides = array<i32>} : memref<72x32xf32, #tpu.memory_space<vmem>>, vector<16xf32>,
    %swap3A_2615 = arith.constant 56 : i32
    %swap3A_2616 = arith.index_cast %swap3A_2615 : i32 to index
    %swap3A_2617 = arith.constant 0 : index
    %swap3A_2618 = tpu.vector_load %arg24[%swap3A_2616, %swap3A_2617] {strides = array<i32>} : memref<72x32xf32, #tpu.memory_space<vmem>>, vector<16xf32>,
    tpu.vector_store %arg24[%swap3A_2616, %swap3A_2617], %broadcast_in_dim3A_2166 {strides = array<i32>} : memref<72x32xf32, #tpu.memory_space<vmem>>, vector<16xf32>,
    %swap3A_2619 = arith.constant 56 : i32
    %swap3A_2620 = arith.index_cast %swap3A_2619 : i32 to index
    %swap3A_2621 = arith.constant 16 : index
    %swap3A_2622 = tpu.vector_load %arg24[%swap3A_2620, %swap3A_2621] {strides = array<i32>} : memref<72x32xf32, #tpu.memory_space<vmem>>, vector<16xf32>,
    tpu.vector_store %arg24[%swap3A_2620, %swap3A_2621], %broadcast_in_dim3A_2166 {strides = array<i32>} : memref<72x32xf32, #tpu.memory_space<vmem>>, vector<16xf32>,
    %swap3A_2623 = arith.constant 57 : i32
    %swap3A_2624 = arith.index_cast %swap3A_2623 : i32 to index
    %swap3A_2625 = arith.constant 0 : index
    %swap3A_2626 = tpu.vector_load %arg24[%swap3A_2624, %swap3A_2625] {strides = array<i32>} : memref<72x32xf32, #tpu.memory_space<vmem>>, vector<16xf32>,
    tpu.vector_store %arg24[%swap3A_2624, %swap3A_2625], %broadcast_in_dim3A_2166 {strides = array<i32>} : memref<72x32xf32, #tpu.memory_space<vmem>>, vector<16xf32>,
    %swap3A_2627 = arith.constant 57 : i32
    %swap3A_2628 = arith.index_cast %swap3A_2627 : i32 to index
    %swap3A_2629 = arith.constant 16 : index
    %swap3A_2630 = tpu.vector_load %arg24[%swap3A_2628, %swap3A_2629] {strides = array<i32>} : memref<72x32xf32, #tpu.memory_space<vmem>>, vector<16xf32>,
    tpu.vector_store %arg24[%swap3A_2628, %swap3A_2629], %broadcast_in_dim3A_2166 {strides = array<i32>} : memref<72x32xf32, #tpu.memory_space<vmem>>, vector<16xf32>,
    %swap3A_2631 = arith.constant 58 : i32
    %swap3A_2632 = arith.index_cast %swap3A_2631 : i32 to index
    %swap3A_2633 = arith.constant 0 : index
    %swap3A_2634 = tpu.vector_load %arg24[%swap3A_2632, %swap3A_2633] {strides = array<i32>} : memref<72x32xf32, #tpu.memory_space<vmem>>, vector<16xf32>,
    tpu.vector_store %arg24[%swap3A_2632, %swap3A_2633], %broadcast_in_dim3A_2166 {strides = array<i32>} : memref<72x32xf32, #tpu.memory_space<vmem>>, vector<16xf32>,
    %swap3A_2635 = arith.constant 58 : i32
    %swap3A_2636 = arith.index_cast %swap3A_2635 : i32 to index
    %swap3A_2637 = arith.constant 16 : index
    %swap3A_2638 = tpu.vector_load %arg24[%swap3A_2636, %swap3A_2637] {strides = array<i32>} : memref<72x32xf32, #tpu.memory_space<vmem>>, vector<16xf32>,
    tpu.vector_store %arg24[%swap3A_2636, %swap3A_2637], %broadcast_in_dim3A_2166 {strides = array<i32>} : memref<72x32xf32, #tpu.memory_space<vmem>>, vector<16xf32>,
    %swap3A_2639 = arith.constant 59 : i32
    %swap3A_2640 = arith.index_cast %swap3A_2639 : i32 to index
    %swap3A_2641 = arith.constant 0 : index
    %swap3A_2642 = tpu.vector_load %arg24[%swap3A_2640, %swap3A_2641] {strides = array<i32>} : memref<72x32xf32, #tpu.memory_space<vmem>>, vector<16xf32>,
    tpu.vector_store %arg24[%swap3A_2640, %swap3A_2641], %broadcast_in_dim3A_2166 {strides = array<i32>} : memref<72x32xf32, #tpu.memory_space<vmem>>, vector<16xf32>,
    %swap3A_2643 = arith.constant 59 : i32
    %swap3A_2644 = arith.index_cast %swap3A_2643 : i32 to index
    %swap3A_2645 = arith.constant 16 : index
    %swap3A_2646 = tpu.vector_load %arg24[%swap3A_2644, %swap3A_2645] {strides = array<i32>} : memref<72x32xf32, #tpu.memory_space<vmem>>, vector<16xf32>,
    tpu.vector_store %arg24[%swap3A_2644, %swap3A_2645], %broadcast_in_dim3A_2166 {strides = array<i32>} : memref<72x32xf32, #tpu.memory_space<vmem>>, vector<16xf32>,
    %swap3A_2647 = arith.constant 60 : i32
    %swap3A_2648 = arith.index_cast %swap3A_2647 : i32 to index
    %swap3A_2649 = arith.constant 0 : index
    %swap3A_2650 = tpu.vector_load %arg24[%swap3A_2648, %swap3A_2649] {strides = array<i32>} : memref<72x32xf32, #tpu.memory_space<vmem>>, vector<16xf32>,
    tpu.vector_store %arg24[%swap3A_2648, %swap3A_2649], %broadcast_in_dim3A_2166 {strides = array<i32>} : memref<72x32xf32, #tpu.memory_space<vmem>>, vector<16xf32>,
    %swap3A_2651 = arith.constant 60 : i32
    %swap3A_2652 = arith.index_cast %swap3A_2651 : i32 to index
    %swap3A_2653 = arith.constant 16 : index
    %swap3A_2654 = tpu.vector_load %arg24[%swap3A_2652, %swap3A_2653] {strides = array<i32>} : memref<72x32xf32, #tpu.memory_space<vmem>>, vector<16xf32>,
    tpu.vector_store %arg24[%swap3A_2652, %swap3A_2653], %broadcast_in_dim3A_2166 {strides = array<i32>} : memref<72x32xf32, #tpu.memory_space<vmem>>, vector<16xf32>,
    %swap3A_2655 = arith.constant 61 : i32
    %swap3A_2656 = arith.index_cast %swap3A_2655 : i32 to index
    %swap3A_2657 = arith.constant 0 : index
    %swap3A_2658 = tpu.vector_load %arg24[%swap3A_2656, %swap3A_2657] {strides = array<i32>} : memref<72x32xf32, #tpu.memory_space<vmem>>, vector<16xf32>,
    tpu.vector_store %arg24[%swap3A_2656, %swap3A_2657], %broadcast_in_dim3A_2166 {strides = array<i32>} : memref<72x32xf32, #tpu.memory_space<vmem>>, vector<16xf32>,
    %swap3A_2659 = arith.constant 61 : i32
    %swap3A_2660 = arith.index_cast %swap3A_2659 : i32 to index
    %swap3A_2661 = arith.constant 16 : index
    %swap3A_2662 = tpu.vector_load %arg24[%swap3A_2660, %swap3A_2661] {strides = array<i32>} : memref<72x32xf32, #tpu.memory_space<vmem>>, vector<16xf32>,
    tpu.vector_store %arg24[%swap3A_2660, %swap3A_2661], %broadcast_in_dim3A_2166 {strides = array<i32>} : memref<72x32xf32, #tpu.memory_space<vmem>>, vector<16xf32>,
    %swap3A_2663 = arith.constant 62 : i32
    %swap3A_2664 = arith.index_cast %swap3A_2663 : i32 to index
    %swap3A_2665 = arith.constant 0 : index
    %swap3A_2666 = tpu.vector_load %arg24[%swap3A_2664, %swap3A_2665] {strides = array<i32>} : memref<72x32xf32, #tpu.memory_space<vmem>>, vector<16xf32>,
    tpu.vector_store %arg24[%swap3A_2664, %swap3A_2665], %broadcast_in_dim3A_2166 {strides = array<i32>} : memref<72x32xf32, #tpu.memory_space<vmem>>, vector<16xf32>,
    %swap3A_2667 = arith.constant 62 : i32
    %swap3A_2668 = arith.index_cast %swap3A_2667 : i32 to index
    %swap3A_2669 = arith.constant 16 : index
    %swap3A_2670 = tpu.vector_load %arg24[%swap3A_2668, %swap3A_2669] {strides = array<i32>} : memref<72x32xf32, #tpu.memory_space<vmem>>, vector<16xf32>,
    tpu.vector_store %arg24[%swap3A_2668, %swap3A_2669], %broadcast_in_dim3A_2166 {strides = array<i32>} : memref<72x32xf32, #tpu.memory_space<vmem>>, vector<16xf32>,
    %swap3A_2671 = arith.constant 63 : i32
    %swap3A_2672 = arith.index_cast %swap3A_2671 : i32 to index
    %swap3A_2673 = arith.constant 0 : index
    %swap3A_2674 = tpu.vector_load %arg24[%swap3A_2672, %swap3A_2673] {strides = array<i32>} : memref<72x32xf32, #tpu.memory_space<vmem>>, vector<16xf32>,
    tpu.vector_store %arg24[%swap3A_2672, %swap3A_2673], %broadcast_in_dim3A_2166 {strides = array<i32>} : memref<72x32xf32, #tpu.memory_space<vmem>>, vector<16xf32>,
    %swap3A_2675 = arith.constant 63 : i32
    %swap3A_2676 = arith.index_cast %swap3A_2675 : i32 to index
    %swap3A_2677 = arith.constant 16 : index
    %swap3A_2678 = tpu.vector_load %arg24[%swap3A_2676, %swap3A_2677] {strides = array<i32>} : memref<72x32xf32, #tpu.memory_space<vmem>>, vector<16xf32>,
    tpu.vector_store %arg24[%swap3A_2676, %swap3A_2677], %broadcast_in_dim3A_2166 {strides = array<i32>} : memref<72x32xf32, #tpu.memory_space<vmem>>, vector<16xf32>,
    %get3A_2679 = arith.constant 0 : index
    %get3A_2680 = tpu.vector_load %arg6[%get3A_2679] {strides = array<i32>} : memref<96xi32, #tpu.memory_space<vmem>>, vector<16xi32>,
    %slice3A = vector.extract_strided_slice %get3A_2680 {offsets = [0], sizes = [1], strides = [1]} : vector<16xi32> to vector<1xi32>
    %squeeze3A = vector.extract %slice3A[0] : i32 from vector<1xi32>
    %get3A_2681 = arith.constant 64 : index
    %get3A_2682 = tpu.vector_load %arg6[%get3A_2681] {strides = array<i32>} : memref<96xi32, #tpu.memory_space<vmem>>, vector<16xi32>,
    %slice3A_2683 = vector.extract_strided_slice %get3A_2682 {offsets = [0], sizes = [1], strides = [1]} : vector<16xi32> to vector<1xi32>
    %squeeze3A_2684 = vector.extract %slice3A_2683[0] : i32 from vector<1xi32>
    %sub3A_2685 = arith.subi %squeeze3A_2684, %squeeze3A : i32
    %add3A_2686 = arith.constant 511 : i32
    %add3A_2687 = arith.addi %sub3A_2685, %add3A_2686 : i32
    %jit3A = arith.constant 512 : i32
    %div3A = arith.divsi %add3A_2687, %jit3A : i32
    %sign3A = arith.constant 0 : i32
    %sign3A_2688 = arith.cmpi sgt, %add3A_2687, %sign3A : i32
    %sign3A_2689 = arith.extui %sign3A_2688 : i1 to i32
    %sign3A_2690 = arith.constant 0 : i32
    %sign3A_2691 = arith.cmpi slt, %add3A_2687, %sign3A_2690 : i32
    %sign3A_2692 = arith.extui %sign3A_2691 : i1 to i32
    %sign3A_2693 = arith.subi %sign3A_2689, %sign3A_2692 : i32
    %sign3A_2694 = arith.constant 0 : i32
    %sign3A_2695 = arith.cmpi sgt, %jit3A, %sign3A_2694 : i32
    %sign3A_2696 = arith.extui %sign3A_2695 : i1 to i32
    %sign3A_2697 = arith.constant 0 : i32
    %sign3A_2698 = arith.cmpi slt, %jit3A, %sign3A_2697 : i32
    %sign3A_2699 = arith.extui %sign3A_2698 : i1 to i32
    %sign3A_2700 = arith.subi %sign3A_2696, %sign3A_2699 : i32
    %ne3A = arith.cmpi ne, %sign3A_2693, %sign3A_2700 : i32
    %rem3A = arith.remsi %add3A_2687, %jit3A : i32
    %ne3A_2701 = arith.constant 0 : i32
    %ne3A_2702 = arith.cmpi ne, %rem3A, %ne3A_2701 : i32
    %and3A_2703 = arith.andi %ne3A, %ne3A_2702 : i1
    %sub3A_2704 = arith.constant 1 : i32
    %sub3A_2705 = arith.subi %div3A, %sub3A_2704 : i32
    %select_n3A_2706 = arith.select %and3A_2703, %sub3A_2705, %div3A : i32
    %add3A_2707 = arith.constant 1 : i32
    %add3A_2708 = arith.addi %select_n3A_2706, %add3A_2707 : i32
    %jit3A_2709 = arith.constant 2 : i32
    %div3A_2710 = arith.divsi %add3A_2708, %jit3A_2709 : i32
    %sign3A_2711 = arith.constant 0 : i32
    %sign3A_2712 = arith.cmpi sgt, %add3A_2708, %sign3A_2711 : i32
    %sign3A_2713 = arith.extui %sign3A_2712 : i1 to i32
    %sign3A_2714 = arith.constant 0 : i32
    %sign3A_2715 = arith.cmpi slt, %add3A_2708, %sign3A_2714 : i32
    %sign3A_2716 = arith.extui %sign3A_2715 : i1 to i32
    %sign3A_2717 = arith.subi %sign3A_2713, %sign3A_2716 : i32
    %sign3A_2718 = arith.constant 0 : i32
    %sign3A_2719 = arith.cmpi sgt, %jit3A_2709, %sign3A_2718 : i32
    %sign3A_2720 = arith.extui %sign3A_2719 : i1 to i32
    %sign3A_2721 = arith.constant 0 : i32
    %sign3A_2722 = arith.cmpi slt, %jit3A_2709, %sign3A_2721 : i32
    %sign3A_2723 = arith.extui %sign3A_2722 : i1 to i32
    %sign3A_2724 = arith.subi %sign3A_2720, %sign3A_2723 : i32
    %ne3A_2725 = arith.cmpi ne, %sign3A_2717, %sign3A_2724 : i32
    %rem3A_2726 = arith.remsi %add3A_2708, %jit3A_2709 : i32
    %ne3A_2727 = arith.constant 0 : i32
    %ne3A_2728 = arith.cmpi ne, %rem3A_2726, %ne3A_2727 : i32
    %and3A_2729 = arith.andi %ne3A_2725, %ne3A_2728 : i1
    %sub3A_2730 = arith.constant 1 : i32
    %sub3A_2731 = arith.subi %div3A_2710, %sub3A_2730 : i32
    %select_n3A_2732 = arith.select %and3A_2729, %sub3A_2731, %div3A_2710 : i32
    %add3A_2733 = arith.constant 0 : i32
    %add3A_2734 = arith.addi %squeeze3A, %add3A_2733 : i32
    %min3A_2735 = arith.constant 99488 : i32
    %min3A_2736 = arith.minsi %add3A_2734, %min3A_2735 : i32
    %dma_start3A_2737 = arith.constant 96 : i32
    %dma_start3A_2738 = tpu.memref_slice %arg2[%min3A_2736, %dma_start3A_2737] : memref<100000x128xf32, #tpu.memory_space<hbm>> -> memref<512x32xf32, #tpu.memory_space<hbm>>
    %dma_start3A_2739 = arith.constant 96 : i32
    %dma_start3A_2740 = tpu.memref_slice %arg2[%min3A_2736, %dma_start3A_2739] : memref<100000x128xf32, #tpu.memory_space<hbm>> -> memref<512x32xf32, #tpu.memory_space<hbm>>
    tpu.enqueue_dma source(%dma_start3A_2740 : memref<512x32xf32, #tpu.memory_space<hbm>>) target(%arg22 : memref<512x32xf32, #tpu.memory_space<vmem>>) target_semaphore(%arg25 : memref<!tpu.dma_semaphore, #tpu.memory_space<semaphore_mem>>)
    %while3A = arith.constant 0 : i32
    %while3A_2741 = arith.constant 0 : i32
    %while3A_2742 = arith.subi %select_n3A_2732, %while3A : i32
    %while3A_2743 = arith.addi %while3A, %while3A_2742 : i32
    %while3A_2744 = arith.constant 1 : i32
    %while3A_2745 = arith.divsi %while3A_2742, %while3A_2744 : i32
    %while3A_2746 = arith.muli %while3A_2745, %while3A_2744 : i32
    %while3A_2747 = arith.addi %while3A, %while3A_2746 : i32
    %while3A_2748 = arith.constant 1 : i32
    %while3A_2749:3 = scf.for %while3A_2758 = %while3A to %while3A_2747 step %while3A_2748 iter_args(%while3A_2759 = %while3A_2741, %while3A_2760 = %broadcast_in_dim3A_2166, %while3A_2761 = %broadcast_in_dim3A_2166) -> (i32, vector<16xf32>, vector<16xf32>)  : i32 {
      %mul3A_2762 = arith.constant 2 : i32
      %mul3A_2763 = arith.muli %mul3A_2762, %while3A_2758 : i32
      %add3A_2764 = arith.constant 1 : i32
      %add3A_2765 = arith.addi %mul3A_2763, %add3A_2764 : i32
      %mul3A_2766 = arith.constant 512 : i32
      %mul3A_2767 = arith.muli %add3A_2765, %mul3A_2766 : i32
      %add3A_2768 = arith.addi %squeeze3A, %mul3A_2767 : i32
      %min3A_2769 = arith.constant 99488 : i32
      %min3A_2770 = arith.minsi %add3A_2768, %min3A_2769 : i32
      %dma_start3A_2771 = arith.constant 96 : i32
      %dma_start3A_2772 = tpu.memref_slice %arg2[%min3A_2770, %dma_start3A_2771] : memref<100000x128xf32, #tpu.memory_space<hbm>> -> memref<512x32xf32, #tpu.memory_space<hbm>>
      %dma_start3A_2773 = arith.constant 96 : i32
      %dma_start3A_2774 = tpu.memref_slice %arg2[%min3A_2770, %dma_start3A_2773] : memref<100000x128xf32, #tpu.memory_space<hbm>> -> memref<512x32xf32, #tpu.memory_space<hbm>>
      tpu.enqueue_dma source(%dma_start3A_2774 : memref<512x32xf32, #tpu.memory_space<hbm>>) target(%arg23 : memref<512x32xf32, #tpu.memory_space<vmem>>) target_semaphore(%arg26 : memref<!tpu.dma_semaphore, #tpu.memory_space<semaphore_mem>>)
      %dma_wait3A_2775 = arith.constant 0 : i32
      %dma_wait3A_2776 = arith.constant 96 : i32
      %dma_wait3A_2777 = tpu.memref_slice %arg2[%dma_wait3A_2775, %dma_wait3A_2776] : memref<100000x128xf32, #tpu.memory_space<hbm>> -> memref<512x32xf32, #tpu.memory_space<hbm>>
      %dma_wait3A_2778 = arith.constant 0 : i32
      %dma_wait3A_2779 = arith.constant 96 : i32
      %dma_wait3A_2780 = tpu.memref_slice %arg2[%dma_wait3A_2778, %dma_wait3A_2779] : memref<100000x128xf32, #tpu.memory_space<hbm>> -> memref<512x32xf32, #tpu.memory_space<hbm>>
      tpu.wait_dma2 semaphore(%arg25 : memref<!tpu.dma_semaphore, #tpu.memory_space<semaphore_mem>>) src(%dma_wait3A_2780 : memref<512x32xf32, #tpu.memory_space<hbm>>) dst(%arg22 : memref<512x32xf32, #tpu.memory_space<vmem>>)
      %mul3A_2781 = arith.constant 2 : i32
      %mul3A_2782 = arith.muli %mul3A_2781, %while3A_2758 : i32
      %mul3A_2783 = arith.constant 512 : i32
      %mul3A_2784 = arith.muli %mul3A_2782, %mul3A_2783 : i32
      %add3A_2785 = arith.addi %squeeze3A, %mul3A_2784 : i32
      %min3A_2786 = arith.constant 99488 : i32
      %min3A_2787 = arith.minsi %add3A_2785, %min3A_2786 : i32
      %add3A_2788 = arith.constant 1 : i32
      %add3A_2789 = arith.addi %mul3A_2782, %add3A_2788 : i32
      %mul3A_2790 = arith.constant 512 : i32
      %mul3A_2791 = arith.muli %add3A_2789, %mul3A_2790 : i32
      %add3A_2792 = arith.addi %squeeze3A, %mul3A_2791 : i32
      %min3A_2793 = arith.minsi %add3A_2792, %squeeze3A_2684 : i32
      %mul3A_2794 = arith.constant 512 : i32
      %mul3A_2795 = arith.muli %mul3A_2782, %mul3A_2794 : i32
      %add3A_2796 = arith.addi %squeeze3A, %mul3A_2795 : i32
      %min3A_2797 = arith.minsi %add3A_2796, %squeeze3A_2684 : i32
      %iota3A_2798 = tpu.iota {dimensions = array<i32: 0>} : vector<16xi32>
      %add3A_2799 = arith.constant 1 : i32
      %add3A_2800 = arith.addi %while3A_2759, %add3A_2799 : i32
      %broadcast_in_dim3A_2801 = vector.broadcast %add3A_2800 : i32 to vector<16xi32>
      %broadcast_in_dim3A_2802 = vector.broadcast %min3A_2793 : i32 to vector<16xi32>
      %get3A_2803 = arith.constant 1 : index
      %get3A_2804 = tpu.vector_load %arg6[%get3A_2803] {strides = array<i32>} : memref<96xi32, #tpu.memory_space<vmem>>, vector<16xi32>,
      %add3A_2805 = arith.constant 1 : i32
      %add3A_2806 = vector.broadcast %add3A_2805 : i32 to vector<16xi32>
      %add3A_2807 = arith.addi %add3A_2806, %iota3A_2798 : vector<16xi32>
      %ge3A = arith.cmpi sge, %add3A_2807, %broadcast_in_dim3A_2801 : vector<16xi32>
      %le3A = arith.cmpi sle, %get3A_2804, %broadcast_in_dim3A_2802 : vector<16xi32>
      %and3A_2808 = arith.andi %ge3A, %le3A : vector<16xi1>
      %convert_element_type3A_2809 = arith.extui %and3A_2808 : vector<16xi1> to vector<16xi32>
      %reduce_sum3A = arith.constant true
      %reduce_sum3A_2810 = vector.broadcast %reduce_sum3A : i1 to vector<16xi1>
      %reduce_sum3A_2811 = tpu.scan <sum>, %convert_element_type3A_2809 masked %reduce_sum3A_2810 : vector<16xi32>, vector<16xi1> -> vector<16xi32>
      %reduce_sum3A_2812 = vector.extract %reduce_sum3A_2811[15] : i32 from vector<16xi32>
      %add3A_2813 = arith.constant 0 : i32
      %add3A_2814 = arith.addi %add3A_2813, %reduce_sum3A_2812 : i32
      %get3A_2815 = arith.constant 17 : index
      %get3A_2816 = tpu.vector_load %arg6[%get3A_2815] {strides = array<i32>} : memref<96xi32, #tpu.memory_space<vmem>>, vector<16xi32>,
      %add3A_2817 = arith.constant 17 : i32
      %add3A_2818 = vector.broadcast %add3A_2817 : i32 to vector<16xi32>
      %add3A_2819 = arith.addi %add3A_2818, %iota3A_2798 : vector<16xi32>
      %ge3A_2820 = arith.cmpi sge, %add3A_2819, %broadcast_in_dim3A_2801 : vector<16xi32>
      %le3A_2821 = arith.cmpi sle, %get3A_2816, %broadcast_in_dim3A_2802 : vector<16xi32>
      %and3A_2822 = arith.andi %ge3A_2820, %le3A_2821 : vector<16xi1>
      %convert_element_type3A_2823 = arith.extui %and3A_2822 : vector<16xi1> to vector<16xi32>
      %reduce_sum3A_2824 = arith.constant true
      %reduce_sum3A_2825 = vector.broadcast %reduce_sum3A_2824 : i1 to vector<16xi1>
      %reduce_sum3A_2826 = tpu.scan <sum>, %convert_element_type3A_2823 masked %reduce_sum3A_2825 : vector<16xi32>, vector<16xi1> -> vector<16xi32>
      %reduce_sum3A_2827 = vector.extract %reduce_sum3A_2826[15] : i32 from vector<16xi32>
      %add3A_2828 = arith.addi %add3A_2814, %reduce_sum3A_2827 : i32
      %get3A_2829 = arith.constant 33 : index
      %get3A_2830 = tpu.vector_load %arg6[%get3A_2829] {strides = array<i32>} : memref<96xi32, #tpu.memory_space<vmem>>, vector<16xi32>,
      %add3A_2831 = arith.constant 33 : i32
      %add3A_2832 = vector.broadcast %add3A_2831 : i32 to vector<16xi32>
      %add3A_2833 = arith.addi %add3A_2832, %iota3A_2798 : vector<16xi32>
      %ge3A_2834 = arith.cmpi sge, %add3A_2833, %broadcast_in_dim3A_2801 : vector<16xi32>
      %le3A_2835 = arith.cmpi sle, %get3A_2830, %broadcast_in_dim3A_2802 : vector<16xi32>
      %and3A_2836 = arith.andi %ge3A_2834, %le3A_2835 : vector<16xi1>
      %convert_element_type3A_2837 = arith.extui %and3A_2836 : vector<16xi1> to vector<16xi32>
      %reduce_sum3A_2838 = arith.constant true
      %reduce_sum3A_2839 = vector.broadcast %reduce_sum3A_2838 : i1 to vector<16xi1>
      %reduce_sum3A_2840 = tpu.scan <sum>, %convert_element_type3A_2837 masked %reduce_sum3A_2839 : vector<16xi32>, vector<16xi1> -> vector<16xi32>
      %reduce_sum3A_2841 = vector.extract %reduce_sum3A_2840[15] : i32 from vector<16xi32>
      %add3A_2842 = arith.addi %add3A_2828, %reduce_sum3A_2841 : i32
      %get3A_2843 = arith.constant 49 : index
      %get3A_2844 = tpu.vector_load %arg6[%get3A_2843] {strides = array<i32>} : memref<96xi32, #tpu.memory_space<vmem>>, vector<16xi32>,
      %add3A_2845 = arith.constant 49 : i32
      %add3A_2846 = vector.broadcast %add3A_2845 : i32 to vector<16xi32>
      %add3A_2847 = arith.addi %add3A_2846, %iota3A_2798 : vector<16xi32>
      %ge3A_2848 = arith.cmpi sge, %add3A_2847, %broadcast_in_dim3A_2801 : vector<16xi32>
      %le3A_2849 = arith.cmpi sle, %get3A_2844, %broadcast_in_dim3A_2802 : vector<16xi32>
      %and3A_2850 = arith.andi %ge3A_2848, %le3A_2849 : vector<16xi1>
      %convert_element_type3A_2851 = arith.extui %and3A_2850 : vector<16xi1> to vector<16xi32>
      %reduce_sum3A_2852 = arith.constant true
      %reduce_sum3A_2853 = vector.broadcast %reduce_sum3A_2852 : i1 to vector<16xi1>
      %reduce_sum3A_2854 = tpu.scan <sum>, %convert_element_type3A_2851 masked %reduce_sum3A_2853 : vector<16xi32>, vector<16xi1> -> vector<16xi32>
      %reduce_sum3A_2855 = vector.extract %reduce_sum3A_2854[15] : i32 from vector<16xi32>
      %add3A_2856 = arith.addi %add3A_2842, %reduce_sum3A_2855 : i32
      %add3A_2857 = arith.constant 1 : i32
      %add3A_2858 = arith.addi %add3A_2856, %add3A_2857 : i32
      %while3A_2859 = arith.constant 0 : i32
      %while3A_2860 = arith.subi %add3A_2858, %while3A_2859 : i32
      %while3A_2861 = arith.addi %while3A_2859, %while3A_2860 : i32
      %while3A_2862 = arith.constant 1 : i32
      %while3A_2863 = arith.divsi %while3A_2860, %while3A_2862 : i32
      %while3A_2864 = arith.muli %while3A_2863, %while3A_2862 : i32
      %while3A_2865 = arith.addi %while3A_2859, %while3A_2864 : i32
      %while3A_2866 = arith.constant 1 : i32
      %while3A_2867:4 = scf.for %while3A_2981 = %while3A_2859 to %while3A_2865 step %while3A_2866 iter_args(%while3A_2982 = %while3A_2759, %while3A_2983 = %while3A_2760, %while3A_2984 = %while3A_2761, %while3A_2985 = %min3A_2797) -> (i32, vector<16xf32>, vector<16xf32>, i32)  : i32 {
        %add3A_2986 = arith.constant 1 : i32
        %add3A_2987 = arith.addi %while3A_2982, %add3A_2986 : i32
        %get3A_2988 = arith.index_cast %add3A_2987 : i32 to index
        %get3A_2989 = tpu.vector_load %arg6[%get3A_2988] {strides = array<i32>} : memref<96xi32, #tpu.memory_space<vmem>>, vector<16xi32>,
        %slice3A_2990 = vector.extract_strided_slice %get3A_2989 {offsets = [0], sizes = [1], strides = [1]} : vector<16xi32> to vector<1xi32>
        %squeeze3A_2991 = vector.extract %slice3A_2990[0] : i32 from vector<1xi32>
        %min3A_2992 = arith.minsi %squeeze3A_2991, %min3A_2793 : i32
        %sub3A_2993 = arith.subi %min3A_2992, %while3A_2985 : i32
        %shift_right_arithmetic3A_2994 = arith.constant 3 : i32
        %shift_right_arithmetic3A_2995 = arith.shrsi %sub3A_2993, %shift_right_arithmetic3A_2994 : i32
        %while3A_2996 = arith.constant 0 : i32
        %while3A_2997 = arith.subi %shift_right_arithmetic3A_2995, %while3A_2996 : i32
        %while3A_2998 = arith.addi %while3A_2996, %while3A_2997 : i32
        %while3A_2999 = arith.constant 1 : i32
        %while3A_3000 = arith.divsi %while3A_2997, %while3A_2999 : i32
        %while3A_3001 = arith.muli %while3A_3000, %while3A_2999 : i32
        %while3A_3002 = arith.addi %while3A_2996, %while3A_3001 : i32
        %while3A_3003 = arith.constant 1 : i32
        %while3A_3004:2 = scf.for %while3A_3033 = %while3A_2996 to %while3A_3002 step %while3A_3003 iter_args(%while3A_3034 = %while3A_2983, %while3A_3035 = %while3A_2984) -> (vector<16xf32>, vector<16xf32>)  : i32 {
          %sub3A_3036 = arith.subi %while3A_2985, %min3A_2787 : i32
          %mul3A_3037 = arith.constant 8 : i32
          %mul3A_3038 = arith.muli %mul3A_3037, %while3A_3033 : i32
          %add3A_3039 = arith.addi %sub3A_3036, %mul3A_3038 : i32
          %add3A_3040 = arith.constant 0 : i32
          %add3A_3041 = arith.addi %add3A_3039, %add3A_3040 : i32
          %get3A_3042 = arith.index_cast %add3A_3041 : i32 to index
          %get3A_3043 = arith.constant 0 : index
          %get3A_3044 = tpu.vector_load %arg22[%get3A_3042, %get3A_3043] {strides = array<i32>} : memref<512x32xf32, #tpu.memory_space<vmem>>, vector<16xf32>,
          %add3A_3045 = arith.constant 1 : i32
          %add3A_3046 = arith.addi %add3A_3039, %add3A_3045 : i32
          %get3A_3047 = arith.index_cast %add3A_3046 : i32 to index
          %get3A_3048 = arith.constant 0 : index
          %get3A_3049 = tpu.vector_load %arg22[%get3A_3047, %get3A_3048] {strides = array<i32>} : memref<512x32xf32, #tpu.memory_space<vmem>>, vector<16xf32>,
          %add3A_3050 = arith.constant 2 : i32
          %add3A_3051 = arith.addi %add3A_3039, %add3A_3050 : i32
          %get3A_3052 = arith.index_cast %add3A_3051 : i32 to index
          %get3A_3053 = arith.constant 0 : index
          %get3A_3054 = tpu.vector_load %arg22[%get3A_3052, %get3A_3053] {strides = array<i32>} : memref<512x32xf32, #tpu.memory_space<vmem>>, vector<16xf32>,
          %add3A_3055 = arith.constant 3 : i32
          %add3A_3056 = arith.addi %add3A_3039, %add3A_3055 : i32
          %get3A_3057 = arith.index_cast %add3A_3056 : i32 to index
          %get3A_3058 = arith.constant 0 : index
          %get3A_3059 = tpu.vector_load %arg22[%get3A_3057, %get3A_3058] {strides = array<i32>} : memref<512x32xf32, #tpu.memory_space<vmem>>, vector<16xf32>,
          %add3A_3060 = arith.constant 4 : i32
          %add3A_3061 = arith.addi %add3A_3039, %add3A_3060 : i32
          %get3A_3062 = arith.index_cast %add3A_3061 : i32 to index
          %get3A_3063 = arith.constant 0 : index
          %get3A_3064 = tpu.vector_load %arg22[%get3A_3062, %get3A_3063] {strides = array<i32>} : memref<512x32xf32, #tpu.memory_space<vmem>>, vector<16xf32>,
          %add3A_3065 = arith.constant 5 : i32
          %add3A_3066 = arith.addi %add3A_3039, %add3A_3065 : i32
          %get3A_3067 = arith.index_cast %add3A_3066 : i32 to index
          %get3A_3068 = arith.constant 0 : index
          %get3A_3069 = tpu.vector_load %arg22[%get3A_3067, %get3A_3068] {strides = array<i32>} : memref<512x32xf32, #tpu.memory_space<vmem>>, vector<16xf32>,
          %add3A_3070 = arith.constant 6 : i32
          %add3A_3071 = arith.addi %add3A_3039, %add3A_3070 : i32
          %get3A_3072 = arith.index_cast %add3A_3071 : i32 to index
          %get3A_3073 = arith.constant 0 : index
          %get3A_3074 = tpu.vector_load %arg22[%get3A_3072, %get3A_3073] {strides = array<i32>} : memref<512x32xf32, #tpu.memory_space<vmem>>, vector<16xf32>,
          %add3A_3075 = arith.constant 7 : i32
          %add3A_3076 = arith.addi %add3A_3039, %add3A_3075 : i32
          %get3A_3077 = arith.index_cast %add3A_3076 : i32 to index
          %get3A_3078 = arith.constant 0 : index
          %get3A_3079 = tpu.vector_load %arg22[%get3A_3077, %get3A_3078] {strides = array<i32>} : memref<512x32xf32, #tpu.memory_space<vmem>>, vector<16xf32>,
          %add3A_3080 = arith.constant 0 : i32
          %add3A_3081 = arith.addi %add3A_3039, %add3A_3080 : i32
          %get3A_3082 = arith.index_cast %add3A_3081 : i32 to index
          %get3A_3083 = arith.constant 16 : index
          %get3A_3084 = tpu.vector_load %arg22[%get3A_3082, %get3A_3083] {strides = array<i32>} : memref<512x32xf32, #tpu.memory_space<vmem>>, vector<16xf32>,
          %add3A_3085 = arith.constant 1 : i32
          %add3A_3086 = arith.addi %add3A_3039, %add3A_3085 : i32
          %get3A_3087 = arith.index_cast %add3A_3086 : i32 to index
          %get3A_3088 = arith.constant 16 : index
          %get3A_3089 = tpu.vector_load %arg22[%get3A_3087, %get3A_3088] {strides = array<i32>} : memref<512x32xf32, #tpu.memory_space<vmem>>, vector<16xf32>,
          %add3A_3090 = arith.constant 2 : i32
          %add3A_3091 = arith.addi %add3A_3039, %add3A_3090 : i32
          %get3A_3092 = arith.index_cast %add3A_3091 : i32 to index
          %get3A_3093 = arith.constant 16 : index
          %get3A_3094 = tpu.vector_load %arg22[%get3A_3092, %get3A_3093] {strides = array<i32>} : memref<512x32xf32, #tpu.memory_space<vmem>>, vector<16xf32>,
          %add3A_3095 = arith.constant 3 : i32
          %add3A_3096 = arith.addi %add3A_3039, %add3A_3095 : i32
          %get3A_3097 = arith.index_cast %add3A_3096 : i32 to index
          %get3A_3098 = arith.constant 16 : index
          %get3A_3099 = tpu.vector_load %arg22[%get3A_3097, %get3A_3098] {strides = array<i32>} : memref<512x32xf32, #tpu.memory_space<vmem>>, vector<16xf32>,
          %add3A_3100 = arith.constant 4 : i32
          %add3A_3101 = arith.addi %add3A_3039, %add3A_3100 : i32
          %get3A_3102 = arith.index_cast %add3A_3101 : i32 to index
          %get3A_3103 = arith.constant 16 : index
          %get3A_3104 = tpu.vector_load %arg22[%get3A_3102, %get3A_3103] {strides = array<i32>} : memref<512x32xf32, #tpu.memory_space<vmem>>, vector<16xf32>,
          %add3A_3105 = arith.constant 5 : i32
          %add3A_3106 = arith.addi %add3A_3039, %add3A_3105 : i32
          %get3A_3107 = arith.index_cast %add3A_3106 : i32 to index
          %get3A_3108 = arith.constant 16 : index
          %get3A_3109 = tpu.vector_load %arg22[%get3A_3107, %get3A_3108] {strides = array<i32>} : memref<512x32xf32, #tpu.memory_space<vmem>>, vector<16xf32>,
          %add3A_3110 = arith.constant 6 : i32
          %add3A_3111 = arith.addi %add3A_3039, %add3A_3110 : i32
          %get3A_3112 = arith.index_cast %add3A_3111 : i32 to index
          %get3A_3113 = arith.constant 16 : index
          %get3A_3114 = tpu.vector_load %arg22[%get3A_3112, %get3A_3113] {strides = array<i32>} : memref<512x32xf32, #tpu.memory_space<vmem>>, vector<16xf32>,
          %add3A_3115 = arith.constant 7 : i32
          %add3A_3116 = arith.addi %add3A_3039, %add3A_3115 : i32
          %get3A_3117 = arith.index_cast %add3A_3116 : i32 to index
          %get3A_3118 = arith.constant 16 : index
          %get3A_3119 = tpu.vector_load %arg22[%get3A_3117, %get3A_3118] {strides = array<i32>} : memref<512x32xf32, #tpu.memory_space<vmem>>, vector<16xf32>,
          %max3A_3120 = arith.maximumf %get3A_3044, %get3A_3049 : vector<16xf32>
          %max3A_3121 = arith.maximumf %get3A_3054, %get3A_3059 : vector<16xf32>
          %max3A_3122 = arith.maximumf %max3A_3120, %max3A_3121 : vector<16xf32>
          %max3A_3123 = arith.maximumf %get3A_3064, %get3A_3069 : vector<16xf32>
          %max3A_3124 = arith.maximumf %get3A_3074, %get3A_3079 : vector<16xf32>
          %max3A_3125 = arith.maximumf %max3A_3123, %max3A_3124 : vector<16xf32>
          %max3A_3126 = arith.maximumf %get3A_3084, %get3A_3089 : vector<16xf32>
          %max3A_3127 = arith.maximumf %get3A_3094, %get3A_3099 : vector<16xf32>
          %max3A_3128 = arith.maximumf %max3A_3126, %max3A_3127 : vector<16xf32>
          %max3A_3129 = arith.maximumf %get3A_3104, %get3A_3109 : vector<16xf32>
          %max3A_3130 = arith.maximumf %get3A_3114, %get3A_3119 : vector<16xf32>
          %max3A_3131 = arith.maximumf %max3A_3129, %max3A_3130 : vector<16xf32>
          %max3A_3132 = arith.maximumf %max3A_3122, %max3A_3125 : vector<16xf32>
          %max3A_3133 = arith.maximumf %while3A_3034, %max3A_3132 : vector<16xf32>
          %max3A_3134 = arith.maximumf %max3A_3128, %max3A_3131 : vector<16xf32>
          %max3A_3135 = arith.maximumf %while3A_3035, %max3A_3134 : vector<16xf32>
          scf.yield %max3A_3133, %max3A_3135 : vector<16xf32>, vector<16xf32>
        }
        %while3A_3005 = arith.constant 1 : i32
        %while3A_3006:2 = scf.for %while3A_3033 = %while3A_3002 to %while3A_2998 step %while3A_3005 iter_args(%while3A_3034 = %while3A_3004#0, %while3A_3035 = %while3A_3004#1) -> (vector<16xf32>, vector<16xf32>)  : i32 {
          %sub3A_3036 = arith.subi %while3A_2985, %min3A_2787 : i32
          %mul3A_3037 = arith.constant 8 : i32
          %mul3A_3038 = arith.muli %mul3A_3037, %while3A_3033 : i32
          %add3A_3039 = arith.addi %sub3A_3036, %mul3A_3038 : i32
          %add3A_3040 = arith.constant 0 : i32
          %add3A_3041 = arith.addi %add3A_3039, %add3A_3040 : i32
          %get3A_3042 = arith.index_cast %add3A_3041 : i32 to index
          %get3A_3043 = arith.constant 0 : index
          %get3A_3044 = tpu.vector_load %arg22[%get3A_3042, %get3A_3043] {strides = array<i32>} : memref<512x32xf32, #tpu.memory_space<vmem>>, vector<16xf32>,
          %add3A_3045 = arith.constant 1 : i32
          %add3A_3046 = arith.addi %add3A_3039, %add3A_3045 : i32
          %get3A_3047 = arith.index_cast %add3A_3046 : i32 to index
          %get3A_3048 = arith.constant 0 : index
          %get3A_3049 = tpu.vector_load %arg22[%get3A_3047, %get3A_3048] {strides = array<i32>} : memref<512x32xf32, #tpu.memory_space<vmem>>, vector<16xf32>,
          %add3A_3050 = arith.constant 2 : i32
          %add3A_3051 = arith.addi %add3A_3039, %add3A_3050 : i32
          %get3A_3052 = arith.index_cast %add3A_3051 : i32 to index
          %get3A_3053 = arith.constant 0 : index
          %get3A_3054 = tpu.vector_load %arg22[%get3A_3052, %get3A_3053] {strides = array<i32>} : memref<512x32xf32, #tpu.memory_space<vmem>>, vector<16xf32>,
          %add3A_3055 = arith.constant 3 : i32
          %add3A_3056 = arith.addi %add3A_3039, %add3A_3055 : i32
          %get3A_3057 = arith.index_cast %add3A_3056 : i32 to index
          %get3A_3058 = arith.constant 0 : index
          %get3A_3059 = tpu.vector_load %arg22[%get3A_3057, %get3A_3058] {strides = array<i32>} : memref<512x32xf32, #tpu.memory_space<vmem>>, vector<16xf32>,
          %add3A_3060 = arith.constant 4 : i32
          %add3A_3061 = arith.addi %add3A_3039, %add3A_3060 : i32
          %get3A_3062 = arith.index_cast %add3A_3061 : i32 to index
          %get3A_3063 = arith.constant 0 : index
          %get3A_3064 = tpu.vector_load %arg22[%get3A_3062, %get3A_3063] {strides = array<i32>} : memref<512x32xf32, #tpu.memory_space<vmem>>, vector<16xf32>,
          %add3A_3065 = arith.constant 5 : i32
          %add3A_3066 = arith.addi %add3A_3039, %add3A_3065 : i32
          %get3A_3067 = arith.index_cast %add3A_3066 : i32 to index
          %get3A_3068 = arith.constant 0 : index
          %get3A_3069 = tpu.vector_load %arg22[%get3A_3067, %get3A_3068] {strides = array<i32>} : memref<512x32xf32, #tpu.memory_space<vmem>>, vector<16xf32>,
          %add3A_3070 = arith.constant 6 : i32
          %add3A_3071 = arith.addi %add3A_3039, %add3A_3070 : i32
          %get3A_3072 = arith.index_cast %add3A_3071 : i32 to index
          %get3A_3073 = arith.constant 0 : index
          %get3A_3074 = tpu.vector_load %arg22[%get3A_3072, %get3A_3073] {strides = array<i32>} : memref<512x32xf32, #tpu.memory_space<vmem>>, vector<16xf32>,
          %add3A_3075 = arith.constant 7 : i32
          %add3A_3076 = arith.addi %add3A_3039, %add3A_3075 : i32
          %get3A_3077 = arith.index_cast %add3A_3076 : i32 to index
          %get3A_3078 = arith.constant 0 : index
          %get3A_3079 = tpu.vector_load %arg22[%get3A_3077, %get3A_3078] {strides = array<i32>} : memref<512x32xf32, #tpu.memory_space<vmem>>, vector<16xf32>,
          %add3A_3080 = arith.constant 0 : i32
          %add3A_3081 = arith.addi %add3A_3039, %add3A_3080 : i32
          %get3A_3082 = arith.index_cast %add3A_3081 : i32 to index
          %get3A_3083 = arith.constant 16 : index
          %get3A_3084 = tpu.vector_load %arg22[%get3A_3082, %get3A_3083] {strides = array<i32>} : memref<512x32xf32, #tpu.memory_space<vmem>>, vector<16xf32>,
          %add3A_3085 = arith.constant 1 : i32
          %add3A_3086 = arith.addi %add3A_3039, %add3A_3085 : i32
          %get3A_3087 = arith.index_cast %add3A_3086 : i32 to index
          %get3A_3088 = arith.constant 16 : index
          %get3A_3089 = tpu.vector_load %arg22[%get3A_3087, %get3A_3088] {strides = array<i32>} : memref<512x32xf32, #tpu.memory_space<vmem>>, vector<16xf32>,
          %add3A_3090 = arith.constant 2 : i32
          %add3A_3091 = arith.addi %add3A_3039, %add3A_3090 : i32
          %get3A_3092 = arith.index_cast %add3A_3091 : i32 to index
          %get3A_3093 = arith.constant 16 : index
          %get3A_3094 = tpu.vector_load %arg22[%get3A_3092, %get3A_3093] {strides = array<i32>} : memref<512x32xf32, #tpu.memory_space<vmem>>, vector<16xf32>,
          %add3A_3095 = arith.constant 3 : i32
          %add3A_3096 = arith.addi %add3A_3039, %add3A_3095 : i32
          %get3A_3097 = arith.index_cast %add3A_3096 : i32 to index
          %get3A_3098 = arith.constant 16 : index
          %get3A_3099 = tpu.vector_load %arg22[%get3A_3097, %get3A_3098] {strides = array<i32>} : memref<512x32xf32, #tpu.memory_space<vmem>>, vector<16xf32>,
          %add3A_3100 = arith.constant 4 : i32
          %add3A_3101 = arith.addi %add3A_3039, %add3A_3100 : i32
          %get3A_3102 = arith.index_cast %add3A_3101 : i32 to index
          %get3A_3103 = arith.constant 16 : index
          %get3A_3104 = tpu.vector_load %arg22[%get3A_3102, %get3A_3103] {strides = array<i32>} : memref<512x32xf32, #tpu.memory_space<vmem>>, vector<16xf32>,
          %add3A_3105 = arith.constant 5 : i32
          %add3A_3106 = arith.addi %add3A_3039, %add3A_3105 : i32
          %get3A_3107 = arith.index_cast %add3A_3106 : i32 to index
          %get3A_3108 = arith.constant 16 : index
          %get3A_3109 = tpu.vector_load %arg22[%get3A_3107, %get3A_3108] {strides = array<i32>} : memref<512x32xf32, #tpu.memory_space<vmem>>, vector<16xf32>,
          %add3A_3110 = arith.constant 6 : i32
          %add3A_3111 = arith.addi %add3A_3039, %add3A_3110 : i32
          %get3A_3112 = arith.index_cast %add3A_3111 : i32 to index
          %get3A_3113 = arith.constant 16 : index
          %get3A_3114 = tpu.vector_load %arg22[%get3A_3112, %get3A_3113] {strides = array<i32>} : memref<512x32xf32, #tpu.memory_space<vmem>>, vector<16xf32>,
          %add3A_3115 = arith.constant 7 : i32
          %add3A_3116 = arith.addi %add3A_3039, %add3A_3115 : i32
          %get3A_3117 = arith.index_cast %add3A_3116 : i32 to index
          %get3A_3118 = arith.constant 16 : index
          %get3A_3119 = tpu.vector_load %arg22[%get3A_3117, %get3A_3118] {strides = array<i32>} : memref<512x32xf32, #tpu.memory_space<vmem>>, vector<16xf32>,
          %max3A_3120 = arith.maximumf %get3A_3044, %get3A_3049 : vector<16xf32>
          %max3A_3121 = arith.maximumf %get3A_3054, %get3A_3059 : vector<16xf32>
          %max3A_3122 = arith.maximumf %max3A_3120, %max3A_3121 : vector<16xf32>
          %max3A_3123 = arith.maximumf %get3A_3064, %get3A_3069 : vector<16xf32>
          %max3A_3124 = arith.maximumf %get3A_3074, %get3A_3079 : vector<16xf32>
          %max3A_3125 = arith.maximumf %max3A_3123, %max3A_3124 : vector<16xf32>
          %max3A_3126 = arith.maximumf %get3A_3084, %get3A_3089 : vector<16xf32>
          %max3A_3127 = arith.maximumf %get3A_3094, %get3A_3099 : vector<16xf32>
          %max3A_3128 = arith.maximumf %max3A_3126, %max3A_3127 : vector<16xf32>
          %max3A_3129 = arith.maximumf %get3A_3104, %get3A_3109 : vector<16xf32>
          %max3A_3130 = arith.maximumf %get3A_3114, %get3A_3119 : vector<16xf32>
          %max3A_3131 = arith.maximumf %max3A_3129, %max3A_3130 : vector<16xf32>
          %max3A_3132 = arith.maximumf %max3A_3122, %max3A_3125 : vector<16xf32>
          %max3A_3133 = arith.maximumf %while3A_3034, %max3A_3132 : vector<16xf32>
          %max3A_3134 = arith.maximumf %max3A_3128, %max3A_3131 : vector<16xf32>
          %max3A_3135 = arith.maximumf %while3A_3035, %max3A_3134 : vector<16xf32>
          scf.yield %max3A_3133, %max3A_3135 : vector<16xf32>, vector<16xf32>
        }
        %mul3A_3007 = arith.constant 8 : i32
        %mul3A_3008 = arith.muli %mul3A_3007, %shift_right_arithmetic3A_2995 : i32
        %add3A_3009 = arith.addi %while3A_2985, %mul3A_3008 : i32
        %while3A_3010 = arith.subi %min3A_2992, %add3A_3009 : i32
        %while3A_3011 = arith.addi %add3A_3009, %while3A_3010 : i32
        %while3A_3012 = arith.constant 1 : i32
        %while3A_3013 = arith.divsi %while3A_3010, %while3A_3012 : i32
        %while3A_3014 = arith.muli %while3A_3013, %while3A_3012 : i32
        %while3A_3015 = arith.addi %add3A_3009, %while3A_3014 : i32
        %while3A_3016 = arith.constant 1 : i32
        %while3A_3017:2 = scf.for %while3A_3033 = %add3A_3009 to %while3A_3015 step %while3A_3016 iter_args(%while3A_3034 = %while3A_3006#0, %while3A_3035 = %while3A_3006#1) -> (vector<16xf32>, vector<16xf32>)  : i32 {
          %sub3A_3036 = arith.subi %while3A_3033, %min3A_2787 : i32
          %get3A_3037 = arith.index_cast %sub3A_3036 : i32 to index
          %get3A_3038 = arith.constant 0 : index
          %get3A_3039 = tpu.vector_load %arg22[%get3A_3037, %get3A_3038] {strides = array<i32>} : memref<512x32xf32, #tpu.memory_space<vmem>>, vector<16xf32>,
          %max3A_3040 = arith.maximumf %while3A_3034, %get3A_3039 : vector<16xf32>
          %get3A_3041 = arith.index_cast %sub3A_3036 : i32 to index
          %get3A_3042 = arith.constant 16 : index
          %get3A_3043 = tpu.vector_load %arg22[%get3A_3041, %get3A_3042] {strides = array<i32>} : memref<512x32xf32, #tpu.memory_space<vmem>>, vector<16xf32>,
          %max3A_3044 = arith.maximumf %while3A_3035, %get3A_3043 : vector<16xf32>
          scf.yield %max3A_3040, %max3A_3044 : vector<16xf32>, vector<16xf32>
        }
        %while3A_3018 = arith.constant 1 : i32
        %while3A_3019:2 = scf.for %while3A_3033 = %while3A_3015 to %while3A_3011 step %while3A_3018 iter_args(%while3A_3034 = %while3A_3017#0, %while3A_3035 = %while3A_3017#1) -> (vector<16xf32>, vector<16xf32>)  : i32 {
          %sub3A_3036 = arith.subi %while3A_3033, %min3A_2787 : i32
          %get3A_3037 = arith.index_cast %sub3A_3036 : i32 to index
          %get3A_3038 = arith.constant 0 : index
          %get3A_3039 = tpu.vector_load %arg22[%get3A_3037, %get3A_3038] {strides = array<i32>} : memref<512x32xf32, #tpu.memory_space<vmem>>, vector<16xf32>,
          %max3A_3040 = arith.maximumf %while3A_3034, %get3A_3039 : vector<16xf32>
          %get3A_3041 = arith.index_cast %sub3A_3036 : i32 to index
          %get3A_3042 = arith.constant 16 : index
          %get3A_3043 = tpu.vector_load %arg22[%get3A_3041, %get3A_3042] {strides = array<i32>} : memref<512x32xf32, #tpu.memory_space<vmem>>, vector<16xf32>,
          %max3A_3044 = arith.maximumf %while3A_3035, %get3A_3043 : vector<16xf32>
          scf.yield %max3A_3040, %max3A_3044 : vector<16xf32>, vector<16xf32>
        }
        %le3A_3020 = arith.cmpi sle, %squeeze3A_2991, %min3A_2793 : i32
        %swap3A_3021 = arith.index_cast %while3A_2982 : i32 to index
        %swap3A_3022 = arith.constant 0 : index
        %swap3A_3023 = tpu.vector_load %arg24[%swap3A_3021, %swap3A_3022] {strides = array<i32>} : memref<72x32xf32, #tpu.memory_space<vmem>>, vector<16xf32>,
        tpu.vector_store %arg24[%swap3A_3021, %swap3A_3022], %while3A_3019#0 {strides = array<i32>} : memref<72x32xf32, #tpu.memory_space<vmem>>, vector<16xf32>,
        %swap3A_3024 = arith.index_cast %while3A_2982 : i32 to index
        %swap3A_3025 = arith.constant 16 : index
        %swap3A_3026 = tpu.vector_load %arg24[%swap3A_3024, %swap3A_3025] {strides = array<i32>} : memref<72x32xf32, #tpu.memory_space<vmem>>, vector<16xf32>,
        tpu.vector_store %arg24[%swap3A_3024, %swap3A_3025], %while3A_3019#1 {strides = array<i32>} : memref<72x32xf32, #tpu.memory_space<vmem>>, vector<16xf32>,
        %add3A_3027 = arith.constant 1 : i32
        %add3A_3028 = arith.addi %while3A_2982, %add3A_3027 : i32
        %select_n3A_3029 = arith.select %le3A_3020, %add3A_3028, %while3A_2982 : i32
        %broadcast_in_dim3A_3030 = vector.broadcast %le3A_3020 : i1 to vector<16xi1>
        %select_n3A_3031 = arith.select %broadcast_in_dim3A_3030, %broadcast_in_dim3A_2166, %while3A_3019#0 : vector<16xi1>, vector<16xf32>
        %select_n3A_3032 = arith.select %broadcast_in_dim3A_3030, %broadcast_in_dim3A_2166, %while3A_3019#1 : vector<16xi1>, vector<16xf32>
        scf.yield %select_n3A_3029, %select_n3A_3031, %select_n3A_3032, %min3A_2992 : i32, vector<16xf32>, vector<16xf32>, i32
      }
      %while3A_2868 = arith.constant 1 : i32
      %while3A_2869:4 = scf.for %while3A_2981 = %while3A_2865 to %while3A_2861 step %while3A_2868 iter_args(%while3A_2982 = %while3A_2867#0, %while3A_2983 = %while3A_2867#1, %while3A_2984 = %while3A_2867#2, %while3A_2985 = %while3A_2867#3) -> (i32, vector<16xf32>, vector<16xf32>, i32)  : i32 {
        %add3A_2986 = arith.constant 1 : i32
        %add3A_2987 = arith.addi %while3A_2982, %add3A_2986 : i32
        %get3A_2988 = arith.index_cast %add3A_2987 : i32 to index
        %get3A_2989 = tpu.vector_load %arg6[%get3A_2988] {strides = array<i32>} : memref<96xi32, #tpu.memory_space<vmem>>, vector<16xi32>,
        %slice3A_2990 = vector.extract_strided_slice %get3A_2989 {offsets = [0], sizes = [1], strides = [1]} : vector<16xi32> to vector<1xi32>
        %squeeze3A_2991 = vector.extract %slice3A_2990[0] : i32 from vector<1xi32>
        %min3A_2992 = arith.minsi %squeeze3A_2991, %min3A_2793 : i32
        %sub3A_2993 = arith.subi %min3A_2992, %while3A_2985 : i32
        %shift_right_arithmetic3A_2994 = arith.constant 3 : i32
        %shift_right_arithmetic3A_2995 = arith.shrsi %sub3A_2993, %shift_right_arithmetic3A_2994 : i32
        %while3A_2996 = arith.constant 0 : i32
        %while3A_2997 = arith.subi %shift_right_arithmetic3A_2995, %while3A_2996 : i32
        %while3A_2998 = arith.addi %while3A_2996, %while3A_2997 : i32
        %while3A_2999 = arith.constant 1 : i32
        %while3A_3000 = arith.divsi %while3A_2997, %while3A_2999 : i32
        %while3A_3001 = arith.muli %while3A_3000, %while3A_2999 : i32
        %while3A_3002 = arith.addi %while3A_2996, %while3A_3001 : i32
        %while3A_3003 = arith.constant 1 : i32
        %while3A_3004:2 = scf.for %while3A_3033 = %while3A_2996 to %while3A_3002 step %while3A_3003 iter_args(%while3A_3034 = %while3A_2983, %while3A_3035 = %while3A_2984) -> (vector<16xf32>, vector<16xf32>)  : i32 {
          %sub3A_3036 = arith.subi %while3A_2985, %min3A_2787 : i32
          %mul3A_3037 = arith.constant 8 : i32
          %mul3A_3038 = arith.muli %mul3A_3037, %while3A_3033 : i32
          %add3A_3039 = arith.addi %sub3A_3036, %mul3A_3038 : i32
          %add3A_3040 = arith.constant 0 : i32
          %add3A_3041 = arith.addi %add3A_3039, %add3A_3040 : i32
          %get3A_3042 = arith.index_cast %add3A_3041 : i32 to index
          %get3A_3043 = arith.constant 0 : index
          %get3A_3044 = tpu.vector_load %arg22[%get3A_3042, %get3A_3043] {strides = array<i32>} : memref<512x32xf32, #tpu.memory_space<vmem>>, vector<16xf32>,
          %add3A_3045 = arith.constant 1 : i32
          %add3A_3046 = arith.addi %add3A_3039, %add3A_3045 : i32
          %get3A_3047 = arith.index_cast %add3A_3046 : i32 to index
          %get3A_3048 = arith.constant 0 : index
          %get3A_3049 = tpu.vector_load %arg22[%get3A_3047, %get3A_3048] {strides = array<i32>} : memref<512x32xf32, #tpu.memory_space<vmem>>, vector<16xf32>,
          %add3A_3050 = arith.constant 2 : i32
          %add3A_3051 = arith.addi %add3A_3039, %add3A_3050 : i32
          %get3A_3052 = arith.index_cast %add3A_3051 : i32 to index
          %get3A_3053 = arith.constant 0 : index
          %get3A_3054 = tpu.vector_load %arg22[%get3A_3052, %get3A_3053] {strides = array<i32>} : memref<512x32xf32, #tpu.memory_space<vmem>>, vector<16xf32>,
          %add3A_3055 = arith.constant 3 : i32
          %add3A_3056 = arith.addi %add3A_3039, %add3A_3055 : i32
          %get3A_3057 = arith.index_cast %add3A_3056 : i32 to index
          %get3A_3058 = arith.constant 0 : index
          %get3A_3059 = tpu.vector_load %arg22[%get3A_3057, %get3A_3058] {strides = array<i32>} : memref<512x32xf32, #tpu.memory_space<vmem>>, vector<16xf32>,
          %add3A_3060 = arith.constant 4 : i32
          %add3A_3061 = arith.addi %add3A_3039, %add3A_3060 : i32
          %get3A_3062 = arith.index_cast %add3A_3061 : i32 to index
          %get3A_3063 = arith.constant 0 : index
          %get3A_3064 = tpu.vector_load %arg22[%get3A_3062, %get3A_3063] {strides = array<i32>} : memref<512x32xf32, #tpu.memory_space<vmem>>, vector<16xf32>,
          %add3A_3065 = arith.constant 5 : i32
          %add3A_3066 = arith.addi %add3A_3039, %add3A_3065 : i32
          %get3A_3067 = arith.index_cast %add3A_3066 : i32 to index
          %get3A_3068 = arith.constant 0 : index
          %get3A_3069 = tpu.vector_load %arg22[%get3A_3067, %get3A_3068] {strides = array<i32>} : memref<512x32xf32, #tpu.memory_space<vmem>>, vector<16xf32>,
          %add3A_3070 = arith.constant 6 : i32
          %add3A_3071 = arith.addi %add3A_3039, %add3A_3070 : i32
          %get3A_3072 = arith.index_cast %add3A_3071 : i32 to index
          %get3A_3073 = arith.constant 0 : index
          %get3A_3074 = tpu.vector_load %arg22[%get3A_3072, %get3A_3073] {strides = array<i32>} : memref<512x32xf32, #tpu.memory_space<vmem>>, vector<16xf32>,
          %add3A_3075 = arith.constant 7 : i32
          %add3A_3076 = arith.addi %add3A_3039, %add3A_3075 : i32
          %get3A_3077 = arith.index_cast %add3A_3076 : i32 to index
          %get3A_3078 = arith.constant 0 : index
          %get3A_3079 = tpu.vector_load %arg22[%get3A_3077, %get3A_3078] {strides = array<i32>} : memref<512x32xf32, #tpu.memory_space<vmem>>, vector<16xf32>,
          %add3A_3080 = arith.constant 0 : i32
          %add3A_3081 = arith.addi %add3A_3039, %add3A_3080 : i32
          %get3A_3082 = arith.index_cast %add3A_3081 : i32 to index
          %get3A_3083 = arith.constant 16 : index
          %get3A_3084 = tpu.vector_load %arg22[%get3A_3082, %get3A_3083] {strides = array<i32>} : memref<512x32xf32, #tpu.memory_space<vmem>>, vector<16xf32>,
          %add3A_3085 = arith.constant 1 : i32
          %add3A_3086 = arith.addi %add3A_3039, %add3A_3085 : i32
          %get3A_3087 = arith.index_cast %add3A_3086 : i32 to index
          %get3A_3088 = arith.constant 16 : index
          %get3A_3089 = tpu.vector_load %arg22[%get3A_3087, %get3A_3088] {strides = array<i32>} : memref<512x32xf32, #tpu.memory_space<vmem>>, vector<16xf32>,
          %add3A_3090 = arith.constant 2 : i32
          %add3A_3091 = arith.addi %add3A_3039, %add3A_3090 : i32
          %get3A_3092 = arith.index_cast %add3A_3091 : i32 to index
          %get3A_3093 = arith.constant 16 : index
          %get3A_3094 = tpu.vector_load %arg22[%get3A_3092, %get3A_3093] {strides = array<i32>} : memref<512x32xf32, #tpu.memory_space<vmem>>, vector<16xf32>,
          %add3A_3095 = arith.constant 3 : i32
          %add3A_3096 = arith.addi %add3A_3039, %add3A_3095 : i32
          %get3A_3097 = arith.index_cast %add3A_3096 : i32 to index
          %get3A_3098 = arith.constant 16 : index
          %get3A_3099 = tpu.vector_load %arg22[%get3A_3097, %get3A_3098] {strides = array<i32>} : memref<512x32xf32, #tpu.memory_space<vmem>>, vector<16xf32>,
          %add3A_3100 = arith.constant 4 : i32
          %add3A_3101 = arith.addi %add3A_3039, %add3A_3100 : i32
          %get3A_3102 = arith.index_cast %add3A_3101 : i32 to index
          %get3A_3103 = arith.constant 16 : index
          %get3A_3104 = tpu.vector_load %arg22[%get3A_3102, %get3A_3103] {strides = array<i32>} : memref<512x32xf32, #tpu.memory_space<vmem>>, vector<16xf32>,
          %add3A_3105 = arith.constant 5 : i32
          %add3A_3106 = arith.addi %add3A_3039, %add3A_3105 : i32
          %get3A_3107 = arith.index_cast %add3A_3106 : i32 to index
          %get3A_3108 = arith.constant 16 : index
          %get3A_3109 = tpu.vector_load %arg22[%get3A_3107, %get3A_3108] {strides = array<i32>} : memref<512x32xf32, #tpu.memory_space<vmem>>, vector<16xf32>,
          %add3A_3110 = arith.constant 6 : i32
          %add3A_3111 = arith.addi %add3A_3039, %add3A_3110 : i32
          %get3A_3112 = arith.index_cast %add3A_3111 : i32 to index
          %get3A_3113 = arith.constant 16 : index
          %get3A_3114 = tpu.vector_load %arg22[%get3A_3112, %get3A_3113] {strides = array<i32>} : memref<512x32xf32, #tpu.memory_space<vmem>>, vector<16xf32>,
          %add3A_3115 = arith.constant 7 : i32
          %add3A_3116 = arith.addi %add3A_3039, %add3A_3115 : i32
          %get3A_3117 = arith.index_cast %add3A_3116 : i32 to index
          %get3A_3118 = arith.constant 16 : index
          %get3A_3119 = tpu.vector_load %arg22[%get3A_3117, %get3A_3118] {strides = array<i32>} : memref<512x32xf32, #tpu.memory_space<vmem>>, vector<16xf32>,
          %max3A_3120 = arith.maximumf %get3A_3044, %get3A_3049 : vector<16xf32>
          %max3A_3121 = arith.maximumf %get3A_3054, %get3A_3059 : vector<16xf32>
          %max3A_3122 = arith.maximumf %max3A_3120, %max3A_3121 : vector<16xf32>
          %max3A_3123 = arith.maximumf %get3A_3064, %get3A_3069 : vector<16xf32>
          %max3A_3124 = arith.maximumf %get3A_3074, %get3A_3079 : vector<16xf32>
          %max3A_3125 = arith.maximumf %max3A_3123, %max3A_3124 : vector<16xf32>
          %max3A_3126 = arith.maximumf %get3A_3084, %get3A_3089 : vector<16xf32>
          %max3A_3127 = arith.maximumf %get3A_3094, %get3A_3099 : vector<16xf32>
          %max3A_3128 = arith.maximumf %max3A_3126, %max3A_3127 : vector<16xf32>
          %max3A_3129 = arith.maximumf %get3A_3104, %get3A_3109 : vector<16xf32>
          %max3A_3130 = arith.maximumf %get3A_3114, %get3A_3119 : vector<16xf32>
          %max3A_3131 = arith.maximumf %max3A_3129, %max3A_3130 : vector<16xf32>
          %max3A_3132 = arith.maximumf %max3A_3122, %max3A_3125 : vector<16xf32>
          %max3A_3133 = arith.maximumf %while3A_3034, %max3A_3132 : vector<16xf32>
          %max3A_3134 = arith.maximumf %max3A_3128, %max3A_3131 : vector<16xf32>
          %max3A_3135 = arith.maximumf %while3A_3035, %max3A_3134 : vector<16xf32>
          scf.yield %max3A_3133, %max3A_3135 : vector<16xf32>, vector<16xf32>
        }
        %while3A_3005 = arith.constant 1 : i32
        %while3A_3006:2 = scf.for %while3A_3033 = %while3A_3002 to %while3A_2998 step %while3A_3005 iter_args(%while3A_3034 = %while3A_3004#0, %while3A_3035 = %while3A_3004#1) -> (vector<16xf32>, vector<16xf32>)  : i32 {
          %sub3A_3036 = arith.subi %while3A_2985, %min3A_2787 : i32
          %mul3A_3037 = arith.constant 8 : i32
          %mul3A_3038 = arith.muli %mul3A_3037, %while3A_3033 : i32
          %add3A_3039 = arith.addi %sub3A_3036, %mul3A_3038 : i32
          %add3A_3040 = arith.constant 0 : i32
          %add3A_3041 = arith.addi %add3A_3039, %add3A_3040 : i32
          %get3A_3042 = arith.index_cast %add3A_3041 : i32 to index
          %get3A_3043 = arith.constant 0 : index
          %get3A_3044 = tpu.vector_load %arg22[%get3A_3042, %get3A_3043] {strides = array<i32>} : memref<512x32xf32, #tpu.memory_space<vmem>>, vector<16xf32>,
          %add3A_3045 = arith.constant 1 : i32
          %add3A_3046 = arith.addi %add3A_3039, %add3A_3045 : i32
          %get3A_3047 = arith.index_cast %add3A_3046 : i32 to index
          %get3A_3048 = arith.constant 0 : index
          %get3A_3049 = tpu.vector_load %arg22[%get3A_3047, %get3A_3048] {strides = array<i32>} : memref<512x32xf32, #tpu.memory_space<vmem>>, vector<16xf32>,
          %add3A_3050 = arith.constant 2 : i32
          %add3A_3051 = arith.addi %add3A_3039, %add3A_3050 : i32
          %get3A_3052 = arith.index_cast %add3A_3051 : i32 to index
          %get3A_3053 = arith.constant 0 : index
          %get3A_3054 = tpu.vector_load %arg22[%get3A_3052, %get3A_3053] {strides = array<i32>} : memref<512x32xf32, #tpu.memory_space<vmem>>, vector<16xf32>,
          %add3A_3055 = arith.constant 3 : i32
          %add3A_3056 = arith.addi %add3A_3039, %add3A_3055 : i32
          %get3A_3057 = arith.index_cast %add3A_3056 : i32 to index
          %get3A_3058 = arith.constant 0 : index
          %get3A_3059 = tpu.vector_load %arg22[%get3A_3057, %get3A_3058] {strides = array<i32>} : memref<512x32xf32, #tpu.memory_space<vmem>>, vector<16xf32>,
          %add3A_3060 = arith.constant 4 : i32
          %add3A_3061 = arith.addi %add3A_3039, %add3A_3060 : i32
          %get3A_3062 = arith.index_cast %add3A_3061 : i32 to index
          %get3A_3063 = arith.constant 0 : index
          %get3A_3064 = tpu.vector_load %arg22[%get3A_3062, %get3A_3063] {strides = array<i32>} : memref<512x32xf32, #tpu.memory_space<vmem>>, vector<16xf32>,
          %add3A_3065 = arith.constant 5 : i32
          %add3A_3066 = arith.addi %add3A_3039, %add3A_3065 : i32
          %get3A_3067 = arith.index_cast %add3A_3066 : i32 to index
          %get3A_3068 = arith.constant 0 : index
          %get3A_3069 = tpu.vector_load %arg22[%get3A_3067, %get3A_3068] {strides = array<i32>} : memref<512x32xf32, #tpu.memory_space<vmem>>, vector<16xf32>,
          %add3A_3070 = arith.constant 6 : i32
          %add3A_3071 = arith.addi %add3A_3039, %add3A_3070 : i32
          %get3A_3072 = arith.index_cast %add3A_3071 : i32 to index
          %get3A_3073 = arith.constant 0 : index
          %get3A_3074 = tpu.vector_load %arg22[%get3A_3072, %get3A_3073] {strides = array<i32>} : memref<512x32xf32, #tpu.memory_space<vmem>>, vector<16xf32>,
          %add3A_3075 = arith.constant 7 : i32
          %add3A_3076 = arith.addi %add3A_3039, %add3A_3075 : i32
          %get3A_3077 = arith.index_cast %add3A_3076 : i32 to index
          %get3A_3078 = arith.constant 0 : index
          %get3A_3079 = tpu.vector_load %arg22[%get3A_3077, %get3A_3078] {strides = array<i32>} : memref<512x32xf32, #tpu.memory_space<vmem>>, vector<16xf32>,
          %add3A_3080 = arith.constant 0 : i32
          %add3A_3081 = arith.addi %add3A_3039, %add3A_3080 : i32
          %get3A_3082 = arith.index_cast %add3A_3081 : i32 to index
          %get3A_3083 = arith.constant 16 : index
          %get3A_3084 = tpu.vector_load %arg22[%get3A_3082, %get3A_3083] {strides = array<i32>} : memref<512x32xf32, #tpu.memory_space<vmem>>, vector<16xf32>,
          %add3A_3085 = arith.constant 1 : i32
          %add3A_3086 = arith.addi %add3A_3039, %add3A_3085 : i32
          %get3A_3087 = arith.index_cast %add3A_3086 : i32 to index
          %get3A_3088 = arith.constant 16 : index
          %get3A_3089 = tpu.vector_load %arg22[%get3A_3087, %get3A_3088] {strides = array<i32>} : memref<512x32xf32, #tpu.memory_space<vmem>>, vector<16xf32>,
          %add3A_3090 = arith.constant 2 : i32
          %add3A_3091 = arith.addi %add3A_3039, %add3A_3090 : i32
          %get3A_3092 = arith.index_cast %add3A_3091 : i32 to index
          %get3A_3093 = arith.constant 16 : index
          %get3A_3094 = tpu.vector_load %arg22[%get3A_3092, %get3A_3093] {strides = array<i32>} : memref<512x32xf32, #tpu.memory_space<vmem>>, vector<16xf32>,
          %add3A_3095 = arith.constant 3 : i32
          %add3A_3096 = arith.addi %add3A_3039, %add3A_3095 : i32
          %get3A_3097 = arith.index_cast %add3A_3096 : i32 to index
          %get3A_3098 = arith.constant 16 : index
          %get3A_3099 = tpu.vector_load %arg22[%get3A_3097, %get3A_3098] {strides = array<i32>} : memref<512x32xf32, #tpu.memory_space<vmem>>, vector<16xf32>,
          %add3A_3100 = arith.constant 4 : i32
          %add3A_3101 = arith.addi %add3A_3039, %add3A_3100 : i32
          %get3A_3102 = arith.index_cast %add3A_3101 : i32 to index
          %get3A_3103 = arith.constant 16 : index
          %get3A_3104 = tpu.vector_load %arg22[%get3A_3102, %get3A_3103] {strides = array<i32>} : memref<512x32xf32, #tpu.memory_space<vmem>>, vector<16xf32>,
          %add3A_3105 = arith.constant 5 : i32
          %add3A_3106 = arith.addi %add3A_3039, %add3A_3105 : i32
          %get3A_3107 = arith.index_cast %add3A_3106 : i32 to index
          %get3A_3108 = arith.constant 16 : index
          %get3A_3109 = tpu.vector_load %arg22[%get3A_3107, %get3A_3108] {strides = array<i32>} : memref<512x32xf32, #tpu.memory_space<vmem>>, vector<16xf32>,
          %add3A_3110 = arith.constant 6 : i32
          %add3A_3111 = arith.addi %add3A_3039, %add3A_3110 : i32
          %get3A_3112 = arith.index_cast %add3A_3111 : i32 to index
          %get3A_3113 = arith.constant 16 : index
          %get3A_3114 = tpu.vector_load %arg22[%get3A_3112, %get3A_3113] {strides = array<i32>} : memref<512x32xf32, #tpu.memory_space<vmem>>, vector<16xf32>,
          %add3A_3115 = arith.constant 7 : i32
          %add3A_3116 = arith.addi %add3A_3039, %add3A_3115 : i32
          %get3A_3117 = arith.index_cast %add3A_3116 : i32 to index
          %get3A_3118 = arith.constant 16 : index
          %get3A_3119 = tpu.vector_load %arg22[%get3A_3117, %get3A_3118] {strides = array<i32>} : memref<512x32xf32, #tpu.memory_space<vmem>>, vector<16xf32>,
          %max3A_3120 = arith.maximumf %get3A_3044, %get3A_3049 : vector<16xf32>
          %max3A_3121 = arith.maximumf %get3A_3054, %get3A_3059 : vector<16xf32>
          %max3A_3122 = arith.maximumf %max3A_3120, %max3A_3121 : vector<16xf32>
          %max3A_3123 = arith.maximumf %get3A_3064, %get3A_3069 : vector<16xf32>
          %max3A_3124 = arith.maximumf %get3A_3074, %get3A_3079 : vector<16xf32>
          %max3A_3125 = arith.maximumf %max3A_3123, %max3A_3124 : vector<16xf32>
          %max3A_3126 = arith.maximumf %get3A_3084, %get3A_3089 : vector<16xf32>
          %max3A_3127 = arith.maximumf %get3A_3094, %get3A_3099 : vector<16xf32>
          %max3A_3128 = arith.maximumf %max3A_3126, %max3A_3127 : vector<16xf32>
          %max3A_3129 = arith.maximumf %get3A_3104, %get3A_3109 : vector<16xf32>
          %max3A_3130 = arith.maximumf %get3A_3114, %get3A_3119 : vector<16xf32>
          %max3A_3131 = arith.maximumf %max3A_3129, %max3A_3130 : vector<16xf32>
          %max3A_3132 = arith.maximumf %max3A_3122, %max3A_3125 : vector<16xf32>
          %max3A_3133 = arith.maximumf %while3A_3034, %max3A_3132 : vector<16xf32>
          %max3A_3134 = arith.maximumf %max3A_3128, %max3A_3131 : vector<16xf32>
          %max3A_3135 = arith.maximumf %while3A_3035, %max3A_3134 : vector<16xf32>
          scf.yield %max3A_3133, %max3A_3135 : vector<16xf32>, vector<16xf32>
        }
        %mul3A_3007 = arith.constant 8 : i32
        %mul3A_3008 = arith.muli %mul3A_3007, %shift_right_arithmetic3A_2995 : i32
        %add3A_3009 = arith.addi %while3A_2985, %mul3A_3008 : i32
        %while3A_3010 = arith.subi %min3A_2992, %add3A_3009 : i32
        %while3A_3011 = arith.addi %add3A_3009, %while3A_3010 : i32
        %while3A_3012 = arith.constant 1 : i32
        %while3A_3013 = arith.divsi %while3A_3010, %while3A_3012 : i32
        %while3A_3014 = arith.muli %while3A_3013, %while3A_3012 : i32
        %while3A_3015 = arith.addi %add3A_3009, %while3A_3014 : i32
        %while3A_3016 = arith.constant 1 : i32
        %while3A_3017:2 = scf.for %while3A_3033 = %add3A_3009 to %while3A_3015 step %while3A_3016 iter_args(%while3A_3034 = %while3A_3006#0, %while3A_3035 = %while3A_3006#1) -> (vector<16xf32>, vector<16xf32>)  : i32 {
          %sub3A_3036 = arith.subi %while3A_3033, %min3A_2787 : i32
          %get3A_3037 = arith.index_cast %sub3A_3036 : i32 to index
          %get3A_3038 = arith.constant 0 : index
          %get3A_3039 = tpu.vector_load %arg22[%get3A_3037, %get3A_3038] {strides = array<i32>} : memref<512x32xf32, #tpu.memory_space<vmem>>, vector<16xf32>,
          %max3A_3040 = arith.maximumf %while3A_3034, %get3A_3039 : vector<16xf32>
          %get3A_3041 = arith.index_cast %sub3A_3036 : i32 to index
          %get3A_3042 = arith.constant 16 : index
          %get3A_3043 = tpu.vector_load %arg22[%get3A_3041, %get3A_3042] {strides = array<i32>} : memref<512x32xf32, #tpu.memory_space<vmem>>, vector<16xf32>,
          %max3A_3044 = arith.maximumf %while3A_3035, %get3A_3043 : vector<16xf32>
          scf.yield %max3A_3040, %max3A_3044 : vector<16xf32>, vector<16xf32>
        }
        %while3A_3018 = arith.constant 1 : i32
        %while3A_3019:2 = scf.for %while3A_3033 = %while3A_3015 to %while3A_3011 step %while3A_3018 iter_args(%while3A_3034 = %while3A_3017#0, %while3A_3035 = %while3A_3017#1) -> (vector<16xf32>, vector<16xf32>)  : i32 {
          %sub3A_3036 = arith.subi %while3A_3033, %min3A_2787 : i32
          %get3A_3037 = arith.index_cast %sub3A_3036 : i32 to index
          %get3A_3038 = arith.constant 0 : index
          %get3A_3039 = tpu.vector_load %arg22[%get3A_3037, %get3A_3038] {strides = array<i32>} : memref<512x32xf32, #tpu.memory_space<vmem>>, vector<16xf32>,
          %max3A_3040 = arith.maximumf %while3A_3034, %get3A_3039 : vector<16xf32>
          %get3A_3041 = arith.index_cast %sub3A_3036 : i32 to index
          %get3A_3042 = arith.constant 16 : index
          %get3A_3043 = tpu.vector_load %arg22[%get3A_3041, %get3A_3042] {strides = array<i32>} : memref<512x32xf32, #tpu.memory_space<vmem>>, vector<16xf32>,
          %max3A_3044 = arith.maximumf %while3A_3035, %get3A_3043 : vector<16xf32>
          scf.yield %max3A_3040, %max3A_3044 : vector<16xf32>, vector<16xf32>
        }
        %le3A_3020 = arith.cmpi sle, %squeeze3A_2991, %min3A_2793 : i32
        %swap3A_3021 = arith.index_cast %while3A_2982 : i32 to index
        %swap3A_3022 = arith.constant 0 : index
        %swap3A_3023 = tpu.vector_load %arg24[%swap3A_3021, %swap3A_3022] {strides = array<i32>} : memref<72x32xf32, #tpu.memory_space<vmem>>, vector<16xf32>,
        tpu.vector_store %arg24[%swap3A_3021, %swap3A_3022], %while3A_3019#0 {strides = array<i32>} : memref<72x32xf32, #tpu.memory_space<vmem>>, vector<16xf32>,
        %swap3A_3024 = arith.index_cast %while3A_2982 : i32 to index
        %swap3A_3025 = arith.constant 16 : index
        %swap3A_3026 = tpu.vector_load %arg24[%swap3A_3024, %swap3A_3025] {strides = array<i32>} : memref<72x32xf32, #tpu.memory_space<vmem>>, vector<16xf32>,
        tpu.vector_store %arg24[%swap3A_3024, %swap3A_3025], %while3A_3019#1 {strides = array<i32>} : memref<72x32xf32, #tpu.memory_space<vmem>>, vector<16xf32>,
        %add3A_3027 = arith.constant 1 : i32
        %add3A_3028 = arith.addi %while3A_2982, %add3A_3027 : i32
        %select_n3A_3029 = arith.select %le3A_3020, %add3A_3028, %while3A_2982 : i32
        %broadcast_in_dim3A_3030 = vector.broadcast %le3A_3020 : i1 to vector<16xi1>
        %select_n3A_3031 = arith.select %broadcast_in_dim3A_3030, %broadcast_in_dim3A_2166, %while3A_3019#0 : vector<16xi1>, vector<16xf32>
        %select_n3A_3032 = arith.select %broadcast_in_dim3A_3030, %broadcast_in_dim3A_2166, %while3A_3019#1 : vector<16xi1>, vector<16xf32>
        scf.yield %select_n3A_3029, %select_n3A_3031, %select_n3A_3032, %min3A_2992 : i32, vector<16xf32>, vector<16xf32>, i32
      }
      %mul3A_2870 = arith.constant 2 : i32
      %mul3A_2871 = arith.muli %mul3A_2870, %while3A_2758 : i32
      %add3A_2872 = arith.constant 2 : i32
      %add3A_2873 = arith.addi %mul3A_2871, %add3A_2872 : i32
      %mul3A_2874 = arith.constant 512 : i32
      %mul3A_2875 = arith.muli %add3A_2873, %mul3A_2874 : i32
      %add3A_2876 = arith.addi %squeeze3A, %mul3A_2875 : i32
      %min3A_2877 = arith.constant 99488 : i32
      %min3A_2878 = arith.minsi %add3A_2876, %min3A_2877 : i32
      %dma_start3A_2879 = arith.constant 96 : i32
      %dma_start3A_2880 = tpu.memref_slice %arg2[%min3A_2878, %dma_start3A_2879] : memref<100000x128xf32, #tpu.memory_space<hbm>> -> memref<512x32xf32, #tpu.memory_space<hbm>>
      %dma_start3A_2881 = arith.constant 96 : i32
      %dma_start3A_2882 = tpu.memref_slice %arg2[%min3A_2878, %dma_start3A_2881] : memref<100000x128xf32, #tpu.memory_space<hbm>> -> memref<512x32xf32, #tpu.memory_space<hbm>>
      tpu.enqueue_dma source(%dma_start3A_2882 : memref<512x32xf32, #tpu.memory_space<hbm>>) target(%arg22 : memref<512x32xf32, #tpu.memory_space<vmem>>) target_semaphore(%arg25 : memref<!tpu.dma_semaphore, #tpu.memory_space<semaphore_mem>>)
      %dma_wait3A_2883 = arith.constant 96 : i32
      %dma_wait3A_2884 = tpu.memref_slice %arg2[%min3A_2770, %dma_wait3A_2883] : memref<100000x128xf32, #tpu.memory_space<hbm>> -> memref<512x32xf32, #tpu.memory_space<hbm>>
      %dma_wait3A_2885 = arith.constant 96 : i32
      %dma_wait3A_2886 = tpu.memref_slice %arg2[%min3A_2770, %dma_wait3A_2885] : memref<100000x128xf32, #tpu.memory_space<hbm>> -> memref<512x32xf32, #tpu.memory_space<hbm>>
      tpu.wait_dma2 semaphore(%arg26 : memref<!tpu.dma_semaphore, #tpu.memory_space<semaphore_mem>>) src(%dma_wait3A_2886 : memref<512x32xf32, #tpu.memory_space<hbm>>) dst(%arg23 : memref<512x32xf32, #tpu.memory_space<vmem>>)
      %mul3A_2887 = arith.constant 2 : i32
      %mul3A_2888 = arith.muli %mul3A_2887, %while3A_2758 : i32
      %add3A_2889 = arith.constant 1 : i32
      %add3A_2890 = arith.addi %mul3A_2888, %add3A_2889 : i32
      %mul3A_2891 = arith.constant 512 : i32
      %mul3A_2892 = arith.muli %add3A_2890, %mul3A_2891 : i32
      %add3A_2893 = arith.addi %squeeze3A, %mul3A_2892 : i32
      %min3A_2894 = arith.constant 99488 : i32
      %min3A_2895 = arith.minsi %add3A_2893, %min3A_2894 : i32
      %add3A_2896 = arith.constant 1 : i32
      %add3A_2897 = arith.addi %add3A_2890, %add3A_2896 : i32
      %mul3A_2898 = arith.constant 512 : i32
      %mul3A_2899 = arith.muli %add3A_2897, %mul3A_2898 : i32
      %add3A_2900 = arith.addi %squeeze3A, %mul3A_2899 : i32
      %min3A_2901 = arith.minsi %add3A_2900, %squeeze3A_2684 : i32
      %mul3A_2902 = arith.constant 512 : i32
      %mul3A_2903 = arith.muli %add3A_2890, %mul3A_2902 : i32
      %add3A_2904 = arith.addi %squeeze3A, %mul3A_2903 : i32
      %min3A_2905 = arith.minsi %add3A_2904, %squeeze3A_2684 : i32
      %iota3A_2906 = tpu.iota {dimensions = array<i32: 0>} : vector<16xi32>
      %add3A_2907 = arith.constant 1 : i32
      %add3A_2908 = arith.addi %while3A_2869#0, %add3A_2907 : i32
      %broadcast_in_dim3A_2909 = vector.broadcast %add3A_2908 : i32 to vector<16xi32>
      %broadcast_in_dim3A_2910 = vector.broadcast %min3A_2901 : i32 to vector<16xi32>
      %get3A_2911 = arith.constant 1 : index
      %get3A_2912 = tpu.vector_load %arg6[%get3A_2911] {strides = array<i32>} : memref<96xi32, #tpu.memory_space<vmem>>, vector<16xi32>,
      %add3A_2913 = arith.constant 1 : i32
      %add3A_2914 = vector.broadcast %add3A_2913 : i32 to vector<16xi32>
      %add3A_2915 = arith.addi %add3A_2914, %iota3A_2906 : vector<16xi32>
      %ge3A_2916 = arith.cmpi sge, %add3A_2915, %broadcast_in_dim3A_2909 : vector<16xi32>
      %le3A_2917 = arith.cmpi sle, %get3A_2912, %broadcast_in_dim3A_2910 : vector<16xi32>
      %and3A_2918 = arith.andi %ge3A_2916, %le3A_2917 : vector<16xi1>
      %convert_element_type3A_2919 = arith.extui %and3A_2918 : vector<16xi1> to vector<16xi32>
      %reduce_sum3A_2920 = arith.constant true
      %reduce_sum3A_2921 = vector.broadcast %reduce_sum3A_2920 : i1 to vector<16xi1>
      %reduce_sum3A_2922 = tpu.scan <sum>, %convert_element_type3A_2919 masked %reduce_sum3A_2921 : vector<16xi32>, vector<16xi1> -> vector<16xi32>
      %reduce_sum3A_2923 = vector.extract %reduce_sum3A_2922[15] : i32 from vector<16xi32>
      %add3A_2924 = arith.constant 0 : i32
      %add3A_2925 = arith.addi %add3A_2924, %reduce_sum3A_2923 : i32
      %get3A_2926 = arith.constant 17 : index
      %get3A_2927 = tpu.vector_load %arg6[%get3A_2926] {strides = array<i32>} : memref<96xi32, #tpu.memory_space<vmem>>, vector<16xi32>,
      %add3A_2928 = arith.constant 17 : i32
      %add3A_2929 = vector.broadcast %add3A_2928 : i32 to vector<16xi32>
      %add3A_2930 = arith.addi %add3A_2929, %iota3A_2906 : vector<16xi32>
      %ge3A_2931 = arith.cmpi sge, %add3A_2930, %broadcast_in_dim3A_2909 : vector<16xi32>
      %le3A_2932 = arith.cmpi sle, %get3A_2927, %broadcast_in_dim3A_2910 : vector<16xi32>
      %and3A_2933 = arith.andi %ge3A_2931, %le3A_2932 : vector<16xi1>
      %convert_element_type3A_2934 = arith.extui %and3A_2933 : vector<16xi1> to vector<16xi32>
      %reduce_sum3A_2935 = arith.constant true
      %reduce_sum3A_2936 = vector.broadcast %reduce_sum3A_2935 : i1 to vector<16xi1>
      %reduce_sum3A_2937 = tpu.scan <sum>, %convert_element_type3A_2934 masked %reduce_sum3A_2936 : vector<16xi32>, vector<16xi1> -> vector<16xi32>
      %reduce_sum3A_2938 = vector.extract %reduce_sum3A_2937[15] : i32 from vector<16xi32>
      %add3A_2939 = arith.addi %add3A_2925, %reduce_sum3A_2938 : i32
      %get3A_2940 = arith.constant 33 : index
      %get3A_2941 = tpu.vector_load %arg6[%get3A_2940] {strides = array<i32>} : memref<96xi32, #tpu.memory_space<vmem>>, vector<16xi32>,
      %add3A_2942 = arith.constant 33 : i32
      %add3A_2943 = vector.broadcast %add3A_2942 : i32 to vector<16xi32>
      %add3A_2944 = arith.addi %add3A_2943, %iota3A_2906 : vector<16xi32>
      %ge3A_2945 = arith.cmpi sge, %add3A_2944, %broadcast_in_dim3A_2909 : vector<16xi32>
      %le3A_2946 = arith.cmpi sle, %get3A_2941, %broadcast_in_dim3A_2910 : vector<16xi32>
      %and3A_2947 = arith.andi %ge3A_2945, %le3A_2946 : vector<16xi1>
      %convert_element_type3A_2948 = arith.extui %and3A_2947 : vector<16xi1> to vector<16xi32>
      %reduce_sum3A_2949 = arith.constant true
      %reduce_sum3A_2950 = vector.broadcast %reduce_sum3A_2949 : i1 to vector<16xi1>
      %reduce_sum3A_2951 = tpu.scan <sum>, %convert_element_type3A_2948 masked %reduce_sum3A_2950 : vector<16xi32>, vector<16xi1> -> vector<16xi32>
      %reduce_sum3A_2952 = vector.extract %reduce_sum3A_2951[15] : i32 from vector<16xi32>
      %add3A_2953 = arith.addi %add3A_2939, %reduce_sum3A_2952 : i32
      %get3A_2954 = arith.constant 49 : index
      %get3A_2955 = tpu.vector_load %arg6[%get3A_2954] {strides = array<i32>} : memref<96xi32, #tpu.memory_space<vmem>>, vector<16xi32>,
      %add3A_2956 = arith.constant 49 : i32
      %add3A_2957 = vector.broadcast %add3A_2956 : i32 to vector<16xi32>
      %add3A_2958 = arith.addi %add3A_2957, %iota3A_2906 : vector<16xi32>
      %ge3A_2959 = arith.cmpi sge, %add3A_2958, %broadcast_in_dim3A_2909 : vector<16xi32>
      %le3A_2960 = arith.cmpi sle, %get3A_2955, %broadcast_in_dim3A_2910 : vector<16xi32>
      %and3A_2961 = arith.andi %ge3A_2959, %le3A_2960 : vector<16xi1>
      %convert_element_type3A_2962 = arith.extui %and3A_2961 : vector<16xi1> to vector<16xi32>
      %reduce_sum3A_2963 = arith.constant true
      %reduce_sum3A_2964 = vector.broadcast %reduce_sum3A_2963 : i1 to vector<16xi1>
      %reduce_sum3A_2965 = tpu.scan <sum>, %convert_element_type3A_2962 masked %reduce_sum3A_2964 : vector<16xi32>, vector<16xi1> -> vector<16xi32>
      %reduce_sum3A_2966 = vector.extract %reduce_sum3A_2965[15] : i32 from vector<16xi32>
      %add3A_2967 = arith.addi %add3A_2953, %reduce_sum3A_2966 : i32
      %add3A_2968 = arith.constant 1 : i32
      %add3A_2969 = arith.addi %add3A_2967, %add3A_2968 : i32
      %while3A_2970 = arith.constant 0 : i32
      %while3A_2971 = arith.subi %add3A_2969, %while3A_2970 : i32
      %while3A_2972 = arith.addi %while3A_2970, %while3A_2971 : i32
      %while3A_2973 = arith.constant 1 : i32
      %while3A_2974 = arith.divsi %while3A_2971, %while3A_2973 : i32
      %while3A_2975 = arith.muli %while3A_2974, %while3A_2973 : i32
      %while3A_2976 = arith.addi %while3A_2970, %while3A_2975 : i32
      %while3A_2977 = arith.constant 1 : i32
      %while3A_2978:4 = scf.for %while3A_2981 = %while3A_2970 to %while3A_2976 step %while3A_2977 iter_args(%while3A_2982 = %while3A_2869#0, %while3A_2983 = %while3A_2869#1, %while3A_2984 = %while3A_2869#2, %while3A_2985 = %min3A_2905) -> (i32, vector<16xf32>, vector<16xf32>, i32)  : i32 {
        %add3A_2986 = arith.constant 1 : i32
        %add3A_2987 = arith.addi %while3A_2982, %add3A_2986 : i32
        %get3A_2988 = arith.index_cast %add3A_2987 : i32 to index
        %get3A_2989 = tpu.vector_load %arg6[%get3A_2988] {strides = array<i32>} : memref<96xi32, #tpu.memory_space<vmem>>, vector<16xi32>,
        %slice3A_2990 = vector.extract_strided_slice %get3A_2989 {offsets = [0], sizes = [1], strides = [1]} : vector<16xi32> to vector<1xi32>
        %squeeze3A_2991 = vector.extract %slice3A_2990[0] : i32 from vector<1xi32>
        %min3A_2992 = arith.minsi %squeeze3A_2991, %min3A_2901 : i32
        %sub3A_2993 = arith.subi %min3A_2992, %while3A_2985 : i32
        %shift_right_arithmetic3A_2994 = arith.constant 3 : i32
        %shift_right_arithmetic3A_2995 = arith.shrsi %sub3A_2993, %shift_right_arithmetic3A_2994 : i32
        %while3A_2996 = arith.constant 0 : i32
        %while3A_2997 = arith.subi %shift_right_arithmetic3A_2995, %while3A_2996 : i32
        %while3A_2998 = arith.addi %while3A_2996, %while3A_2997 : i32
        %while3A_2999 = arith.constant 1 : i32
        %while3A_3000 = arith.divsi %while3A_2997, %while3A_2999 : i32
        %while3A_3001 = arith.muli %while3A_3000, %while3A_2999 : i32
        %while3A_3002 = arith.addi %while3A_2996, %while3A_3001 : i32
        %while3A_3003 = arith.constant 1 : i32
        %while3A_3004:2 = scf.for %while3A_3033 = %while3A_2996 to %while3A_3002 step %while3A_3003 iter_args(%while3A_3034 = %while3A_2983, %while3A_3035 = %while3A_2984) -> (vector<16xf32>, vector<16xf32>)  : i32 {
          %sub3A_3036 = arith.subi %while3A_2985, %min3A_2895 : i32
          %mul3A_3037 = arith.constant 8 : i32
          %mul3A_3038 = arith.muli %mul3A_3037, %while3A_3033 : i32
          %add3A_3039 = arith.addi %sub3A_3036, %mul3A_3038 : i32
          %add3A_3040 = arith.constant 0 : i32
          %add3A_3041 = arith.addi %add3A_3039, %add3A_3040 : i32
          %get3A_3042 = arith.index_cast %add3A_3041 : i32 to index
          %get3A_3043 = arith.constant 0 : index
          %get3A_3044 = tpu.vector_load %arg23[%get3A_3042, %get3A_3043] {strides = array<i32>} : memref<512x32xf32, #tpu.memory_space<vmem>>, vector<16xf32>,
          %add3A_3045 = arith.constant 1 : i32
          %add3A_3046 = arith.addi %add3A_3039, %add3A_3045 : i32
          %get3A_3047 = arith.index_cast %add3A_3046 : i32 to index
          %get3A_3048 = arith.constant 0 : index
          %get3A_3049 = tpu.vector_load %arg23[%get3A_3047, %get3A_3048] {strides = array<i32>} : memref<512x32xf32, #tpu.memory_space<vmem>>, vector<16xf32>,
          %add3A_3050 = arith.constant 2 : i32
          %add3A_3051 = arith.addi %add3A_3039, %add3A_3050 : i32
          %get3A_3052 = arith.index_cast %add3A_3051 : i32 to index
          %get3A_3053 = arith.constant 0 : index
          %get3A_3054 = tpu.vector_load %arg23[%get3A_3052, %get3A_3053] {strides = array<i32>} : memref<512x32xf32, #tpu.memory_space<vmem>>, vector<16xf32>,
          %add3A_3055 = arith.constant 3 : i32
          %add3A_3056 = arith.addi %add3A_3039, %add3A_3055 : i32
          %get3A_3057 = arith.index_cast %add3A_3056 : i32 to index
          %get3A_3058 = arith.constant 0 : index
          %get3A_3059 = tpu.vector_load %arg23[%get3A_3057, %get3A_3058] {strides = array<i32>} : memref<512x32xf32, #tpu.memory_space<vmem>>, vector<16xf32>,
          %add3A_3060 = arith.constant 4 : i32
          %add3A_3061 = arith.addi %add3A_3039, %add3A_3060 : i32
          %get3A_3062 = arith.index_cast %add3A_3061 : i32 to index
          %get3A_3063 = arith.constant 0 : index
          %get3A_3064 = tpu.vector_load %arg23[%get3A_3062, %get3A_3063] {strides = array<i32>} : memref<512x32xf32, #tpu.memory_space<vmem>>, vector<16xf32>,
          %add3A_3065 = arith.constant 5 : i32
          %add3A_3066 = arith.addi %add3A_3039, %add3A_3065 : i32
          %get3A_3067 = arith.index_cast %add3A_3066 : i32 to index
          %get3A_3068 = arith.constant 0 : index
          %get3A_3069 = tpu.vector_load %arg23[%get3A_3067, %get3A_3068] {strides = array<i32>} : memref<512x32xf32, #tpu.memory_space<vmem>>, vector<16xf32>,
          %add3A_3070 = arith.constant 6 : i32
          %add3A_3071 = arith.addi %add3A_3039, %add3A_3070 : i32
          %get3A_3072 = arith.index_cast %add3A_3071 : i32 to index
          %get3A_3073 = arith.constant 0 : index
          %get3A_3074 = tpu.vector_load %arg23[%get3A_3072, %get3A_3073] {strides = array<i32>} : memref<512x32xf32, #tpu.memory_space<vmem>>, vector<16xf32>,
          %add3A_3075 = arith.constant 7 : i32
          %add3A_3076 = arith.addi %add3A_3039, %add3A_3075 : i32
          %get3A_3077 = arith.index_cast %add3A_3076 : i32 to index
          %get3A_3078 = arith.constant 0 : index
          %get3A_3079 = tpu.vector_load %arg23[%get3A_3077, %get3A_3078] {strides = array<i32>} : memref<512x32xf32, #tpu.memory_space<vmem>>, vector<16xf32>,
          %add3A_3080 = arith.constant 0 : i32
          %add3A_3081 = arith.addi %add3A_3039, %add3A_3080 : i32
          %get3A_3082 = arith.index_cast %add3A_3081 : i32 to index
          %get3A_3083 = arith.constant 16 : index
          %get3A_3084 = tpu.vector_load %arg23[%get3A_3082, %get3A_3083] {strides = array<i32>} : memref<512x32xf32, #tpu.memory_space<vmem>>, vector<16xf32>,
          %add3A_3085 = arith.constant 1 : i32
          %add3A_3086 = arith.addi %add3A_3039, %add3A_3085 : i32
          %get3A_3087 = arith.index_cast %add3A_3086 : i32 to index
          %get3A_3088 = arith.constant 16 : index
          %get3A_3089 = tpu.vector_load %arg23[%get3A_3087, %get3A_3088] {strides = array<i32>} : memref<512x32xf32, #tpu.memory_space<vmem>>, vector<16xf32>,
          %add3A_3090 = arith.constant 2 : i32
          %add3A_3091 = arith.addi %add3A_3039, %add3A_3090 : i32
          %get3A_3092 = arith.index_cast %add3A_3091 : i32 to index
          %get3A_3093 = arith.constant 16 : index
          %get3A_3094 = tpu.vector_load %arg23[%get3A_3092, %get3A_3093] {strides = array<i32>} : memref<512x32xf32, #tpu.memory_space<vmem>>, vector<16xf32>,
          %add3A_3095 = arith.constant 3 : i32
          %add3A_3096 = arith.addi %add3A_3039, %add3A_3095 : i32
          %get3A_3097 = arith.index_cast %add3A_3096 : i32 to index
          %get3A_3098 = arith.constant 16 : index
          %get3A_3099 = tpu.vector_load %arg23[%get3A_3097, %get3A_3098] {strides = array<i32>} : memref<512x32xf32, #tpu.memory_space<vmem>>, vector<16xf32>,
          %add3A_3100 = arith.constant 4 : i32
          %add3A_3101 = arith.addi %add3A_3039, %add3A_3100 : i32
          %get3A_3102 = arith.index_cast %add3A_3101 : i32 to index
          %get3A_3103 = arith.constant 16 : index
          %get3A_3104 = tpu.vector_load %arg23[%get3A_3102, %get3A_3103] {strides = array<i32>} : memref<512x32xf32, #tpu.memory_space<vmem>>, vector<16xf32>,
          %add3A_3105 = arith.constant 5 : i32
          %add3A_3106 = arith.addi %add3A_3039, %add3A_3105 : i32
          %get3A_3107 = arith.index_cast %add3A_3106 : i32 to index
          %get3A_3108 = arith.constant 16 : index
          %get3A_3109 = tpu.vector_load %arg23[%get3A_3107, %get3A_3108] {strides = array<i32>} : memref<512x32xf32, #tpu.memory_space<vmem>>, vector<16xf32>,
          %add3A_3110 = arith.constant 6 : i32
          %add3A_3111 = arith.addi %add3A_3039, %add3A_3110 : i32
          %get3A_3112 = arith.index_cast %add3A_3111 : i32 to index
          %get3A_3113 = arith.constant 16 : index
          %get3A_3114 = tpu.vector_load %arg23[%get3A_3112, %get3A_3113] {strides = array<i32>} : memref<512x32xf32, #tpu.memory_space<vmem>>, vector<16xf32>,
          %add3A_3115 = arith.constant 7 : i32
          %add3A_3116 = arith.addi %add3A_3039, %add3A_3115 : i32
          %get3A_3117 = arith.index_cast %add3A_3116 : i32 to index
          %get3A_3118 = arith.constant 16 : index
          %get3A_3119 = tpu.vector_load %arg23[%get3A_3117, %get3A_3118] {strides = array<i32>} : memref<512x32xf32, #tpu.memory_space<vmem>>, vector<16xf32>,
          %max3A_3120 = arith.maximumf %get3A_3044, %get3A_3049 : vector<16xf32>
          %max3A_3121 = arith.maximumf %get3A_3054, %get3A_3059 : vector<16xf32>
          %max3A_3122 = arith.maximumf %max3A_3120, %max3A_3121 : vector<16xf32>
          %max3A_3123 = arith.maximumf %get3A_3064, %get3A_3069 : vector<16xf32>
          %max3A_3124 = arith.maximumf %get3A_3074, %get3A_3079 : vector<16xf32>
          %max3A_3125 = arith.maximumf %max3A_3123, %max3A_3124 : vector<16xf32>
          %max3A_3126 = arith.maximumf %get3A_3084, %get3A_3089 : vector<16xf32>
          %max3A_3127 = arith.maximumf %get3A_3094, %get3A_3099 : vector<16xf32>
          %max3A_3128 = arith.maximumf %max3A_3126, %max3A_3127 : vector<16xf32>
          %max3A_3129 = arith.maximumf %get3A_3104, %get3A_3109 : vector<16xf32>
          %max3A_3130 = arith.maximumf %get3A_3114, %get3A_3119 : vector<16xf32>
          %max3A_3131 = arith.maximumf %max3A_3129, %max3A_3130 : vector<16xf32>
          %max3A_3132 = arith.maximumf %max3A_3122, %max3A_3125 : vector<16xf32>
          %max3A_3133 = arith.maximumf %while3A_3034, %max3A_3132 : vector<16xf32>
          %max3A_3134 = arith.maximumf %max3A_3128, %max3A_3131 : vector<16xf32>
          %max3A_3135 = arith.maximumf %while3A_3035, %max3A_3134 : vector<16xf32>
          scf.yield %max3A_3133, %max3A_3135 : vector<16xf32>, vector<16xf32>
        }
        %while3A_3005 = arith.constant 1 : i32
        %while3A_3006:2 = scf.for %while3A_3033 = %while3A_3002 to %while3A_2998 step %while3A_3005 iter_args(%while3A_3034 = %while3A_3004#0, %while3A_3035 = %while3A_3004#1) -> (vector<16xf32>, vector<16xf32>)  : i32 {
          %sub3A_3036 = arith.subi %while3A_2985, %min3A_2895 : i32
          %mul3A_3037 = arith.constant 8 : i32
          %mul3A_3038 = arith.muli %mul3A_3037, %while3A_3033 : i32
          %add3A_3039 = arith.addi %sub3A_3036, %mul3A_3038 : i32
          %add3A_3040 = arith.constant 0 : i32
          %add3A_3041 = arith.addi %add3A_3039, %add3A_3040 : i32
          %get3A_3042 = arith.index_cast %add3A_3041 : i32 to index
          %get3A_3043 = arith.constant 0 : index
          %get3A_3044 = tpu.vector_load %arg23[%get3A_3042, %get3A_3043] {strides = array<i32>} : memref<512x32xf32, #tpu.memory_space<vmem>>, vector<16xf32>,
          %add3A_3045 = arith.constant 1 : i32
          %add3A_3046 = arith.addi %add3A_3039, %add3A_3045 : i32
          %get3A_3047 = arith.index_cast %add3A_3046 : i32 to index
          %get3A_3048 = arith.constant 0 : index
          %get3A_3049 = tpu.vector_load %arg23[%get3A_3047, %get3A_3048] {strides = array<i32>} : memref<512x32xf32, #tpu.memory_space<vmem>>, vector<16xf32>,
          %add3A_3050 = arith.constant 2 : i32
          %add3A_3051 = arith.addi %add3A_3039, %add3A_3050 : i32
          %get3A_3052 = arith.index_cast %add3A_3051 : i32 to index
          %get3A_3053 = arith.constant 0 : index
          %get3A_3054 = tpu.vector_load %arg23[%get3A_3052, %get3A_3053] {strides = array<i32>} : memref<512x32xf32, #tpu.memory_space<vmem>>, vector<16xf32>,
          %add3A_3055 = arith.constant 3 : i32
          %add3A_3056 = arith.addi %add3A_3039, %add3A_3055 : i32
          %get3A_3057 = arith.index_cast %add3A_3056 : i32 to index
          %get3A_3058 = arith.constant 0 : index
          %get3A_3059 = tpu.vector_load %arg23[%get3A_3057, %get3A_3058] {strides = array<i32>} : memref<512x32xf32, #tpu.memory_space<vmem>>, vector<16xf32>,
          %add3A_3060 = arith.constant 4 : i32
          %add3A_3061 = arith.addi %add3A_3039, %add3A_3060 : i32
          %get3A_3062 = arith.index_cast %add3A_3061 : i32 to index
          %get3A_3063 = arith.constant 0 : index
          %get3A_3064 = tpu.vector_load %arg23[%get3A_3062, %get3A_3063] {strides = array<i32>} : memref<512x32xf32, #tpu.memory_space<vmem>>, vector<16xf32>,
          %add3A_3065 = arith.constant 5 : i32
          %add3A_3066 = arith.addi %add3A_3039, %add3A_3065 : i32
          %get3A_3067 = arith.index_cast %add3A_3066 : i32 to index
          %get3A_3068 = arith.constant 0 : index
          %get3A_3069 = tpu.vector_load %arg23[%get3A_3067, %get3A_3068] {strides = array<i32>} : memref<512x32xf32, #tpu.memory_space<vmem>>, vector<16xf32>,
          %add3A_3070 = arith.constant 6 : i32
          %add3A_3071 = arith.addi %add3A_3039, %add3A_3070 : i32
          %get3A_3072 = arith.index_cast %add3A_3071 : i32 to index
          %get3A_3073 = arith.constant 0 : index
          %get3A_3074 = tpu.vector_load %arg23[%get3A_3072, %get3A_3073] {strides = array<i32>} : memref<512x32xf32, #tpu.memory_space<vmem>>, vector<16xf32>,
          %add3A_3075 = arith.constant 7 : i32
          %add3A_3076 = arith.addi %add3A_3039, %add3A_3075 : i32
          %get3A_3077 = arith.index_cast %add3A_3076 : i32 to index
          %get3A_3078 = arith.constant 0 : index
          %get3A_3079 = tpu.vector_load %arg23[%get3A_3077, %get3A_3078] {strides = array<i32>} : memref<512x32xf32, #tpu.memory_space<vmem>>, vector<16xf32>,
          %add3A_3080 = arith.constant 0 : i32
          %add3A_3081 = arith.addi %add3A_3039, %add3A_3080 : i32
          %get3A_3082 = arith.index_cast %add3A_3081 : i32 to index
          %get3A_3083 = arith.constant 16 : index
          %get3A_3084 = tpu.vector_load %arg23[%get3A_3082, %get3A_3083] {strides = array<i32>} : memref<512x32xf32, #tpu.memory_space<vmem>>, vector<16xf32>,
          %add3A_3085 = arith.constant 1 : i32
          %add3A_3086 = arith.addi %add3A_3039, %add3A_3085 : i32
          %get3A_3087 = arith.index_cast %add3A_3086 : i32 to index
          %get3A_3088 = arith.constant 16 : index
          %get3A_3089 = tpu.vector_load %arg23[%get3A_3087, %get3A_3088] {strides = array<i32>} : memref<512x32xf32, #tpu.memory_space<vmem>>, vector<16xf32>,
          %add3A_3090 = arith.constant 2 : i32
          %add3A_3091 = arith.addi %add3A_3039, %add3A_3090 : i32
          %get3A_3092 = arith.index_cast %add3A_3091 : i32 to index
          %get3A_3093 = arith.constant 16 : index
          %get3A_3094 = tpu.vector_load %arg23[%get3A_3092, %get3A_3093] {strides = array<i32>} : memref<512x32xf32, #tpu.memory_space<vmem>>, vector<16xf32>,
          %add3A_3095 = arith.constant 3 : i32
          %add3A_3096 = arith.addi %add3A_3039, %add3A_3095 : i32
          %get3A_3097 = arith.index_cast %add3A_3096 : i32 to index
          %get3A_3098 = arith.constant 16 : index
          %get3A_3099 = tpu.vector_load %arg23[%get3A_3097, %get3A_3098] {strides = array<i32>} : memref<512x32xf32, #tpu.memory_space<vmem>>, vector<16xf32>,
          %add3A_3100 = arith.constant 4 : i32
          %add3A_3101 = arith.addi %add3A_3039, %add3A_3100 : i32
          %get3A_3102 = arith.index_cast %add3A_3101 : i32 to index
          %get3A_3103 = arith.constant 16 : index
          %get3A_3104 = tpu.vector_load %arg23[%get3A_3102, %get3A_3103] {strides = array<i32>} : memref<512x32xf32, #tpu.memory_space<vmem>>, vector<16xf32>,
          %add3A_3105 = arith.constant 5 : i32
          %add3A_3106 = arith.addi %add3A_3039, %add3A_3105 : i32
          %get3A_3107 = arith.index_cast %add3A_3106 : i32 to index
          %get3A_3108 = arith.constant 16 : index
          %get3A_3109 = tpu.vector_load %arg23[%get3A_3107, %get3A_3108] {strides = array<i32>} : memref<512x32xf32, #tpu.memory_space<vmem>>, vector<16xf32>,
          %add3A_3110 = arith.constant 6 : i32
          %add3A_3111 = arith.addi %add3A_3039, %add3A_3110 : i32
          %get3A_3112 = arith.index_cast %add3A_3111 : i32 to index
          %get3A_3113 = arith.constant 16 : index
          %get3A_3114 = tpu.vector_load %arg23[%get3A_3112, %get3A_3113] {strides = array<i32>} : memref<512x32xf32, #tpu.memory_space<vmem>>, vector<16xf32>,
          %add3A_3115 = arith.constant 7 : i32
          %add3A_3116 = arith.addi %add3A_3039, %add3A_3115 : i32
          %get3A_3117 = arith.index_cast %add3A_3116 : i32 to index
          %get3A_3118 = arith.constant 16 : index
          %get3A_3119 = tpu.vector_load %arg23[%get3A_3117, %get3A_3118] {strides = array<i32>} : memref<512x32xf32, #tpu.memory_space<vmem>>, vector<16xf32>,
          %max3A_3120 = arith.maximumf %get3A_3044, %get3A_3049 : vector<16xf32>
          %max3A_3121 = arith.maximumf %get3A_3054, %get3A_3059 : vector<16xf32>
          %max3A_3122 = arith.maximumf %max3A_3120, %max3A_3121 : vector<16xf32>
          %max3A_3123 = arith.maximumf %get3A_3064, %get3A_3069 : vector<16xf32>
          %max3A_3124 = arith.maximumf %get3A_3074, %get3A_3079 : vector<16xf32>
          %max3A_3125 = arith.maximumf %max3A_3123, %max3A_3124 : vector<16xf32>
          %max3A_3126 = arith.maximumf %get3A_3084, %get3A_3089 : vector<16xf32>
          %max3A_3127 = arith.maximumf %get3A_3094, %get3A_3099 : vector<16xf32>
          %max3A_3128 = arith.maximumf %max3A_3126, %max3A_3127 : vector<16xf32>
          %max3A_3129 = arith.maximumf %get3A_3104, %get3A_3109 : vector<16xf32>
          %max3A_3130 = arith.maximumf %get3A_3114, %get3A_3119 : vector<16xf32>
          %max3A_3131 = arith.maximumf %max3A_3129, %max3A_3130 : vector<16xf32>
          %max3A_3132 = arith.maximumf %max3A_3122, %max3A_3125 : vector<16xf32>
          %max3A_3133 = arith.maximumf %while3A_3034, %max3A_3132 : vector<16xf32>
          %max3A_3134 = arith.maximumf %max3A_3128, %max3A_3131 : vector<16xf32>
          %max3A_3135 = arith.maximumf %while3A_3035, %max3A_3134 : vector<16xf32>
          scf.yield %max3A_3133, %max3A_3135 : vector<16xf32>, vector<16xf32>
        }
        %mul3A_3007 = arith.constant 8 : i32
        %mul3A_3008 = arith.muli %mul3A_3007, %shift_right_arithmetic3A_2995 : i32
        %add3A_3009 = arith.addi %while3A_2985, %mul3A_3008 : i32
        %while3A_3010 = arith.subi %min3A_2992, %add3A_3009 : i32
        %while3A_3011 = arith.addi %add3A_3009, %while3A_3010 : i32
        %while3A_3012 = arith.constant 1 : i32
        %while3A_3013 = arith.divsi %while3A_3010, %while3A_3012 : i32
        %while3A_3014 = arith.muli %while3A_3013, %while3A_3012 : i32
        %while3A_3015 = arith.addi %add3A_3009, %while3A_3014 : i32
        %while3A_3016 = arith.constant 1 : i32
        %while3A_3017:2 = scf.for %while3A_3033 = %add3A_3009 to %while3A_3015 step %while3A_3016 iter_args(%while3A_3034 = %while3A_3006#0, %while3A_3035 = %while3A_3006#1) -> (vector<16xf32>, vector<16xf32>)  : i32 {
          %sub3A_3036 = arith.subi %while3A_3033, %min3A_2895 : i32
          %get3A_3037 = arith.index_cast %sub3A_3036 : i32 to index
          %get3A_3038 = arith.constant 0 : index
          %get3A_3039 = tpu.vector_load %arg23[%get3A_3037, %get3A_3038] {strides = array<i32>} : memref<512x32xf32, #tpu.memory_space<vmem>>, vector<16xf32>,
          %max3A_3040 = arith.maximumf %while3A_3034, %get3A_3039 : vector<16xf32>
          %get3A_3041 = arith.index_cast %sub3A_3036 : i32 to index
          %get3A_3042 = arith.constant 16 : index
          %get3A_3043 = tpu.vector_load %arg23[%get3A_3041, %get3A_3042] {strides = array<i32>} : memref<512x32xf32, #tpu.memory_space<vmem>>, vector<16xf32>,
          %max3A_3044 = arith.maximumf %while3A_3035, %get3A_3043 : vector<16xf32>
          scf.yield %max3A_3040, %max3A_3044 : vector<16xf32>, vector<16xf32>
        }
        %while3A_3018 = arith.constant 1 : i32
        %while3A_3019:2 = scf.for %while3A_3033 = %while3A_3015 to %while3A_3011 step %while3A_3018 iter_args(%while3A_3034 = %while3A_3017#0, %while3A_3035 = %while3A_3017#1) -> (vector<16xf32>, vector<16xf32>)  : i32 {
          %sub3A_3036 = arith.subi %while3A_3033, %min3A_2895 : i32
          %get3A_3037 = arith.index_cast %sub3A_3036 : i32 to index
          %get3A_3038 = arith.constant 0 : index
          %get3A_3039 = tpu.vector_load %arg23[%get3A_3037, %get3A_3038] {strides = array<i32>} : memref<512x32xf32, #tpu.memory_space<vmem>>, vector<16xf32>,
          %max3A_3040 = arith.maximumf %while3A_3034, %get3A_3039 : vector<16xf32>
          %get3A_3041 = arith.index_cast %sub3A_3036 : i32 to index
          %get3A_3042 = arith.constant 16 : index
          %get3A_3043 = tpu.vector_load %arg23[%get3A_3041, %get3A_3042] {strides = array<i32>} : memref<512x32xf32, #tpu.memory_space<vmem>>, vector<16xf32>,
          %max3A_3044 = arith.maximumf %while3A_3035, %get3A_3043 : vector<16xf32>
          scf.yield %max3A_3040, %max3A_3044 : vector<16xf32>, vector<16xf32>
        }
        %le3A_3020 = arith.cmpi sle, %squeeze3A_2991, %min3A_2901 : i32
        %swap3A_3021 = arith.index_cast %while3A_2982 : i32 to index
        %swap3A_3022 = arith.constant 0 : index
        %swap3A_3023 = tpu.vector_load %arg24[%swap3A_3021, %swap3A_3022] {strides = array<i32>} : memref<72x32xf32, #tpu.memory_space<vmem>>, vector<16xf32>,
        tpu.vector_store %arg24[%swap3A_3021, %swap3A_3022], %while3A_3019#0 {strides = array<i32>} : memref<72x32xf32, #tpu.memory_space<vmem>>, vector<16xf32>,
        %swap3A_3024 = arith.index_cast %while3A_2982 : i32 to index
        %swap3A_3025 = arith.constant 16 : index
        %swap3A_3026 = tpu.vector_load %arg24[%swap3A_3024, %swap3A_3025] {strides = array<i32>} : memref<72x32xf32, #tpu.memory_space<vmem>>, vector<16xf32>,
        tpu.vector_store %arg24[%swap3A_3024, %swap3A_3025], %while3A_3019#1 {strides = array<i32>} : memref<72x32xf32, #tpu.memory_space<vmem>>, vector<16xf32>,
        %add3A_3027 = arith.constant 1 : i32
        %add3A_3028 = arith.addi %while3A_2982, %add3A_3027 : i32
        %select_n3A_3029 = arith.select %le3A_3020, %add3A_3028, %while3A_2982 : i32
        %broadcast_in_dim3A_3030 = vector.broadcast %le3A_3020 : i1 to vector<16xi1>
        %select_n3A_3031 = arith.select %broadcast_in_dim3A_3030, %broadcast_in_dim3A_2166, %while3A_3019#0 : vector<16xi1>, vector<16xf32>
        %select_n3A_3032 = arith.select %broadcast_in_dim3A_3030, %broadcast_in_dim3A_2166, %while3A_3019#1 : vector<16xi1>, vector<16xf32>
        scf.yield %select_n3A_3029, %select_n3A_3031, %select_n3A_3032, %min3A_2992 : i32, vector<16xf32>, vector<16xf32>, i32
      }
      %while3A_2979 = arith.constant 1 : i32
      %while3A_2980:4 = scf.for %while3A_2981 = %while3A_2976 to %while3A_2972 step %while3A_2979 iter_args(%while3A_2982 = %while3A_2978#0, %while3A_2983 = %while3A_2978#1, %while3A_2984 = %while3A_2978#2, %while3A_2985 = %while3A_2978#3) -> (i32, vector<16xf32>, vector<16xf32>, i32)  : i32 {
        %add3A_2986 = arith.constant 1 : i32
        %add3A_2987 = arith.addi %while3A_2982, %add3A_2986 : i32
        %get3A_2988 = arith.index_cast %add3A_2987 : i32 to index
        %get3A_2989 = tpu.vector_load %arg6[%get3A_2988] {strides = array<i32>} : memref<96xi32, #tpu.memory_space<vmem>>, vector<16xi32>,
        %slice3A_2990 = vector.extract_strided_slice %get3A_2989 {offsets = [0], sizes = [1], strides = [1]} : vector<16xi32> to vector<1xi32>
        %squeeze3A_2991 = vector.extract %slice3A_2990[0] : i32 from vector<1xi32>
        %min3A_2992 = arith.minsi %squeeze3A_2991, %min3A_2901 : i32
        %sub3A_2993 = arith.subi %min3A_2992, %while3A_2985 : i32
        %shift_right_arithmetic3A_2994 = arith.constant 3 : i32
        %shift_right_arithmetic3A_2995 = arith.shrsi %sub3A_2993, %shift_right_arithmetic3A_2994 : i32
        %while3A_2996 = arith.constant 0 : i32
        %while3A_2997 = arith.subi %shift_right_arithmetic3A_2995, %while3A_2996 : i32
        %while3A_2998 = arith.addi %while3A_2996, %while3A_2997 : i32
        %while3A_2999 = arith.constant 1 : i32
        %while3A_3000 = arith.divsi %while3A_2997, %while3A_2999 : i32
        %while3A_3001 = arith.muli %while3A_3000, %while3A_2999 : i32
        %while3A_3002 = arith.addi %while3A_2996, %while3A_3001 : i32
        %while3A_3003 = arith.constant 1 : i32
        %while3A_3004:2 = scf.for %while3A_3033 = %while3A_2996 to %while3A_3002 step %while3A_3003 iter_args(%while3A_3034 = %while3A_2983, %while3A_3035 = %while3A_2984) -> (vector<16xf32>, vector<16xf32>)  : i32 {
          %sub3A_3036 = arith.subi %while3A_2985, %min3A_2895 : i32
          %mul3A_3037 = arith.constant 8 : i32
          %mul3A_3038 = arith.muli %mul3A_3037, %while3A_3033 : i32
          %add3A_3039 = arith.addi %sub3A_3036, %mul3A_3038 : i32
          %add3A_3040 = arith.constant 0 : i32
          %add3A_3041 = arith.addi %add3A_3039, %add3A_3040 : i32
          %get3A_3042 = arith.index_cast %add3A_3041 : i32 to index
          %get3A_3043 = arith.constant 0 : index
          %get3A_3044 = tpu.vector_load %arg23[%get3A_3042, %get3A_3043] {strides = array<i32>} : memref<512x32xf32, #tpu.memory_space<vmem>>, vector<16xf32>,
          %add3A_3045 = arith.constant 1 : i32
          %add3A_3046 = arith.addi %add3A_3039, %add3A_3045 : i32
          %get3A_3047 = arith.index_cast %add3A_3046 : i32 to index
          %get3A_3048 = arith.constant 0 : index
          %get3A_3049 = tpu.vector_load %arg23[%get3A_3047, %get3A_3048] {strides = array<i32>} : memref<512x32xf32, #tpu.memory_space<vmem>>, vector<16xf32>,
          %add3A_3050 = arith.constant 2 : i32
          %add3A_3051 = arith.addi %add3A_3039, %add3A_3050 : i32
          %get3A_3052 = arith.index_cast %add3A_3051 : i32 to index
          %get3A_3053 = arith.constant 0 : index
          %get3A_3054 = tpu.vector_load %arg23[%get3A_3052, %get3A_3053] {strides = array<i32>} : memref<512x32xf32, #tpu.memory_space<vmem>>, vector<16xf32>,
          %add3A_3055 = arith.constant 3 : i32
          %add3A_3056 = arith.addi %add3A_3039, %add3A_3055 : i32
          %get3A_3057 = arith.index_cast %add3A_3056 : i32 to index
          %get3A_3058 = arith.constant 0 : index
          %get3A_3059 = tpu.vector_load %arg23[%get3A_3057, %get3A_3058] {strides = array<i32>} : memref<512x32xf32, #tpu.memory_space<vmem>>, vector<16xf32>,
          %add3A_3060 = arith.constant 4 : i32
          %add3A_3061 = arith.addi %add3A_3039, %add3A_3060 : i32
          %get3A_3062 = arith.index_cast %add3A_3061 : i32 to index
          %get3A_3063 = arith.constant 0 : index
          %get3A_3064 = tpu.vector_load %arg23[%get3A_3062, %get3A_3063] {strides = array<i32>} : memref<512x32xf32, #tpu.memory_space<vmem>>, vector<16xf32>,
          %add3A_3065 = arith.constant 5 : i32
          %add3A_3066 = arith.addi %add3A_3039, %add3A_3065 : i32
          %get3A_3067 = arith.index_cast %add3A_3066 : i32 to index
          %get3A_3068 = arith.constant 0 : index
          %get3A_3069 = tpu.vector_load %arg23[%get3A_3067, %get3A_3068] {strides = array<i32>} : memref<512x32xf32, #tpu.memory_space<vmem>>, vector<16xf32>,
          %add3A_3070 = arith.constant 6 : i32
          %add3A_3071 = arith.addi %add3A_3039, %add3A_3070 : i32
          %get3A_3072 = arith.index_cast %add3A_3071 : i32 to index
          %get3A_3073 = arith.constant 0 : index
          %get3A_3074 = tpu.vector_load %arg23[%get3A_3072, %get3A_3073] {strides = array<i32>} : memref<512x32xf32, #tpu.memory_space<vmem>>, vector<16xf32>,
          %add3A_3075 = arith.constant 7 : i32
          %add3A_3076 = arith.addi %add3A_3039, %add3A_3075 : i32
          %get3A_3077 = arith.index_cast %add3A_3076 : i32 to index
          %get3A_3078 = arith.constant 0 : index
          %get3A_3079 = tpu.vector_load %arg23[%get3A_3077, %get3A_3078] {strides = array<i32>} : memref<512x32xf32, #tpu.memory_space<vmem>>, vector<16xf32>,
          %add3A_3080 = arith.constant 0 : i32
          %add3A_3081 = arith.addi %add3A_3039, %add3A_3080 : i32
          %get3A_3082 = arith.index_cast %add3A_3081 : i32 to index
          %get3A_3083 = arith.constant 16 : index
          %get3A_3084 = tpu.vector_load %arg23[%get3A_3082, %get3A_3083] {strides = array<i32>} : memref<512x32xf32, #tpu.memory_space<vmem>>, vector<16xf32>,
          %add3A_3085 = arith.constant 1 : i32
          %add3A_3086 = arith.addi %add3A_3039, %add3A_3085 : i32
          %get3A_3087 = arith.index_cast %add3A_3086 : i32 to index
          %get3A_3088 = arith.constant 16 : index
          %get3A_3089 = tpu.vector_load %arg23[%get3A_3087, %get3A_3088] {strides = array<i32>} : memref<512x32xf32, #tpu.memory_space<vmem>>, vector<16xf32>,
          %add3A_3090 = arith.constant 2 : i32
          %add3A_3091 = arith.addi %add3A_3039, %add3A_3090 : i32
          %get3A_3092 = arith.index_cast %add3A_3091 : i32 to index
          %get3A_3093 = arith.constant 16 : index
          %get3A_3094 = tpu.vector_load %arg23[%get3A_3092, %get3A_3093] {strides = array<i32>} : memref<512x32xf32, #tpu.memory_space<vmem>>, vector<16xf32>,
          %add3A_3095 = arith.constant 3 : i32
          %add3A_3096 = arith.addi %add3A_3039, %add3A_3095 : i32
          %get3A_3097 = arith.index_cast %add3A_3096 : i32 to index
          %get3A_3098 = arith.constant 16 : index
          %get3A_3099 = tpu.vector_load %arg23[%get3A_3097, %get3A_3098] {strides = array<i32>} : memref<512x32xf32, #tpu.memory_space<vmem>>, vector<16xf32>,
          %add3A_3100 = arith.constant 4 : i32
          %add3A_3101 = arith.addi %add3A_3039, %add3A_3100 : i32
          %get3A_3102 = arith.index_cast %add3A_3101 : i32 to index
          %get3A_3103 = arith.constant 16 : index
          %get3A_3104 = tpu.vector_load %arg23[%get3A_3102, %get3A_3103] {strides = array<i32>} : memref<512x32xf32, #tpu.memory_space<vmem>>, vector<16xf32>,
          %add3A_3105 = arith.constant 5 : i32
          %add3A_3106 = arith.addi %add3A_3039, %add3A_3105 : i32
          %get3A_3107 = arith.index_cast %add3A_3106 : i32 to index
          %get3A_3108 = arith.constant 16 : index
          %get3A_3109 = tpu.vector_load %arg23[%get3A_3107, %get3A_3108] {strides = array<i32>} : memref<512x32xf32, #tpu.memory_space<vmem>>, vector<16xf32>,
          %add3A_3110 = arith.constant 6 : i32
          %add3A_3111 = arith.addi %add3A_3039, %add3A_3110 : i32
          %get3A_3112 = arith.index_cast %add3A_3111 : i32 to index
          %get3A_3113 = arith.constant 16 : index
          %get3A_3114 = tpu.vector_load %arg23[%get3A_3112, %get3A_3113] {strides = array<i32>} : memref<512x32xf32, #tpu.memory_space<vmem>>, vector<16xf32>,
          %add3A_3115 = arith.constant 7 : i32
          %add3A_3116 = arith.addi %add3A_3039, %add3A_3115 : i32
          %get3A_3117 = arith.index_cast %add3A_3116 : i32 to index
          %get3A_3118 = arith.constant 16 : index
          %get3A_3119 = tpu.vector_load %arg23[%get3A_3117, %get3A_3118] {strides = array<i32>} : memref<512x32xf32, #tpu.memory_space<vmem>>, vector<16xf32>,
          %max3A_3120 = arith.maximumf %get3A_3044, %get3A_3049 : vector<16xf32>
          %max3A_3121 = arith.maximumf %get3A_3054, %get3A_3059 : vector<16xf32>
          %max3A_3122 = arith.maximumf %max3A_3120, %max3A_3121 : vector<16xf32>
          %max3A_3123 = arith.maximumf %get3A_3064, %get3A_3069 : vector<16xf32>
          %max3A_3124 = arith.maximumf %get3A_3074, %get3A_3079 : vector<16xf32>
          %max3A_3125 = arith.maximumf %max3A_3123, %max3A_3124 : vector<16xf32>
          %max3A_3126 = arith.maximumf %get3A_3084, %get3A_3089 : vector<16xf32>
          %max3A_3127 = arith.maximumf %get3A_3094, %get3A_3099 : vector<16xf32>
          %max3A_3128 = arith.maximumf %max3A_3126, %max3A_3127 : vector<16xf32>
          %max3A_3129 = arith.maximumf %get3A_3104, %get3A_3109 : vector<16xf32>
          %max3A_3130 = arith.maximumf %get3A_3114, %get3A_3119 : vector<16xf32>
          %max3A_3131 = arith.maximumf %max3A_3129, %max3A_3130 : vector<16xf32>
          %max3A_3132 = arith.maximumf %max3A_3122, %max3A_3125 : vector<16xf32>
          %max3A_3133 = arith.maximumf %while3A_3034, %max3A_3132 : vector<16xf32>
          %max3A_3134 = arith.maximumf %max3A_3128, %max3A_3131 : vector<16xf32>
          %max3A_3135 = arith.maximumf %while3A_3035, %max3A_3134 : vector<16xf32>
          scf.yield %max3A_3133, %max3A_3135 : vector<16xf32>, vector<16xf32>
        }
        %while3A_3005 = arith.constant 1 : i32
        %while3A_3006:2 = scf.for %while3A_3033 = %while3A_3002 to %while3A_2998 step %while3A_3005 iter_args(%while3A_3034 = %while3A_3004#0, %while3A_3035 = %while3A_3004#1) -> (vector<16xf32>, vector<16xf32>)  : i32 {
          %sub3A_3036 = arith.subi %while3A_2985, %min3A_2895 : i32
          %mul3A_3037 = arith.constant 8 : i32
          %mul3A_3038 = arith.muli %mul3A_3037, %while3A_3033 : i32
          %add3A_3039 = arith.addi %sub3A_3036, %mul3A_3038 : i32
          %add3A_3040 = arith.constant 0 : i32
          %add3A_3041 = arith.addi %add3A_3039, %add3A_3040 : i32
          %get3A_3042 = arith.index_cast %add3A_3041 : i32 to index
          %get3A_3043 = arith.constant 0 : index
          %get3A_3044 = tpu.vector_load %arg23[%get3A_3042, %get3A_3043] {strides = array<i32>} : memref<512x32xf32, #tpu.memory_space<vmem>>, vector<16xf32>,
          %add3A_3045 = arith.constant 1 : i32
          %add3A_3046 = arith.addi %add3A_3039, %add3A_3045 : i32
          %get3A_3047 = arith.index_cast %add3A_3046 : i32 to index
          %get3A_3048 = arith.constant 0 : index
          %get3A_3049 = tpu.vector_load %arg23[%get3A_3047, %get3A_3048] {strides = array<i32>} : memref<512x32xf32, #tpu.memory_space<vmem>>, vector<16xf32>,
          %add3A_3050 = arith.constant 2 : i32
          %add3A_3051 = arith.addi %add3A_3039, %add3A_3050 : i32
          %get3A_3052 = arith.index_cast %add3A_3051 : i32 to index
          %get3A_3053 = arith.constant 0 : index
          %get3A_3054 = tpu.vector_load %arg23[%get3A_3052, %get3A_3053] {strides = array<i32>} : memref<512x32xf32, #tpu.memory_space<vmem>>, vector<16xf32>,
          %add3A_3055 = arith.constant 3 : i32
          %add3A_3056 = arith.addi %add3A_3039, %add3A_3055 : i32
          %get3A_3057 = arith.index_cast %add3A_3056 : i32 to index
          %get3A_3058 = arith.constant 0 : index
          %get3A_3059 = tpu.vector_load %arg23[%get3A_3057, %get3A_3058] {strides = array<i32>} : memref<512x32xf32, #tpu.memory_space<vmem>>, vector<16xf32>,
          %add3A_3060 = arith.constant 4 : i32
          %add3A_3061 = arith.addi %add3A_3039, %add3A_3060 : i32
          %get3A_3062 = arith.index_cast %add3A_3061 : i32 to index
          %get3A_3063 = arith.constant 0 : index
          %get3A_3064 = tpu.vector_load %arg23[%get3A_3062, %get3A_3063] {strides = array<i32>} : memref<512x32xf32, #tpu.memory_space<vmem>>, vector<16xf32>,
          %add3A_3065 = arith.constant 5 : i32
          %add3A_3066 = arith.addi %add3A_3039, %add3A_3065 : i32
          %get3A_3067 = arith.index_cast %add3A_3066 : i32 to index
          %get3A_3068 = arith.constant 0 : index
          %get3A_3069 = tpu.vector_load %arg23[%get3A_3067, %get3A_3068] {strides = array<i32>} : memref<512x32xf32, #tpu.memory_space<vmem>>, vector<16xf32>,
          %add3A_3070 = arith.constant 6 : i32
          %add3A_3071 = arith.addi %add3A_3039, %add3A_3070 : i32
          %get3A_3072 = arith.index_cast %add3A_3071 : i32 to index
          %get3A_3073 = arith.constant 0 : index
          %get3A_3074 = tpu.vector_load %arg23[%get3A_3072, %get3A_3073] {strides = array<i32>} : memref<512x32xf32, #tpu.memory_space<vmem>>, vector<16xf32>,
          %add3A_3075 = arith.constant 7 : i32
          %add3A_3076 = arith.addi %add3A_3039, %add3A_3075 : i32
          %get3A_3077 = arith.index_cast %add3A_3076 : i32 to index
          %get3A_3078 = arith.constant 0 : index
          %get3A_3079 = tpu.vector_load %arg23[%get3A_3077, %get3A_3078] {strides = array<i32>} : memref<512x32xf32, #tpu.memory_space<vmem>>, vector<16xf32>,
          %add3A_3080 = arith.constant 0 : i32
          %add3A_3081 = arith.addi %add3A_3039, %add3A_3080 : i32
          %get3A_3082 = arith.index_cast %add3A_3081 : i32 to index
          %get3A_3083 = arith.constant 16 : index
          %get3A_3084 = tpu.vector_load %arg23[%get3A_3082, %get3A_3083] {strides = array<i32>} : memref<512x32xf32, #tpu.memory_space<vmem>>, vector<16xf32>,
          %add3A_3085 = arith.constant 1 : i32
          %add3A_3086 = arith.addi %add3A_3039, %add3A_3085 : i32
          %get3A_3087 = arith.index_cast %add3A_3086 : i32 to index
          %get3A_3088 = arith.constant 16 : index
          %get3A_3089 = tpu.vector_load %arg23[%get3A_3087, %get3A_3088] {strides = array<i32>} : memref<512x32xf32, #tpu.memory_space<vmem>>, vector<16xf32>,
          %add3A_3090 = arith.constant 2 : i32
          %add3A_3091 = arith.addi %add3A_3039, %add3A_3090 : i32
          %get3A_3092 = arith.index_cast %add3A_3091 : i32 to index
          %get3A_3093 = arith.constant 16 : index
          %get3A_3094 = tpu.vector_load %arg23[%get3A_3092, %get3A_3093] {strides = array<i32>} : memref<512x32xf32, #tpu.memory_space<vmem>>, vector<16xf32>,
          %add3A_3095 = arith.constant 3 : i32
          %add3A_3096 = arith.addi %add3A_3039, %add3A_3095 : i32
          %get3A_3097 = arith.index_cast %add3A_3096 : i32 to index
          %get3A_3098 = arith.constant 16 : index
          %get3A_3099 = tpu.vector_load %arg23[%get3A_3097, %get3A_3098] {strides = array<i32>} : memref<512x32xf32, #tpu.memory_space<vmem>>, vector<16xf32>,
          %add3A_3100 = arith.constant 4 : i32
          %add3A_3101 = arith.addi %add3A_3039, %add3A_3100 : i32
          %get3A_3102 = arith.index_cast %add3A_3101 : i32 to index
          %get3A_3103 = arith.constant 16 : index
          %get3A_3104 = tpu.vector_load %arg23[%get3A_3102, %get3A_3103] {strides = array<i32>} : memref<512x32xf32, #tpu.memory_space<vmem>>, vector<16xf32>,
          %add3A_3105 = arith.constant 5 : i32
          %add3A_3106 = arith.addi %add3A_3039, %add3A_3105 : i32
          %get3A_3107 = arith.index_cast %add3A_3106 : i32 to index
          %get3A_3108 = arith.constant 16 : index
          %get3A_3109 = tpu.vector_load %arg23[%get3A_3107, %get3A_3108] {strides = array<i32>} : memref<512x32xf32, #tpu.memory_space<vmem>>, vector<16xf32>,
          %add3A_3110 = arith.constant 6 : i32
          %add3A_3111 = arith.addi %add3A_3039, %add3A_3110 : i32
          %get3A_3112 = arith.index_cast %add3A_3111 : i32 to index
          %get3A_3113 = arith.constant 16 : index
          %get3A_3114 = tpu.vector_load %arg23[%get3A_3112, %get3A_3113] {strides = array<i32>} : memref<512x32xf32, #tpu.memory_space<vmem>>, vector<16xf32>,
          %add3A_3115 = arith.constant 7 : i32
          %add3A_3116 = arith.addi %add3A_3039, %add3A_3115 : i32
          %get3A_3117 = arith.index_cast %add3A_3116 : i32 to index
          %get3A_3118 = arith.constant 16 : index
          %get3A_3119 = tpu.vector_load %arg23[%get3A_3117, %get3A_3118] {strides = array<i32>} : memref<512x32xf32, #tpu.memory_space<vmem>>, vector<16xf32>,
          %max3A_3120 = arith.maximumf %get3A_3044, %get3A_3049 : vector<16xf32>
          %max3A_3121 = arith.maximumf %get3A_3054, %get3A_3059 : vector<16xf32>
          %max3A_3122 = arith.maximumf %max3A_3120, %max3A_3121 : vector<16xf32>
          %max3A_3123 = arith.maximumf %get3A_3064, %get3A_3069 : vector<16xf32>
          %max3A_3124 = arith.maximumf %get3A_3074, %get3A_3079 : vector<16xf32>
          %max3A_3125 = arith.maximumf %max3A_3123, %max3A_3124 : vector<16xf32>
          %max3A_3126 = arith.maximumf %get3A_3084, %get3A_3089 : vector<16xf32>
          %max3A_3127 = arith.maximumf %get3A_3094, %get3A_3099 : vector<16xf32>
          %max3A_3128 = arith.maximumf %max3A_3126, %max3A_3127 : vector<16xf32>
          %max3A_3129 = arith.maximumf %get3A_3104, %get3A_3109 : vector<16xf32>
          %max3A_3130 = arith.maximumf %get3A_3114, %get3A_3119 : vector<16xf32>
          %max3A_3131 = arith.maximumf %max3A_3129, %max3A_3130 : vector<16xf32>
          %max3A_3132 = arith.maximumf %max3A_3122, %max3A_3125 : vector<16xf32>
          %max3A_3133 = arith.maximumf %while3A_3034, %max3A_3132 : vector<16xf32>
          %max3A_3134 = arith.maximumf %max3A_3128, %max3A_3131 : vector<16xf32>
          %max3A_3135 = arith.maximumf %while3A_3035, %max3A_3134 : vector<16xf32>
          scf.yield %max3A_3133, %max3A_3135 : vector<16xf32>, vector<16xf32>
        }
        %mul3A_3007 = arith.constant 8 : i32
        %mul3A_3008 = arith.muli %mul3A_3007, %shift_right_arithmetic3A_2995 : i32
        %add3A_3009 = arith.addi %while3A_2985, %mul3A_3008 : i32
        %while3A_3010 = arith.subi %min3A_2992, %add3A_3009 : i32
        %while3A_3011 = arith.addi %add3A_3009, %while3A_3010 : i32
        %while3A_3012 = arith.constant 1 : i32
        %while3A_3013 = arith.divsi %while3A_3010, %while3A_3012 : i32
        %while3A_3014 = arith.muli %while3A_3013, %while3A_3012 : i32
        %while3A_3015 = arith.addi %add3A_3009, %while3A_3014 : i32
        %while3A_3016 = arith.constant 1 : i32
        %while3A_3017:2 = scf.for %while3A_3033 = %add3A_3009 to %while3A_3015 step %while3A_3016 iter_args(%while3A_3034 = %while3A_3006#0, %while3A_3035 = %while3A_3006#1) -> (vector<16xf32>, vector<16xf32>)  : i32 {
          %sub3A_3036 = arith.subi %while3A_3033, %min3A_2895 : i32
          %get3A_3037 = arith.index_cast %sub3A_3036 : i32 to index
          %get3A_3038 = arith.constant 0 : index
          %get3A_3039 = tpu.vector_load %arg23[%get3A_3037, %get3A_3038] {strides = array<i32>} : memref<512x32xf32, #tpu.memory_space<vmem>>, vector<16xf32>,
          %max3A_3040 = arith.maximumf %while3A_3034, %get3A_3039 : vector<16xf32>
          %get3A_3041 = arith.index_cast %sub3A_3036 : i32 to index
          %get3A_3042 = arith.constant 16 : index
          %get3A_3043 = tpu.vector_load %arg23[%get3A_3041, %get3A_3042] {strides = array<i32>} : memref<512x32xf32, #tpu.memory_space<vmem>>, vector<16xf32>,
          %max3A_3044 = arith.maximumf %while3A_3035, %get3A_3043 : vector<16xf32>
          scf.yield %max3A_3040, %max3A_3044 : vector<16xf32>, vector<16xf32>
        }
        %while3A_3018 = arith.constant 1 : i32
        %while3A_3019:2 = scf.for %while3A_3033 = %while3A_3015 to %while3A_3011 step %while3A_3018 iter_args(%while3A_3034 = %while3A_3017#0, %while3A_3035 = %while3A_3017#1) -> (vector<16xf32>, vector<16xf32>)  : i32 {
          %sub3A_3036 = arith.subi %while3A_3033, %min3A_2895 : i32
          %get3A_3037 = arith.index_cast %sub3A_3036 : i32 to index
          %get3A_3038 = arith.constant 0 : index
          %get3A_3039 = tpu.vector_load %arg23[%get3A_3037, %get3A_3038] {strides = array<i32>} : memref<512x32xf32, #tpu.memory_space<vmem>>, vector<16xf32>,
          %max3A_3040 = arith.maximumf %while3A_3034, %get3A_3039 : vector<16xf32>
          %get3A_3041 = arith.index_cast %sub3A_3036 : i32 to index
          %get3A_3042 = arith.constant 16 : index
          %get3A_3043 = tpu.vector_load %arg23[%get3A_3041, %get3A_3042] {strides = array<i32>} : memref<512x32xf32, #tpu.memory_space<vmem>>, vector<16xf32>,
          %max3A_3044 = arith.maximumf %while3A_3035, %get3A_3043 : vector<16xf32>
          scf.yield %max3A_3040, %max3A_3044 : vector<16xf32>, vector<16xf32>
        }
        %le3A_3020 = arith.cmpi sle, %squeeze3A_2991, %min3A_2901 : i32
        %swap3A_3021 = arith.index_cast %while3A_2982 : i32 to index
        %swap3A_3022 = arith.constant 0 : index
        %swap3A_3023 = tpu.vector_load %arg24[%swap3A_3021, %swap3A_3022] {strides = array<i32>} : memref<72x32xf32, #tpu.memory_space<vmem>>, vector<16xf32>,
        tpu.vector_store %arg24[%swap3A_3021, %swap3A_3022], %while3A_3019#0 {strides = array<i32>} : memref<72x32xf32, #tpu.memory_space<vmem>>, vector<16xf32>,
        %swap3A_3024 = arith.index_cast %while3A_2982 : i32 to index
        %swap3A_3025 = arith.constant 16 : index
        %swap3A_3026 = tpu.vector_load %arg24[%swap3A_3024, %swap3A_3025] {strides = array<i32>} : memref<72x32xf32, #tpu.memory_space<vmem>>, vector<16xf32>,
        tpu.vector_store %arg24[%swap3A_3024, %swap3A_3025], %while3A_3019#1 {strides = array<i32>} : memref<72x32xf32, #tpu.memory_space<vmem>>, vector<16xf32>,
        %add3A_3027 = arith.constant 1 : i32
        %add3A_3028 = arith.addi %while3A_2982, %add3A_3027 : i32
        %select_n3A_3029 = arith.select %le3A_3020, %add3A_3028, %while3A_2982 : i32
        %broadcast_in_dim3A_3030 = vector.broadcast %le3A_3020 : i1 to vector<16xi1>
        %select_n3A_3031 = arith.select %broadcast_in_dim3A_3030, %broadcast_in_dim3A_2166, %while3A_3019#0 : vector<16xi1>, vector<16xf32>
        %select_n3A_3032 = arith.select %broadcast_in_dim3A_3030, %broadcast_in_dim3A_2166, %while3A_3019#1 : vector<16xi1>, vector<16xf32>
        scf.yield %select_n3A_3029, %select_n3A_3031, %select_n3A_3032, %min3A_2992 : i32, vector<16xf32>, vector<16xf32>, i32
      }
      scf.yield %while3A_2980#0, %while3A_2980#1, %while3A_2980#2 : i32, vector<16xf32>, vector<16xf32>
    }
    %while3A_2750 = arith.constant 1 : i32
    %while3A_2751:3 = scf.for %while3A_2758 = %while3A_2747 to %while3A_2743 step %while3A_2750 iter_args(%while3A_2759 = %while3A_2749#0, %while3A_2760 = %while3A_2749#1, %while3A_2761 = %while3A_2749#2) -> (i32, vector<16xf32>, vector<16xf32>)  : i32 {
      %mul3A_2762 = arith.constant 2 : i32
      %mul3A_2763 = arith.muli %mul3A_2762, %while3A_2758 : i32
      %add3A_2764 = arith.constant 1 : i32
      %add3A_2765 = arith.addi %mul3A_2763, %add3A_2764 : i32
      %mul3A_2766 = arith.constant 512 : i32
      %mul3A_2767 = arith.muli %add3A_2765, %mul3A_2766 : i32
      %add3A_2768 = arith.addi %squeeze3A, %mul3A_2767 : i32
      %min3A_2769 = arith.constant 99488 : i32
      %min3A_2770 = arith.minsi %add3A_2768, %min3A_2769 : i32
      %dma_start3A_2771 = arith.constant 96 : i32
      %dma_start3A_2772 = tpu.memref_slice %arg2[%min3A_2770, %dma_start3A_2771] : memref<100000x128xf32, #tpu.memory_space<hbm>> -> memref<512x32xf32, #tpu.memory_space<hbm>>
      %dma_start3A_2773 = arith.constant 96 : i32
      %dma_start3A_2774 = tpu.memref_slice %arg2[%min3A_2770, %dma_start3A_2773] : memref<100000x128xf32, #tpu.memory_space<hbm>> -> memref<512x32xf32, #tpu.memory_space<hbm>>
      tpu.enqueue_dma source(%dma_start3A_2774 : memref<512x32xf32, #tpu.memory_space<hbm>>) target(%arg23 : memref<512x32xf32, #tpu.memory_space<vmem>>) target_semaphore(%arg26 : memref<!tpu.dma_semaphore, #tpu.memory_space<semaphore_mem>>)
      %dma_wait3A_2775 = arith.constant 0 : i32
      %dma_wait3A_2776 = arith.constant 96 : i32
      %dma_wait3A_2777 = tpu.memref_slice %arg2[%dma_wait3A_2775, %dma_wait3A_2776] : memref<100000x128xf32, #tpu.memory_space<hbm>> -> memref<512x32xf32, #tpu.memory_space<hbm>>
      %dma_wait3A_2778 = arith.constant 0 : i32
      %dma_wait3A_2779 = arith.constant 96 : i32
      %dma_wait3A_2780 = tpu.memref_slice %arg2[%dma_wait3A_2778, %dma_wait3A_2779] : memref<100000x128xf32, #tpu.memory_space<hbm>> -> memref<512x32xf32, #tpu.memory_space<hbm>>
      tpu.wait_dma2 semaphore(%arg25 : memref<!tpu.dma_semaphore, #tpu.memory_space<semaphore_mem>>) src(%dma_wait3A_2780 : memref<512x32xf32, #tpu.memory_space<hbm>>) dst(%arg22 : memref<512x32xf32, #tpu.memory_space<vmem>>)
      %mul3A_2781 = arith.constant 2 : i32
      %mul3A_2782 = arith.muli %mul3A_2781, %while3A_2758 : i32
      %mul3A_2783 = arith.constant 512 : i32
      %mul3A_2784 = arith.muli %mul3A_2782, %mul3A_2783 : i32
      %add3A_2785 = arith.addi %squeeze3A, %mul3A_2784 : i32
      %min3A_2786 = arith.constant 99488 : i32
      %min3A_2787 = arith.minsi %add3A_2785, %min3A_2786 : i32
      %add3A_2788 = arith.constant 1 : i32
      %add3A_2789 = arith.addi %mul3A_2782, %add3A_2788 : i32
      %mul3A_2790 = arith.constant 512 : i32
      %mul3A_2791 = arith.muli %add3A_2789, %mul3A_2790 : i32
      %add3A_2792 = arith.addi %squeeze3A, %mul3A_2791 : i32
      %min3A_2793 = arith.minsi %add3A_2792, %squeeze3A_2684 : i32
      %mul3A_2794 = arith.constant 512 : i32
      %mul3A_2795 = arith.muli %mul3A_2782, %mul3A_2794 : i32
      %add3A_2796 = arith.addi %squeeze3A, %mul3A_2795 : i32
      %min3A_2797 = arith.minsi %add3A_2796, %squeeze3A_2684 : i32
      %iota3A_2798 = tpu.iota {dimensions = array<i32: 0>} : vector<16xi32>
      %add3A_2799 = arith.constant 1 : i32
      %add3A_2800 = arith.addi %while3A_2759, %add3A_2799 : i32
      %broadcast_in_dim3A_2801 = vector.broadcast %add3A_2800 : i32 to vector<16xi32>
      %broadcast_in_dim3A_2802 = vector.broadcast %min3A_2793 : i32 to vector<16xi32>
      %get3A_2803 = arith.constant 1 : index
      %get3A_2804 = tpu.vector_load %arg6[%get3A_2803] {strides = array<i32>} : memref<96xi32, #tpu.memory_space<vmem>>, vector<16xi32>,
      %add3A_2805 = arith.constant 1 : i32
      %add3A_2806 = vector.broadcast %add3A_2805 : i32 to vector<16xi32>
      %add3A_2807 = arith.addi %add3A_2806, %iota3A_2798 : vector<16xi32>
      %ge3A = arith.cmpi sge, %add3A_2807, %broadcast_in_dim3A_2801 : vector<16xi32>
      %le3A = arith.cmpi sle, %get3A_2804, %broadcast_in_dim3A_2802 : vector<16xi32>
      %and3A_2808 = arith.andi %ge3A, %le3A : vector<16xi1>
      %convert_element_type3A_2809 = arith.extui %and3A_2808 : vector<16xi1> to vector<16xi32>
      %reduce_sum3A = arith.constant true
      %reduce_sum3A_2810 = vector.broadcast %reduce_sum3A : i1 to vector<16xi1>
      %reduce_sum3A_2811 = tpu.scan <sum>, %convert_element_type3A_2809 masked %reduce_sum3A_2810 : vector<16xi32>, vector<16xi1> -> vector<16xi32>
      %reduce_sum3A_2812 = vector.extract %reduce_sum3A_2811[15] : i32 from vector<16xi32>
      %add3A_2813 = arith.constant 0 : i32
      %add3A_2814 = arith.addi %add3A_2813, %reduce_sum3A_2812 : i32
      %get3A_2815 = arith.constant 17 : index
      %get3A_2816 = tpu.vector_load %arg6[%get3A_2815] {strides = array<i32>} : memref<96xi32, #tpu.memory_space<vmem>>, vector<16xi32>,
      %add3A_2817 = arith.constant 17 : i32
      %add3A_2818 = vector.broadcast %add3A_2817 : i32 to vector<16xi32>
      %add3A_2819 = arith.addi %add3A_2818, %iota3A_2798 : vector<16xi32>
      %ge3A_2820 = arith.cmpi sge, %add3A_2819, %broadcast_in_dim3A_2801 : vector<16xi32>
      %le3A_2821 = arith.cmpi sle, %get3A_2816, %broadcast_in_dim3A_2802 : vector<16xi32>
      %and3A_2822 = arith.andi %ge3A_2820, %le3A_2821 : vector<16xi1>
      %convert_element_type3A_2823 = arith.extui %and3A_2822 : vector<16xi1> to vector<16xi32>
      %reduce_sum3A_2824 = arith.constant true
      %reduce_sum3A_2825 = vector.broadcast %reduce_sum3A_2824 : i1 to vector<16xi1>
      %reduce_sum3A_2826 = tpu.scan <sum>, %convert_element_type3A_2823 masked %reduce_sum3A_2825 : vector<16xi32>, vector<16xi1> -> vector<16xi32>
      %reduce_sum3A_2827 = vector.extract %reduce_sum3A_2826[15] : i32 from vector<16xi32>
      %add3A_2828 = arith.addi %add3A_2814, %reduce_sum3A_2827 : i32
      %get3A_2829 = arith.constant 33 : index
      %get3A_2830 = tpu.vector_load %arg6[%get3A_2829] {strides = array<i32>} : memref<96xi32, #tpu.memory_space<vmem>>, vector<16xi32>,
      %add3A_2831 = arith.constant 33 : i32
      %add3A_2832 = vector.broadcast %add3A_2831 : i32 to vector<16xi32>
      %add3A_2833 = arith.addi %add3A_2832, %iota3A_2798 : vector<16xi32>
      %ge3A_2834 = arith.cmpi sge, %add3A_2833, %broadcast_in_dim3A_2801 : vector<16xi32>
      %le3A_2835 = arith.cmpi sle, %get3A_2830, %broadcast_in_dim3A_2802 : vector<16xi32>
      %and3A_2836 = arith.andi %ge3A_2834, %le3A_2835 : vector<16xi1>
      %convert_element_type3A_2837 = arith.extui %and3A_2836 : vector<16xi1> to vector<16xi32>
      %reduce_sum3A_2838 = arith.constant true
      %reduce_sum3A_2839 = vector.broadcast %reduce_sum3A_2838 : i1 to vector<16xi1>
      %reduce_sum3A_2840 = tpu.scan <sum>, %convert_element_type3A_2837 masked %reduce_sum3A_2839 : vector<16xi32>, vector<16xi1> -> vector<16xi32>
      %reduce_sum3A_2841 = vector.extract %reduce_sum3A_2840[15] : i32 from vector<16xi32>
      %add3A_2842 = arith.addi %add3A_2828, %reduce_sum3A_2841 : i32
      %get3A_2843 = arith.constant 49 : index
      %get3A_2844 = tpu.vector_load %arg6[%get3A_2843] {strides = array<i32>} : memref<96xi32, #tpu.memory_space<vmem>>, vector<16xi32>,
      %add3A_2845 = arith.constant 49 : i32
      %add3A_2846 = vector.broadcast %add3A_2845 : i32 to vector<16xi32>
      %add3A_2847 = arith.addi %add3A_2846, %iota3A_2798 : vector<16xi32>
      %ge3A_2848 = arith.cmpi sge, %add3A_2847, %broadcast_in_dim3A_2801 : vector<16xi32>
      %le3A_2849 = arith.cmpi sle, %get3A_2844, %broadcast_in_dim3A_2802 : vector<16xi32>
      %and3A_2850 = arith.andi %ge3A_2848, %le3A_2849 : vector<16xi1>
      %convert_element_type3A_2851 = arith.extui %and3A_2850 : vector<16xi1> to vector<16xi32>
      %reduce_sum3A_2852 = arith.constant true
      %reduce_sum3A_2853 = vector.broadcast %reduce_sum3A_2852 : i1 to vector<16xi1>
      %reduce_sum3A_2854 = tpu.scan <sum>, %convert_element_type3A_2851 masked %reduce_sum3A_2853 : vector<16xi32>, vector<16xi1> -> vector<16xi32>
      %reduce_sum3A_2855 = vector.extract %reduce_sum3A_2854[15] : i32 from vector<16xi32>
      %add3A_2856 = arith.addi %add3A_2842, %reduce_sum3A_2855 : i32
      %add3A_2857 = arith.constant 1 : i32
      %add3A_2858 = arith.addi %add3A_2856, %add3A_2857 : i32
      %while3A_2859 = arith.constant 0 : i32
      %while3A_2860 = arith.subi %add3A_2858, %while3A_2859 : i32
      %while3A_2861 = arith.addi %while3A_2859, %while3A_2860 : i32
      %while3A_2862 = arith.constant 1 : i32
      %while3A_2863 = arith.divsi %while3A_2860, %while3A_2862 : i32
      %while3A_2864 = arith.muli %while3A_2863, %while3A_2862 : i32
      %while3A_2865 = arith.addi %while3A_2859, %while3A_2864 : i32
      %while3A_2866 = arith.constant 1 : i32
      %while3A_2867:4 = scf.for %while3A_2981 = %while3A_2859 to %while3A_2865 step %while3A_2866 iter_args(%while3A_2982 = %while3A_2759, %while3A_2983 = %while3A_2760, %while3A_2984 = %while3A_2761, %while3A_2985 = %min3A_2797) -> (i32, vector<16xf32>, vector<16xf32>, i32)  : i32 {
        %add3A_2986 = arith.constant 1 : i32
        %add3A_2987 = arith.addi %while3A_2982, %add3A_2986 : i32
        %get3A_2988 = arith.index_cast %add3A_2987 : i32 to index
        %get3A_2989 = tpu.vector_load %arg6[%get3A_2988] {strides = array<i32>} : memref<96xi32, #tpu.memory_space<vmem>>, vector<16xi32>,
        %slice3A_2990 = vector.extract_strided_slice %get3A_2989 {offsets = [0], sizes = [1], strides = [1]} : vector<16xi32> to vector<1xi32>
        %squeeze3A_2991 = vector.extract %slice3A_2990[0] : i32 from vector<1xi32>
        %min3A_2992 = arith.minsi %squeeze3A_2991, %min3A_2793 : i32
        %sub3A_2993 = arith.subi %min3A_2992, %while3A_2985 : i32
        %shift_right_arithmetic3A_2994 = arith.constant 3 : i32
        %shift_right_arithmetic3A_2995 = arith.shrsi %sub3A_2993, %shift_right_arithmetic3A_2994 : i32
        %while3A_2996 = arith.constant 0 : i32
        %while3A_2997 = arith.subi %shift_right_arithmetic3A_2995, %while3A_2996 : i32
        %while3A_2998 = arith.addi %while3A_2996, %while3A_2997 : i32
        %while3A_2999 = arith.constant 1 : i32
        %while3A_3000 = arith.divsi %while3A_2997, %while3A_2999 : i32
        %while3A_3001 = arith.muli %while3A_3000, %while3A_2999 : i32
        %while3A_3002 = arith.addi %while3A_2996, %while3A_3001 : i32
        %while3A_3003 = arith.constant 1 : i32
        %while3A_3004:2 = scf.for %while3A_3033 = %while3A_2996 to %while3A_3002 step %while3A_3003 iter_args(%while3A_3034 = %while3A_2983, %while3A_3035 = %while3A_2984) -> (vector<16xf32>, vector<16xf32>)  : i32 {
          %sub3A_3036 = arith.subi %while3A_2985, %min3A_2787 : i32
          %mul3A_3037 = arith.constant 8 : i32
          %mul3A_3038 = arith.muli %mul3A_3037, %while3A_3033 : i32
          %add3A_3039 = arith.addi %sub3A_3036, %mul3A_3038 : i32
          %add3A_3040 = arith.constant 0 : i32
          %add3A_3041 = arith.addi %add3A_3039, %add3A_3040 : i32
          %get3A_3042 = arith.index_cast %add3A_3041 : i32 to index
          %get3A_3043 = arith.constant 0 : index
          %get3A_3044 = tpu.vector_load %arg22[%get3A_3042, %get3A_3043] {strides = array<i32>} : memref<512x32xf32, #tpu.memory_space<vmem>>, vector<16xf32>,
          %add3A_3045 = arith.constant 1 : i32
          %add3A_3046 = arith.addi %add3A_3039, %add3A_3045 : i32
          %get3A_3047 = arith.index_cast %add3A_3046 : i32 to index
          %get3A_3048 = arith.constant 0 : index
          %get3A_3049 = tpu.vector_load %arg22[%get3A_3047, %get3A_3048] {strides = array<i32>} : memref<512x32xf32, #tpu.memory_space<vmem>>, vector<16xf32>,
          %add3A_3050 = arith.constant 2 : i32
          %add3A_3051 = arith.addi %add3A_3039, %add3A_3050 : i32
          %get3A_3052 = arith.index_cast %add3A_3051 : i32 to index
          %get3A_3053 = arith.constant 0 : index
          %get3A_3054 = tpu.vector_load %arg22[%get3A_3052, %get3A_3053] {strides = array<i32>} : memref<512x32xf32, #tpu.memory_space<vmem>>, vector<16xf32>,
          %add3A_3055 = arith.constant 3 : i32
          %add3A_3056 = arith.addi %add3A_3039, %add3A_3055 : i32
          %get3A_3057 = arith.index_cast %add3A_3056 : i32 to index
          %get3A_3058 = arith.constant 0 : index
          %get3A_3059 = tpu.vector_load %arg22[%get3A_3057, %get3A_3058] {strides = array<i32>} : memref<512x32xf32, #tpu.memory_space<vmem>>, vector<16xf32>,
          %add3A_3060 = arith.constant 4 : i32
          %add3A_3061 = arith.addi %add3A_3039, %add3A_3060 : i32
          %get3A_3062 = arith.index_cast %add3A_3061 : i32 to index
          %get3A_3063 = arith.constant 0 : index
          %get3A_3064 = tpu.vector_load %arg22[%get3A_3062, %get3A_3063] {strides = array<i32>} : memref<512x32xf32, #tpu.memory_space<vmem>>, vector<16xf32>,
          %add3A_3065 = arith.constant 5 : i32
          %add3A_3066 = arith.addi %add3A_3039, %add3A_3065 : i32
          %get3A_3067 = arith.index_cast %add3A_3066 : i32 to index
          %get3A_3068 = arith.constant 0 : index
          %get3A_3069 = tpu.vector_load %arg22[%get3A_3067, %get3A_3068] {strides = array<i32>} : memref<512x32xf32, #tpu.memory_space<vmem>>, vector<16xf32>,
          %add3A_3070 = arith.constant 6 : i32
          %add3A_3071 = arith.addi %add3A_3039, %add3A_3070 : i32
          %get3A_3072 = arith.index_cast %add3A_3071 : i32 to index
          %get3A_3073 = arith.constant 0 : index
          %get3A_3074 = tpu.vector_load %arg22[%get3A_3072, %get3A_3073] {strides = array<i32>} : memref<512x32xf32, #tpu.memory_space<vmem>>, vector<16xf32>,
          %add3A_3075 = arith.constant 7 : i32
          %add3A_3076 = arith.addi %add3A_3039, %add3A_3075 : i32
          %get3A_3077 = arith.index_cast %add3A_3076 : i32 to index
          %get3A_3078 = arith.constant 0 : index
          %get3A_3079 = tpu.vector_load %arg22[%get3A_3077, %get3A_3078] {strides = array<i32>} : memref<512x32xf32, #tpu.memory_space<vmem>>, vector<16xf32>,
          %add3A_3080 = arith.constant 0 : i32
          %add3A_3081 = arith.addi %add3A_3039, %add3A_3080 : i32
          %get3A_3082 = arith.index_cast %add3A_3081 : i32 to index
          %get3A_3083 = arith.constant 16 : index
          %get3A_3084 = tpu.vector_load %arg22[%get3A_3082, %get3A_3083] {strides = array<i32>} : memref<512x32xf32, #tpu.memory_space<vmem>>, vector<16xf32>,
          %add3A_3085 = arith.constant 1 : i32
          %add3A_3086 = arith.addi %add3A_3039, %add3A_3085 : i32
          %get3A_3087 = arith.index_cast %add3A_3086 : i32 to index
          %get3A_3088 = arith.constant 16 : index
          %get3A_3089 = tpu.vector_load %arg22[%get3A_3087, %get3A_3088] {strides = array<i32>} : memref<512x32xf32, #tpu.memory_space<vmem>>, vector<16xf32>,
          %add3A_3090 = arith.constant 2 : i32
          %add3A_3091 = arith.addi %add3A_3039, %add3A_3090 : i32
          %get3A_3092 = arith.index_cast %add3A_3091 : i32 to index
          %get3A_3093 = arith.constant 16 : index
          %get3A_3094 = tpu.vector_load %arg22[%get3A_3092, %get3A_3093] {strides = array<i32>} : memref<512x32xf32, #tpu.memory_space<vmem>>, vector<16xf32>,
          %add3A_3095 = arith.constant 3 : i32
          %add3A_3096 = arith.addi %add3A_3039, %add3A_3095 : i32
          %get3A_3097 = arith.index_cast %add3A_3096 : i32 to index
          %get3A_3098 = arith.constant 16 : index
          %get3A_3099 = tpu.vector_load %arg22[%get3A_3097, %get3A_3098] {strides = array<i32>} : memref<512x32xf32, #tpu.memory_space<vmem>>, vector<16xf32>,
          %add3A_3100 = arith.constant 4 : i32
          %add3A_3101 = arith.addi %add3A_3039, %add3A_3100 : i32
          %get3A_3102 = arith.index_cast %add3A_3101 : i32 to index
          %get3A_3103 = arith.constant 16 : index
          %get3A_3104 = tpu.vector_load %arg22[%get3A_3102, %get3A_3103] {strides = array<i32>} : memref<512x32xf32, #tpu.memory_space<vmem>>, vector<16xf32>,
          %add3A_3105 = arith.constant 5 : i32
          %add3A_3106 = arith.addi %add3A_3039, %add3A_3105 : i32
          %get3A_3107 = arith.index_cast %add3A_3106 : i32 to index
          %get3A_3108 = arith.constant 16 : index
          %get3A_3109 = tpu.vector_load %arg22[%get3A_3107, %get3A_3108] {strides = array<i32>} : memref<512x32xf32, #tpu.memory_space<vmem>>, vector<16xf32>,
          %add3A_3110 = arith.constant 6 : i32
          %add3A_3111 = arith.addi %add3A_3039, %add3A_3110 : i32
          %get3A_3112 = arith.index_cast %add3A_3111 : i32 to index
          %get3A_3113 = arith.constant 16 : index
          %get3A_3114 = tpu.vector_load %arg22[%get3A_3112, %get3A_3113] {strides = array<i32>} : memref<512x32xf32, #tpu.memory_space<vmem>>, vector<16xf32>,
          %add3A_3115 = arith.constant 7 : i32
          %add3A_3116 = arith.addi %add3A_3039, %add3A_3115 : i32
          %get3A_3117 = arith.index_cast %add3A_3116 : i32 to index
          %get3A_3118 = arith.constant 16 : index
          %get3A_3119 = tpu.vector_load %arg22[%get3A_3117, %get3A_3118] {strides = array<i32>} : memref<512x32xf32, #tpu.memory_space<vmem>>, vector<16xf32>,
          %max3A_3120 = arith.maximumf %get3A_3044, %get3A_3049 : vector<16xf32>
          %max3A_3121 = arith.maximumf %get3A_3054, %get3A_3059 : vector<16xf32>
          %max3A_3122 = arith.maximumf %max3A_3120, %max3A_3121 : vector<16xf32>
          %max3A_3123 = arith.maximumf %get3A_3064, %get3A_3069 : vector<16xf32>
          %max3A_3124 = arith.maximumf %get3A_3074, %get3A_3079 : vector<16xf32>
          %max3A_3125 = arith.maximumf %max3A_3123, %max3A_3124 : vector<16xf32>
          %max3A_3126 = arith.maximumf %get3A_3084, %get3A_3089 : vector<16xf32>
          %max3A_3127 = arith.maximumf %get3A_3094, %get3A_3099 : vector<16xf32>
          %max3A_3128 = arith.maximumf %max3A_3126, %max3A_3127 : vector<16xf32>
          %max3A_3129 = arith.maximumf %get3A_3104, %get3A_3109 : vector<16xf32>
          %max3A_3130 = arith.maximumf %get3A_3114, %get3A_3119 : vector<16xf32>
          %max3A_3131 = arith.maximumf %max3A_3129, %max3A_3130 : vector<16xf32>
          %max3A_3132 = arith.maximumf %max3A_3122, %max3A_3125 : vector<16xf32>
          %max3A_3133 = arith.maximumf %while3A_3034, %max3A_3132 : vector<16xf32>
          %max3A_3134 = arith.maximumf %max3A_3128, %max3A_3131 : vector<16xf32>
          %max3A_3135 = arith.maximumf %while3A_3035, %max3A_3134 : vector<16xf32>
          scf.yield %max3A_3133, %max3A_3135 : vector<16xf32>, vector<16xf32>
        }
        %while3A_3005 = arith.constant 1 : i32
        %while3A_3006:2 = scf.for %while3A_3033 = %while3A_3002 to %while3A_2998 step %while3A_3005 iter_args(%while3A_3034 = %while3A_3004#0, %while3A_3035 = %while3A_3004#1) -> (vector<16xf32>, vector<16xf32>)  : i32 {
          %sub3A_3036 = arith.subi %while3A_2985, %min3A_2787 : i32
          %mul3A_3037 = arith.constant 8 : i32
          %mul3A_3038 = arith.muli %mul3A_3037, %while3A_3033 : i32
          %add3A_3039 = arith.addi %sub3A_3036, %mul3A_3038 : i32
          %add3A_3040 = arith.constant 0 : i32
          %add3A_3041 = arith.addi %add3A_3039, %add3A_3040 : i32
          %get3A_3042 = arith.index_cast %add3A_3041 : i32 to index
          %get3A_3043 = arith.constant 0 : index
          %get3A_3044 = tpu.vector_load %arg22[%get3A_3042, %get3A_3043] {strides = array<i32>} : memref<512x32xf32, #tpu.memory_space<vmem>>, vector<16xf32>,
          %add3A_3045 = arith.constant 1 : i32
          %add3A_3046 = arith.addi %add3A_3039, %add3A_3045 : i32
          %get3A_3047 = arith.index_cast %add3A_3046 : i32 to index
          %get3A_3048 = arith.constant 0 : index
          %get3A_3049 = tpu.vector_load %arg22[%get3A_3047, %get3A_3048] {strides = array<i32>} : memref<512x32xf32, #tpu.memory_space<vmem>>, vector<16xf32>,
          %add3A_3050 = arith.constant 2 : i32
          %add3A_3051 = arith.addi %add3A_3039, %add3A_3050 : i32
          %get3A_3052 = arith.index_cast %add3A_3051 : i32 to index
          %get3A_3053 = arith.constant 0 : index
          %get3A_3054 = tpu.vector_load %arg22[%get3A_3052, %get3A_3053] {strides = array<i32>} : memref<512x32xf32, #tpu.memory_space<vmem>>, vector<16xf32>,
          %add3A_3055 = arith.constant 3 : i32
          %add3A_3056 = arith.addi %add3A_3039, %add3A_3055 : i32
          %get3A_3057 = arith.index_cast %add3A_3056 : i32 to index
          %get3A_3058 = arith.constant 0 : index
          %get3A_3059 = tpu.vector_load %arg22[%get3A_3057, %get3A_3058] {strides = array<i32>} : memref<512x32xf32, #tpu.memory_space<vmem>>, vector<16xf32>,
          %add3A_3060 = arith.constant 4 : i32
          %add3A_3061 = arith.addi %add3A_3039, %add3A_3060 : i32
          %get3A_3062 = arith.index_cast %add3A_3061 : i32 to index
          %get3A_3063 = arith.constant 0 : index
          %get3A_3064 = tpu.vector_load %arg22[%get3A_3062, %get3A_3063] {strides = array<i32>} : memref<512x32xf32, #tpu.memory_space<vmem>>, vector<16xf32>,
          %add3A_3065 = arith.constant 5 : i32
          %add3A_3066 = arith.addi %add3A_3039, %add3A_3065 : i32
          %get3A_3067 = arith.index_cast %add3A_3066 : i32 to index
          %get3A_3068 = arith.constant 0 : index
          %get3A_3069 = tpu.vector_load %arg22[%get3A_3067, %get3A_3068] {strides = array<i32>} : memref<512x32xf32, #tpu.memory_space<vmem>>, vector<16xf32>,
          %add3A_3070 = arith.constant 6 : i32
          %add3A_3071 = arith.addi %add3A_3039, %add3A_3070 : i32
          %get3A_3072 = arith.index_cast %add3A_3071 : i32 to index
          %get3A_3073 = arith.constant 0 : index
          %get3A_3074 = tpu.vector_load %arg22[%get3A_3072, %get3A_3073] {strides = array<i32>} : memref<512x32xf32, #tpu.memory_space<vmem>>, vector<16xf32>,
          %add3A_3075 = arith.constant 7 : i32
          %add3A_3076 = arith.addi %add3A_3039, %add3A_3075 : i32
          %get3A_3077 = arith.index_cast %add3A_3076 : i32 to index
          %get3A_3078 = arith.constant 0 : index
          %get3A_3079 = tpu.vector_load %arg22[%get3A_3077, %get3A_3078] {strides = array<i32>} : memref<512x32xf32, #tpu.memory_space<vmem>>, vector<16xf32>,
          %add3A_3080 = arith.constant 0 : i32
          %add3A_3081 = arith.addi %add3A_3039, %add3A_3080 : i32
          %get3A_3082 = arith.index_cast %add3A_3081 : i32 to index
          %get3A_3083 = arith.constant 16 : index
          %get3A_3084 = tpu.vector_load %arg22[%get3A_3082, %get3A_3083] {strides = array<i32>} : memref<512x32xf32, #tpu.memory_space<vmem>>, vector<16xf32>,
          %add3A_3085 = arith.constant 1 : i32
          %add3A_3086 = arith.addi %add3A_3039, %add3A_3085 : i32
          %get3A_3087 = arith.index_cast %add3A_3086 : i32 to index
          %get3A_3088 = arith.constant 16 : index
          %get3A_3089 = tpu.vector_load %arg22[%get3A_3087, %get3A_3088] {strides = array<i32>} : memref<512x32xf32, #tpu.memory_space<vmem>>, vector<16xf32>,
          %add3A_3090 = arith.constant 2 : i32
          %add3A_3091 = arith.addi %add3A_3039, %add3A_3090 : i32
          %get3A_3092 = arith.index_cast %add3A_3091 : i32 to index
          %get3A_3093 = arith.constant 16 : index
          %get3A_3094 = tpu.vector_load %arg22[%get3A_3092, %get3A_3093] {strides = array<i32>} : memref<512x32xf32, #tpu.memory_space<vmem>>, vector<16xf32>,
          %add3A_3095 = arith.constant 3 : i32
          %add3A_3096 = arith.addi %add3A_3039, %add3A_3095 : i32
          %get3A_3097 = arith.index_cast %add3A_3096 : i32 to index
          %get3A_3098 = arith.constant 16 : index
          %get3A_3099 = tpu.vector_load %arg22[%get3A_3097, %get3A_3098] {strides = array<i32>} : memref<512x32xf32, #tpu.memory_space<vmem>>, vector<16xf32>,
          %add3A_3100 = arith.constant 4 : i32
          %add3A_3101 = arith.addi %add3A_3039, %add3A_3100 : i32
          %get3A_3102 = arith.index_cast %add3A_3101 : i32 to index
          %get3A_3103 = arith.constant 16 : index
          %get3A_3104 = tpu.vector_load %arg22[%get3A_3102, %get3A_3103] {strides = array<i32>} : memref<512x32xf32, #tpu.memory_space<vmem>>, vector<16xf32>,
          %add3A_3105 = arith.constant 5 : i32
          %add3A_3106 = arith.addi %add3A_3039, %add3A_3105 : i32
          %get3A_3107 = arith.index_cast %add3A_3106 : i32 to index
          %get3A_3108 = arith.constant 16 : index
          %get3A_3109 = tpu.vector_load %arg22[%get3A_3107, %get3A_3108] {strides = array<i32>} : memref<512x32xf32, #tpu.memory_space<vmem>>, vector<16xf32>,
          %add3A_3110 = arith.constant 6 : i32
          %add3A_3111 = arith.addi %add3A_3039, %add3A_3110 : i32
          %get3A_3112 = arith.index_cast %add3A_3111 : i32 to index
          %get3A_3113 = arith.constant 16 : index
          %get3A_3114 = tpu.vector_load %arg22[%get3A_3112, %get3A_3113] {strides = array<i32>} : memref<512x32xf32, #tpu.memory_space<vmem>>, vector<16xf32>,
          %add3A_3115 = arith.constant 7 : i32
          %add3A_3116 = arith.addi %add3A_3039, %add3A_3115 : i32
          %get3A_3117 = arith.index_cast %add3A_3116 : i32 to index
          %get3A_3118 = arith.constant 16 : index
          %get3A_3119 = tpu.vector_load %arg22[%get3A_3117, %get3A_3118] {strides = array<i32>} : memref<512x32xf32, #tpu.memory_space<vmem>>, vector<16xf32>,
          %max3A_3120 = arith.maximumf %get3A_3044, %get3A_3049 : vector<16xf32>
          %max3A_3121 = arith.maximumf %get3A_3054, %get3A_3059 : vector<16xf32>
          %max3A_3122 = arith.maximumf %max3A_3120, %max3A_3121 : vector<16xf32>
          %max3A_3123 = arith.maximumf %get3A_3064, %get3A_3069 : vector<16xf32>
          %max3A_3124 = arith.maximumf %get3A_3074, %get3A_3079 : vector<16xf32>
          %max3A_3125 = arith.maximumf %max3A_3123, %max3A_3124 : vector<16xf32>
          %max3A_3126 = arith.maximumf %get3A_3084, %get3A_3089 : vector<16xf32>
          %max3A_3127 = arith.maximumf %get3A_3094, %get3A_3099 : vector<16xf32>
          %max3A_3128 = arith.maximumf %max3A_3126, %max3A_3127 : vector<16xf32>
          %max3A_3129 = arith.maximumf %get3A_3104, %get3A_3109 : vector<16xf32>
          %max3A_3130 = arith.maximumf %get3A_3114, %get3A_3119 : vector<16xf32>
          %max3A_3131 = arith.maximumf %max3A_3129, %max3A_3130 : vector<16xf32>
          %max3A_3132 = arith.maximumf %max3A_3122, %max3A_3125 : vector<16xf32>
          %max3A_3133 = arith.maximumf %while3A_3034, %max3A_3132 : vector<16xf32>
          %max3A_3134 = arith.maximumf %max3A_3128, %max3A_3131 : vector<16xf32>
          %max3A_3135 = arith.maximumf %while3A_3035, %max3A_3134 : vector<16xf32>
          scf.yield %max3A_3133, %max3A_3135 : vector<16xf32>, vector<16xf32>
        }
        %mul3A_3007 = arith.constant 8 : i32
        %mul3A_3008 = arith.muli %mul3A_3007, %shift_right_arithmetic3A_2995 : i32
        %add3A_3009 = arith.addi %while3A_2985, %mul3A_3008 : i32
        %while3A_3010 = arith.subi %min3A_2992, %add3A_3009 : i32
        %while3A_3011 = arith.addi %add3A_3009, %while3A_3010 : i32
        %while3A_3012 = arith.constant 1 : i32
        %while3A_3013 = arith.divsi %while3A_3010, %while3A_3012 : i32
        %while3A_3014 = arith.muli %while3A_3013, %while3A_3012 : i32
        %while3A_3015 = arith.addi %add3A_3009, %while3A_3014 : i32
        %while3A_3016 = arith.constant 1 : i32
        %while3A_3017:2 = scf.for %while3A_3033 = %add3A_3009 to %while3A_3015 step %while3A_3016 iter_args(%while3A_3034 = %while3A_3006#0, %while3A_3035 = %while3A_3006#1) -> (vector<16xf32>, vector<16xf32>)  : i32 {
          %sub3A_3036 = arith.subi %while3A_3033, %min3A_2787 : i32
          %get3A_3037 = arith.index_cast %sub3A_3036 : i32 to index
          %get3A_3038 = arith.constant 0 : index
          %get3A_3039 = tpu.vector_load %arg22[%get3A_3037, %get3A_3038] {strides = array<i32>} : memref<512x32xf32, #tpu.memory_space<vmem>>, vector<16xf32>,
          %max3A_3040 = arith.maximumf %while3A_3034, %get3A_3039 : vector<16xf32>
          %get3A_3041 = arith.index_cast %sub3A_3036 : i32 to index
          %get3A_3042 = arith.constant 16 : index
          %get3A_3043 = tpu.vector_load %arg22[%get3A_3041, %get3A_3042] {strides = array<i32>} : memref<512x32xf32, #tpu.memory_space<vmem>>, vector<16xf32>,
          %max3A_3044 = arith.maximumf %while3A_3035, %get3A_3043 : vector<16xf32>
          scf.yield %max3A_3040, %max3A_3044 : vector<16xf32>, vector<16xf32>
        }
        %while3A_3018 = arith.constant 1 : i32
        %while3A_3019:2 = scf.for %while3A_3033 = %while3A_3015 to %while3A_3011 step %while3A_3018 iter_args(%while3A_3034 = %while3A_3017#0, %while3A_3035 = %while3A_3017#1) -> (vector<16xf32>, vector<16xf32>)  : i32 {
          %sub3A_3036 = arith.subi %while3A_3033, %min3A_2787 : i32
          %get3A_3037 = arith.index_cast %sub3A_3036 : i32 to index
          %get3A_3038 = arith.constant 0 : index
          %get3A_3039 = tpu.vector_load %arg22[%get3A_3037, %get3A_3038] {strides = array<i32>} : memref<512x32xf32, #tpu.memory_space<vmem>>, vector<16xf32>,
          %max3A_3040 = arith.maximumf %while3A_3034, %get3A_3039 : vector<16xf32>
          %get3A_3041 = arith.index_cast %sub3A_3036 : i32 to index
          %get3A_3042 = arith.constant 16 : index
          %get3A_3043 = tpu.vector_load %arg22[%get3A_3041, %get3A_3042] {strides = array<i32>} : memref<512x32xf32, #tpu.memory_space<vmem>>, vector<16xf32>,
          %max3A_3044 = arith.maximumf %while3A_3035, %get3A_3043 : vector<16xf32>
          scf.yield %max3A_3040, %max3A_3044 : vector<16xf32>, vector<16xf32>
        }
        %le3A_3020 = arith.cmpi sle, %squeeze3A_2991, %min3A_2793 : i32
        %swap3A_3021 = arith.index_cast %while3A_2982 : i32 to index
        %swap3A_3022 = arith.constant 0 : index
        %swap3A_3023 = tpu.vector_load %arg24[%swap3A_3021, %swap3A_3022] {strides = array<i32>} : memref<72x32xf32, #tpu.memory_space<vmem>>, vector<16xf32>,
        tpu.vector_store %arg24[%swap3A_3021, %swap3A_3022], %while3A_3019#0 {strides = array<i32>} : memref<72x32xf32, #tpu.memory_space<vmem>>, vector<16xf32>,
        %swap3A_3024 = arith.index_cast %while3A_2982 : i32 to index
        %swap3A_3025 = arith.constant 16 : index
        %swap3A_3026 = tpu.vector_load %arg24[%swap3A_3024, %swap3A_3025] {strides = array<i32>} : memref<72x32xf32, #tpu.memory_space<vmem>>, vector<16xf32>,
        tpu.vector_store %arg24[%swap3A_3024, %swap3A_3025], %while3A_3019#1 {strides = array<i32>} : memref<72x32xf32, #tpu.memory_space<vmem>>, vector<16xf32>,
        %add3A_3027 = arith.constant 1 : i32
        %add3A_3028 = arith.addi %while3A_2982, %add3A_3027 : i32
        %select_n3A_3029 = arith.select %le3A_3020, %add3A_3028, %while3A_2982 : i32
        %broadcast_in_dim3A_3030 = vector.broadcast %le3A_3020 : i1 to vector<16xi1>
        %select_n3A_3031 = arith.select %broadcast_in_dim3A_3030, %broadcast_in_dim3A_2166, %while3A_3019#0 : vector<16xi1>, vector<16xf32>
        %select_n3A_3032 = arith.select %broadcast_in_dim3A_3030, %broadcast_in_dim3A_2166, %while3A_3019#1 : vector<16xi1>, vector<16xf32>
        scf.yield %select_n3A_3029, %select_n3A_3031, %select_n3A_3032, %min3A_2992 : i32, vector<16xf32>, vector<16xf32>, i32
      }
      %while3A_2868 = arith.constant 1 : i32
      %while3A_2869:4 = scf.for %while3A_2981 = %while3A_2865 to %while3A_2861 step %while3A_2868 iter_args(%while3A_2982 = %while3A_2867#0, %while3A_2983 = %while3A_2867#1, %while3A_2984 = %while3A_2867#2, %while3A_2985 = %while3A_2867#3) -> (i32, vector<16xf32>, vector<16xf32>, i32)  : i32 {
        %add3A_2986 = arith.constant 1 : i32
        %add3A_2987 = arith.addi %while3A_2982, %add3A_2986 : i32
        %get3A_2988 = arith.index_cast %add3A_2987 : i32 to index
        %get3A_2989 = tpu.vector_load %arg6[%get3A_2988] {strides = array<i32>} : memref<96xi32, #tpu.memory_space<vmem>>, vector<16xi32>,
        %slice3A_2990 = vector.extract_strided_slice %get3A_2989 {offsets = [0], sizes = [1], strides = [1]} : vector<16xi32> to vector<1xi32>
        %squeeze3A_2991 = vector.extract %slice3A_2990[0] : i32 from vector<1xi32>
        %min3A_2992 = arith.minsi %squeeze3A_2991, %min3A_2793 : i32
        %sub3A_2993 = arith.subi %min3A_2992, %while3A_2985 : i32
        %shift_right_arithmetic3A_2994 = arith.constant 3 : i32
        %shift_right_arithmetic3A_2995 = arith.shrsi %sub3A_2993, %shift_right_arithmetic3A_2994 : i32
        %while3A_2996 = arith.constant 0 : i32
        %while3A_2997 = arith.subi %shift_right_arithmetic3A_2995, %while3A_2996 : i32
        %while3A_2998 = arith.addi %while3A_2996, %while3A_2997 : i32
        %while3A_2999 = arith.constant 1 : i32
        %while3A_3000 = arith.divsi %while3A_2997, %while3A_2999 : i32
        %while3A_3001 = arith.muli %while3A_3000, %while3A_2999 : i32
        %while3A_3002 = arith.addi %while3A_2996, %while3A_3001 : i32
        %while3A_3003 = arith.constant 1 : i32
        %while3A_3004:2 = scf.for %while3A_3033 = %while3A_2996 to %while3A_3002 step %while3A_3003 iter_args(%while3A_3034 = %while3A_2983, %while3A_3035 = %while3A_2984) -> (vector<16xf32>, vector<16xf32>)  : i32 {
          %sub3A_3036 = arith.subi %while3A_2985, %min3A_2787 : i32
          %mul3A_3037 = arith.constant 8 : i32
          %mul3A_3038 = arith.muli %mul3A_3037, %while3A_3033 : i32
          %add3A_3039 = arith.addi %sub3A_3036, %mul3A_3038 : i32
          %add3A_3040 = arith.constant 0 : i32
          %add3A_3041 = arith.addi %add3A_3039, %add3A_3040 : i32
          %get3A_3042 = arith.index_cast %add3A_3041 : i32 to index
          %get3A_3043 = arith.constant 0 : index
          %get3A_3044 = tpu.vector_load %arg22[%get3A_3042, %get3A_3043] {strides = array<i32>} : memref<512x32xf32, #tpu.memory_space<vmem>>, vector<16xf32>,
          %add3A_3045 = arith.constant 1 : i32
          %add3A_3046 = arith.addi %add3A_3039, %add3A_3045 : i32
          %get3A_3047 = arith.index_cast %add3A_3046 : i32 to index
          %get3A_3048 = arith.constant 0 : index
          %get3A_3049 = tpu.vector_load %arg22[%get3A_3047, %get3A_3048] {strides = array<i32>} : memref<512x32xf32, #tpu.memory_space<vmem>>, vector<16xf32>,
          %add3A_3050 = arith.constant 2 : i32
          %add3A_3051 = arith.addi %add3A_3039, %add3A_3050 : i32
          %get3A_3052 = arith.index_cast %add3A_3051 : i32 to index
          %get3A_3053 = arith.constant 0 : index
          %get3A_3054 = tpu.vector_load %arg22[%get3A_3052, %get3A_3053] {strides = array<i32>} : memref<512x32xf32, #tpu.memory_space<vmem>>, vector<16xf32>,
          %add3A_3055 = arith.constant 3 : i32
          %add3A_3056 = arith.addi %add3A_3039, %add3A_3055 : i32
          %get3A_3057 = arith.index_cast %add3A_3056 : i32 to index
          %get3A_3058 = arith.constant 0 : index
          %get3A_3059 = tpu.vector_load %arg22[%get3A_3057, %get3A_3058] {strides = array<i32>} : memref<512x32xf32, #tpu.memory_space<vmem>>, vector<16xf32>,
          %add3A_3060 = arith.constant 4 : i32
          %add3A_3061 = arith.addi %add3A_3039, %add3A_3060 : i32
          %get3A_3062 = arith.index_cast %add3A_3061 : i32 to index
          %get3A_3063 = arith.constant 0 : index
          %get3A_3064 = tpu.vector_load %arg22[%get3A_3062, %get3A_3063] {strides = array<i32>} : memref<512x32xf32, #tpu.memory_space<vmem>>, vector<16xf32>,
          %add3A_3065 = arith.constant 5 : i32
          %add3A_3066 = arith.addi %add3A_3039, %add3A_3065 : i32
          %get3A_3067 = arith.index_cast %add3A_3066 : i32 to index
          %get3A_3068 = arith.constant 0 : index
          %get3A_3069 = tpu.vector_load %arg22[%get3A_3067, %get3A_3068] {strides = array<i32>} : memref<512x32xf32, #tpu.memory_space<vmem>>, vector<16xf32>,
          %add3A_3070 = arith.constant 6 : i32
          %add3A_3071 = arith.addi %add3A_3039, %add3A_3070 : i32
          %get3A_3072 = arith.index_cast %add3A_3071 : i32 to index
          %get3A_3073 = arith.constant 0 : index
          %get3A_3074 = tpu.vector_load %arg22[%get3A_3072, %get3A_3073] {strides = array<i32>} : memref<512x32xf32, #tpu.memory_space<vmem>>, vector<16xf32>,
          %add3A_3075 = arith.constant 7 : i32
          %add3A_3076 = arith.addi %add3A_3039, %add3A_3075 : i32
          %get3A_3077 = arith.index_cast %add3A_3076 : i32 to index
          %get3A_3078 = arith.constant 0 : index
          %get3A_3079 = tpu.vector_load %arg22[%get3A_3077, %get3A_3078] {strides = array<i32>} : memref<512x32xf32, #tpu.memory_space<vmem>>, vector<16xf32>,
          %add3A_3080 = arith.constant 0 : i32
          %add3A_3081 = arith.addi %add3A_3039, %add3A_3080 : i32
          %get3A_3082 = arith.index_cast %add3A_3081 : i32 to index
          %get3A_3083 = arith.constant 16 : index
          %get3A_3084 = tpu.vector_load %arg22[%get3A_3082, %get3A_3083] {strides = array<i32>} : memref<512x32xf32, #tpu.memory_space<vmem>>, vector<16xf32>,
          %add3A_3085 = arith.constant 1 : i32
          %add3A_3086 = arith.addi %add3A_3039, %add3A_3085 : i32
          %get3A_3087 = arith.index_cast %add3A_3086 : i32 to index
          %get3A_3088 = arith.constant 16 : index
          %get3A_3089 = tpu.vector_load %arg22[%get3A_3087, %get3A_3088] {strides = array<i32>} : memref<512x32xf32, #tpu.memory_space<vmem>>, vector<16xf32>,
          %add3A_3090 = arith.constant 2 : i32
          %add3A_3091 = arith.addi %add3A_3039, %add3A_3090 : i32
          %get3A_3092 = arith.index_cast %add3A_3091 : i32 to index
          %get3A_3093 = arith.constant 16 : index
          %get3A_3094 = tpu.vector_load %arg22[%get3A_3092, %get3A_3093] {strides = array<i32>} : memref<512x32xf32, #tpu.memory_space<vmem>>, vector<16xf32>,
          %add3A_3095 = arith.constant 3 : i32
          %add3A_3096 = arith.addi %add3A_3039, %add3A_3095 : i32
          %get3A_3097 = arith.index_cast %add3A_3096 : i32 to index
          %get3A_3098 = arith.constant 16 : index
          %get3A_3099 = tpu.vector_load %arg22[%get3A_3097, %get3A_3098] {strides = array<i32>} : memref<512x32xf32, #tpu.memory_space<vmem>>, vector<16xf32>,
          %add3A_3100 = arith.constant 4 : i32
          %add3A_3101 = arith.addi %add3A_3039, %add3A_3100 : i32
          %get3A_3102 = arith.index_cast %add3A_3101 : i32 to index
          %get3A_3103 = arith.constant 16 : index
          %get3A_3104 = tpu.vector_load %arg22[%get3A_3102, %get3A_3103] {strides = array<i32>} : memref<512x32xf32, #tpu.memory_space<vmem>>, vector<16xf32>,
          %add3A_3105 = arith.constant 5 : i32
          %add3A_3106 = arith.addi %add3A_3039, %add3A_3105 : i32
          %get3A_3107 = arith.index_cast %add3A_3106 : i32 to index
          %get3A_3108 = arith.constant 16 : index
          %get3A_3109 = tpu.vector_load %arg22[%get3A_3107, %get3A_3108] {strides = array<i32>} : memref<512x32xf32, #tpu.memory_space<vmem>>, vector<16xf32>,
          %add3A_3110 = arith.constant 6 : i32
          %add3A_3111 = arith.addi %add3A_3039, %add3A_3110 : i32
          %get3A_3112 = arith.index_cast %add3A_3111 : i32 to index
          %get3A_3113 = arith.constant 16 : index
          %get3A_3114 = tpu.vector_load %arg22[%get3A_3112, %get3A_3113] {strides = array<i32>} : memref<512x32xf32, #tpu.memory_space<vmem>>, vector<16xf32>,
          %add3A_3115 = arith.constant 7 : i32
          %add3A_3116 = arith.addi %add3A_3039, %add3A_3115 : i32
          %get3A_3117 = arith.index_cast %add3A_3116 : i32 to index
          %get3A_3118 = arith.constant 16 : index
          %get3A_3119 = tpu.vector_load %arg22[%get3A_3117, %get3A_3118] {strides = array<i32>} : memref<512x32xf32, #tpu.memory_space<vmem>>, vector<16xf32>,
          %max3A_3120 = arith.maximumf %get3A_3044, %get3A_3049 : vector<16xf32>
          %max3A_3121 = arith.maximumf %get3A_3054, %get3A_3059 : vector<16xf32>
          %max3A_3122 = arith.maximumf %max3A_3120, %max3A_3121 : vector<16xf32>
          %max3A_3123 = arith.maximumf %get3A_3064, %get3A_3069 : vector<16xf32>
          %max3A_3124 = arith.maximumf %get3A_3074, %get3A_3079 : vector<16xf32>
          %max3A_3125 = arith.maximumf %max3A_3123, %max3A_3124 : vector<16xf32>
          %max3A_3126 = arith.maximumf %get3A_3084, %get3A_3089 : vector<16xf32>
          %max3A_3127 = arith.maximumf %get3A_3094, %get3A_3099 : vector<16xf32>
          %max3A_3128 = arith.maximumf %max3A_3126, %max3A_3127 : vector<16xf32>
          %max3A_3129 = arith.maximumf %get3A_3104, %get3A_3109 : vector<16xf32>
          %max3A_3130 = arith.maximumf %get3A_3114, %get3A_3119 : vector<16xf32>
          %max3A_3131 = arith.maximumf %max3A_3129, %max3A_3130 : vector<16xf32>
          %max3A_3132 = arith.maximumf %max3A_3122, %max3A_3125 : vector<16xf32>
          %max3A_3133 = arith.maximumf %while3A_3034, %max3A_3132 : vector<16xf32>
          %max3A_3134 = arith.maximumf %max3A_3128, %max3A_3131 : vector<16xf32>
          %max3A_3135 = arith.maximumf %while3A_3035, %max3A_3134 : vector<16xf32>
          scf.yield %max3A_3133, %max3A_3135 : vector<16xf32>, vector<16xf32>
        }
        %while3A_3005 = arith.constant 1 : i32
        %while3A_3006:2 = scf.for %while3A_3033 = %while3A_3002 to %while3A_2998 step %while3A_3005 iter_args(%while3A_3034 = %while3A_3004#0, %while3A_3035 = %while3A_3004#1) -> (vector<16xf32>, vector<16xf32>)  : i32 {
          %sub3A_3036 = arith.subi %while3A_2985, %min3A_2787 : i32
          %mul3A_3037 = arith.constant 8 : i32
          %mul3A_3038 = arith.muli %mul3A_3037, %while3A_3033 : i32
          %add3A_3039 = arith.addi %sub3A_3036, %mul3A_3038 : i32
          %add3A_3040 = arith.constant 0 : i32
          %add3A_3041 = arith.addi %add3A_3039, %add3A_3040 : i32
          %get3A_3042 = arith.index_cast %add3A_3041 : i32 to index
          %get3A_3043 = arith.constant 0 : index
          %get3A_3044 = tpu.vector_load %arg22[%get3A_3042, %get3A_3043] {strides = array<i32>} : memref<512x32xf32, #tpu.memory_space<vmem>>, vector<16xf32>,
          %add3A_3045 = arith.constant 1 : i32
          %add3A_3046 = arith.addi %add3A_3039, %add3A_3045 : i32
          %get3A_3047 = arith.index_cast %add3A_3046 : i32 to index
          %get3A_3048 = arith.constant 0 : index
          %get3A_3049 = tpu.vector_load %arg22[%get3A_3047, %get3A_3048] {strides = array<i32>} : memref<512x32xf32, #tpu.memory_space<vmem>>, vector<16xf32>,
          %add3A_3050 = arith.constant 2 : i32
          %add3A_3051 = arith.addi %add3A_3039, %add3A_3050 : i32
          %get3A_3052 = arith.index_cast %add3A_3051 : i32 to index
          %get3A_3053 = arith.constant 0 : index
          %get3A_3054 = tpu.vector_load %arg22[%get3A_3052, %get3A_3053] {strides = array<i32>} : memref<512x32xf32, #tpu.memory_space<vmem>>, vector<16xf32>,
          %add3A_3055 = arith.constant 3 : i32
          %add3A_3056 = arith.addi %add3A_3039, %add3A_3055 : i32
          %get3A_3057 = arith.index_cast %add3A_3056 : i32 to index
          %get3A_3058 = arith.constant 0 : index
          %get3A_3059 = tpu.vector_load %arg22[%get3A_3057, %get3A_3058] {strides = array<i32>} : memref<512x32xf32, #tpu.memory_space<vmem>>, vector<16xf32>,
          %add3A_3060 = arith.constant 4 : i32
          %add3A_3061 = arith.addi %add3A_3039, %add3A_3060 : i32
          %get3A_3062 = arith.index_cast %add3A_3061 : i32 to index
          %get3A_3063 = arith.constant 0 : index
          %get3A_3064 = tpu.vector_load %arg22[%get3A_3062, %get3A_3063] {strides = array<i32>} : memref<512x32xf32, #tpu.memory_space<vmem>>, vector<16xf32>,
          %add3A_3065 = arith.constant 5 : i32
          %add3A_3066 = arith.addi %add3A_3039, %add3A_3065 : i32
          %get3A_3067 = arith.index_cast %add3A_3066 : i32 to index
          %get3A_3068 = arith.constant 0 : index
          %get3A_3069 = tpu.vector_load %arg22[%get3A_3067, %get3A_3068] {strides = array<i32>} : memref<512x32xf32, #tpu.memory_space<vmem>>, vector<16xf32>,
          %add3A_3070 = arith.constant 6 : i32
          %add3A_3071 = arith.addi %add3A_3039, %add3A_3070 : i32
          %get3A_3072 = arith.index_cast %add3A_3071 : i32 to index
          %get3A_3073 = arith.constant 0 : index
          %get3A_3074 = tpu.vector_load %arg22[%get3A_3072, %get3A_3073] {strides = array<i32>} : memref<512x32xf32, #tpu.memory_space<vmem>>, vector<16xf32>,
          %add3A_3075 = arith.constant 7 : i32
          %add3A_3076 = arith.addi %add3A_3039, %add3A_3075 : i32
          %get3A_3077 = arith.index_cast %add3A_3076 : i32 to index
          %get3A_3078 = arith.constant 0 : index
          %get3A_3079 = tpu.vector_load %arg22[%get3A_3077, %get3A_3078] {strides = array<i32>} : memref<512x32xf32, #tpu.memory_space<vmem>>, vector<16xf32>,
          %add3A_3080 = arith.constant 0 : i32
          %add3A_3081 = arith.addi %add3A_3039, %add3A_3080 : i32
          %get3A_3082 = arith.index_cast %add3A_3081 : i32 to index
          %get3A_3083 = arith.constant 16 : index
          %get3A_3084 = tpu.vector_load %arg22[%get3A_3082, %get3A_3083] {strides = array<i32>} : memref<512x32xf32, #tpu.memory_space<vmem>>, vector<16xf32>,
          %add3A_3085 = arith.constant 1 : i32
          %add3A_3086 = arith.addi %add3A_3039, %add3A_3085 : i32
          %get3A_3087 = arith.index_cast %add3A_3086 : i32 to index
          %get3A_3088 = arith.constant 16 : index
          %get3A_3089 = tpu.vector_load %arg22[%get3A_3087, %get3A_3088] {strides = array<i32>} : memref<512x32xf32, #tpu.memory_space<vmem>>, vector<16xf32>,
          %add3A_3090 = arith.constant 2 : i32
          %add3A_3091 = arith.addi %add3A_3039, %add3A_3090 : i32
          %get3A_3092 = arith.index_cast %add3A_3091 : i32 to index
          %get3A_3093 = arith.constant 16 : index
          %get3A_3094 = tpu.vector_load %arg22[%get3A_3092, %get3A_3093] {strides = array<i32>} : memref<512x32xf32, #tpu.memory_space<vmem>>, vector<16xf32>,
          %add3A_3095 = arith.constant 3 : i32
          %add3A_3096 = arith.addi %add3A_3039, %add3A_3095 : i32
          %get3A_3097 = arith.index_cast %add3A_3096 : i32 to index
          %get3A_3098 = arith.constant 16 : index
          %get3A_3099 = tpu.vector_load %arg22[%get3A_3097, %get3A_3098] {strides = array<i32>} : memref<512x32xf32, #tpu.memory_space<vmem>>, vector<16xf32>,
          %add3A_3100 = arith.constant 4 : i32
          %add3A_3101 = arith.addi %add3A_3039, %add3A_3100 : i32
          %get3A_3102 = arith.index_cast %add3A_3101 : i32 to index
          %get3A_3103 = arith.constant 16 : index
          %get3A_3104 = tpu.vector_load %arg22[%get3A_3102, %get3A_3103] {strides = array<i32>} : memref<512x32xf32, #tpu.memory_space<vmem>>, vector<16xf32>,
          %add3A_3105 = arith.constant 5 : i32
          %add3A_3106 = arith.addi %add3A_3039, %add3A_3105 : i32
          %get3A_3107 = arith.index_cast %add3A_3106 : i32 to index
          %get3A_3108 = arith.constant 16 : index
          %get3A_3109 = tpu.vector_load %arg22[%get3A_3107, %get3A_3108] {strides = array<i32>} : memref<512x32xf32, #tpu.memory_space<vmem>>, vector<16xf32>,
          %add3A_3110 = arith.constant 6 : i32
          %add3A_3111 = arith.addi %add3A_3039, %add3A_3110 : i32
          %get3A_3112 = arith.index_cast %add3A_3111 : i32 to index
          %get3A_3113 = arith.constant 16 : index
          %get3A_3114 = tpu.vector_load %arg22[%get3A_3112, %get3A_3113] {strides = array<i32>} : memref<512x32xf32, #tpu.memory_space<vmem>>, vector<16xf32>,
          %add3A_3115 = arith.constant 7 : i32
          %add3A_3116 = arith.addi %add3A_3039, %add3A_3115 : i32
          %get3A_3117 = arith.index_cast %add3A_3116 : i32 to index
          %get3A_3118 = arith.constant 16 : index
          %get3A_3119 = tpu.vector_load %arg22[%get3A_3117, %get3A_3118] {strides = array<i32>} : memref<512x32xf32, #tpu.memory_space<vmem>>, vector<16xf32>,
          %max3A_3120 = arith.maximumf %get3A_3044, %get3A_3049 : vector<16xf32>
          %max3A_3121 = arith.maximumf %get3A_3054, %get3A_3059 : vector<16xf32>
          %max3A_3122 = arith.maximumf %max3A_3120, %max3A_3121 : vector<16xf32>
          %max3A_3123 = arith.maximumf %get3A_3064, %get3A_3069 : vector<16xf32>
          %max3A_3124 = arith.maximumf %get3A_3074, %get3A_3079 : vector<16xf32>
          %max3A_3125 = arith.maximumf %max3A_3123, %max3A_3124 : vector<16xf32>
          %max3A_3126 = arith.maximumf %get3A_3084, %get3A_3089 : vector<16xf32>
          %max3A_3127 = arith.maximumf %get3A_3094, %get3A_3099 : vector<16xf32>
          %max3A_3128 = arith.maximumf %max3A_3126, %max3A_3127 : vector<16xf32>
          %max3A_3129 = arith.maximumf %get3A_3104, %get3A_3109 : vector<16xf32>
          %max3A_3130 = arith.maximumf %get3A_3114, %get3A_3119 : vector<16xf32>
          %max3A_3131 = arith.maximumf %max3A_3129, %max3A_3130 : vector<16xf32>
          %max3A_3132 = arith.maximumf %max3A_3122, %max3A_3125 : vector<16xf32>
          %max3A_3133 = arith.maximumf %while3A_3034, %max3A_3132 : vector<16xf32>
          %max3A_3134 = arith.maximumf %max3A_3128, %max3A_3131 : vector<16xf32>
          %max3A_3135 = arith.maximumf %while3A_3035, %max3A_3134 : vector<16xf32>
          scf.yield %max3A_3133, %max3A_3135 : vector<16xf32>, vector<16xf32>
        }
        %mul3A_3007 = arith.constant 8 : i32
        %mul3A_3008 = arith.muli %mul3A_3007, %shift_right_arithmetic3A_2995 : i32
        %add3A_3009 = arith.addi %while3A_2985, %mul3A_3008 : i32
        %while3A_3010 = arith.subi %min3A_2992, %add3A_3009 : i32
        %while3A_3011 = arith.addi %add3A_3009, %while3A_3010 : i32
        %while3A_3012 = arith.constant 1 : i32
        %while3A_3013 = arith.divsi %while3A_3010, %while3A_3012 : i32
        %while3A_3014 = arith.muli %while3A_3013, %while3A_3012 : i32
        %while3A_3015 = arith.addi %add3A_3009, %while3A_3014 : i32
        %while3A_3016 = arith.constant 1 : i32
        %while3A_3017:2 = scf.for %while3A_3033 = %add3A_3009 to %while3A_3015 step %while3A_3016 iter_args(%while3A_3034 = %while3A_3006#0, %while3A_3035 = %while3A_3006#1) -> (vector<16xf32>, vector<16xf32>)  : i32 {
          %sub3A_3036 = arith.subi %while3A_3033, %min3A_2787 : i32
          %get3A_3037 = arith.index_cast %sub3A_3036 : i32 to index
          %get3A_3038 = arith.constant 0 : index
          %get3A_3039 = tpu.vector_load %arg22[%get3A_3037, %get3A_3038] {strides = array<i32>} : memref<512x32xf32, #tpu.memory_space<vmem>>, vector<16xf32>,
          %max3A_3040 = arith.maximumf %while3A_3034, %get3A_3039 : vector<16xf32>
          %get3A_3041 = arith.index_cast %sub3A_3036 : i32 to index
          %get3A_3042 = arith.constant 16 : index
          %get3A_3043 = tpu.vector_load %arg22[%get3A_3041, %get3A_3042] {strides = array<i32>} : memref<512x32xf32, #tpu.memory_space<vmem>>, vector<16xf32>,
          %max3A_3044 = arith.maximumf %while3A_3035, %get3A_3043 : vector<16xf32>
          scf.yield %max3A_3040, %max3A_3044 : vector<16xf32>, vector<16xf32>
        }
        %while3A_3018 = arith.constant 1 : i32
        %while3A_3019:2 = scf.for %while3A_3033 = %while3A_3015 to %while3A_3011 step %while3A_3018 iter_args(%while3A_3034 = %while3A_3017#0, %while3A_3035 = %while3A_3017#1) -> (vector<16xf32>, vector<16xf32>)  : i32 {
          %sub3A_3036 = arith.subi %while3A_3033, %min3A_2787 : i32
          %get3A_3037 = arith.index_cast %sub3A_3036 : i32 to index
          %get3A_3038 = arith.constant 0 : index
          %get3A_3039 = tpu.vector_load %arg22[%get3A_3037, %get3A_3038] {strides = array<i32>} : memref<512x32xf32, #tpu.memory_space<vmem>>, vector<16xf32>,
          %max3A_3040 = arith.maximumf %while3A_3034, %get3A_3039 : vector<16xf32>
          %get3A_3041 = arith.index_cast %sub3A_3036 : i32 to index
          %get3A_3042 = arith.constant 16 : index
          %get3A_3043 = tpu.vector_load %arg22[%get3A_3041, %get3A_3042] {strides = array<i32>} : memref<512x32xf32, #tpu.memory_space<vmem>>, vector<16xf32>,
          %max3A_3044 = arith.maximumf %while3A_3035, %get3A_3043 : vector<16xf32>
          scf.yield %max3A_3040, %max3A_3044 : vector<16xf32>, vector<16xf32>
        }
        %le3A_3020 = arith.cmpi sle, %squeeze3A_2991, %min3A_2793 : i32
        %swap3A_3021 = arith.index_cast %while3A_2982 : i32 to index
        %swap3A_3022 = arith.constant 0 : index
        %swap3A_3023 = tpu.vector_load %arg24[%swap3A_3021, %swap3A_3022] {strides = array<i32>} : memref<72x32xf32, #tpu.memory_space<vmem>>, vector<16xf32>,
        tpu.vector_store %arg24[%swap3A_3021, %swap3A_3022], %while3A_3019#0 {strides = array<i32>} : memref<72x32xf32, #tpu.memory_space<vmem>>, vector<16xf32>,
        %swap3A_3024 = arith.index_cast %while3A_2982 : i32 to index
        %swap3A_3025 = arith.constant 16 : index
        %swap3A_3026 = tpu.vector_load %arg24[%swap3A_3024, %swap3A_3025] {strides = array<i32>} : memref<72x32xf32, #tpu.memory_space<vmem>>, vector<16xf32>,
        tpu.vector_store %arg24[%swap3A_3024, %swap3A_3025], %while3A_3019#1 {strides = array<i32>} : memref<72x32xf32, #tpu.memory_space<vmem>>, vector<16xf32>,
        %add3A_3027 = arith.constant 1 : i32
        %add3A_3028 = arith.addi %while3A_2982, %add3A_3027 : i32
        %select_n3A_3029 = arith.select %le3A_3020, %add3A_3028, %while3A_2982 : i32
        %broadcast_in_dim3A_3030 = vector.broadcast %le3A_3020 : i1 to vector<16xi1>
        %select_n3A_3031 = arith.select %broadcast_in_dim3A_3030, %broadcast_in_dim3A_2166, %while3A_3019#0 : vector<16xi1>, vector<16xf32>
        %select_n3A_3032 = arith.select %broadcast_in_dim3A_3030, %broadcast_in_dim3A_2166, %while3A_3019#1 : vector<16xi1>, vector<16xf32>
        scf.yield %select_n3A_3029, %select_n3A_3031, %select_n3A_3032, %min3A_2992 : i32, vector<16xf32>, vector<16xf32>, i32
      }
      %mul3A_2870 = arith.constant 2 : i32
      %mul3A_2871 = arith.muli %mul3A_2870, %while3A_2758 : i32
      %add3A_2872 = arith.constant 2 : i32
      %add3A_2873 = arith.addi %mul3A_2871, %add3A_2872 : i32
      %mul3A_2874 = arith.constant 512 : i32
      %mul3A_2875 = arith.muli %add3A_2873, %mul3A_2874 : i32
      %add3A_2876 = arith.addi %squeeze3A, %mul3A_2875 : i32
      %min3A_2877 = arith.constant 99488 : i32
      %min3A_2878 = arith.minsi %add3A_2876, %min3A_2877 : i32
      %dma_start3A_2879 = arith.constant 96 : i32
      %dma_start3A_2880 = tpu.memref_slice %arg2[%min3A_2878, %dma_start3A_2879] : memref<100000x128xf32, #tpu.memory_space<hbm>> -> memref<512x32xf32, #tpu.memory_space<hbm>>
      %dma_start3A_2881 = arith.constant 96 : i32
      %dma_start3A_2882 = tpu.memref_slice %arg2[%min3A_2878, %dma_start3A_2881] : memref<100000x128xf32, #tpu.memory_space<hbm>> -> memref<512x32xf32, #tpu.memory_space<hbm>>
      tpu.enqueue_dma source(%dma_start3A_2882 : memref<512x32xf32, #tpu.memory_space<hbm>>) target(%arg22 : memref<512x32xf32, #tpu.memory_space<vmem>>) target_semaphore(%arg25 : memref<!tpu.dma_semaphore, #tpu.memory_space<semaphore_mem>>)
      %dma_wait3A_2883 = arith.constant 96 : i32
      %dma_wait3A_2884 = tpu.memref_slice %arg2[%min3A_2770, %dma_wait3A_2883] : memref<100000x128xf32, #tpu.memory_space<hbm>> -> memref<512x32xf32, #tpu.memory_space<hbm>>
      %dma_wait3A_2885 = arith.constant 96 : i32
      %dma_wait3A_2886 = tpu.memref_slice %arg2[%min3A_2770, %dma_wait3A_2885] : memref<100000x128xf32, #tpu.memory_space<hbm>> -> memref<512x32xf32, #tpu.memory_space<hbm>>
      tpu.wait_dma2 semaphore(%arg26 : memref<!tpu.dma_semaphore, #tpu.memory_space<semaphore_mem>>) src(%dma_wait3A_2886 : memref<512x32xf32, #tpu.memory_space<hbm>>) dst(%arg23 : memref<512x32xf32, #tpu.memory_space<vmem>>)
      %mul3A_2887 = arith.constant 2 : i32
      %mul3A_2888 = arith.muli %mul3A_2887, %while3A_2758 : i32
      %add3A_2889 = arith.constant 1 : i32
      %add3A_2890 = arith.addi %mul3A_2888, %add3A_2889 : i32
      %mul3A_2891 = arith.constant 512 : i32
      %mul3A_2892 = arith.muli %add3A_2890, %mul3A_2891 : i32
      %add3A_2893 = arith.addi %squeeze3A, %mul3A_2892 : i32
      %min3A_2894 = arith.constant 99488 : i32
      %min3A_2895 = arith.minsi %add3A_2893, %min3A_2894 : i32
      %add3A_2896 = arith.constant 1 : i32
      %add3A_2897 = arith.addi %add3A_2890, %add3A_2896 : i32
      %mul3A_2898 = arith.constant 512 : i32
      %mul3A_2899 = arith.muli %add3A_2897, %mul3A_2898 : i32
      %add3A_2900 = arith.addi %squeeze3A, %mul3A_2899 : i32
      %min3A_2901 = arith.minsi %add3A_2900, %squeeze3A_2684 : i32
      %mul3A_2902 = arith.constant 512 : i32
      %mul3A_2903 = arith.muli %add3A_2890, %mul3A_2902 : i32
      %add3A_2904 = arith.addi %squeeze3A, %mul3A_2903 : i32
      %min3A_2905 = arith.minsi %add3A_2904, %squeeze3A_2684 : i32
      %iota3A_2906 = tpu.iota {dimensions = array<i32: 0>} : vector<16xi32>
      %add3A_2907 = arith.constant 1 : i32
      %add3A_2908 = arith.addi %while3A_2869#0, %add3A_2907 : i32
      %broadcast_in_dim3A_2909 = vector.broadcast %add3A_2908 : i32 to vector<16xi32>
      %broadcast_in_dim3A_2910 = vector.broadcast %min3A_2901 : i32 to vector<16xi32>
      %get3A_2911 = arith.constant 1 : index
      %get3A_2912 = tpu.vector_load %arg6[%get3A_2911] {strides = array<i32>} : memref<96xi32, #tpu.memory_space<vmem>>, vector<16xi32>,
      %add3A_2913 = arith.constant 1 : i32
      %add3A_2914 = vector.broadcast %add3A_2913 : i32 to vector<16xi32>
      %add3A_2915 = arith.addi %add3A_2914, %iota3A_2906 : vector<16xi32>
      %ge3A_2916 = arith.cmpi sge, %add3A_2915, %broadcast_in_dim3A_2909 : vector<16xi32>
      %le3A_2917 = arith.cmpi sle, %get3A_2912, %broadcast_in_dim3A_2910 : vector<16xi32>
      %and3A_2918 = arith.andi %ge3A_2916, %le3A_2917 : vector<16xi1>
      %convert_element_type3A_2919 = arith.extui %and3A_2918 : vector<16xi1> to vector<16xi32>
      %reduce_sum3A_2920 = arith.constant true
      %reduce_sum3A_2921 = vector.broadcast %reduce_sum3A_2920 : i1 to vector<16xi1>
      %reduce_sum3A_2922 = tpu.scan <sum>, %convert_element_type3A_2919 masked %reduce_sum3A_2921 : vector<16xi32>, vector<16xi1> -> vector<16xi32>
      %reduce_sum3A_2923 = vector.extract %reduce_sum3A_2922[15] : i32 from vector<16xi32>
      %add3A_2924 = arith.constant 0 : i32
      %add3A_2925 = arith.addi %add3A_2924, %reduce_sum3A_2923 : i32
      %get3A_2926 = arith.constant 17 : index
      %get3A_2927 = tpu.vector_load %arg6[%get3A_2926] {strides = array<i32>} : memref<96xi32, #tpu.memory_space<vmem>>, vector<16xi32>,
      %add3A_2928 = arith.constant 17 : i32
      %add3A_2929 = vector.broadcast %add3A_2928 : i32 to vector<16xi32>
      %add3A_2930 = arith.addi %add3A_2929, %iota3A_2906 : vector<16xi32>
      %ge3A_2931 = arith.cmpi sge, %add3A_2930, %broadcast_in_dim3A_2909 : vector<16xi32>
      %le3A_2932 = arith.cmpi sle, %get3A_2927, %broadcast_in_dim3A_2910 : vector<16xi32>
      %and3A_2933 = arith.andi %ge3A_2931, %le3A_2932 : vector<16xi1>
      %convert_element_type3A_2934 = arith.extui %and3A_2933 : vector<16xi1> to vector<16xi32>
      %reduce_sum3A_2935 = arith.constant true
      %reduce_sum3A_2936 = vector.broadcast %reduce_sum3A_2935 : i1 to vector<16xi1>
      %reduce_sum3A_2937 = tpu.scan <sum>, %convert_element_type3A_2934 masked %reduce_sum3A_2936 : vector<16xi32>, vector<16xi1> -> vector<16xi32>
      %reduce_sum3A_2938 = vector.extract %reduce_sum3A_2937[15] : i32 from vector<16xi32>
      %add3A_2939 = arith.addi %add3A_2925, %reduce_sum3A_2938 : i32
      %get3A_2940 = arith.constant 33 : index
      %get3A_2941 = tpu.vector_load %arg6[%get3A_2940] {strides = array<i32>} : memref<96xi32, #tpu.memory_space<vmem>>, vector<16xi32>,
      %add3A_2942 = arith.constant 33 : i32
      %add3A_2943 = vector.broadcast %add3A_2942 : i32 to vector<16xi32>
      %add3A_2944 = arith.addi %add3A_2943, %iota3A_2906 : vector<16xi32>
      %ge3A_2945 = arith.cmpi sge, %add3A_2944, %broadcast_in_dim3A_2909 : vector<16xi32>
      %le3A_2946 = arith.cmpi sle, %get3A_2941, %broadcast_in_dim3A_2910 : vector<16xi32>
      %and3A_2947 = arith.andi %ge3A_2945, %le3A_2946 : vector<16xi1>
      %convert_element_type3A_2948 = arith.extui %and3A_2947 : vector<16xi1> to vector<16xi32>
      %reduce_sum3A_2949 = arith.constant true
      %reduce_sum3A_2950 = vector.broadcast %reduce_sum3A_2949 : i1 to vector<16xi1>
      %reduce_sum3A_2951 = tpu.scan <sum>, %convert_element_type3A_2948 masked %reduce_sum3A_2950 : vector<16xi32>, vector<16xi1> -> vector<16xi32>
      %reduce_sum3A_2952 = vector.extract %reduce_sum3A_2951[15] : i32 from vector<16xi32>
      %add3A_2953 = arith.addi %add3A_2939, %reduce_sum3A_2952 : i32
      %get3A_2954 = arith.constant 49 : index
      %get3A_2955 = tpu.vector_load %arg6[%get3A_2954] {strides = array<i32>} : memref<96xi32, #tpu.memory_space<vmem>>, vector<16xi32>,
      %add3A_2956 = arith.constant 49 : i32
      %add3A_2957 = vector.broadcast %add3A_2956 : i32 to vector<16xi32>
      %add3A_2958 = arith.addi %add3A_2957, %iota3A_2906 : vector<16xi32>
      %ge3A_2959 = arith.cmpi sge, %add3A_2958, %broadcast_in_dim3A_2909 : vector<16xi32>
      %le3A_2960 = arith.cmpi sle, %get3A_2955, %broadcast_in_dim3A_2910 : vector<16xi32>
      %and3A_2961 = arith.andi %ge3A_2959, %le3A_2960 : vector<16xi1>
      %convert_element_type3A_2962 = arith.extui %and3A_2961 : vector<16xi1> to vector<16xi32>
      %reduce_sum3A_2963 = arith.constant true
      %reduce_sum3A_2964 = vector.broadcast %reduce_sum3A_2963 : i1 to vector<16xi1>
      %reduce_sum3A_2965 = tpu.scan <sum>, %convert_element_type3A_2962 masked %reduce_sum3A_2964 : vector<16xi32>, vector<16xi1> -> vector<16xi32>
      %reduce_sum3A_2966 = vector.extract %reduce_sum3A_2965[15] : i32 from vector<16xi32>
      %add3A_2967 = arith.addi %add3A_2953, %reduce_sum3A_2966 : i32
      %add3A_2968 = arith.constant 1 : i32
      %add3A_2969 = arith.addi %add3A_2967, %add3A_2968 : i32
      %while3A_2970 = arith.constant 0 : i32
      %while3A_2971 = arith.subi %add3A_2969, %while3A_2970 : i32
      %while3A_2972 = arith.addi %while3A_2970, %while3A_2971 : i32
      %while3A_2973 = arith.constant 1 : i32
      %while3A_2974 = arith.divsi %while3A_2971, %while3A_2973 : i32
      %while3A_2975 = arith.muli %while3A_2974, %while3A_2973 : i32
      %while3A_2976 = arith.addi %while3A_2970, %while3A_2975 : i32
      %while3A_2977 = arith.constant 1 : i32
      %while3A_2978:4 = scf.for %while3A_2981 = %while3A_2970 to %while3A_2976 step %while3A_2977 iter_args(%while3A_2982 = %while3A_2869#0, %while3A_2983 = %while3A_2869#1, %while3A_2984 = %while3A_2869#2, %while3A_2985 = %min3A_2905) -> (i32, vector<16xf32>, vector<16xf32>, i32)  : i32 {
        %add3A_2986 = arith.constant 1 : i32
        %add3A_2987 = arith.addi %while3A_2982, %add3A_2986 : i32
        %get3A_2988 = arith.index_cast %add3A_2987 : i32 to index
        %get3A_2989 = tpu.vector_load %arg6[%get3A_2988] {strides = array<i32>} : memref<96xi32, #tpu.memory_space<vmem>>, vector<16xi32>,
        %slice3A_2990 = vector.extract_strided_slice %get3A_2989 {offsets = [0], sizes = [1], strides = [1]} : vector<16xi32> to vector<1xi32>
        %squeeze3A_2991 = vector.extract %slice3A_2990[0] : i32 from vector<1xi32>
        %min3A_2992 = arith.minsi %squeeze3A_2991, %min3A_2901 : i32
        %sub3A_2993 = arith.subi %min3A_2992, %while3A_2985 : i32
        %shift_right_arithmetic3A_2994 = arith.constant 3 : i32
        %shift_right_arithmetic3A_2995 = arith.shrsi %sub3A_2993, %shift_right_arithmetic3A_2994 : i32
        %while3A_2996 = arith.constant 0 : i32
        %while3A_2997 = arith.subi %shift_right_arithmetic3A_2995, %while3A_2996 : i32
        %while3A_2998 = arith.addi %while3A_2996, %while3A_2997 : i32
        %while3A_2999 = arith.constant 1 : i32
        %while3A_3000 = arith.divsi %while3A_2997, %while3A_2999 : i32
        %while3A_3001 = arith.muli %while3A_3000, %while3A_2999 : i32
        %while3A_3002 = arith.addi %while3A_2996, %while3A_3001 : i32
        %while3A_3003 = arith.constant 1 : i32
        %while3A_3004:2 = scf.for %while3A_3033 = %while3A_2996 to %while3A_3002 step %while3A_3003 iter_args(%while3A_3034 = %while3A_2983, %while3A_3035 = %while3A_2984) -> (vector<16xf32>, vector<16xf32>)  : i32 {
          %sub3A_3036 = arith.subi %while3A_2985, %min3A_2895 : i32
          %mul3A_3037 = arith.constant 8 : i32
          %mul3A_3038 = arith.muli %mul3A_3037, %while3A_3033 : i32
          %add3A_3039 = arith.addi %sub3A_3036, %mul3A_3038 : i32
          %add3A_3040 = arith.constant 0 : i32
          %add3A_3041 = arith.addi %add3A_3039, %add3A_3040 : i32
          %get3A_3042 = arith.index_cast %add3A_3041 : i32 to index
          %get3A_3043 = arith.constant 0 : index
          %get3A_3044 = tpu.vector_load %arg23[%get3A_3042, %get3A_3043] {strides = array<i32>} : memref<512x32xf32, #tpu.memory_space<vmem>>, vector<16xf32>,
          %add3A_3045 = arith.constant 1 : i32
          %add3A_3046 = arith.addi %add3A_3039, %add3A_3045 : i32
          %get3A_3047 = arith.index_cast %add3A_3046 : i32 to index
          %get3A_3048 = arith.constant 0 : index
          %get3A_3049 = tpu.vector_load %arg23[%get3A_3047, %get3A_3048] {strides = array<i32>} : memref<512x32xf32, #tpu.memory_space<vmem>>, vector<16xf32>,
          %add3A_3050 = arith.constant 2 : i32
          %add3A_3051 = arith.addi %add3A_3039, %add3A_3050 : i32
          %get3A_3052 = arith.index_cast %add3A_3051 : i32 to index
          %get3A_3053 = arith.constant 0 : index
          %get3A_3054 = tpu.vector_load %arg23[%get3A_3052, %get3A_3053] {strides = array<i32>} : memref<512x32xf32, #tpu.memory_space<vmem>>, vector<16xf32>,
          %add3A_3055 = arith.constant 3 : i32
          %add3A_3056 = arith.addi %add3A_3039, %add3A_3055 : i32
          %get3A_3057 = arith.index_cast %add3A_3056 : i32 to index
          %get3A_3058 = arith.constant 0 : index
          %get3A_3059 = tpu.vector_load %arg23[%get3A_3057, %get3A_3058] {strides = array<i32>} : memref<512x32xf32, #tpu.memory_space<vmem>>, vector<16xf32>,
          %add3A_3060 = arith.constant 4 : i32
          %add3A_3061 = arith.addi %add3A_3039, %add3A_3060 : i32
          %get3A_3062 = arith.index_cast %add3A_3061 : i32 to index
          %get3A_3063 = arith.constant 0 : index
          %get3A_3064 = tpu.vector_load %arg23[%get3A_3062, %get3A_3063] {strides = array<i32>} : memref<512x32xf32, #tpu.memory_space<vmem>>, vector<16xf32>,
          %add3A_3065 = arith.constant 5 : i32
          %add3A_3066 = arith.addi %add3A_3039, %add3A_3065 : i32
          %get3A_3067 = arith.index_cast %add3A_3066 : i32 to index
          %get3A_3068 = arith.constant 0 : index
          %get3A_3069 = tpu.vector_load %arg23[%get3A_3067, %get3A_3068] {strides = array<i32>} : memref<512x32xf32, #tpu.memory_space<vmem>>, vector<16xf32>,
          %add3A_3070 = arith.constant 6 : i32
          %add3A_3071 = arith.addi %add3A_3039, %add3A_3070 : i32
          %get3A_3072 = arith.index_cast %add3A_3071 : i32 to index
          %get3A_3073 = arith.constant 0 : index
          %get3A_3074 = tpu.vector_load %arg23[%get3A_3072, %get3A_3073] {strides = array<i32>} : memref<512x32xf32, #tpu.memory_space<vmem>>, vector<16xf32>,
          %add3A_3075 = arith.constant 7 : i32
          %add3A_3076 = arith.addi %add3A_3039, %add3A_3075 : i32
          %get3A_3077 = arith.index_cast %add3A_3076 : i32 to index
          %get3A_3078 = arith.constant 0 : index
          %get3A_3079 = tpu.vector_load %arg23[%get3A_3077, %get3A_3078] {strides = array<i32>} : memref<512x32xf32, #tpu.memory_space<vmem>>, vector<16xf32>,
          %add3A_3080 = arith.constant 0 : i32
          %add3A_3081 = arith.addi %add3A_3039, %add3A_3080 : i32
          %get3A_3082 = arith.index_cast %add3A_3081 : i32 to index
          %get3A_3083 = arith.constant 16 : index
          %get3A_3084 = tpu.vector_load %arg23[%get3A_3082, %get3A_3083] {strides = array<i32>} : memref<512x32xf32, #tpu.memory_space<vmem>>, vector<16xf32>,
          %add3A_3085 = arith.constant 1 : i32
          %add3A_3086 = arith.addi %add3A_3039, %add3A_3085 : i32
          %get3A_3087 = arith.index_cast %add3A_3086 : i32 to index
          %get3A_3088 = arith.constant 16 : index
          %get3A_3089 = tpu.vector_load %arg23[%get3A_3087, %get3A_3088] {strides = array<i32>} : memref<512x32xf32, #tpu.memory_space<vmem>>, vector<16xf32>,
          %add3A_3090 = arith.constant 2 : i32
          %add3A_3091 = arith.addi %add3A_3039, %add3A_3090 : i32
          %get3A_3092 = arith.index_cast %add3A_3091 : i32 to index
          %get3A_3093 = arith.constant 16 : index
          %get3A_3094 = tpu.vector_load %arg23[%get3A_3092, %get3A_3093] {strides = array<i32>} : memref<512x32xf32, #tpu.memory_space<vmem>>, vector<16xf32>,
          %add3A_3095 = arith.constant 3 : i32
          %add3A_3096 = arith.addi %add3A_3039, %add3A_3095 : i32
          %get3A_3097 = arith.index_cast %add3A_3096 : i32 to index
          %get3A_3098 = arith.constant 16 : index
          %get3A_3099 = tpu.vector_load %arg23[%get3A_3097, %get3A_3098] {strides = array<i32>} : memref<512x32xf32, #tpu.memory_space<vmem>>, vector<16xf32>,
          %add3A_3100 = arith.constant 4 : i32
          %add3A_3101 = arith.addi %add3A_3039, %add3A_3100 : i32
          %get3A_3102 = arith.index_cast %add3A_3101 : i32 to index
          %get3A_3103 = arith.constant 16 : index
          %get3A_3104 = tpu.vector_load %arg23[%get3A_3102, %get3A_3103] {strides = array<i32>} : memref<512x32xf32, #tpu.memory_space<vmem>>, vector<16xf32>,
          %add3A_3105 = arith.constant 5 : i32
          %add3A_3106 = arith.addi %add3A_3039, %add3A_3105 : i32
          %get3A_3107 = arith.index_cast %add3A_3106 : i32 to index
          %get3A_3108 = arith.constant 16 : index
          %get3A_3109 = tpu.vector_load %arg23[%get3A_3107, %get3A_3108] {strides = array<i32>} : memref<512x32xf32, #tpu.memory_space<vmem>>, vector<16xf32>,
          %add3A_3110 = arith.constant 6 : i32
          %add3A_3111 = arith.addi %add3A_3039, %add3A_3110 : i32
          %get3A_3112 = arith.index_cast %add3A_3111 : i32 to index
          %get3A_3113 = arith.constant 16 : index
          %get3A_3114 = tpu.vector_load %arg23[%get3A_3112, %get3A_3113] {strides = array<i32>} : memref<512x32xf32, #tpu.memory_space<vmem>>, vector<16xf32>,
          %add3A_3115 = arith.constant 7 : i32
          %add3A_3116 = arith.addi %add3A_3039, %add3A_3115 : i32
          %get3A_3117 = arith.index_cast %add3A_3116 : i32 to index
          %get3A_3118 = arith.constant 16 : index
          %get3A_3119 = tpu.vector_load %arg23[%get3A_3117, %get3A_3118] {strides = array<i32>} : memref<512x32xf32, #tpu.memory_space<vmem>>, vector<16xf32>,
          %max3A_3120 = arith.maximumf %get3A_3044, %get3A_3049 : vector<16xf32>
          %max3A_3121 = arith.maximumf %get3A_3054, %get3A_3059 : vector<16xf32>
          %max3A_3122 = arith.maximumf %max3A_3120, %max3A_3121 : vector<16xf32>
          %max3A_3123 = arith.maximumf %get3A_3064, %get3A_3069 : vector<16xf32>
          %max3A_3124 = arith.maximumf %get3A_3074, %get3A_3079 : vector<16xf32>
          %max3A_3125 = arith.maximumf %max3A_3123, %max3A_3124 : vector<16xf32>
          %max3A_3126 = arith.maximumf %get3A_3084, %get3A_3089 : vector<16xf32>
          %max3A_3127 = arith.maximumf %get3A_3094, %get3A_3099 : vector<16xf32>
          %max3A_3128 = arith.maximumf %max3A_3126, %max3A_3127 : vector<16xf32>
          %max3A_3129 = arith.maximumf %get3A_3104, %get3A_3109 : vector<16xf32>
          %max3A_3130 = arith.maximumf %get3A_3114, %get3A_3119 : vector<16xf32>
          %max3A_3131 = arith.maximumf %max3A_3129, %max3A_3130 : vector<16xf32>
          %max3A_3132 = arith.maximumf %max3A_3122, %max3A_3125 : vector<16xf32>
          %max3A_3133 = arith.maximumf %while3A_3034, %max3A_3132 : vector<16xf32>
          %max3A_3134 = arith.maximumf %max3A_3128, %max3A_3131 : vector<16xf32>
          %max3A_3135 = arith.maximumf %while3A_3035, %max3A_3134 : vector<16xf32>
          scf.yield %max3A_3133, %max3A_3135 : vector<16xf32>, vector<16xf32>
        }
        %while3A_3005 = arith.constant 1 : i32
        %while3A_3006:2 = scf.for %while3A_3033 = %while3A_3002 to %while3A_2998 step %while3A_3005 iter_args(%while3A_3034 = %while3A_3004#0, %while3A_3035 = %while3A_3004#1) -> (vector<16xf32>, vector<16xf32>)  : i32 {
          %sub3A_3036 = arith.subi %while3A_2985, %min3A_2895 : i32
          %mul3A_3037 = arith.constant 8 : i32
          %mul3A_3038 = arith.muli %mul3A_3037, %while3A_3033 : i32
          %add3A_3039 = arith.addi %sub3A_3036, %mul3A_3038 : i32
          %add3A_3040 = arith.constant 0 : i32
          %add3A_3041 = arith.addi %add3A_3039, %add3A_3040 : i32
          %get3A_3042 = arith.index_cast %add3A_3041 : i32 to index
          %get3A_3043 = arith.constant 0 : index
          %get3A_3044 = tpu.vector_load %arg23[%get3A_3042, %get3A_3043] {strides = array<i32>} : memref<512x32xf32, #tpu.memory_space<vmem>>, vector<16xf32>,
          %add3A_3045 = arith.constant 1 : i32
          %add3A_3046 = arith.addi %add3A_3039, %add3A_3045 : i32
          %get3A_3047 = arith.index_cast %add3A_3046 : i32 to index
          %get3A_3048 = arith.constant 0 : index
          %get3A_3049 = tpu.vector_load %arg23[%get3A_3047, %get3A_3048] {strides = array<i32>} : memref<512x32xf32, #tpu.memory_space<vmem>>, vector<16xf32>,
          %add3A_3050 = arith.constant 2 : i32
          %add3A_3051 = arith.addi %add3A_3039, %add3A_3050 : i32
          %get3A_3052 = arith.index_cast %add3A_3051 : i32 to index
          %get3A_3053 = arith.constant 0 : index
          %get3A_3054 = tpu.vector_load %arg23[%get3A_3052, %get3A_3053] {strides = array<i32>} : memref<512x32xf32, #tpu.memory_space<vmem>>, vector<16xf32>,
          %add3A_3055 = arith.constant 3 : i32
          %add3A_3056 = arith.addi %add3A_3039, %add3A_3055 : i32
          %get3A_3057 = arith.index_cast %add3A_3056 : i32 to index
          %get3A_3058 = arith.constant 0 : index
          %get3A_3059 = tpu.vector_load %arg23[%get3A_3057, %get3A_3058] {strides = array<i32>} : memref<512x32xf32, #tpu.memory_space<vmem>>, vector<16xf32>,
          %add3A_3060 = arith.constant 4 : i32
          %add3A_3061 = arith.addi %add3A_3039, %add3A_3060 : i32
          %get3A_3062 = arith.index_cast %add3A_3061 : i32 to index
          %get3A_3063 = arith.constant 0 : index
          %get3A_3064 = tpu.vector_load %arg23[%get3A_3062, %get3A_3063] {strides = array<i32>} : memref<512x32xf32, #tpu.memory_space<vmem>>, vector<16xf32>,
          %add3A_3065 = arith.constant 5 : i32
          %add3A_3066 = arith.addi %add3A_3039, %add3A_3065 : i32
          %get3A_3067 = arith.index_cast %add3A_3066 : i32 to index
          %get3A_3068 = arith.constant 0 : index
          %get3A_3069 = tpu.vector_load %arg23[%get3A_3067, %get3A_3068] {strides = array<i32>} : memref<512x32xf32, #tpu.memory_space<vmem>>, vector<16xf32>,
          %add3A_3070 = arith.constant 6 : i32
          %add3A_3071 = arith.addi %add3A_3039, %add3A_3070 : i32
          %get3A_3072 = arith.index_cast %add3A_3071 : i32 to index
          %get3A_3073 = arith.constant 0 : index
          %get3A_3074 = tpu.vector_load %arg23[%get3A_3072, %get3A_3073] {strides = array<i32>} : memref<512x32xf32, #tpu.memory_space<vmem>>, vector<16xf32>,
          %add3A_3075 = arith.constant 7 : i32
          %add3A_3076 = arith.addi %add3A_3039, %add3A_3075 : i32
          %get3A_3077 = arith.index_cast %add3A_3076 : i32 to index
          %get3A_3078 = arith.constant 0 : index
          %get3A_3079 = tpu.vector_load %arg23[%get3A_3077, %get3A_3078] {strides = array<i32>} : memref<512x32xf32, #tpu.memory_space<vmem>>, vector<16xf32>,
          %add3A_3080 = arith.constant 0 : i32
          %add3A_3081 = arith.addi %add3A_3039, %add3A_3080 : i32
          %get3A_3082 = arith.index_cast %add3A_3081 : i32 to index
          %get3A_3083 = arith.constant 16 : index
          %get3A_3084 = tpu.vector_load %arg23[%get3A_3082, %get3A_3083] {strides = array<i32>} : memref<512x32xf32, #tpu.memory_space<vmem>>, vector<16xf32>,
          %add3A_3085 = arith.constant 1 : i32
          %add3A_3086 = arith.addi %add3A_3039, %add3A_3085 : i32
          %get3A_3087 = arith.index_cast %add3A_3086 : i32 to index
          %get3A_3088 = arith.constant 16 : index
          %get3A_3089 = tpu.vector_load %arg23[%get3A_3087, %get3A_3088] {strides = array<i32>} : memref<512x32xf32, #tpu.memory_space<vmem>>, vector<16xf32>,
          %add3A_3090 = arith.constant 2 : i32
          %add3A_3091 = arith.addi %add3A_3039, %add3A_3090 : i32
          %get3A_3092 = arith.index_cast %add3A_3091 : i32 to index
          %get3A_3093 = arith.constant 16 : index
          %get3A_3094 = tpu.vector_load %arg23[%get3A_3092, %get3A_3093] {strides = array<i32>} : memref<512x32xf32, #tpu.memory_space<vmem>>, vector<16xf32>,
          %add3A_3095 = arith.constant 3 : i32
          %add3A_3096 = arith.addi %add3A_3039, %add3A_3095 : i32
          %get3A_3097 = arith.index_cast %add3A_3096 : i32 to index
          %get3A_3098 = arith.constant 16 : index
          %get3A_3099 = tpu.vector_load %arg23[%get3A_3097, %get3A_3098] {strides = array<i32>} : memref<512x32xf32, #tpu.memory_space<vmem>>, vector<16xf32>,
          %add3A_3100 = arith.constant 4 : i32
          %add3A_3101 = arith.addi %add3A_3039, %add3A_3100 : i32
          %get3A_3102 = arith.index_cast %add3A_3101 : i32 to index
          %get3A_3103 = arith.constant 16 : index
          %get3A_3104 = tpu.vector_load %arg23[%get3A_3102, %get3A_3103] {strides = array<i32>} : memref<512x32xf32, #tpu.memory_space<vmem>>, vector<16xf32>,
          %add3A_3105 = arith.constant 5 : i32
          %add3A_3106 = arith.addi %add3A_3039, %add3A_3105 : i32
          %get3A_3107 = arith.index_cast %add3A_3106 : i32 to index
          %get3A_3108 = arith.constant 16 : index
          %get3A_3109 = tpu.vector_load %arg23[%get3A_3107, %get3A_3108] {strides = array<i32>} : memref<512x32xf32, #tpu.memory_space<vmem>>, vector<16xf32>,
          %add3A_3110 = arith.constant 6 : i32
          %add3A_3111 = arith.addi %add3A_3039, %add3A_3110 : i32
          %get3A_3112 = arith.index_cast %add3A_3111 : i32 to index
          %get3A_3113 = arith.constant 16 : index
          %get3A_3114 = tpu.vector_load %arg23[%get3A_3112, %get3A_3113] {strides = array<i32>} : memref<512x32xf32, #tpu.memory_space<vmem>>, vector<16xf32>,
          %add3A_3115 = arith.constant 7 : i32
          %add3A_3116 = arith.addi %add3A_3039, %add3A_3115 : i32
          %get3A_3117 = arith.index_cast %add3A_3116 : i32 to index
          %get3A_3118 = arith.constant 16 : index
          %get3A_3119 = tpu.vector_load %arg23[%get3A_3117, %get3A_3118] {strides = array<i32>} : memref<512x32xf32, #tpu.memory_space<vmem>>, vector<16xf32>,
          %max3A_3120 = arith.maximumf %get3A_3044, %get3A_3049 : vector<16xf32>
          %max3A_3121 = arith.maximumf %get3A_3054, %get3A_3059 : vector<16xf32>
          %max3A_3122 = arith.maximumf %max3A_3120, %max3A_3121 : vector<16xf32>
          %max3A_3123 = arith.maximumf %get3A_3064, %get3A_3069 : vector<16xf32>
          %max3A_3124 = arith.maximumf %get3A_3074, %get3A_3079 : vector<16xf32>
          %max3A_3125 = arith.maximumf %max3A_3123, %max3A_3124 : vector<16xf32>
          %max3A_3126 = arith.maximumf %get3A_3084, %get3A_3089 : vector<16xf32>
          %max3A_3127 = arith.maximumf %get3A_3094, %get3A_3099 : vector<16xf32>
          %max3A_3128 = arith.maximumf %max3A_3126, %max3A_3127 : vector<16xf32>
          %max3A_3129 = arith.maximumf %get3A_3104, %get3A_3109 : vector<16xf32>
          %max3A_3130 = arith.maximumf %get3A_3114, %get3A_3119 : vector<16xf32>
          %max3A_3131 = arith.maximumf %max3A_3129, %max3A_3130 : vector<16xf32>
          %max3A_3132 = arith.maximumf %max3A_3122, %max3A_3125 : vector<16xf32>
          %max3A_3133 = arith.maximumf %while3A_3034, %max3A_3132 : vector<16xf32>
          %max3A_3134 = arith.maximumf %max3A_3128, %max3A_3131 : vector<16xf32>
          %max3A_3135 = arith.maximumf %while3A_3035, %max3A_3134 : vector<16xf32>
          scf.yield %max3A_3133, %max3A_3135 : vector<16xf32>, vector<16xf32>
        }
        %mul3A_3007 = arith.constant 8 : i32
        %mul3A_3008 = arith.muli %mul3A_3007, %shift_right_arithmetic3A_2995 : i32
        %add3A_3009 = arith.addi %while3A_2985, %mul3A_3008 : i32
        %while3A_3010 = arith.subi %min3A_2992, %add3A_3009 : i32
        %while3A_3011 = arith.addi %add3A_3009, %while3A_3010 : i32
        %while3A_3012 = arith.constant 1 : i32
        %while3A_3013 = arith.divsi %while3A_3010, %while3A_3012 : i32
        %while3A_3014 = arith.muli %while3A_3013, %while3A_3012 : i32
        %while3A_3015 = arith.addi %add3A_3009, %while3A_3014 : i32
        %while3A_3016 = arith.constant 1 : i32
        %while3A_3017:2 = scf.for %while3A_3033 = %add3A_3009 to %while3A_3015 step %while3A_3016 iter_args(%while3A_3034 = %while3A_3006#0, %while3A_3035 = %while3A_3006#1) -> (vector<16xf32>, vector<16xf32>)  : i32 {
          %sub3A_3036 = arith.subi %while3A_3033, %min3A_2895 : i32
          %get3A_3037 = arith.index_cast %sub3A_3036 : i32 to index
          %get3A_3038 = arith.constant 0 : index
          %get3A_3039 = tpu.vector_load %arg23[%get3A_3037, %get3A_3038] {strides = array<i32>} : memref<512x32xf32, #tpu.memory_space<vmem>>, vector<16xf32>,
          %max3A_3040 = arith.maximumf %while3A_3034, %get3A_3039 : vector<16xf32>
          %get3A_3041 = arith.index_cast %sub3A_3036 : i32 to index
          %get3A_3042 = arith.constant 16 : index
          %get3A_3043 = tpu.vector_load %arg23[%get3A_3041, %get3A_3042] {strides = array<i32>} : memref<512x32xf32, #tpu.memory_space<vmem>>, vector<16xf32>,
          %max3A_3044 = arith.maximumf %while3A_3035, %get3A_3043 : vector<16xf32>
          scf.yield %max3A_3040, %max3A_3044 : vector<16xf32>, vector<16xf32>
        }
        %while3A_3018 = arith.constant 1 : i32
        %while3A_3019:2 = scf.for %while3A_3033 = %while3A_3015 to %while3A_3011 step %while3A_3018 iter_args(%while3A_3034 = %while3A_3017#0, %while3A_3035 = %while3A_3017#1) -> (vector<16xf32>, vector<16xf32>)  : i32 {
          %sub3A_3036 = arith.subi %while3A_3033, %min3A_2895 : i32
          %get3A_3037 = arith.index_cast %sub3A_3036 : i32 to index
          %get3A_3038 = arith.constant 0 : index
          %get3A_3039 = tpu.vector_load %arg23[%get3A_3037, %get3A_3038] {strides = array<i32>} : memref<512x32xf32, #tpu.memory_space<vmem>>, vector<16xf32>,
          %max3A_3040 = arith.maximumf %while3A_3034, %get3A_3039 : vector<16xf32>
          %get3A_3041 = arith.index_cast %sub3A_3036 : i32 to index
          %get3A_3042 = arith.constant 16 : index
          %get3A_3043 = tpu.vector_load %arg23[%get3A_3041, %get3A_3042] {strides = array<i32>} : memref<512x32xf32, #tpu.memory_space<vmem>>, vector<16xf32>,
          %max3A_3044 = arith.maximumf %while3A_3035, %get3A_3043 : vector<16xf32>
          scf.yield %max3A_3040, %max3A_3044 : vector<16xf32>, vector<16xf32>
        }
        %le3A_3020 = arith.cmpi sle, %squeeze3A_2991, %min3A_2901 : i32
        %swap3A_3021 = arith.index_cast %while3A_2982 : i32 to index
        %swap3A_3022 = arith.constant 0 : index
        %swap3A_3023 = tpu.vector_load %arg24[%swap3A_3021, %swap3A_3022] {strides = array<i32>} : memref<72x32xf32, #tpu.memory_space<vmem>>, vector<16xf32>,
        tpu.vector_store %arg24[%swap3A_3021, %swap3A_3022], %while3A_3019#0 {strides = array<i32>} : memref<72x32xf32, #tpu.memory_space<vmem>>, vector<16xf32>,
        %swap3A_3024 = arith.index_cast %while3A_2982 : i32 to index
        %swap3A_3025 = arith.constant 16 : index
        %swap3A_3026 = tpu.vector_load %arg24[%swap3A_3024, %swap3A_3025] {strides = array<i32>} : memref<72x32xf32, #tpu.memory_space<vmem>>, vector<16xf32>,
        tpu.vector_store %arg24[%swap3A_3024, %swap3A_3025], %while3A_3019#1 {strides = array<i32>} : memref<72x32xf32, #tpu.memory_space<vmem>>, vector<16xf32>,
        %add3A_3027 = arith.constant 1 : i32
        %add3A_3028 = arith.addi %while3A_2982, %add3A_3027 : i32
        %select_n3A_3029 = arith.select %le3A_3020, %add3A_3028, %while3A_2982 : i32
        %broadcast_in_dim3A_3030 = vector.broadcast %le3A_3020 : i1 to vector<16xi1>
        %select_n3A_3031 = arith.select %broadcast_in_dim3A_3030, %broadcast_in_dim3A_2166, %while3A_3019#0 : vector<16xi1>, vector<16xf32>
        %select_n3A_3032 = arith.select %broadcast_in_dim3A_3030, %broadcast_in_dim3A_2166, %while3A_3019#1 : vector<16xi1>, vector<16xf32>
        scf.yield %select_n3A_3029, %select_n3A_3031, %select_n3A_3032, %min3A_2992 : i32, vector<16xf32>, vector<16xf32>, i32
      }
      %while3A_2979 = arith.constant 1 : i32
      %while3A_2980:4 = scf.for %while3A_2981 = %while3A_2976 to %while3A_2972 step %while3A_2979 iter_args(%while3A_2982 = %while3A_2978#0, %while3A_2983 = %while3A_2978#1, %while3A_2984 = %while3A_2978#2, %while3A_2985 = %while3A_2978#3) -> (i32, vector<16xf32>, vector<16xf32>, i32)  : i32 {
        %add3A_2986 = arith.constant 1 : i32
        %add3A_2987 = arith.addi %while3A_2982, %add3A_2986 : i32
        %get3A_2988 = arith.index_cast %add3A_2987 : i32 to index
        %get3A_2989 = tpu.vector_load %arg6[%get3A_2988] {strides = array<i32>} : memref<96xi32, #tpu.memory_space<vmem>>, vector<16xi32>,
        %slice3A_2990 = vector.extract_strided_slice %get3A_2989 {offsets = [0], sizes = [1], strides = [1]} : vector<16xi32> to vector<1xi32>
        %squeeze3A_2991 = vector.extract %slice3A_2990[0] : i32 from vector<1xi32>
        %min3A_2992 = arith.minsi %squeeze3A_2991, %min3A_2901 : i32
        %sub3A_2993 = arith.subi %min3A_2992, %while3A_2985 : i32
        %shift_right_arithmetic3A_2994 = arith.constant 3 : i32
        %shift_right_arithmetic3A_2995 = arith.shrsi %sub3A_2993, %shift_right_arithmetic3A_2994 : i32
        %while3A_2996 = arith.constant 0 : i32
        %while3A_2997 = arith.subi %shift_right_arithmetic3A_2995, %while3A_2996 : i32
        %while3A_2998 = arith.addi %while3A_2996, %while3A_2997 : i32
        %while3A_2999 = arith.constant 1 : i32
        %while3A_3000 = arith.divsi %while3A_2997, %while3A_2999 : i32
        %while3A_3001 = arith.muli %while3A_3000, %while3A_2999 : i32
        %while3A_3002 = arith.addi %while3A_2996, %while3A_3001 : i32
        %while3A_3003 = arith.constant 1 : i32
        %while3A_3004:2 = scf.for %while3A_3033 = %while3A_2996 to %while3A_3002 step %while3A_3003 iter_args(%while3A_3034 = %while3A_2983, %while3A_3035 = %while3A_2984) -> (vector<16xf32>, vector<16xf32>)  : i32 {
          %sub3A_3036 = arith.subi %while3A_2985, %min3A_2895 : i32
          %mul3A_3037 = arith.constant 8 : i32
          %mul3A_3038 = arith.muli %mul3A_3037, %while3A_3033 : i32
          %add3A_3039 = arith.addi %sub3A_3036, %mul3A_3038 : i32
          %add3A_3040 = arith.constant 0 : i32
          %add3A_3041 = arith.addi %add3A_3039, %add3A_3040 : i32
          %get3A_3042 = arith.index_cast %add3A_3041 : i32 to index
          %get3A_3043 = arith.constant 0 : index
          %get3A_3044 = tpu.vector_load %arg23[%get3A_3042, %get3A_3043] {strides = array<i32>} : memref<512x32xf32, #tpu.memory_space<vmem>>, vector<16xf32>,
          %add3A_3045 = arith.constant 1 : i32
          %add3A_3046 = arith.addi %add3A_3039, %add3A_3045 : i32
          %get3A_3047 = arith.index_cast %add3A_3046 : i32 to index
          %get3A_3048 = arith.constant 0 : index
          %get3A_3049 = tpu.vector_load %arg23[%get3A_3047, %get3A_3048] {strides = array<i32>} : memref<512x32xf32, #tpu.memory_space<vmem>>, vector<16xf32>,
          %add3A_3050 = arith.constant 2 : i32
          %add3A_3051 = arith.addi %add3A_3039, %add3A_3050 : i32
          %get3A_3052 = arith.index_cast %add3A_3051 : i32 to index
          %get3A_3053 = arith.constant 0 : index
          %get3A_3054 = tpu.vector_load %arg23[%get3A_3052, %get3A_3053] {strides = array<i32>} : memref<512x32xf32, #tpu.memory_space<vmem>>, vector<16xf32>,
          %add3A_3055 = arith.constant 3 : i32
          %add3A_3056 = arith.addi %add3A_3039, %add3A_3055 : i32
          %get3A_3057 = arith.index_cast %add3A_3056 : i32 to index
          %get3A_3058 = arith.constant 0 : index
          %get3A_3059 = tpu.vector_load %arg23[%get3A_3057, %get3A_3058] {strides = array<i32>} : memref<512x32xf32, #tpu.memory_space<vmem>>, vector<16xf32>,
          %add3A_3060 = arith.constant 4 : i32
          %add3A_3061 = arith.addi %add3A_3039, %add3A_3060 : i32
          %get3A_3062 = arith.index_cast %add3A_3061 : i32 to index
          %get3A_3063 = arith.constant 0 : index
          %get3A_3064 = tpu.vector_load %arg23[%get3A_3062, %get3A_3063] {strides = array<i32>} : memref<512x32xf32, #tpu.memory_space<vmem>>, vector<16xf32>,
          %add3A_3065 = arith.constant 5 : i32
          %add3A_3066 = arith.addi %add3A_3039, %add3A_3065 : i32
          %get3A_3067 = arith.index_cast %add3A_3066 : i32 to index
          %get3A_3068 = arith.constant 0 : index
          %get3A_3069 = tpu.vector_load %arg23[%get3A_3067, %get3A_3068] {strides = array<i32>} : memref<512x32xf32, #tpu.memory_space<vmem>>, vector<16xf32>,
          %add3A_3070 = arith.constant 6 : i32
          %add3A_3071 = arith.addi %add3A_3039, %add3A_3070 : i32
          %get3A_3072 = arith.index_cast %add3A_3071 : i32 to index
          %get3A_3073 = arith.constant 0 : index
          %get3A_3074 = tpu.vector_load %arg23[%get3A_3072, %get3A_3073] {strides = array<i32>} : memref<512x32xf32, #tpu.memory_space<vmem>>, vector<16xf32>,
          %add3A_3075 = arith.constant 7 : i32
          %add3A_3076 = arith.addi %add3A_3039, %add3A_3075 : i32
          %get3A_3077 = arith.index_cast %add3A_3076 : i32 to index
          %get3A_3078 = arith.constant 0 : index
          %get3A_3079 = tpu.vector_load %arg23[%get3A_3077, %get3A_3078] {strides = array<i32>} : memref<512x32xf32, #tpu.memory_space<vmem>>, vector<16xf32>,
          %add3A_3080 = arith.constant 0 : i32
          %add3A_3081 = arith.addi %add3A_3039, %add3A_3080 : i32
          %get3A_3082 = arith.index_cast %add3A_3081 : i32 to index
          %get3A_3083 = arith.constant 16 : index
          %get3A_3084 = tpu.vector_load %arg23[%get3A_3082, %get3A_3083] {strides = array<i32>} : memref<512x32xf32, #tpu.memory_space<vmem>>, vector<16xf32>,
          %add3A_3085 = arith.constant 1 : i32
          %add3A_3086 = arith.addi %add3A_3039, %add3A_3085 : i32
          %get3A_3087 = arith.index_cast %add3A_3086 : i32 to index
          %get3A_3088 = arith.constant 16 : index
          %get3A_3089 = tpu.vector_load %arg23[%get3A_3087, %get3A_3088] {strides = array<i32>} : memref<512x32xf32, #tpu.memory_space<vmem>>, vector<16xf32>,
          %add3A_3090 = arith.constant 2 : i32
          %add3A_3091 = arith.addi %add3A_3039, %add3A_3090 : i32
          %get3A_3092 = arith.index_cast %add3A_3091 : i32 to index
          %get3A_3093 = arith.constant 16 : index
          %get3A_3094 = tpu.vector_load %arg23[%get3A_3092, %get3A_3093] {strides = array<i32>} : memref<512x32xf32, #tpu.memory_space<vmem>>, vector<16xf32>,
          %add3A_3095 = arith.constant 3 : i32
          %add3A_3096 = arith.addi %add3A_3039, %add3A_3095 : i32
          %get3A_3097 = arith.index_cast %add3A_3096 : i32 to index
          %get3A_3098 = arith.constant 16 : index
          %get3A_3099 = tpu.vector_load %arg23[%get3A_3097, %get3A_3098] {strides = array<i32>} : memref<512x32xf32, #tpu.memory_space<vmem>>, vector<16xf32>,
          %add3A_3100 = arith.constant 4 : i32
          %add3A_3101 = arith.addi %add3A_3039, %add3A_3100 : i32
          %get3A_3102 = arith.index_cast %add3A_3101 : i32 to index
          %get3A_3103 = arith.constant 16 : index
          %get3A_3104 = tpu.vector_load %arg23[%get3A_3102, %get3A_3103] {strides = array<i32>} : memref<512x32xf32, #tpu.memory_space<vmem>>, vector<16xf32>,
          %add3A_3105 = arith.constant 5 : i32
          %add3A_3106 = arith.addi %add3A_3039, %add3A_3105 : i32
          %get3A_3107 = arith.index_cast %add3A_3106 : i32 to index
          %get3A_3108 = arith.constant 16 : index
          %get3A_3109 = tpu.vector_load %arg23[%get3A_3107, %get3A_3108] {strides = array<i32>} : memref<512x32xf32, #tpu.memory_space<vmem>>, vector<16xf32>,
          %add3A_3110 = arith.constant 6 : i32
          %add3A_3111 = arith.addi %add3A_3039, %add3A_3110 : i32
          %get3A_3112 = arith.index_cast %add3A_3111 : i32 to index
          %get3A_3113 = arith.constant 16 : index
          %get3A_3114 = tpu.vector_load %arg23[%get3A_3112, %get3A_3113] {strides = array<i32>} : memref<512x32xf32, #tpu.memory_space<vmem>>, vector<16xf32>,
          %add3A_3115 = arith.constant 7 : i32
          %add3A_3116 = arith.addi %add3A_3039, %add3A_3115 : i32
          %get3A_3117 = arith.index_cast %add3A_3116 : i32 to index
          %get3A_3118 = arith.constant 16 : index
          %get3A_3119 = tpu.vector_load %arg23[%get3A_3117, %get3A_3118] {strides = array<i32>} : memref<512x32xf32, #tpu.memory_space<vmem>>, vector<16xf32>,
          %max3A_3120 = arith.maximumf %get3A_3044, %get3A_3049 : vector<16xf32>
          %max3A_3121 = arith.maximumf %get3A_3054, %get3A_3059 : vector<16xf32>
          %max3A_3122 = arith.maximumf %max3A_3120, %max3A_3121 : vector<16xf32>
          %max3A_3123 = arith.maximumf %get3A_3064, %get3A_3069 : vector<16xf32>
          %max3A_3124 = arith.maximumf %get3A_3074, %get3A_3079 : vector<16xf32>
          %max3A_3125 = arith.maximumf %max3A_3123, %max3A_3124 : vector<16xf32>
          %max3A_3126 = arith.maximumf %get3A_3084, %get3A_3089 : vector<16xf32>
          %max3A_3127 = arith.maximumf %get3A_3094, %get3A_3099 : vector<16xf32>
          %max3A_3128 = arith.maximumf %max3A_3126, %max3A_3127 : vector<16xf32>
          %max3A_3129 = arith.maximumf %get3A_3104, %get3A_3109 : vector<16xf32>
          %max3A_3130 = arith.maximumf %get3A_3114, %get3A_3119 : vector<16xf32>
          %max3A_3131 = arith.maximumf %max3A_3129, %max3A_3130 : vector<16xf32>
          %max3A_3132 = arith.maximumf %max3A_3122, %max3A_3125 : vector<16xf32>
          %max3A_3133 = arith.maximumf %while3A_3034, %max3A_3132 : vector<16xf32>
          %max3A_3134 = arith.maximumf %max3A_3128, %max3A_3131 : vector<16xf32>
          %max3A_3135 = arith.maximumf %while3A_3035, %max3A_3134 : vector<16xf32>
          scf.yield %max3A_3133, %max3A_3135 : vector<16xf32>, vector<16xf32>
        }
        %while3A_3005 = arith.constant 1 : i32
        %while3A_3006:2 = scf.for %while3A_3033 = %while3A_3002 to %while3A_2998 step %while3A_3005 iter_args(%while3A_3034 = %while3A_3004#0, %while3A_3035 = %while3A_3004#1) -> (vector<16xf32>, vector<16xf32>)  : i32 {
          %sub3A_3036 = arith.subi %while3A_2985, %min3A_2895 : i32
          %mul3A_3037 = arith.constant 8 : i32
          %mul3A_3038 = arith.muli %mul3A_3037, %while3A_3033 : i32
          %add3A_3039 = arith.addi %sub3A_3036, %mul3A_3038 : i32
          %add3A_3040 = arith.constant 0 : i32
          %add3A_3041 = arith.addi %add3A_3039, %add3A_3040 : i32
          %get3A_3042 = arith.index_cast %add3A_3041 : i32 to index
          %get3A_3043 = arith.constant 0 : index
          %get3A_3044 = tpu.vector_load %arg23[%get3A_3042, %get3A_3043] {strides = array<i32>} : memref<512x32xf32, #tpu.memory_space<vmem>>, vector<16xf32>,
          %add3A_3045 = arith.constant 1 : i32
          %add3A_3046 = arith.addi %add3A_3039, %add3A_3045 : i32
          %get3A_3047 = arith.index_cast %add3A_3046 : i32 to index
          %get3A_3048 = arith.constant 0 : index
          %get3A_3049 = tpu.vector_load %arg23[%get3A_3047, %get3A_3048] {strides = array<i32>} : memref<512x32xf32, #tpu.memory_space<vmem>>, vector<16xf32>,
          %add3A_3050 = arith.constant 2 : i32
          %add3A_3051 = arith.addi %add3A_3039, %add3A_3050 : i32
          %get3A_3052 = arith.index_cast %add3A_3051 : i32 to index
          %get3A_3053 = arith.constant 0 : index
          %get3A_3054 = tpu.vector_load %arg23[%get3A_3052, %get3A_3053] {strides = array<i32>} : memref<512x32xf32, #tpu.memory_space<vmem>>, vector<16xf32>,
          %add3A_3055 = arith.constant 3 : i32
          %add3A_3056 = arith.addi %add3A_3039, %add3A_3055 : i32
          %get3A_3057 = arith.index_cast %add3A_3056 : i32 to index
          %get3A_3058 = arith.constant 0 : index
          %get3A_3059 = tpu.vector_load %arg23[%get3A_3057, %get3A_3058] {strides = array<i32>} : memref<512x32xf32, #tpu.memory_space<vmem>>, vector<16xf32>,
          %add3A_3060 = arith.constant 4 : i32
          %add3A_3061 = arith.addi %add3A_3039, %add3A_3060 : i32
          %get3A_3062 = arith.index_cast %add3A_3061 : i32 to index
          %get3A_3063 = arith.constant 0 : index
          %get3A_3064 = tpu.vector_load %arg23[%get3A_3062, %get3A_3063] {strides = array<i32>} : memref<512x32xf32, #tpu.memory_space<vmem>>, vector<16xf32>,
          %add3A_3065 = arith.constant 5 : i32
          %add3A_3066 = arith.addi %add3A_3039, %add3A_3065 : i32
          %get3A_3067 = arith.index_cast %add3A_3066 : i32 to index
          %get3A_3068 = arith.constant 0 : index
          %get3A_3069 = tpu.vector_load %arg23[%get3A_3067, %get3A_3068] {strides = array<i32>} : memref<512x32xf32, #tpu.memory_space<vmem>>, vector<16xf32>,
          %add3A_3070 = arith.constant 6 : i32
          %add3A_3071 = arith.addi %add3A_3039, %add3A_3070 : i32
          %get3A_3072 = arith.index_cast %add3A_3071 : i32 to index
          %get3A_3073 = arith.constant 0 : index
          %get3A_3074 = tpu.vector_load %arg23[%get3A_3072, %get3A_3073] {strides = array<i32>} : memref<512x32xf32, #tpu.memory_space<vmem>>, vector<16xf32>,
          %add3A_3075 = arith.constant 7 : i32
          %add3A_3076 = arith.addi %add3A_3039, %add3A_3075 : i32
          %get3A_3077 = arith.index_cast %add3A_3076 : i32 to index
          %get3A_3078 = arith.constant 0 : index
          %get3A_3079 = tpu.vector_load %arg23[%get3A_3077, %get3A_3078] {strides = array<i32>} : memref<512x32xf32, #tpu.memory_space<vmem>>, vector<16xf32>,
          %add3A_3080 = arith.constant 0 : i32
          %add3A_3081 = arith.addi %add3A_3039, %add3A_3080 : i32
          %get3A_3082 = arith.index_cast %add3A_3081 : i32 to index
          %get3A_3083 = arith.constant 16 : index
          %get3A_3084 = tpu.vector_load %arg23[%get3A_3082, %get3A_3083] {strides = array<i32>} : memref<512x32xf32, #tpu.memory_space<vmem>>, vector<16xf32>,
          %add3A_3085 = arith.constant 1 : i32
          %add3A_3086 = arith.addi %add3A_3039, %add3A_3085 : i32
          %get3A_3087 = arith.index_cast %add3A_3086 : i32 to index
          %get3A_3088 = arith.constant 16 : index
          %get3A_3089 = tpu.vector_load %arg23[%get3A_3087, %get3A_3088] {strides = array<i32>} : memref<512x32xf32, #tpu.memory_space<vmem>>, vector<16xf32>,
          %add3A_3090 = arith.constant 2 : i32
          %add3A_3091 = arith.addi %add3A_3039, %add3A_3090 : i32
          %get3A_3092 = arith.index_cast %add3A_3091 : i32 to index
          %get3A_3093 = arith.constant 16 : index
          %get3A_3094 = tpu.vector_load %arg23[%get3A_3092, %get3A_3093] {strides = array<i32>} : memref<512x32xf32, #tpu.memory_space<vmem>>, vector<16xf32>,
          %add3A_3095 = arith.constant 3 : i32
          %add3A_3096 = arith.addi %add3A_3039, %add3A_3095 : i32
          %get3A_3097 = arith.index_cast %add3A_3096 : i32 to index
          %get3A_3098 = arith.constant 16 : index
          %get3A_3099 = tpu.vector_load %arg23[%get3A_3097, %get3A_3098] {strides = array<i32>} : memref<512x32xf32, #tpu.memory_space<vmem>>, vector<16xf32>,
          %add3A_3100 = arith.constant 4 : i32
          %add3A_3101 = arith.addi %add3A_3039, %add3A_3100 : i32
          %get3A_3102 = arith.index_cast %add3A_3101 : i32 to index
          %get3A_3103 = arith.constant 16 : index
          %get3A_3104 = tpu.vector_load %arg23[%get3A_3102, %get3A_3103] {strides = array<i32>} : memref<512x32xf32, #tpu.memory_space<vmem>>, vector<16xf32>,
          %add3A_3105 = arith.constant 5 : i32
          %add3A_3106 = arith.addi %add3A_3039, %add3A_3105 : i32
          %get3A_3107 = arith.index_cast %add3A_3106 : i32 to index
          %get3A_3108 = arith.constant 16 : index
          %get3A_3109 = tpu.vector_load %arg23[%get3A_3107, %get3A_3108] {strides = array<i32>} : memref<512x32xf32, #tpu.memory_space<vmem>>, vector<16xf32>,
          %add3A_3110 = arith.constant 6 : i32
          %add3A_3111 = arith.addi %add3A_3039, %add3A_3110 : i32
          %get3A_3112 = arith.index_cast %add3A_3111 : i32 to index
          %get3A_3113 = arith.constant 16 : index
          %get3A_3114 = tpu.vector_load %arg23[%get3A_3112, %get3A_3113] {strides = array<i32>} : memref<512x32xf32, #tpu.memory_space<vmem>>, vector<16xf32>,
          %add3A_3115 = arith.constant 7 : i32
          %add3A_3116 = arith.addi %add3A_3039, %add3A_3115 : i32
          %get3A_3117 = arith.index_cast %add3A_3116 : i32 to index
          %get3A_3118 = arith.constant 16 : index
          %get3A_3119 = tpu.vector_load %arg23[%get3A_3117, %get3A_3118] {strides = array<i32>} : memref<512x32xf32, #tpu.memory_space<vmem>>, vector<16xf32>,
          %max3A_3120 = arith.maximumf %get3A_3044, %get3A_3049 : vector<16xf32>
          %max3A_3121 = arith.maximumf %get3A_3054, %get3A_3059 : vector<16xf32>
          %max3A_3122 = arith.maximumf %max3A_3120, %max3A_3121 : vector<16xf32>
          %max3A_3123 = arith.maximumf %get3A_3064, %get3A_3069 : vector<16xf32>
          %max3A_3124 = arith.maximumf %get3A_3074, %get3A_3079 : vector<16xf32>
          %max3A_3125 = arith.maximumf %max3A_3123, %max3A_3124 : vector<16xf32>
          %max3A_3126 = arith.maximumf %get3A_3084, %get3A_3089 : vector<16xf32>
          %max3A_3127 = arith.maximumf %get3A_3094, %get3A_3099 : vector<16xf32>
          %max3A_3128 = arith.maximumf %max3A_3126, %max3A_3127 : vector<16xf32>
          %max3A_3129 = arith.maximumf %get3A_3104, %get3A_3109 : vector<16xf32>
          %max3A_3130 = arith.maximumf %get3A_3114, %get3A_3119 : vector<16xf32>
          %max3A_3131 = arith.maximumf %max3A_3129, %max3A_3130 : vector<16xf32>
          %max3A_3132 = arith.maximumf %max3A_3122, %max3A_3125 : vector<16xf32>
          %max3A_3133 = arith.maximumf %while3A_3034, %max3A_3132 : vector<16xf32>
          %max3A_3134 = arith.maximumf %max3A_3128, %max3A_3131 : vector<16xf32>
          %max3A_3135 = arith.maximumf %while3A_3035, %max3A_3134 : vector<16xf32>
          scf.yield %max3A_3133, %max3A_3135 : vector<16xf32>, vector<16xf32>
        }
        %mul3A_3007 = arith.constant 8 : i32
        %mul3A_3008 = arith.muli %mul3A_3007, %shift_right_arithmetic3A_2995 : i32
        %add3A_3009 = arith.addi %while3A_2985, %mul3A_3008 : i32
        %while3A_3010 = arith.subi %min3A_2992, %add3A_3009 : i32
        %while3A_3011 = arith.addi %add3A_3009, %while3A_3010 : i32
        %while3A_3012 = arith.constant 1 : i32
        %while3A_3013 = arith.divsi %while3A_3010, %while3A_3012 : i32
        %while3A_3014 = arith.muli %while3A_3013, %while3A_3012 : i32
        %while3A_3015 = arith.addi %add3A_3009, %while3A_3014 : i32
        %while3A_3016 = arith.constant 1 : i32
        %while3A_3017:2 = scf.for %while3A_3033 = %add3A_3009 to %while3A_3015 step %while3A_3016 iter_args(%while3A_3034 = %while3A_3006#0, %while3A_3035 = %while3A_3006#1) -> (vector<16xf32>, vector<16xf32>)  : i32 {
          %sub3A_3036 = arith.subi %while3A_3033, %min3A_2895 : i32
          %get3A_3037 = arith.index_cast %sub3A_3036 : i32 to index
          %get3A_3038 = arith.constant 0 : index
          %get3A_3039 = tpu.vector_load %arg23[%get3A_3037, %get3A_3038] {strides = array<i32>} : memref<512x32xf32, #tpu.memory_space<vmem>>, vector<16xf32>,
          %max3A_3040 = arith.maximumf %while3A_3034, %get3A_3039 : vector<16xf32>
          %get3A_3041 = arith.index_cast %sub3A_3036 : i32 to index
          %get3A_3042 = arith.constant 16 : index
          %get3A_3043 = tpu.vector_load %arg23[%get3A_3041, %get3A_3042] {strides = array<i32>} : memref<512x32xf32, #tpu.memory_space<vmem>>, vector<16xf32>,
          %max3A_3044 = arith.maximumf %while3A_3035, %get3A_3043 : vector<16xf32>
          scf.yield %max3A_3040, %max3A_3044 : vector<16xf32>, vector<16xf32>
        }
        %while3A_3018 = arith.constant 1 : i32
        %while3A_3019:2 = scf.for %while3A_3033 = %while3A_3015 to %while3A_3011 step %while3A_3018 iter_args(%while3A_3034 = %while3A_3017#0, %while3A_3035 = %while3A_3017#1) -> (vector<16xf32>, vector<16xf32>)  : i32 {
          %sub3A_3036 = arith.subi %while3A_3033, %min3A_2895 : i32
          %get3A_3037 = arith.index_cast %sub3A_3036 : i32 to index
          %get3A_3038 = arith.constant 0 : index
          %get3A_3039 = tpu.vector_load %arg23[%get3A_3037, %get3A_3038] {strides = array<i32>} : memref<512x32xf32, #tpu.memory_space<vmem>>, vector<16xf32>,
          %max3A_3040 = arith.maximumf %while3A_3034, %get3A_3039 : vector<16xf32>
          %get3A_3041 = arith.index_cast %sub3A_3036 : i32 to index
          %get3A_3042 = arith.constant 16 : index
          %get3A_3043 = tpu.vector_load %arg23[%get3A_3041, %get3A_3042] {strides = array<i32>} : memref<512x32xf32, #tpu.memory_space<vmem>>, vector<16xf32>,
          %max3A_3044 = arith.maximumf %while3A_3035, %get3A_3043 : vector<16xf32>
          scf.yield %max3A_3040, %max3A_3044 : vector<16xf32>, vector<16xf32>
        }
        %le3A_3020 = arith.cmpi sle, %squeeze3A_2991, %min3A_2901 : i32
        %swap3A_3021 = arith.index_cast %while3A_2982 : i32 to index
        %swap3A_3022 = arith.constant 0 : index
        %swap3A_3023 = tpu.vector_load %arg24[%swap3A_3021, %swap3A_3022] {strides = array<i32>} : memref<72x32xf32, #tpu.memory_space<vmem>>, vector<16xf32>,
        tpu.vector_store %arg24[%swap3A_3021, %swap3A_3022], %while3A_3019#0 {strides = array<i32>} : memref<72x32xf32, #tpu.memory_space<vmem>>, vector<16xf32>,
        %swap3A_3024 = arith.index_cast %while3A_2982 : i32 to index
        %swap3A_3025 = arith.constant 16 : index
        %swap3A_3026 = tpu.vector_load %arg24[%swap3A_3024, %swap3A_3025] {strides = array<i32>} : memref<72x32xf32, #tpu.memory_space<vmem>>, vector<16xf32>,
        tpu.vector_store %arg24[%swap3A_3024, %swap3A_3025], %while3A_3019#1 {strides = array<i32>} : memref<72x32xf32, #tpu.memory_space<vmem>>, vector<16xf32>,
        %add3A_3027 = arith.constant 1 : i32
        %add3A_3028 = arith.addi %while3A_2982, %add3A_3027 : i32
        %select_n3A_3029 = arith.select %le3A_3020, %add3A_3028, %while3A_2982 : i32
        %broadcast_in_dim3A_3030 = vector.broadcast %le3A_3020 : i1 to vector<16xi1>
        %select_n3A_3031 = arith.select %broadcast_in_dim3A_3030, %broadcast_in_dim3A_2166, %while3A_3019#0 : vector<16xi1>, vector<16xf32>
        %select_n3A_3032 = arith.select %broadcast_in_dim3A_3030, %broadcast_in_dim3A_2166, %while3A_3019#1 : vector<16xi1>, vector<16xf32>
        scf.yield %select_n3A_3029, %select_n3A_3031, %select_n3A_3032, %min3A_2992 : i32, vector<16xf32>, vector<16xf32>, i32
      }
      scf.yield %while3A_2980#0, %while3A_2980#1, %while3A_2980#2 : i32, vector<16xf32>, vector<16xf32>
    }
    %dma_wait3A_2752 = arith.constant 0 : i32
    %dma_wait3A_2753 = arith.constant 96 : i32
    %dma_wait3A_2754 = tpu.memref_slice %arg2[%dma_wait3A_2752, %dma_wait3A_2753] : memref<100000x128xf32, #tpu.memory_space<hbm>> -> memref<512x32xf32, #tpu.memory_space<hbm>>
    %dma_wait3A_2755 = arith.constant 0 : i32
    %dma_wait3A_2756 = arith.constant 96 : i32
    %dma_wait3A_2757 = tpu.memref_slice %arg2[%dma_wait3A_2755, %dma_wait3A_2756] : memref<100000x128xf32, #tpu.memory_space<hbm>> -> memref<512x32xf32, #tpu.memory_space<hbm>>
    tpu.wait_dma2 semaphore(%arg25 : memref<!tpu.dma_semaphore, #tpu.memory_space<semaphore_mem>>) src(%dma_wait3A_2757 : memref<512x32xf32, #tpu.memory_space<hbm>>) dst(%arg22 : memref<512x32xf32, #tpu.memory_space<vmem>>)
    "tpu.region"() ({
      %run_scoped3A = tpu.sem_alloc : memref<!tpu.dma_semaphore, #tpu.memory_space<semaphore_mem>>
      %dma_start3A_2758 = arith.constant 0 : i32
      %dma_start3A_2759 = arith.constant 0 : i32
      %dma_start3A_2760 = tpu.memref_slice %arg24[%dma_start3A_2758, %dma_start3A_2759] : memref<72x32xf32, #tpu.memory_space<vmem>> -> memref<64x32xf32, #tpu.memory_space<vmem>>
      %dma_start3A_2761 = arith.constant 0 : i32
      %dma_start3A_2762 = tpu.memref_slice %arg5[%mul3A_2, %dma_start3A_2761] : memref<2048x32xf32, #tpu.memory_space<hbm>> -> memref<64x32xf32, #tpu.memory_space<hbm>>
      %dma_start3A_2763 = arith.constant 0 : i32
      %dma_start3A_2764 = tpu.memref_slice %arg5[%mul3A_2, %dma_start3A_2763] : memref<2048x32xf32, #tpu.memory_space<hbm>> -> memref<64x32xf32, #tpu.memory_space<hbm>>
      %dma_start3A_2765 = arith.constant 0 : i32
      %dma_start3A_2766 = arith.constant 0 : i32
      %dma_start3A_2767 = tpu.memref_slice %arg24[%dma_start3A_2765, %dma_start3A_2766] : memref<72x32xf32, #tpu.memory_space<vmem>> -> memref<64x32xf32, #tpu.memory_space<vmem>>
      tpu.enqueue_dma source(%dma_start3A_2767 : memref<64x32xf32, #tpu.memory_space<vmem>>) target(%dma_start3A_2764 : memref<64x32xf32, #tpu.memory_space<hbm>>) target_semaphore(%run_scoped3A : memref<!tpu.dma_semaphore, #tpu.memory_space<semaphore_mem>>)
      %dma_wait3A_2768 = arith.constant 0 : i32
      %dma_wait3A_2769 = arith.constant 0 : i32
      %dma_wait3A_2770 = tpu.memref_slice %arg24[%dma_wait3A_2768, %dma_wait3A_2769] : memref<72x32xf32, #tpu.memory_space<vmem>> -> memref<64x32xf32, #tpu.memory_space<vmem>>
      %dma_wait3A_2771 = arith.constant 0 : i32
      %dma_wait3A_2772 = tpu.memref_slice %arg5[%mul3A_2, %dma_wait3A_2771] : memref<2048x32xf32, #tpu.memory_space<hbm>> -> memref<64x32xf32, #tpu.memory_space<hbm>>
      %dma_wait3A_2773 = arith.constant 0 : i32
      %dma_wait3A_2774 = tpu.memref_slice %arg5[%mul3A_2, %dma_wait3A_2773] : memref<2048x32xf32, #tpu.memory_space<hbm>> -> memref<64x32xf32, #tpu.memory_space<hbm>>
      %dma_wait3A_2775 = arith.constant 0 : i32
      %dma_wait3A_2776 = arith.constant 0 : i32
      %dma_wait3A_2777 = tpu.memref_slice %arg24[%dma_wait3A_2775, %dma_wait3A_2776] : memref<72x32xf32, #tpu.memory_space<vmem>> -> memref<64x32xf32, #tpu.memory_space<vmem>>
      tpu.wait_dma2 semaphore(%run_scoped3A : memref<!tpu.dma_semaphore, #tpu.memory_space<semaphore_mem>>) src(%dma_wait3A_2777 : memref<64x32xf32, #tpu.memory_space<vmem>>) dst(%dma_wait3A_2774 : memref<64x32xf32, #tpu.memory_space<hbm>>)
      tpu.yield
    }) : () -> ()
    return
  }
}

</mosaic_0001>

<sc_bundles>
// kernel: _sc_segmax.3.cloned.1.call-start
scs
__scs_entry_jumppad:
0x0: {  	(pc) =	sbr.rel $0x88, $3  }
0x1: {  	(tag) =	ssettag $0x0;
	lr =	simm.s32 $0x1  }
0x2: {  	[smem:$0x3F9E] =	sst lr;
	_ =	strace $0xD0000000  }
0x3: {  	_ = 	snop  }
0x4: {  	_ = 	snop  }
0x5: {  	_ = 	snop  }
0x6: {  	_ = 	snop  }
0x7: {  	_ = 	snop  }
__scs_overlays_trampoline_lowered:
0x8: {  	[smem:$0x3FAD] =	sst s0  }
0x9: {  	[smem:$0x3FAE] =	sst s1  }
0xa: {  	[smem:$0x3FAF] =	sst s2  }
0xb: {  	[smem:$0x3FB0] =	sst s3  }
0xc: {  	[smem:$0x3FB1] =	sst s4  }
0xd: {  	[smem:$0x3FB2] =	sst s5  }
0xe: {  	[smem:$0x3FB3] =	sst s6  }
0xf: {  	[smem:$0x3FB4] =	sst s7  }
0x10: {  	[smem:$0x3FB5] =	sst s8  }
0x11: {  	[smem:$0x3FB6] =	sst s9;
	s0 =	simm.s32 @!p0 $0x0  }
0x12: {  	s1 =	sld [smem:$0x3F9C];
	s0 =	simm.s32 @p0 $0x1  }
0x13: {  	[smem:$0x3FB7] =	sst s0;
	s0 =	simm.s32 @!p1 $0x0  }
0x14: {  	s2 =	sld [smem:$0x3F9B];
	s0 =	simm.s32 @p1 $0x1  }
0x15: {  	[smem:$0x3FB8] =	sst s0;
	s0 =	simm.s32 @!p2 $0x0  }
0x16: {  	s3 =	sld [smem:$0x3FDB];
	s0 =	simm.s32 @p2 $0x1  }
0x17: {  	s4 =	simm.s32 $0x1BF5;
	[smem:$0x3FBA] =	sst s0  }
0x18: {  	s0 =	sld [smem:$0x3F9D];
	_ =	swait.ge [sflag:s4], $0x0  }
0x19: {  	s7 =	sld [smem:$0x3F9E]  }
0x1a: {  	s8 =	sadd.s32 $0xFFFFE003, lr  }
0x1b: {  	s9 =	sadd.s32 $0xFFFFFEF7, lr;
	s5 =	simm.s32 $0xFFFFFFFF;
	p2 =	slt.u32 s8, $0xFFFFF086  }
0x1c: {  	p1 =	slt.u32 s9, $0xF7A;
	s5 =	simm.s32 @!p2 $0x0  }
0x1d: {  	s5 =	simm.s32 @p1 $0x1;
	p0 =	seq.s32 s7, s2  }
0x1e: {  	s7 =	smul.u32 @!p0 $0xF7A, s2;
	p2 =	seq.s32 @!p0 s5, $0x0  }
0x1f: {  	s9 =	smul.u32 $0xF7A, s1;
	s8 =	simm.s32 @!p0 $0x1BF5;
	p2 =	por !p2, p0  }
0x20: {  	[sflag:s8] =	ssyncset.s32 @!p0 $0xFFFFF086;
	s6 =	sadd.s32 @!p0 s3, s7;
	s7 =	simm.s32 @!p0 $0x108  }
0x21: {  	s3 =	sadd.s32 s3, s9;
	s6 =	sadd.s32 @!p0 $0x88, s6;
	s7 =	simm.s32 @p2 $0x1082  }
0x22: {  	[simem:s7], [sflag:s8] =	dma.local @!p0 [hbm:s6], $0xF7A  }
0x23: {  	s9 =	sor.u32 $0xD0000000, s2;
	s6 =	simm.s32 $0x108;
	_ =	swait.ge @!p0 [sflag:s8], $0x0  }
0x24: {  	s3 =	sadd.s32 $0x88, s3;
	s6 =	simm.s32 @!p1 $0x1082;
	[sflag:s4] =	ssyncset.s32 $0xFFFFF086  }
0x25: {  	[simem:s6], [sflag:s4] =	dma.local [hbm:s3], $0xF7A  }
0x26: {  	[smem:$0x3F9E] =	sst s1;
	(tag) =	ssettag s2;
	_ =	strace s9  }
0x27: {  	s1 =	sld [smem:$0x3FAE]  }
0x28: {  	s2 =	sld [smem:$0x3FAF]  }
0x29: {  	s4 =	sld [smem:$0x3FB1]  }
0x2a: {  	p0 =	seq.s32 s5, $0x0;
	s5 =	sld [smem:$0x3FB2]  }
0x2b: {  	s6 =	sld [smem:$0x3FB3]  }
0x2c: {  	s7 =	sld [smem:$0x3FB4]  }
0x2d: {  	s3 =	simm.s32 $0x108;
	s8 =	sld [smem:$0x3FB5]  }
0x2e: {  	s3 =	simm.s32 @!p0 $0x1082;
	s9 =	sld [smem:$0x3FB6]  }
0x2f: {  	lr =	sadd.s32 s0, s3;
	s0 =	sld [smem:$0x3FAD]  }
0x30: {  	s3 =	sld [smem:$0x3FB0]  }
0x31: {  	[smem:$0x3FB9] =	sst s10  }
0x32: {  	s10 =	sld [smem:$0x3FB7];
	_ =	sdelay $0x3  }
0x33: {  	p0 =	seq.s32 s10, $0x1;
	s10 =	sld [smem:$0x3FB9];
	_ =	sdelay $0x3  }
0x34: {  	[smem:$0x3FB9] =	sst s10  }
0x35: {  	s10 =	sld [smem:$0x3FB8];
	_ =	sdelay $0x3  }
0x36: {  	p1 =	seq.s32 s10, $0x1;
	s10 =	sld [smem:$0x3FB9];
	_ =	sdelay $0x3  }
0x37: {  	[smem:$0x3FB9] =	sst s10  }
0x38: {  	s10 =	sld [smem:$0x3FBA]  }
0x39: {  	_ = 	snop;
	(pc) =	sbr.ind lr, $3  }
0x3a: {  	_ = 	snop  }
0x3b: {  	_ = 	snop  }
0x3c: {  	p2 =	seq.s32 s10, $0x1;
	s10 =	sld [smem:$0x3FB9]  }
0x3d: {  	_ =	shalt  }
0x3e: {  	_ =	shalt  }
0x3f: {  	_ =	shalt  }
0x40: {  	_ =	shalt  }
0x41: {  	_ =	shalt  }
0x42: {  	_ =	shalt  }
0x43: {  	_ =	shalt  }
0x44: {  	_ =	shalt  }
0x45: {  	_ =	shalt  }
0x46: {  	_ =	shalt  }
0x47: {  	_ =	shalt  }
0x48: {  	_ =	shalt  }
0x49: {  	_ =	shalt  }
0x4a: {  	_ =	shalt  }
0x4b: {  	_ =	shalt  }
0x4c: {  	_ =	shalt  }
0x4d: {  	_ =	shalt  }
0x4e: {  	_ =	shalt  }
0x4f: {  	_ =	shalt  }
0x50: {  	_ =	shalt  }
0x51: {  	_ =	shalt  }
0x52: {  	_ =	shalt  }
0x53: {  	_ =	shalt  }
0x54: {  	_ =	shalt  }
0x55: {  	_ =	shalt  }
0x56: {  	_ =	shalt  }
0x57: {  	_ =	shalt  }
0x58: {  	_ =	shalt  }
0x59: {  	_ =	shalt  }
0x5a: {  	_ =	shalt  }
0x5b: {  	_ =	shalt  }
0x5c: {  	_ =	shalt  }
0x5d: {  	_ =	shalt  }
0x5e: {  	_ =	shalt  }
0x5f: {  	_ =	shalt  }
0x60: {  	_ =	shalt  }
0x61: {  	_ =	shalt  }
0x62: {  	_ =	shalt  }
0x63: {  	_ =	shalt  }
0x64: {  	_ =	shalt  }
0x65: {  	_ =	shalt  }
0x66: {  	_ =	shalt  }
0x67: {  	_ =	shalt  }
0x68: {  	_ =	shalt  }
0x69: {  	_ =	shalt  }
0x6a: {  	_ =	shalt  }
0x6b: {  	_ =	shalt  }
0x6c: {  	_ =	shalt  }
0x6d: {  	_ =	shalt  }
0x6e: {  	_ =	shalt  }
0x6f: {  	_ =	shalt  }
0x70: {  	_ =	shalt  }
0x71: {  	_ =	shalt  }
0x72: {  	_ =	shalt  }
0x73: {  	_ =	shalt  }
0x74: {  	_ =	shalt  }
0x75: {  	_ =	shalt  }
0x76: {  	_ =	shalt  }
0x77: {  	_ =	shalt  }
0x78: {  	_ =	shalt  }
0x79: {  	_ =	shalt  }
0x7a: {  	_ =	shalt  }
0x7b: {  	_ =	shalt  }
0x7c: {  	_ =	shalt  }
0x7d: {  	_ =	shalt  }
0x7e: {  	_ =	shalt  }
0x7f: {  	_ =	shalt  }
0x80: {  	_ =	shalt  }
0x81: {  	_ =	shalt  }
0x82: {  	_ =	shalt  }
0x83: {  	_ =	shalt  }
0x84: {  	_ =	shalt  }
0x85: {  	_ =	shalt  }
0x86: {  	_ =	shalt  }
0x87: {  	_ =	shalt  }
.Lfunc_end0:
.L_simem_size_0:
called_computation_lowered:
.L_overlay_start_0:
0x88: {  	s2 =	sld [smem:$0x3FD9]  }
0x89: {  	s3 =	sld [smem:$0x3FFE];
	_ =	sdelay $0x1  }
0x8a: {  	s1 =	srdreg.scid  }
0x8b: {  	s0 =	sand.u32 $0x1, s1  }
0x8c: {  	s18 =	sshll.u32 s0, $0xA;
	s2 =	sadd.s32 s3, s2  }
0x8d: {  	s2 =	sadd.s32 s2, s18  }
0x8e: {  	[smem:$0x3FC5] =	sst s2  }
0x8f: {  	_ = 	snop  }
0x90: {  	s2 =	sld [smem:$0x3FC9]  }
0x91: {  	s19 =	sld [smem:$0x3FC8]  }
0x92: {  	s4 =	sld [smem:$0x3FC7]  }
0x93: {  	s5 =	sld [smem:$0x3FD0];
	(tm) =	ssettm $0x1  }
0x94: {  	s6 =	sld [smem:$0x3FFB];
	_ =	sdelay $0x3  }
0x95: {  	_ =	strace s6  }
0x96: {  	s6 =	sld [smem:$0x3FFC];
	_ =	sdelay $0x3  }
0x97: {  	_ =	strace s6  }
0x98: {  	s6 =	sld [smem:$0x3FFD];
	_ =	sdelay $0x3  }
0x99: {  	_ =	strace s6  }
0x9a: {  	_ =	strace $0x8FFFFFFF  }
0x9b: {  	s20 =	sld [smem:$0x3FDB];
	_ =	sdelay $0x1  }
0x9c: {  	s7 =	simm.s32 $_scs_section_size  }
0x9d: {  	s8 =	simm.s32 $_size__tile_overlayer_lowered;
	s9 =	simm.s32 $_tile_overlayer_lowered  }
0x9e: {  	s23 =	simm.s32 $0x1BFF;
	s22 =	sshll.u32 s9, $0x1;
	s6 =	sadd.s32 s7, s20  }
0x9f: {  	s10 =	simm.s32 $0x0;
	s21 =	sshll.u32 s8, $0x1;
	s8 =	sadd.s32 s22, s6  }
0xa0: {  	[timem:s10], [sflag:s23] =	dma.local [hbm:s8], s21  }
0xa1: {  	_ =	swait.ge [sflag:s23], s21  }
0xa2: {  	s7 =	ssub.s32 $0x0, s21;
	[sflag:s23] =	ssyncset.done $0x0  }
0xa3: {  	[sflag:s23] =	ssyncadd.s32 s7;
	_ =	sdelay $0x1  }
0xa4: {  	s24 =	simm.s32 $0x1B8B  }
0xa5: {  	_ =	swait.ge [sflag:s24], $0x1  }
0xa6: {  	[sflag:s24] =	ssyncset.done $0x0  }
0xa7: {  	s25 =	simm.s32 $0x1B8E;
	[sflag:s24] =	ssyncadd.s32 $0xFFFFFFFF  }
0xa8: {  	s26 =	simm.s32 $execute0_lowered;
	[smem:$0x3FD2] =	sst s25  }
0xa9: {  	s7 =	sshll.u32 s26, $0x1;
	_ =	strace $0x80000046;
	[dreg:$0x1] =	wrdreg $0xFFFFFFFF  }
0xaa: {  	s28 =	simm.s32 $_size_execute0_lowered;
	s6 =	sadd.s32 s6, s7;
	[dreg:$0x0] =	wrdreg $0x0  }
0xab: {  	s7 =	sshll.u32 s28, $0x1;
	[dreg:$0x2] =	wrdreg s6  }
0xac: {  	[dreg:$0x3] =	wrdreg s7  }
0xad: {  	[dreg:$0x4] =	wrdreg $0xC0  }
0xae: {  	_ =	task [dreg:s10], $0x5FFFF  }
0xaf: {  	[dreg:$0x1] =	wrdreg $0xFFFFFFFF  }
0xb0: {  	[dreg:$0x0] =	wrdreg $0x60  }
0xb1: {  	[dreg:$0x2] =	wrdreg s2  }
0xb2: {  	[dreg:$0x3] =	wrdreg s19  }
0xb3: {  	[dreg:$0x4] =	wrdreg s4  }
0xb4: {  	[dreg:$0x5] =	wrdreg s5  }
0xb5: {  	[dreg:$0x6] =	wrdreg $0x9  }
0xb6: {  	_ =	task.clear_ibuf [dreg:s10], $0x7FFFF;
	_ =	strace $0x90000046  }
0xb7: {  	s29 =	simm.s32 $0x9;
	_ =	strace $0x80000048  }
0xb8: {  	_ =	swait.ge [sflag:s29], $0x1  }
0xb9: {  	[sflag:s29] =	ssyncadd.s32 $0xFFFFFFFF  }
0xba: {  	_ =	strace $0x90000048  }
0xbb: {  	_ =	sfence  }
0xbc: {  	s30 =	sld [smem:$0x0];
	_ =	sdelay $0x2  }
0xbd: {  	s31 =	sshll.u32 s1, $0xD;
	s1 =	sshrl.u32 s1, $0x2  }
0xbe: {  	s3 =	sand.u32 $0x4000, s31;
	s1 =	sadd.s32 s1, s30  }
0xbf: {  	s0 =	sor.u32 s3, s0;
	s1 =	sshll.u32 s1, $0x11  }
0xc0: {  	s0 =	sor.u32 s1, s0  }
0xc1: {  	s0 =	sadd.s32 $0x8F2B, s0  }
0xc2: {  	[sflag:s0] =	ssyncadd.remote.s32 $0x1  }
0xc3: {  	_ =	sfence.sel $0xFFFF  }
0xc4: {  	[dreg:$0x0] =	wrdreg $0xFFFFFFFF;
	(pc) =	sbr.abs _section_cstart, $3  }
0xc5: {  	[dreg:$0x1] =	wrdreg $0xFFFFFFFF  }
0xc6: {  	_ =	task.clear_ibuf [dreg:s10], $0x2FFFF;
	_ =	strace $0x9FFFFFFF  }
0xc7: {  	(tm) =	ssettm $0x7FFFFFFF  }
tec
execute0_lowered:
.L_overlay_start_1:
0x0: {  	(tag) =	ssettag $0x1  }
0x1: {  	s0 =	rddreg [dreg:$0x0]  }
0x2: {  	s1 =	rddreg [dreg:$0x3];
	s2 =	srdreg.scid  }
0x3: {  	s12 =	simm.s32 $0x0;
	s5 =	stileid.u32;
	s10 =	simm.s32 $0x60  }
0x4: {  	s24 =	simm.s32 $0x1;
	s28 =	simm.s32 $0x3680;
	s29 =	simm.s32 $0x7680  }
0x5: {  	s30 =	simm.s32 $0x2;
	s2 =	sand.u32 $0x1, s2;
	[smem:$0x7FF] =	sst s12  }
0x6: {  	s5 =	sshll.u32 s5, $0x7;
	s3 =	ssub.s32 $0x2, s2;
	s2 =	sshll.u32 s2, $0x6  }
0x7: {  	_ =	strace $0x80000047;
	s4 =	sshrl.u32 s3, $0x1;
	s2 =	sor.u32 s2, s5  }
0x8: {  	s5 =	sadd.s32 $0xC, s0;
	s0 =	simm.s32 $0x0;
	s3 =	ssub.s32 s3, s4  }
.Ltmp0:
0x9: {  	s25 =	sor.u32 $0x10, s2;
	s6 =	sor.u32 $0x20, s2;
	(pc) =	sbr.rel .LBB2_1-.Ltmp0, $4  }
0xa: {  	v0 =	vlaneseq.u32;
	v7 =	vimm.s32 $0x186A;
	v8 =	vimm.s32 $0x0;
	s7 =	sor.u32 $0x30, s2;
	s9 =	sadd.s32 $0x40, s2;
	s8 =	sshll.u32 s2, $0x2  }
0xb: {  	v9 =	vimm.s32 $0xC35;
	v10 =	vimm.s32 $0x7;
	v11 =	vimm.f32 $-Inf;
	s11 =	sadd.s32 $0x50, s2;
	s26 =	sadd.s32 s1, s8;
	s31 =	smax.u32 s3, $0x1  }
0xc: {  	v1 =	vor.u32 s2, v0;
	s8 =	simm.s32 $0x5A0;
	s3 =	simm.s32 $0x3;
	v2 =	vor.u32 s25, v0;
	v3 =	vor.u32 s6, v0;
	[dreg:$0x5] =	wrdreg s26  }
0xd: {  	v4 =	vor.u32 s7, v0;
	v5 =	vor.u32 s9, v0;
	s25 =	simm.s32 $0x20;
	v6 =	vor.u32 s11, v0;
	[dreg:$0x6] =	wrdreg s31;
	s26 =	simm.s32 $0x80  }
.LBB2_27:
0xe: {  	_ =	swait.ge [sflag:s24], $0x4000  }
0xf: {  	s12 =	simm.s32 $0x0;
	s2 =	simm.s32 $0xB680;
	[sflag:s24] =	ssyncset.done $0x0  }
0x10: {  	s3 =	simm.s32 $0x3;
	s1 =	rddreg [dreg:$0x5];
	[sflag:s24] =	ssyncadd.s32 $0xFFFFC000  }
0x11: {  	[hbm4b:s1+s12] =	stream.linear.scatter [tilespmem:s2], [sflag:$0x3], $0x800, $0x38;
	[tilespmem:$0xBF80] =	vst v63  }
0x12: {  	_ =	swait.ge [sflag:s3], $0x800  }
0x13: {  	s0 =	sadd.s32 $0x1, s0;
	s31 =	rddreg [dreg:$0x6]  }
0x14: {  	p0 =	sne.s32 s0, s31  }
.Ltmp1:
0x15: {  	_ = 	snop;
	(pc) =	sbr.rel @!p0 .LBB2_28-.Ltmp1, $3  }
0x16: {  	_ =	sdelay $0x1  }
0x17: {  	[sflag:s3] =	ssyncset.done $0x0  }
0x18: {  	[sflag:s3] =	ssyncadd.s32 $0xFFFFF800  }
.LBB2_1:
0x19: {  	s1 =	rddreg [dreg:$0x2]  }
0x1a: {  	[tilespmem:s8], [sflag:$0x3] =	stream.linear.gather [hbm4b:s1+s12], $0x30E0, $0x38;
	[tilespmem:$0xBF80] =	vst v63  }
0x1b: {  	_ =	swait.ge [sflag:s3], $0x30E0  }
0x1c: {  	[sflag:s3] =	ssyncset.done $0x0  }
0x1d: {  	[sflag:s3] =	ssyncadd.s32 $0xFFFFCF20  }
0x1e: {  	v12 =	vld.idx.msk [tilespmem:v7+s8+$0x0], $0xffff;
	_ =	sdelay $0x4  }
0x1f: {  	vm0 =	vlt.s32 v12, v1  }
0x20: {  	vm1 =	vlt.s32 v12, v2;
	v13 =	vsel vm0, $0x249F, v9  }
0x21: {  	vm2 =	vlt.s32 v12, v3;
	v14 =	vsel vm1, $0x249F, v9  }
0x22: {  	vm3 =	vlt.s32 v12, v4;
	v15 =	vsel vm2, $0x249F, v9  }
0x23: {  	vm12 =	vlt.s32 v12, v5;
	v17 =	vsel vm3, $0x249F, v9  }
0x24: {  	v53 =	vsel vm12, $0x249F, v9  }
0x25: {  	v16 =	vld.idx.msk [tilespmem:v13+s8+$0x0], $0xffff  }
0x26: {  	v21 =	vld.idx.msk [tilespmem:v14+s8+$0x0], $0xffff  }
0x27: {  	vm14 =	vlt.s32 v12, v6;
	v18 =	vsel vm0, $0x186B, v8;
	v19 =	vsel vm0, $0x30D4, v7;
	v25 =	vld.idx.msk [tilespmem:v15+s8+$0x0], $0xffff  }
0x28: {  	v20 =	vsel vm1, $0x186B, v8;
	v22 =	vsel vm1, $0x30D4, v7;
	v23 =	vsel vm2, $0x186B, v8;
	v29 =	vld.idx.msk [tilespmem:v17+s8+$0x0], $0xffff  }
0x29: {  	v24 =	vsel vm2, $0x30D4, v7;
	v26 =	vsel vm3, $0x186B, v8;
	v27 =	vsel vm3, $0x30D4, v7;
	v59 =	vld.idx.msk [tilespmem:v53+s8+$0x0], $0xffff  }
0x2a: {  	v28 =	vsel vm12, $0x186B, v8;
	v30 =	vsel vm12, $0x30D4, v7;
	v56 =	vsel vm14, $0x249F, v9  }
0x2b: {  	v49 =	vadd.s32 $0x1, v13;
	v51 =	vadd.s32 $0x1, v14;
	v52 =	vadd.s32 $0x1, v15  }
0x2c: {  	v55 =	vadd.s32 $0x1, v17;
	v32 =	vadd.s32 $0x1, v53;
	vm13 =	vlt.s32 v16, v1  }
0x2d: {  	vm15 =	vlt.s32 v21, v2;
	vm6 =	vlt.s32 v25, v3;
	vm7 =	vlt.s32 v29, v4  }
0x2e: {  	vm8 =	vlt.s32 v59, v5;
	v50 =	vsel vm13, v49, v18;
	v13 =	vsel vm13, v19, v13  }
0x2f: {  	v16 =	vsel vm15, v51, v20;
	v14 =	vsel vm15, v22, v14;
	v18 =	vsel vm6, v52, v23  }
0x30: {  	v15 =	vsel vm6, v24, v15;
	v21 =	vsel vm7, v55, v26;
	v17 =	vsel vm7, v27, v17  }
0x31: {  	v19 =	vsel vm8, v30, v53;
	v28 =	vsel vm8, v32, v28;
	v54 =	vadd.s32 $0xFFFFFFFF, v13  }
0x32: {  	v58 =	vadd.s32 $0xFFFFFFFF, v14;
	v61 =	vadd.s32 $0xFFFFFFFF, v15;
	v39 =	vadd.s32 $0xFFFFFFFF, v19  }
0x33: {  	v57 =	vxor.u32 v54, v50;
	v20 =	vor.u32 v54, v50;
	v60 =	vxor.u32 v58, v16  }
0x34: {  	v24 =	vor.u32 v58, v16;
	v33 =	vxor.u32 v39, v28;
	v23 =	vshrl.u32 v57, $0x1  }
0x35: {  	v63 =	vld.idx.msk [tilespmem:v56+s8+$0x0], $0xffff;
	v32 =	vor.u32 v39, v28;
	v33 =	vshrl.u32 v33, $0x1;
	v20 =	vsub.s32 v20, v23  }
0x36: {  	v62 =	vxor.u32 v61, v18;
	v23 =	vshrl.u32 v60, $0x1;
	v32 =	vsub.s32 v32, v33  }
0x37: {  	v26 =	vor.u32 v61, v18;
	v23 =	vsub.s32 v24, v23;
	v24 =	vshrl.u32 v62, $0x1  }
0x38: {  	v34 =	vadd.s32 $0xFFFFFFFF, v17;
	v24 =	vsub.s32 v26, v24  }
0x39: {  	v31 =	vsel vm14, $0x186B, v8;
	v37 =	vsel vm14, $0x30D4, v7;
	v35 =	vxor.u32 v34, v21  }
0x3a: {  	vm9 =	vlt.s32 v63, v6;
	v29 =	vor.u32 v34, v21;
	v26 =	vshrl.u32 v35, $0x1;
	v36 =	vld.idx.msk [tilespmem:v20+s8+$0x0], $0xffff  }
0x3b: {  	v40 =	vadd.s32 $0x1, v56;
	v22 =	vsel vm9, v37, v56;
	v26 =	vsub.s32 v29, v26;
	v48 =	vld.idx.msk [tilespmem:v32+s8+$0x0], $0xffff  }
0x3c: {  	v27 =	vsel vm9, v40, v31;
	v44 =	vadd.s32 $0xFFFFFFFF, v22;
	v38 =	vld.idx.msk [tilespmem:v23+s8+$0x0], $0xffff  }
0x3d: {  	v45 =	vxor.u32 v44, v27;
	v31 =	vor.u32 v44, v27;
	v41 =	vld.idx.msk [tilespmem:v24+s8+$0x0], $0xffff  }
0x3e: {  	v42 =	vadd.s32 $0x1, v20;
	v57 =	vadd.s32 $0x1, v32;
	v46 =	vadd.s32 $0x1, v23  }
0x3f: {  	v47 =	vadd.s32 $0x1, v24;
	v49 =	vadd.s32 $0x1, v26;
	vm10 =	vlt.s32 v36, v1  }
0x40: {  	v43 =	vld.idx.msk [tilespmem:v26+s8+$0x0], $0xffff;
	vm14 =	vlt.s32 v48, v5;
	v13 =	vsel vm10, v13, v20;
	v20 =	vshrl.u32 v45, $0x1  }
0x41: {  	v12 =	vsel vm10, v42, v50;
	vm11 =	vlt.s32 v38, v2;
	v20 =	vsub.s32 v31, v20  }
0x42: {  	v19 =	vsel vm14, v19, v32;
	vm12 =	vlt.s32 v41, v3;
	v50 =	vxor.u32 v13, v12  }
0x43: {  	v51 =	vand.u32 v13, v12;
	v15 =	vsel vm12, v15, v24;
	v24 =	vshrl.u32 v50, $0x1  }
0x44: {  	v16 =	vsel vm11, v46, v16;
	v14 =	vsel vm11, v14, v23;
	v24 =	vadd.s32 v24, v51  }
0x45: {  	v18 =	vsel vm12, v47, v18;
	vm13 =	vlt.s32 v43, v4;
	v52 =	vxor.u32 v14, v16  }
0x46: {  	v54 =	vand.u32 v14, v16;
	v17 =	vsel vm13, v17, v26;
	v26 =	vshrl.u32 v52, $0x1;
	v53 =	vld.idx.msk [tilespmem:v20+s8+$0x0], $0xffff  }
0x47: {  	v61 =	vadd.s32 $0x1, v20;
	v56 =	vxor.u32 v15, v18;
	v55 =	vadd.s32 v26, v54  }
0x48: {  	v21 =	vsel vm13, v49, v21;
	v58 =	vand.u32 v15, v18;
	v25 =	vshrl.u32 v56, $0x1  }
0x49: {  	v26 =	vsel vm14, v57, v28;
	v59 =	vxor.u32 v17, v21;
	v25 =	vadd.s32 v25, v58;
	v62 =	vld.idx.msk [tilespmem:v24+s8+$0x0], $0xffff  }
0x4a: {  	v60 =	vand.u32 v17, v21;
	v28 =	vshrl.u32 v59, $0x1;
	v36 =	vxor.u32 v19, v26  }
0x4b: {  	v37 =	vand.u32 v19, v26;
	v28 =	vadd.s32 v28, v60;
	vm15 =	vlt.s32 v53, v6  }
0x4c: {  	v30 =	vshrl.u32 v36, $0x1;
	v63 =	vld.idx.msk [tilespmem:v55+s8+$0x0], $0xffff;
	v27 =	vsel vm15, v61, v27;
	v20 =	vsel vm15, v22, v20  }
0x4d: {  	v42 =	vadd.s32 $0x1, v24;
	v22 =	vadd.s32 v30, v37;
	v39 =	vxor.u32 v20, v27  }
0x4e: {  	v38 =	vld.idx.msk [tilespmem:v25+s8+$0x0], $0xffff;
	v40 =	vand.u32 v20, v27;
	vm4 =	vlt.s32 v62, v1;
	v30 =	vshrl.u32 v39, $0x1  }
0x4f: {  	v12 =	vsel vm4, v42, v12;
	v13 =	vsel vm4, v13, v24;
	v30 =	vadd.s32 v30, v40  }
0x50: {  	v41 =	vld.idx.msk [tilespmem:v28+s8+$0x0], $0xffff;
	v46 =	vadd.s32 v13, v12  }
0x51: {  	v43 =	vadd.s32 $0x1, v55;
	vm5 =	vlt.s32 v63, v2;
	v47 =	vshrl.u32 v46, $0x1  }
0x52: {  	v16 =	vsel vm5, v43, v16;
	v14 =	vsel vm5, v14, v55;
	v45 =	vld.idx.msk [tilespmem:v22+s8+$0x0], $0xffff  }
0x53: {  	v44 =	vadd.s32 $0x1, v25;
	vm6 =	vlt.s32 v38, v3;
	v49 =	vadd.s32 v14, v16  }
0x54: {  	v18 =	vsel vm6, v44, v18;
	v15 =	vsel vm6, v15, v25;
	v25 =	vshrl.u32 v49, $0x1;
	v48 =	vld.idx.msk [tilespmem:v30+s8+$0x0], $0xffff  }
0x55: {  	v50 =	vadd.s32 $0x1, v28;
	vm7 =	vlt.s32 v41, v4;
	v51 =	vadd.s32 v15, v18  }
0x56: {  	v21 =	vsel vm7, v50, v21;
	v17 =	vsel vm7, v17, v28;
	v52 =	vshrl.u32 v51, $0x1;
	v54 =	vld.idx.msk [tilespmem:v47+s8+$0x0], $0xffff  }
0x57: {  	v53 =	vadd.s32 $0x1, v22;
	v31 =	vadd.s32 v17, v21;
	vm8 =	vlt.s32 v45, v5  }
0x58: {  	v55 =	vshrl.u32 v31, $0x1;
	v26 =	vsel vm8, v53, v26;
	v19 =	vsel vm8, v19, v22  }
0x59: {  	v56 =	vadd.s32 $0x1, v30;
	v58 =	vld.idx.msk [tilespmem:v25+s8+$0x0], $0xffff;
	v57 =	vadd.s32 v19, v26;
	vm9 =	vlt.s32 v48, v6  }
0x5a: {  	v59 =	vshrl.u32 v57, $0x1;
	v24 =	vsel vm9, v56, v27;
	v20 =	vsel vm9, v20, v30  }
0x5b: {  	v62 =	vadd.s32 $0x1, v47;
	v60 =	vld.idx.msk [tilespmem:v52+s8+$0x0], $0xffff;
	vm10 =	vlt.s32 v54, v1;
	v61 =	vadd.s32 v20, v24  }
0x5c: {  	v12 =	vsel vm10, v62, v12;
	v13 =	vsel vm10, v13, v47;
	v32 =	vshrl.u32 v61, $0x1  }
0x5d: {  	v63 =	vld.idx.msk [tilespmem:v55+s8+$0x0], $0xffff;
	v36 =	vadd.s32 v13, v12  }
0x5e: {  	v34 =	vadd.s32 $0x1, v25;
	vm11 =	vlt.s32 v58, v2;
	v27 =	vshrl.u32 v36, $0x1  }
0x5f: {  	v16 =	vsel vm11, v34, v16;
	v14 =	vsel vm11, v14, v25;
	v35 =	vld.idx.msk [tilespmem:v59+s8+$0x0], $0xffff  }
0x60: {  	v37 =	vadd.s32 $0x1, v52;
	vm12 =	vlt.s32 v60, v3;
	v40 =	vadd.s32 v14, v16  }
0x61: {  	v18 =	vsel vm12, v37, v18;
	v15 =	vsel vm12, v15, v52;
	v41 =	vshrl.u32 v40, $0x1;
	v38 =	vld.idx.msk [tilespmem:v32+s8+$0x0], $0xffff  }
0x62: {  	v39 =	vadd.s32 $0x1, v55;
	vm13 =	vlt.s32 v63, v4;
	v28 =	vadd.s32 v15, v18  }
0x63: {  	v21 =	vsel vm13, v39, v21;
	v17 =	vsel vm13, v17, v55;
	v28 =	vshrl.u32 v28, $0x1;
	v43 =	vld.idx.msk [tilespmem:v27+s8+$0x0], $0xffff  }
0x64: {  	v42 =	vadd.s32 $0x1, v59;
	v44 =	vadd.s32 v17, v21;
	vm14 =	vlt.s32 v35, v5  }
0x65: {  	v22 =	vshrl.u32 v44, $0x1;
	v23 =	vsel vm14, v42, v26;
	v19 =	vsel vm14, v19, v59  }
0x66: {  	v45 =	vadd.s32 $0x1, v32;
	v46 =	vld.idx.msk [tilespmem:v41+s8+$0x0], $0xffff;
	v30 =	vadd.s32 v19, v23;
	vm15 =	vlt.s32 v38, v6  }
0x67: {  	v30 =	vshrl.u32 v30, $0x1;
	v24 =	vsel vm15, v45, v24;
	v20 =	vsel vm15, v20, v32  }
0x68: {  	v48 =	vadd.s32 $0x1, v27;
	v49 =	vld.idx.msk [tilespmem:v28+s8+$0x0], $0xffff;
	vm4 =	vlt.s32 v43, v1;
	v47 =	vadd.s32 v20, v24  }
0x69: {  	v12 =	vsel vm4, v48, v12;
	v13 =	vsel vm4, v13, v27;
	v31 =	vshrl.u32 v47, $0x1  }
0x6a: {  	v50 =	vld.idx.msk [tilespmem:v22+s8+$0x0], $0xffff;
	v27 =	vadd.s32 v13, v12  }
0x6b: {  	v51 =	vadd.s32 $0x1, v41;
	vm5 =	vlt.s32 v46, v2;
	v27 =	vshrl.u32 v27, $0x1  }
0x6c: {  	v16 =	vsel vm5, v51, v16;
	v14 =	vsel vm5, v14, v41;
	v52 =	vld.idx.msk [tilespmem:v30+s8+$0x0], $0xffff  }
0x6d: {  	v53 =	vadd.s32 $0x1, v28;
	vm6 =	vlt.s32 v49, v3;
	v55 =	vadd.s32 v14, v16  }
0x6e: {  	v18 =	vsel vm6, v53, v18;
	v15 =	vsel vm6, v15, v28;
	v56 =	vshrl.u32 v55, $0x1;
	v54 =	vld.idx.msk [tilespmem:v31+s8+$0x0], $0xffff  }
0x6f: {  	v57 =	vadd.s32 $0x1, v22;
	vm7 =	vlt.s32 v50, v4;
	v28 =	vadd.s32 v15, v18  }
0x70: {  	v21 =	vsel vm7, v57, v21;
	v17 =	vsel vm7, v17, v22;
	v28 =	vshrl.u32 v28, $0x1;
	v59 =	vld.idx.msk [tilespmem:v27+s8+$0x0], $0xffff  }
0x71: {  	v58 =	vadd.s32 $0x1, v30;
	v61 =	vadd.s32 v17, v21;
	vm8 =	vlt.s32 v52, v5  }
0x72: {  	v60 =	vsel vm8, v58, v23;
	v19 =	vsel vm8, v19, v30;
	v23 =	vshrl.u32 v61, $0x1  }
0x73: {  	v62 =	vadd.s32 $0x1, v31;
	v63 =	vld.idx.msk [tilespmem:v56+s8+$0x0], $0xffff;
	v30 =	vadd.s32 v19, v60;
	vm9 =	vlt.s32 v54, v6  }
0x74: {  	v36 =	vshrl.u32 v30, $0x1;
	v24 =	vsel vm9, v62, v24;
	v20 =	vsel vm9, v20, v31  }
0x75: {  	v37 =	vadd.s32 $0x1, v27;
	v38 =	vld.idx.msk [tilespmem:v28+s8+$0x0], $0xffff;
	vm10 =	vlt.s32 v59, v1;
	v39 =	vadd.s32 v20, v24  }
0x76: {  	v12 =	vsel vm10, v37, v12;
	v13 =	vsel vm10, v13, v27;
	v40 =	vshrl.u32 v39, $0x1  }
0x77: {  	v30 =	vadd.s32 v13, v12;
	v42 =	vld.idx.msk [tilespmem:v23+s8+$0x0], $0xffff  }
0x78: {  	v41 =	vadd.s32 $0x1, v56;
	vm11 =	vlt.s32 v63, v2;
	v30 =	vshrl.u32 v30, $0x1  }
0x79: {  	v16 =	vsel vm11, v41, v16;
	v14 =	vsel vm11, v14, v56;
	v43 =	vld.idx.msk [tilespmem:v36+s8+$0x0], $0xffff  }
0x7a: {  	v44 =	vadd.s32 $0x1, v28;
	vm12 =	vlt.s32 v38, v3;
	v45 =	vadd.s32 v14, v16  }
0x7b: {  	v18 =	vsel vm12, v44, v18;
	v15 =	vsel vm12, v15, v28;
	v47 =	vshrl.u32 v45, $0x1;
	v46 =	vld.idx.msk [tilespmem:v40+s8+$0x0], $0xffff  }
0x7c: {  	v50 =	vadd.s32 $0x1, v23;
	v48 =	vadd.s32 v15, v18;
	vm13 =	vlt.s32 v42, v4  }
0x7d: {  	v31 =	vshrl.u32 v48, $0x1;
	v49 =	vld.idx.msk [tilespmem:v30+s8+$0x0], $0xffff;
	v21 =	vsel vm13, v50, v21;
	v17 =	vsel vm13, v17, v23  }
0x7e: {  	v51 =	vadd.s32 $0x1, v36;
	vm14 =	vlt.s32 v43, v5;
	v54 =	vadd.s32 v17, v21  }
0x7f: {  	v22 =	vsel vm14, v51, v60;
	v19 =	vsel vm14, v19, v36;
	v55 =	vshrl.u32 v54, $0x1  }
0x80: {  	v52 =	vadd.s32 $0x1, v40;
	v53 =	vld.idx.msk [tilespmem:v47+s8+$0x0], $0xffff;
	v57 =	vadd.s32 v19, v22;
	vm15 =	vlt.s32 v46, v6  }
0x81: {  	v27 =	vshrl.u32 v57, $0x1;
	v23 =	vsel vm15, v52, v24;
	v20 =	vsel vm15, v20, v40  }
0x82: {  	v58 =	vadd.s32 $0x1, v30;
	v56 =	vld.idx.msk [tilespmem:v31+s8+$0x0], $0xffff;
	vm4 =	vlt.s32 v49, v1;
	v59 =	vadd.s32 v20, v23  }
0x83: {  	v12 =	vsel vm4, v58, v12;
	v13 =	vsel vm4, v13, v30;
	v60 =	vshrl.u32 v59, $0x1  }
0x84: {  	v30 =	vadd.s32 v13, v12;
	v62 =	vld.idx.msk [tilespmem:v55+s8+$0x0], $0xffff  }
0x85: {  	v61 =	vadd.s32 $0x1, v47;
	vm5 =	vlt.s32 v53, v2;
	v63 =	vshrl.u32 v30, $0x1  }
0x86: {  	v16 =	vsel vm5, v61, v16;
	v14 =	vsel vm5, v14, v47;
	v37 =	vld.idx.msk [tilespmem:v27+s8+$0x0], $0xffff  }
0x87: {  	v35 =	vadd.s32 $0x1, v31;
	vm6 =	vlt.s32 v56, v3;
	v36 =	vadd.s32 v14, v16  }
0x88: {  	v18 =	vsel vm6, v35, v18;
	v15 =	vsel vm6, v15, v31;
	v30 =	vshrl.u32 v36, $0x1;
	v38 =	vld.idx.msk [tilespmem:v60+s8+$0x0], $0xffff  }
0x89: {  	v40 =	vadd.s32 $0x1, v55;
	v39 =	vadd.s32 v15, v18;
	vm7 =	vlt.s32 v62, v4  }
0x8a: {  	v32 =	vshrl.u32 v39, $0x1;
	v41 =	vld.idx.msk [tilespmem:v63+s8+$0x0], $0xffff;
	v21 =	vsel vm7, v40, v21;
	v17 =	vsel vm7, v17, v55  }
0x8b: {  	v42 =	vadd.s32 $0x1, v27;
	vm8 =	vlt.s32 v37, v5;
	v44 =	vadd.s32 v17, v21  }
0x8c: {  	v26 =	vshrl.u32 v44, $0x1;
	v22 =	vsel vm8, v42, v22;
	v19 =	vsel vm8, v19, v27  }
0x8d: {  	v45 =	vadd.s32 $0x1, v60;
	v43 =	vld.idx.msk [tilespmem:v30+s8+$0x0], $0xffff;
	v48 =	vadd.s32 v19, v22;
	vm9 =	vlt.s32 v38, v6  }
0x8e: {  	v49 =	vshrl.u32 v48, $0x1;
	v23 =	vsel vm9, v45, v23;
	v20 =	vsel vm9, v20, v60  }
0x8f: {  	v47 =	vadd.s32 $0x1, v63;
	v46 =	vld.idx.msk [tilespmem:v32+s8+$0x0], $0xffff;
	vm10 =	vlt.s32 v41, v1;
	v28 =	vadd.s32 v20, v23  }
0x90: {  	v12 =	vsel vm10, v47, v12;
	v13 =	vsel vm10, v13, v63;
	v28 =	vshrl.u32 v28, $0x1  }
0x91: {  	v51 =	vld.idx.msk [tilespmem:v26+s8+$0x0], $0xffff;
	v52 =	vadd.s32 v13, v12  }
0x92: {  	v50 =	vadd.s32 $0x1, v30;
	vm11 =	vlt.s32 v43, v2;
	v24 =	vshrl.u32 v52, $0x1  }
0x93: {  	v16 =	vsel vm11, v50, v16;
	v14 =	vsel vm11, v14, v30;
	v54 =	vld.idx.msk [tilespmem:v49+s8+$0x0], $0xffff  }
0x94: {  	v53 =	vadd.s32 $0x1, v32;
	vm12 =	vlt.s32 v46, v3;
	v30 =	vadd.s32 v14, v16  }
0x95: {  	v18 =	vsel vm12, v53, v18;
	v15 =	vsel vm12, v15, v32;
	v30 =	vshrl.u32 v30, $0x1;
	v57 =	vld.idx.msk [tilespmem:v28+s8+$0x0], $0xffff  }
0x96: {  	v56 =	vadd.s32 $0x1, v26;
	v55 =	vadd.s32 v15, v18;
	vm13 =	vlt.s32 v51, v4  }
0x97: {  	v31 =	vshrl.u32 v55, $0x1;
	v21 =	vsel vm13, v56, v21;
	v17 =	vsel vm13, v17, v26;
	v58 =	vld.idx.msk [tilespmem:v24+s8+$0x0], $0xffff  }
0x98: {  	v59 =	vadd.s32 $0x1, v49;
	v26 =	vadd.s32 v17, v21;
	vm14 =	vlt.s32 v54, v5  }
0x99: {  	v26 =	vshrl.u32 v26, $0x1;
	v22 =	vsel vm14, v59, v22;
	v19 =	vsel vm14, v19, v49  }
0x9a: {  	v61 =	vadd.s32 $0x1, v28;
	v60 =	vld.idx.msk [tilespmem:v30+s8+$0x0], $0xffff;
	v63 =	vadd.s32 v19, v22;
	vm15 =	vlt.s32 v57, v6  }
0x9b: {  	v36 =	vshrl.u32 v63, $0x1;
	v23 =	vsel vm15, v61, v23;
	v20 =	vsel vm15, v20, v28  }
0x9c: {  	v62 =	vld.idx.msk [tilespmem:v31+s8+$0x0], $0xffff;
	vm4 =	vlt.s32 v58, v1;
	v40 =	vadd.s32 v20, v23  }
0x9d: {  	v37 =	vadd.s32 $0x1, v24;
	v13 =	vsel vm4, v13, v24;
	v24 =	vshrl.u32 v40, $0x1  }
0x9e: {  	v12 =	vsel vm4, v37, v12;
	v39 =	vld.idx.msk [tilespmem:v26+s8+$0x0], $0xffff  }
0x9f: {  	v38 =	vadd.s32 $0x1, v30;
	vm5 =	vlt.s32 v60, v2;
	v43 =	vadd.s32 v13, v12  }
0xa0: {  	v16 =	vsel vm5, v38, v16;
	v14 =	vsel vm5, v14, v30;
	v29 =	vshrl.u32 v43, $0x1;
	v42 =	vld.idx.msk [tilespmem:v36+s8+$0x0], $0xffff  }
0xa1: {  	v41 =	vadd.s32 $0x1, v31;
	vm6 =	vlt.s32 v62, v3;
	v30 =	vadd.s32 v14, v16  }
0xa2: {  	v18 =	vsel vm6, v41, v18;
	v15 =	vsel vm6, v15, v31;
	v30 =	vshrl.u32 v30, $0x1;
	v46 =	vld.idx.msk [tilespmem:v24+s8+$0x0], $0xffff  }
0xa3: {  	v44 =	vadd.s32 $0x1, v26;
	v45 =	vadd.s32 v15, v18;
	vm7 =	vlt.s32 v39, v4  }
0xa4: {  	v21 =	vsel vm7, v44, v21;
	v17 =	vsel vm7, v17, v26;
	v26 =	vshrl.u32 v45, $0x1  }
0xa5: {  	v48 =	vadd.s32 $0x1, v36;
	v49 =	vld.idx.msk [tilespmem:v29+s8+$0x0], $0xffff;
	v47 =	vadd.s32 v17, v21;
	vm8 =	vlt.s32 v42, v5  }
0xa6: {  	v31 =	vshrl.u32 v47, $0x1;
	v22 =	vsel vm8, v48, v22;
	v19 =	vsel vm8, v19, v36  }
0xa7: {  	v52 =	vadd.s32 $0x1, v24;
	v50 =	vld.idx.msk [tilespmem:v30+s8+$0x0], $0xffff;
	v51 =	vadd.s32 v19, v22;
	vm9 =	vlt.s32 v46, v6  }
0xa8: {  	v32 =	vshrl.u32 v51, $0x1;
	v23 =	vsel vm9, v52, v23;
	v20 =	vsel vm9, v20, v24  }
0xa9: {  	v53 =	vld.idx.msk [tilespmem:v26+s8+$0x0], $0xffff;
	v28 =	vadd.s32 v20, v23  }
0xaa: {  	v55 =	vadd.s32 $0x1, v29;
	vm10 =	vlt.s32 v49, v1;
	v28 =	vshrl.u32 v28, $0x1  }
0xab: {  	v12 =	vsel vm10, v55, v12;
	v13 =	vsel vm10, v13, v29;
	v54 =	vld.idx.msk [tilespmem:v31+s8+$0x0], $0xffff  }
0xac: {  	v56 =	vadd.s32 $0x1, v30;
	vm11 =	vlt.s32 v50, v2;
	v59 =	vadd.s32 v13, v12  }
0xad: {  	v16 =	vsel vm11, v56, v16;
	v14 =	vsel vm11, v14, v30;
	v24 =	vshrl.u32 v59, $0x1;
	v57 =	vld.idx.msk [tilespmem:v32+s8+$0x0], $0xffff  }
0xae: {  	v58 =	vadd.s32 $0x1, v26;
	v61 =	vadd.s32 v14, v16;
	vm12 =	vlt.s32 v53, v3  }
0xaf: {  	v63 =	vshrl.u32 v61, $0x1;
	v18 =	vsel vm12, v58, v18;
	v15 =	vsel vm12, v15, v26;
	v62 =	vld.idx.msk [tilespmem:v28+s8+$0x0], $0xffff  }
0xb0: {  	v60 =	vadd.s32 $0x1, v31;
	vm13 =	vlt.s32 v54, v4;
	v33 =	vadd.s32 v15, v18  }
0xb1: {  	v21 =	vsel vm13, v60, v21;
	v17 =	vsel vm13, v17, v31;
	v25 =	vshrl.u32 v33, $0x1  }
0xb2: {  	v34 =	vadd.s32 $0x1, v32;
	v37 =	vld.idx.msk [tilespmem:v24+s8+$0x0], $0xffff;
	vm14 =	vlt.s32 v57, v5;
	v35 =	vadd.s32 v17, v21  }
0xb3: {  	v22 =	vsel vm14, v34, v22;
	v19 =	vsel vm14, v19, v32;
	v36 =	vshrl.u32 v35, $0x1  }
0xb4: {  	v39 =	vadd.s32 $0x1, v28;
	v40 =	vld.idx.msk [tilespmem:v63+s8+$0x0], $0xffff;
	v38 =	vadd.s32 v19, v22;
	vm15 =	vlt.s32 v62, v6  }
0xb5: {  	v31 =	vshrl.u32 v38, $0x1;
	v23 =	vsel vm15, v39, v23;
	v20 =	vsel vm15, v20, v28  }
0xb6: {  	v41 =	vld.idx.msk [tilespmem:v25+s8+$0x0], $0xffff;
	v28 =	vadd.s32 v20, v23  }
0xb7: {  	v43 =	vadd.s32 $0x1, v24;
	vm4 =	vlt.s32 v37, v1;
	v28 =	vshrl.u32 v28, $0x1  }
0xb8: {  	v12 =	vsel vm4, v43, v12;
	v13 =	vsel vm4, v13, v24;
	v42 =	vld.idx.msk [tilespmem:v36+s8+$0x0], $0xffff  }
0xb9: {  	v44 =	vadd.s32 $0x1, v63;
	vm5 =	vlt.s32 v40, v2;
	v48 =	vadd.s32 v13, v12  }
0xba: {  	v16 =	vsel vm5, v44, v16;
	v14 =	vsel vm5, v14, v63;
	v24 =	vshrl.u32 v48, $0x1;
	v34 =	vld.idx.msk [tilespmem:v31+s8+$0x0], $0xffff  }
0xbb: {  	v45 =	vadd.s32 $0x1, v25;
	v49 =	vadd.s32 v14, v16;
	vm6 =	vlt.s32 v41, v3  }
0xbc: {  	v18 =	vsel vm6, v45, v18;
	v15 =	vsel vm6, v15, v25;
	v25 =	vshrl.u32 v49, $0x1;
	v47 =	vld.idx.msk [tilespmem:v28+s8+$0x0], $0xffff  }
0xbd: {  	v46 =	vadd.s32 $0x1, v36;
	vm7 =	vlt.s32 v42, v4;
	v51 =	vadd.s32 v15, v18  }
0xbe: {  	v21 =	vsel vm7, v46, v21;
	v17 =	vsel vm7, v17, v36;
	v52 =	vshrl.u32 v51, $0x1  }
0xbf: {  	v50 =	vadd.s32 $0x1, v31;
	v56 =	vld.idx.msk [tilespmem:v24+s8+$0x0], $0xffff;
	vm8 =	vlt.s32 v34, v5;
	v53 =	vadd.s32 v17, v21  }
0xc0: {  	v22 =	vsel vm8, v50, v22;
	v19 =	vsel vm8, v19, v31;
	v26 =	vshrl.u32 v53, $0x1  }
0xc1: {  	v54 =	vadd.s32 $0x1, v28;
	v55 =	vadd.s32 v19, v22;
	v58 =	vld.idx.msk [tilespmem:v25+s8+$0x0], $0xffff;
	vm9 =	vlt.s32 v47, v6  }
0xc2: {  	v57 =	vshrl.u32 v55, $0x1;
	v23 =	vsel vm9, v54, v23;
	v20 =	vsel vm9, v20, v28  }
0xc3: {  	v62 =	vadd.s32 $0x1, v24;
	v60 =	vld.idx.msk [tilespmem:v52+s8+$0x0], $0xffff;
	v59 =	vadd.s32 v20, v23  }
0xc4: {  	v35 =	vadd.s32 $0x1, v25;
	vm10 =	vlt.s32 v56, v1;
	v31 =	vshrl.u32 v59, $0x1  }
0xc5: {  	v36 =	vadd.s32 $0x1, v52;
	v12 =	vsel vm10, v62, v12;
	v13 =	vsel vm10, v13, v24;
	v61 =	vld.idx.msk [tilespmem:v26+s8+$0x0], $0xffff  }
0xc6: {  	v38 =	vadd.s32 $0x1, v26;
	v13 =	vadd.s32 v13, v12;
	vm11 =	vlt.s32 v58, v2  }
0xc7: {  	v39 =	vadd.s32 $0x1, v57;
	v13 =	vshrl.u32 v13, $0x1;
	v63 =	vld.idx.msk [tilespmem:v57+s8+$0x0], $0xffff;
	v16 =	vsel vm11, v35, v16  }
0xc8: {  	v14 =	vsel vm11, v14, v25;
	v13 =	vmin.u32 v13, $0x30D3;
	vm12 =	vlt.s32 v60, v3  }
0xc9: {  	v40 =	vadd.s32 $0x1, v31;
	v14 =	vadd.s32 v14, v16;
	v18 =	vsel vm12, v36, v18;
	v37 =	vld.idx.msk [tilespmem:v31+s8+$0x0], $0xffff  }
0xca: {  	v15 =	vsel vm12, v15, v52;
	v14 =	vshrl.u32 v14, $0x1;
	vm13 =	vlt.s32 v61, v4  }
0xcb: {  	v15 =	vadd.s32 v15, v18;
	v14 =	vmin.u32 v14, $0x30D3;
	v21 =	vsel vm13, v38, v21  }
0xcc: {  	v17 =	vsel vm13, v17, v26;
	v15 =	vshrl.u32 v15, $0x1;
	vm14 =	vlt.s32 v63, v5  }
0xcd: {  	v17 =	vadd.s32 v17, v21;
	v15 =	vmin.u32 v15, $0x30D3;
	v41 =	vld.idx.msk [tilespmem:v13+s8+$0x0], $0xffff;
	v22 =	vsel vm14, v39, v22  }
0xce: {  	v19 =	vsel vm14, v19, v57;
	v17 =	vshrl.u32 v17, $0x1;
	vm15 =	vlt.s32 v37, v6  }
0xcf: {  	v19 =	vadd.s32 v19, v22;
	v23 =	vsel vm15, v40, v23;
	v20 =	vsel vm15, v20, v31  }
0xd0: {  	v17 =	vmin.u32 v17, $0x30D3;
	v19 =	vshrl.u32 v19, $0x1;
	v20 =	vadd.s32 v20, v23  }
0xd1: {  	v19 =	vmin.u32 v19, $0x30D3;
	v20 =	vshrl.u32 v20, $0x1  }
0xd2: {  	v13 =	vadd.s32 $0x1, v13;
	v42 =	vld.idx.msk [tilespmem:v14+s8+$0x0], $0xffff;
	vm4 =	vlt.s32 v41, v1;
	v20 =	vmin.u32 v20, $0x30D3  }
0xd3: {  	v12 =	vsel vm4, v13, v12  }
0xd4: {  	v43 =	vld.idx.msk [tilespmem:v15+s8+$0x0], $0xffff;
	v12 =	vshll.u32 v12, $0x3  }
0xd5: {  	v44 =	vld.idx.msk [tilespmem:v17+s8+$0x0], $0xffff;
	v12 =	vmax.u32 v12, $0x7  }
0xd6: {  	v49 =	vadd.s32 $0x1, v17;
	v45 =	vld.idx.msk [tilespmem:v19+s8+$0x0], $0xffff;
	v17 =	vsub.s32 v12, v10  }
0xd7: {  	v14 =	vadd.s32 $0x1, v14;
	vm5 =	vlt.s32 v42, v2;
	v63 =	vadd.s32 $0x1, v17;
	v46 =	vld.idx.msk [tilespmem:v20+s8+$0x0], $0xffff;
	[tilespmem:$0x60] =	vst v17  }
0xd8: {  	v47 =	vsel vm5, v14, v16;
	v26 =	vor.u32 $0x2, v17;
	[tilespmem:$0xC0] =	vst v63  }
0xd9: {  	v13 =	vshll.u32 v47, $0x3;
	v32 =	vadd.s32 $0x3, v17;
	[tilespmem:$0x120] =	vst v26  }
0xda: {  	v38 =	vor.u32 $0x4, v17;
	v54 =	vmax.u32 v13, $0x7;
	[tilespmem:$0x180] =	vst v32  }
0xdb: {  	v16 =	vsub.s32 v54, v10;
	[tilespmem:$0x1E0] =	vst v38  }
0xdc: {  	v48 =	vadd.s32 $0x1, v15;
	vm7 =	vlt.s32 v44, v4;
	v44 =	vadd.s32 $0x5, v17;
	[tilespmem:$0x70] =	vst v16  }
0xdd: {  	vm6 =	vlt.s32 v43, v3;
	v15 =	vsel vm7, v49, v21;
	v21 =	vadd.s32 $0x1, v16;
	[tilespmem:$0x240] =	vst v44  }
0xde: {  	v14 =	vsel vm6, v48, v18;
	v27 =	vor.u32 $0x2, v16;
	[tilespmem:$0xD0] =	vst v21  }
0xdf: {  	v55 =	vshll.u32 v14, $0x3;
	v33 =	vadd.s32 $0x3, v16;
	[tilespmem:$0x130] =	vst v27  }
0xe0: {  	v56 =	vmax.u32 v55, $0x7;
	v39 =	vor.u32 $0x4, v16;
	[tilespmem:$0x190] =	vst v33  }
0xe1: {  	v57 =	vshll.u32 v15, $0x3;
	v15 =	vsub.s32 v56, v10;
	[tilespmem:$0x1F0] =	vst v39  }
0xe2: {  	v50 =	vadd.s32 $0x1, v19;
	vm8 =	vlt.s32 v45, v5;
	v45 =	vadd.s32 $0x5, v16;
	[tilespmem:$0x80] =	vst v15  }
0xe3: {  	v51 =	vsel vm8, v50, v22;
	v22 =	vadd.s32 $0x1, v15;
	[tilespmem:$0x250] =	vst v45  }
0xe4: {  	v28 =	vor.u32 $0x2, v15;
	[tilespmem:$0xE0] =	vst v22  }
0xe5: {  	v34 =	vadd.s32 $0x3, v15;
	[tilespmem:$0x140] =	vst v28  }
0xe6: {  	v40 =	vor.u32 $0x4, v15;
	[tilespmem:$0x1A0] =	vst v34  }
0xe7: {  	v58 =	vmax.u32 v57, $0x7;
	v50 =	vor.u32 $0x6, v17;
	[tilespmem:$0x200] =	vst v40  }
0xe8: {  	v14 =	vsub.s32 v58, v10;
	[tilespmem:$0x2A0] =	vst v50  }
0xe9: {  	v59 =	vshll.u32 v51, $0x3;
	v51 =	vor.u32 $0x6, v16;
	[tilespmem:$0x90] =	vst v14  }
0xea: {  	v29 =	vor.u32 $0x2, v14;
	[tilespmem:$0x2B0] =	vst v51  }
0xeb: {  	v35 =	vadd.s32 $0x3, v14;
	[tilespmem:$0x150] =	vst v29  }
0xec: {  	v41 =	vor.u32 $0x4, v14;
	[tilespmem:$0x1B0] =	vst v35  }
0xed: {  	vm9 =	vlt.s32 v46, v6;
	v46 =	vadd.s32 $0x5, v15;
	[tilespmem:$0x210] =	vst v41  }
0xee: {  	v60 =	vmax.u32 v59, $0x7;
	v47 =	vadd.s32 $0x5, v14;
	[tilespmem:$0x260] =	vst v46  }
0xef: {  	v52 =	vadd.s32 $0x1, v20;
	v13 =	vsub.s32 v60, v10;
	[tilespmem:$0x270] =	vst v47  }
0xf0: {  	v53 =	vsel vm9, v52, v23;
	v23 =	vadd.s32 $0x1, v14;
	[tilespmem:$0xA0] =	vst v13  }
0xf1: {  	v52 =	vor.u32 $0x6, v15;
	[tilespmem:$0xF0] =	vst v23  }
0xf2: {  	v24 =	vadd.s32 $0x1, v13;
	[tilespmem:$0x2C0] =	vst v52  }
0xf3: {  	v30 =	vor.u32 $0x2, v13;
	[tilespmem:$0x100] =	vst v24  }
0xf4: {  	v36 =	vadd.s32 $0x3, v13;
	[tilespmem:$0x160] =	vst v30  }
0xf5: {  	v42 =	vor.u32 $0x4, v13;
	[tilespmem:$0x1C0] =	vst v36  }
0xf6: {  	v48 =	vadd.s32 $0x5, v13;
	[tilespmem:$0x220] =	vst v42  }
0xf7: {  	v61 =	vshll.u32 v53, $0x3;
	v53 =	vor.u32 $0x6, v14;
	[tilespmem:$0x280] =	vst v48  }
0xf8: {  	v54 =	vor.u32 $0x6, v13;
	v62 =	vmax.u32 v61, $0x7;
	[tilespmem:$0x2D0] =	vst v53  }
0xf9: {  	[tilespmem:$0x2E0] =	vst v54;
	v12 =	vsub.s32 v62, v10  }
0xfa: {  	[tilespmem:$0xB0] =	vst v12;
	v25 =	vadd.s32 $0x1, v12  }
0xfb: {  	v31 =	vor.u32 $0x2, v12;
	[tilespmem:$0x110] =	vst v25  }
0xfc: {  	v37 =	vadd.s32 $0x3, v12;
	[tilespmem:$0x170] =	vst v31  }
0xfd: {  	v43 =	vor.u32 $0x4, v12;
	[tilespmem:$0x1D0] =	vst v37  }
0xfe: {  	v49 =	vadd.s32 $0x5, v12;
	[tilespmem:$0x230] =	vst v43  }
0xff: {  	v55 =	vor.u32 $0x6, v12;
	[tilespmem:$0x290] =	vst v49  }
0x100: {  	s2 =	simm.s32 $0x300;
	s31 =	rddreg [dreg:$0x1];
	[tilespmem:$0x2F0] =	vst v55  }
0x101: {  	[tilespmem:s2], [sflag:$0x1] =	stream.indirect.gather [hbm4b:s31+s10], $0x1, s10, s10, $0xb8;
	[tilespmem:$0xBF80] =	vst v63  }
0x102: {  	s4 =	simm.s32 $0xC0;
	s6 =	simm.s32 $0x360  }
0x103: {  	[tilespmem:s6], [sflag:$0x1] =	stream.indirect.gather [hbm4b:s31+s10], $0x1, s4, s10, $0xb8;
	[tilespmem:$0xBF80] =	vst v63  }
0x104: {  	s7 =	simm.s32 $0x120;
	s9 =	simm.s32 $0x3C0  }
0x105: {  	[tilespmem:s9], [sflag:$0x1] =	stream.indirect.gather [hbm4b:s31+s10], $0x1, s7, s10, $0xb8;
	[tilespmem:$0xBF80] =	vst v63  }
0x106: {  	s11 =	simm.s32 $0x180;
	s12 =	simm.s32 $0x420  }
0x107: {  	[tilespmem:s12], [sflag:$0x1] =	stream.indirect.gather [hbm4b:s31+s10], $0x1, s11, s10, $0xb8;
	[tilespmem:$0xBF80] =	vst v63  }
0x108: {  	s13 =	simm.s32 $0x1E0;
	s14 =	simm.s32 $0x480  }
0x109: {  	[tilespmem:s14], [sflag:$0x1] =	stream.indirect.gather [hbm4b:s31+s10], $0x1, s13, s10, $0xb8;
	[tilespmem:$0xBF80] =	vst v63  }
0x10a: {  	s15 =	simm.s32 $0x240;
	s16 =	simm.s32 $0x4E0  }
0x10b: {  	[tilespmem:s16], [sflag:$0x1] =	stream.indirect.gather [hbm4b:s31+s10], $0x1, s15, s10, $0xb8;
	[tilespmem:$0xBF80] =	vst v63  }
0x10c: {  	s17 =	simm.s32 $0x2A0;
	s18 =	simm.s32 $0x540  }
0x10d: {  	[tilespmem:s18], [sflag:$0x1] =	stream.indirect.gather [hbm4b:s31+s10], $0x1, s17, s10, $0xb8;
	[tilespmem:$0xBF80] =	vst v63  }
0x10e: {  	_ =	swait.ge [sflag:s24], $0x60  }
0x10f: {  	[sflag:s24] =	ssyncset.done $0x0  }
0x110: {  	[sflag:s24] =	ssyncadd.s32 $0xFFFFFFA0  }
0x111: {  	_ =	swait.ge [sflag:s24], $0x60  }
0x112: {  	[sflag:s24] =	ssyncset.done $0x0  }
0x113: {  	[sflag:s24] =	ssyncadd.s32 $0xFFFFFFA0  }
0x114: {  	_ =	swait.ge [sflag:s24], $0x60  }
0x115: {  	[sflag:s24] =	ssyncset.done $0x0  }
0x116: {  	[sflag:s24] =	ssyncadd.s32 $0xFFFFFFA0  }
0x117: {  	_ =	swait.ge [sflag:s24], $0x60  }
0x118: {  	[sflag:s24] =	ssyncset.done $0x0  }
0x119: {  	[sflag:s24] =	ssyncadd.s32 $0xFFFFFFA0  }
0x11a: {  	_ =	swait.ge [sflag:s24], $0x60  }
0x11b: {  	[sflag:s24] =	ssyncset.done $0x0  }
0x11c: {  	[sflag:s24] =	ssyncadd.s32 $0xFFFFFFA0  }
0x11d: {  	_ =	swait.ge [sflag:s24], $0x60  }
0x11e: {  	[sflag:s24] =	ssyncset.done $0x0  }
0x11f: {  	[sflag:s24] =	ssyncadd.s32 $0xFFFFFFA0  }
0x120: {  	_ =	swait.ge [sflag:s24], $0x60  }
0x121: {  	[sflag:s24] =	ssyncset.done $0x0  }
0x122: {  	[sflag:s24] =	ssyncadd.s32 $0xFFFFFFA0  }
0x123: {  	[tilespmem:$0xB680] =	vst v11  }
0x124: {  	[tilespmem:$0xB690] =	vst v11  }
0x125: {  	[tilespmem:$0xB6A0] =	vst v11  }
0x126: {  	[tilespmem:$0xB6B0] =	vst v11  }
0x127: {  	[tilespmem:$0xB6C0] =	vst v11  }
0x128: {  	[tilespmem:$0xB6D0] =	vst v11  }
0x129: {  	[tilespmem:$0xB6E0] =	vst v11  }
0x12a: {  	[tilespmem:$0xB6F0] =	vst v11  }
0x12b: {  	[tilespmem:$0xB700] =	vst v11  }
0x12c: {  	[tilespmem:$0xB710] =	vst v11  }
0x12d: {  	[tilespmem:$0xB720] =	vst v11  }
0x12e: {  	[tilespmem:$0xB730] =	vst v11  }
0x12f: {  	[tilespmem:$0xB740] =	vst v11  }
0x130: {  	[tilespmem:$0xB750] =	vst v11  }
0x131: {  	[tilespmem:$0xB760] =	vst v11  }
0x132: {  	[tilespmem:$0xB770] =	vst v11  }
0x133: {  	[tilespmem:$0xB780] =	vst v11  }
0x134: {  	[tilespmem:$0xB790] =	vst v11  }
0x135: {  	[tilespmem:$0xB7A0] =	vst v11  }
0x136: {  	[tilespmem:$0xB7B0] =	vst v11  }
0x137: {  	[tilespmem:$0xB7C0] =	vst v11  }
0x138: {  	[tilespmem:$0xB7D0] =	vst v11  }
0x139: {  	[tilespmem:$0xB7E0] =	vst v11  }
0x13a: {  	[tilespmem:$0xB7F0] =	vst v11  }
0x13b: {  	[tilespmem:$0xB800] =	vst v11  }
0x13c: {  	[tilespmem:$0xB810] =	vst v11  }
0x13d: {  	[tilespmem:$0xB820] =	vst v11  }
0x13e: {  	[tilespmem:$0xB830] =	vst v11  }
0x13f: {  	[tilespmem:$0xB840] =	vst v11  }
0x140: {  	[tilespmem:$0xB850] =	vst v11  }
0x141: {  	[tilespmem:$0xB860] =	vst v11  }
0x142: {  	[tilespmem:$0xB870] =	vst v11  }
0x143: {  	[tilespmem:$0xB880] =	vst v11  }
0x144: {  	[tilespmem:$0xB890] =	vst v11  }
0x145: {  	[tilespmem:$0xB8A0] =	vst v11  }
0x146: {  	[tilespmem:$0xB8B0] =	vst v11  }
0x147: {  	[tilespmem:$0xB8C0] =	vst v11  }
0x148: {  	[tilespmem:$0xB8D0] =	vst v11  }
0x149: {  	[tilespmem:$0xB8E0] =	vst v11  }
0x14a: {  	[tilespmem:$0xB8F0] =	vst v11  }
0x14b: {  	[tilespmem:$0xB900] =	vst v11  }
0x14c: {  	[tilespmem:$0xB910] =	vst v11  }
0x14d: {  	[tilespmem:$0xB920] =	vst v11  }
0x14e: {  	[tilespmem:$0xB930] =	vst v11  }
0x14f: {  	[tilespmem:$0xB940] =	vst v11  }
0x150: {  	[tilespmem:$0xB950] =	vst v11  }
0x151: {  	[tilespmem:$0xB960] =	vst v11  }
0x152: {  	[tilespmem:$0xB970] =	vst v11  }
0x153: {  	[tilespmem:$0xB980] =	vst v11  }
0x154: {  	[tilespmem:$0xB990] =	vst v11  }
0x155: {  	[tilespmem:$0xB9A0] =	vst v11  }
0x156: {  	[tilespmem:$0xB9B0] =	vst v11  }
0x157: {  	v56 =	vld [tilespmem:$0x300];
	[tilespmem:$0xB9C0] =	vst v11  }
0x158: {  	v57 =	vld [tilespmem:$0x360];
	[tilespmem:$0xB9D0] =	vst v11  }
0x159: {  	v58 =	vld [tilespmem:$0x3C0];
	[tilespmem:$0xB9E0] =	vst v11  }
0x15a: {  	v59 =	vld [tilespmem:$0x420];
	[tilespmem:$0xB9F0] =	vst v11  }
0x15b: {  	v60 =	vld [tilespmem:$0x480];
	[tilespmem:$0xBA00] =	vst v11  }
0x15c: {  	v61 =	vld [tilespmem:$0x4E0];
	[tilespmem:$0xBA10] =	vst v11  }
0x15d: {  	v63 =	vld [tilespmem:$0x540];
	[tilespmem:$0xBA20] =	vst v11  }
0x15e: {  	v29 =	vld [tilespmem:$0x310];
	[tilespmem:$0xBA30] =	vst v11  }
0x15f: {  	v31 =	vld [tilespmem:$0x370];
	[tilespmem:$0xBA40] =	vst v11  }
0x160: {  	v33 =	vld [tilespmem:$0x3D0];
	[tilespmem:$0xBA50] =	vst v11  }
0x161: {  	v35 =	vld [tilespmem:$0x430];
	[tilespmem:$0xBA60] =	vst v11  }
0x162: {  	v37 =	vld [tilespmem:$0x490];
	[tilespmem:$0xBA70] =	vst v11  }
0x163: {  	v38 =	vld [tilespmem:$0x4F0];
	[tilespmem:$0xBA80] =	vst v11  }
0x164: {  	v41 =	vld [tilespmem:$0x550];
	[tilespmem:$0xBA90] =	vst v11  }
0x165: {  	v43 =	vld [tilespmem:$0x320];
	[tilespmem:$0xBAA0] =	vst v11;
	vm10 =	vlt.s32 v56, v1;
	vm11 =	vlt.s32 v57, v1;
	vm12 =	vlt.s32 v58, v1  }
0x166: {  	v47 =	vld [tilespmem:$0x3E0];
	[tilespmem:$0xBAB0] =	vst v11;
	vm13 =	vlt.s32 v59, v1;
	vm14 =	vlt.s32 v60, v1;
	vm15 =	vlt.s32 v61, v1  }
0x167: {  	v49 =	vld [tilespmem:$0x440];
	[tilespmem:$0xBAC0] =	vst v11;
	vm4 =	vlt.s32 v63, v1;
	vm5 =	vlt.s32 v29, v2;
	vm6 =	vlt.s32 v31, v2  }
0x168: {  	v51 =	vld [tilespmem:$0x4A0];
	[tilespmem:$0xBAD0] =	vst v11;
	vm7 =	vlt.s32 v33, v2;
	vm8 =	vlt.s32 v35, v2;
	vm9 =	vlt.s32 v37, v2  }
0x169: {  	v52 =	vld [tilespmem:$0x500];
	[tilespmem:$0xBAE0] =	vst v11;
	v62 =	vsel vm10, $0x1, v8;
	v28 =	vsel vm11, $0x1, v8;
	v30 =	vsel vm12, $0x1, v8  }
0x16a: {  	v53 =	vld [tilespmem:$0x560];
	[tilespmem:$0xBAF0] =	vst v11;
	v32 =	vsel vm13, $0x1, v8;
	v34 =	vsel vm14, $0x1, v8;
	v36 =	vsel vm15, $0x1, v8  }
0x16b: {  	v55 =	vld [tilespmem:$0x330];
	[tilespmem:$0xBB00] =	vst v11;
	v39 =	vsel vm4, $0x1, v8;
	v40 =	vsel vm5, $0x1, v8;
	v42 =	vsel vm6, $0x1, v8  }
0x16c: {  	[tilespmem:$0xBB10] =	vst v11;
	v44 =	vsel vm7, $0x1, v8;
	v46 =	vsel vm8, $0x1, v8;
	v48 =	vsel vm9, $0x1, v8  }
0x16d: {  	[tilespmem:$0xBB20] =	vst v11;
	vm10 =	vlt.s32 v38, v2;
	vm11 =	vlt.s32 v41, v2;
	vm12 =	vlt.s32 v43, v3  }
0x16e: {  	[tilespmem:$0xBB30] =	vst v11;
	vm14 =	vlt.s32 v47, v3;
	vm15 =	vlt.s32 v49, v3;
	v17 =	vadd.s32 v62, v17  }
0x16f: {  	[tilespmem:$0xBB40] =	vst v11;
	v57 =	vld [tilespmem:$0x390];
	vm4 =	vlt.s32 v51, v3;
	vm5 =	vlt.s32 v52, v3;
	v17 =	vadd.s32 v28, v17  }
0x170: {  	[tilespmem:$0xBB50] =	vst v11;
	vm6 =	vlt.s32 v53, v3;
	vm7 =	vlt.s32 v55, v4;
	v38 =	vld [tilespmem:$0x460];
	v17 =	vadd.s32 v30, v17  }
0x171: {  	[tilespmem:$0xBB60] =	vst v11;
	v16 =	vadd.s32 v40, v16;
	v50 =	vsel vm10, $0x1, v8;
	v17 =	vadd.s32 v32, v17;
	v32 =	vld [tilespmem:$0x340]  }
0x172: {  	[tilespmem:$0xBB70] =	vst v11;
	v56 =	vsel vm14, $0x1, v8;
	v58 =	vsel vm15, $0x1, v8;
	v17 =	vadd.s32 v34, v17;
	v34 =	vld [tilespmem:$0x3A0]  }
0x173: {  	[tilespmem:$0xBB80] =	vst v11;
	v60 =	vsel vm4, $0x1, v8;
	v16 =	vadd.s32 v42, v16;
	v17 =	vadd.s32 v36, v17;
	v36 =	vld [tilespmem:$0x400]  }
0x174: {  	[tilespmem:$0xBB90] =	vst v11;
	v41 =	vld [tilespmem:$0x520];
	v62 =	vsel vm5, $0x1, v8;
	v29 =	vsel vm6, $0x1, v8;
	v16 =	vadd.s32 v44, v16  }
0x175: {  	[tilespmem:$0xBBA0] =	vst v11;
	v24 =	vsel vm7, $0x1, v8;
	v40 =	vld [tilespmem:$0x4C0];
	v16 =	vadd.s32 v46, v16;
	vm8 =	vlt.s32 v57, v4  }
0x176: {  	[tilespmem:$0xBBB0] =	vst v11;
	v16 =	vadd.s32 v48, v16;
	v31 =	vsel vm8, $0x1, v8;
	vm14 =	vlt.s32 v32, v5  }
0x177: {  	[tilespmem:$0xBBC0] =	vst v11;
	v43 =	vld [tilespmem:$0x580];
	vm5 =	vlt.s32 v38, v5;
	v23 =	vsel vm14, $0x1, v8;
	vm15 =	vlt.s32 v34, v5  }
0x178: {  	[tilespmem:$0xBBD0] =	vst v11;
	v13 =	vadd.s32 v23, v13;
	v44 =	vsel vm15, $0x1, v8;
	vm4 =	vlt.s32 v36, v5  }
0x179: {  	[tilespmem:$0xBBE0] =	vst v11;
	vm7 =	vlt.s32 v41, v5;
	v13 =	vadd.s32 v44, v13;
	v46 =	vsel vm4, $0x1, v8  }
0x17a: {  	[tilespmem:$0xBBF0] =	vst v11;
	v63 =	vld [tilespmem:$0x4B0];
	v48 =	vsel vm5, $0x1, v8;
	vm6 =	vlt.s32 v40, v5;
	v13 =	vadd.s32 v46, v13  }
0x17b: {  	[tilespmem:$0xBC00] =	vst v11;
	v16 =	vadd.s32 v50, v16;
	v50 =	vsel vm6, $0x1, v8;
	v13 =	vadd.s32 v48, v13  }
0x17c: {  	[tilespmem:$0xBC10] =	vst v11;
	vm8 =	vlt.s32 v43, v5;
	v52 =	vsel vm7, $0x1, v8;
	v13 =	vadd.s32 v50, v13  }
0x17d: {  	[tilespmem:$0xBC20] =	vst v11;
	v55 =	vsel vm8, $0x1, v8;
	v17 =	vadd.s32 v39, v17;
	v13 =	vadd.s32 v52, v13  }
0x17e: {  	[tilespmem:$0x0] =	vst v17;
	v13 =	vadd.s32 v55, v13  }
0x17f: {  	v21 =	vsel vm11, $0x1, v8;
	vm11 =	vlt.s32 v63, v4;
	v63 =	vld [tilespmem:$0x0];
	[tilespmem:$0x40] =	vst v13  }
0x180: {  	[tilespmem:$0xBC30] =	vst v11;
	v13 =	vld [tilespmem:$0x40]  }
0x181: {  	[tilespmem:$0xBC40] =	vst v11  }
0x182: {  	[tilespmem:$0xBC50] =	vst v11  }
0x183: {  	[tilespmem:$0xBC60] =	vst v11  }
0x184: {  	[tilespmem:$0xBC70] =	vst v11;
	(v2sf) =	vpush v63, $0x0  }
0x185: {  	[tilespmem:$0xBC80] =	vst v11;
	(v2sf) =	vpush v13, $0x0  }
0x186: {  	[tilespmem:$0xBC90] =	vst v11  }
0x187: {  	[tilespmem:$0xBCA0] =	vst v11  }
0x188: {  	[tilespmem:$0xBCB0] =	vst v11  }
0x189: {  	[tilespmem:$0xBCC0] =	vst v11  }
0x18a: {  	[tilespmem:$0xBCD0] =	vst v11  }
0x18b: {  	[tilespmem:$0xBCE0] =	vst v11  }
0x18c: {  	[tilespmem:$0xBCF0] =	vst v11  }
0x18d: {  	[tilespmem:$0xBD00] =	vst v11  }
0x18e: {  	[tilespmem:$0xBD10] =	vst v11  }
0x18f: {  	[tilespmem:$0xBD20] =	vst v11  }
0x190: {  	v45 =	vld [tilespmem:$0x380];
	[tilespmem:$0xBD30] =	vst v11  }
0x191: {  	[tilespmem:$0xBD40] =	vst v11  }
0x192: {  	[tilespmem:$0xBD50] =	vst v11  }
0x193: {  	[tilespmem:$0xBD60] =	vst v11;
	v59 =	vld [tilespmem:$0x3F0];
	s16 =	spop (v2sf)  }
0x194: {  	[tilespmem:$0xBD70] =	vst v11;
	v61 =	vld [tilespmem:$0x450];
	s6 =	spop (v2sf)  }
0x195: {  	[tilespmem:$0xBD80] =	vst v11;
	vm13 =	vlt.s32 v45, v3;
	v45 =	vld [tilespmem:$0x350];
	s19 =	ssub.s32 s6, s16  }
0x196: {  	[tilespmem:$0xBD90] =	vst v11;
	v47 =	vld [tilespmem:$0x3B0];
	v22 =	vsel vm12, $0x1, v8;
	s1 =	sadd.s32 $0x1FF, s19  }
0x197: {  	[tilespmem:$0xBDA0] =	vst v11;
	v49 =	vld [tilespmem:$0x410];
	v54 =	vsel vm13, $0x1, v8;
	v15 =	vadd.s32 v22, v15;
	s20 =	sand.u32 $0x1FF, s1  }
0x198: {  	[tilespmem:$0xBDB0] =	vst v11;
	v15 =	vadd.s32 v54, v15;
	s21 =	sshra.s32 s1, $0x1F;
	p0 =	slt.s32 s1, $0x1;
	p1 =	sne.s32 s20, $0x0  }
0x199: {  	[tilespmem:$0xBDC0] =	vst v11;
	v14 =	vadd.s32 v24, v14;
	v15 =	vadd.s32 v56, v15;
	vm9 =	vlt.s32 v59, v4;
	s22 =	sshrl.u32 s21, $0x17;
	p0 =	por !p0, !p1  }
0x19a: {  	s2 =	simm.s32 $0x1;
	[tilespmem:$0xBDD0] =	vst v11;
	v28 =	vld [tilespmem:$0x510];
	vm10 =	vlt.s32 v61, v4;
	v15 =	vadd.s32 v58, v15;
	v33 =	vsel vm9, $0x1, v8;
	s1 =	sadd.s32 s22, s1;
	p0 =	por !p0, !p0  }
0x19b: {  	[tilespmem:$0xBDE0] =	vst v11;
	v51 =	vld [tilespmem:$0x470];
	v35 =	vsel vm10, $0x1, v8;
	v37 =	vsel vm11, $0x1, v8;
	vm9 =	vlt.s32 v45, v6;
	s1 =	sshra.s32 s1, $0x9;
	s2 =	simm.s32 @!p0 $0x0  }
0x19c: {  	[tilespmem:$0xBDF0] =	vst v11;
	v30 =	vld [tilespmem:$0x570];
	vm10 =	vlt.s32 v47, v6;
	vm11 =	vlt.s32 v49, v6;
	v15 =	vadd.s32 v60, v15;
	s1 =	ssub.s32 s1, s2  }
0x19d: {  	[tilespmem:$0xBE00] =	vst v11;
	v14 =	vadd.s32 v31, v14;
	v22 =	vsel vm9, $0x1, v8;
	v57 =	vsel vm10, $0x1, v8;
	s2 =	sadd.s32 $0x1, s1  }
0x19e: {  	[tilespmem:$0xBE10] =	vst v11;
	v53 =	vld [tilespmem:$0x4D0];
	v58 =	vsel vm11, $0x1, v8;
	v16 =	vadd.s32 v21, v16;
	v15 =	vadd.s32 v62, v15;
	s23 =	sand.u32 $0x1, s2  }
0x19f: {  	[tilespmem:$0xBE20] =	vst v11;
	v54 =	vld [tilespmem:$0x530];
	v14 =	vadd.s32 v33, v14;
	vm12 =	vlt.s32 v28, v4;
	v12 =	vadd.s32 v22, v12;
	p5 =	slt.s32 s1, $0x0;
	p6 =	seq.s32 s23, $0x1  }
0x1a0: {  	[tilespmem:$0xBE30] =	vst v11;
	v56 =	vld [tilespmem:$0x590];
	v14 =	vadd.s32 v35, v14;
	v15 =	vadd.s32 v29, v15;
	v39 =	vsel vm12, $0x1, v8;
	s31 =	sshrl.u32 s2, $0x1F;
	p0 =	por !p5, !p6  }
0x1a1: {  	s3 =	simm.s32 $0x1;
	[tilespmem:$0xBE40] =	vst v11;
	vm13 =	vlt.s32 v30, v4;
	v12 =	vadd.s32 v57, v12;
	vm12 =	vlt.s32 v51, v6;
	s2 =	sadd.s32 s31, s2;
	p0 =	por !p0, !p0  }
0x1a2: {  	[tilespmem:$0xBE50] =	vst v11;
	v14 =	vadd.s32 v37, v14;
	v42 =	vsel vm13, $0x1, v8;
	v12 =	vadd.s32 v58, v12;
	s2 =	sshra.s32 s2, $0x1;
	s3 =	simm.s32 @!p0 $0x0  }
0x1a3: {  	[tilespmem:$0xBE60] =	vst v11;
	v59 =	vsel vm12, $0x1, v8;
	vm13 =	vlt.s32 v53, v6;
	v14 =	vadd.s32 v39, v14;
	s11 =	ssub.s32 s2, s3  }
0x1a4: {  	[tilespmem:$0xBE70] =	vst v11;
	v12 =	vadd.s32 v59, v12;
	v60 =	vsel vm13, $0x1, v8;
	vm14 =	vlt.s32 v54, v6;
	p2 =	slt.s32 s16, $0x184A0;
	s1 =	smov.u32 s16;
	p0 =	slt.s32 s11, $0x1  }
.Ltmp2:
0x1a5: {  	[tilespmem:$0x10] =	vst v16;
	v12 =	vadd.s32 v60, v12;
	v61 =	vsel vm14, $0x1, v8;
	vm15 =	vlt.s32 v56, v6;
	s1 =	simm.s32 @!p2 $0x184A0;
	(pc) =	sbr.rel @p0 .LBB2_27-.Ltmp2, $4  }
0x1a6: {  	[tilespmem:$0x20] =	vst v15;
	v14 =	vadd.s32 v42, v14;
	v12 =	vadd.s32 v61, v12;
	v62 =	vsel vm15, $0x1, v8;
	s1 =	sshll.u32 s1, $0x4  }
0x1a7: {  	[tilespmem:$0x30] =	vst v14;
	v12 =	vadd.s32 v62, v12;
	s1 =	sand.u32 $0x1FFFFFF0, s1  }
0x1a8: {  	[tilespmem:$0x50] =	vst v12;
	s1 =	sadd.s32 s1, s5  }
0x1a9: {  	[tilespmem:s28], [sflag:$0x1] =	stream.strided.gather [hbm4b:s1+s25], $0x4000, s26, s25, $0x38;
	[tilespmem:$0xBF80] =	vst v63  }
.Ltmp3:
0x1aa: {  	(pc) =	sbr.rel .LBB2_3-.Ltmp3, $3  }
0x1ab: {  	_ =	sdelay $0x1  }
0x1ac: {  	s15 =	sadd.s32 $0x400, s16;
	s13 =	sadd.s32 $0x200, s16;
	s14 =	simm.s32 $0x0  }
0x1ad: {  	v12 =	vimm.f32 $-Inf;
	s3 =	smov.u32 s16;
	v13 =	vimm.f32 $-Inf;
	s17 =	simm.s32 $0x0;
	s12 =	smov.u32 s15  }
.LBB2_26:
0x1ae: {  	s17 =	sadd.s32 $0x1, s17  }
0x1af: {  	p0 =	sne.s32 s17, s11  }
.Ltmp4:
0x1b0: {  	_ = 	snop;
	(pc) =	sbr.rel @!p0 .LBB2_27-.Ltmp4, $2  }
0x1b1: {  	_ =	sdelay $0x2  }
0x1b2: {  	s3 =	sadd.s32 $0x400, s3;
	s13 =	sadd.s32 $0x400, s13;
	s12 =	sadd.s32 $0x400, s12  }
.LBB2_3:
0x1b3: {  	s19 =	sshll.u32 s17, $0xA  }
0x1b4: {  	s2 =	sadd.s32 s16, s19  }
0x1b5: {  	s1 =	sadd.s32 $0x200, s2  }
0x1b6: {  	p0 =	slt.s32 s1, $0x184A0;
	s4 =	smov.u32 s1  }
0x1b7: {  	s4 =	simm.s32 @!p0 $0x184A0  }
0x1b8: {  	s4 =	sshll.u32 s4, $0x4  }
0x1b9: {  	s4 =	sand.u32 $0x1FFFFFF0, s4  }
0x1ba: {  	s4 =	sadd.s32 s4, s5  }
0x1bb: {  	[tilespmem:s29], [sflag:$0x2] =	stream.strided.gather [hbm4b:s4+s25], $0x4000, s26, s25, $0x38;
	[tilespmem:$0xBF80] =	vst v63  }
0x1bc: {  	_ =	swait.ge [sflag:s24], $0x4000  }
0x1bd: {  	[sflag:s24] =	ssyncset.done $0x0  }
0x1be: {  	[sflag:s24] =	ssyncadd.s32 $0xFFFFC000  }
0x1bf: {  	v16 =	vld [tilespmem:$0x1]  }
0x1c0: {  	v17 =	vld [tilespmem:$0x11]  }
0x1c1: {  	v19 =	vld [tilespmem:$0x21]  }
0x1c2: {  	v20 =	vld [tilespmem:$0x31]  }
0x1c3: {  	s21 =	sadd.s32 $0x1, s14;
	s18 =	smov.u32 s6;
	p0 =	slt.s32 s1, s6  }
0x1c4: {  	v14 =	vadd.s32 $0x2, v0;
	v15 =	vadd.s32 $0x12, v0;
	v18 =	vmov s21;
	s18 =	smov.u32 @p0 s1  }
0x1c5: {  	vm0 =	vlt.s32 v18, v14;
	vm2 =	vlt.s32 v18, v15;
	vm1 =	vle.s32 v16, s18  }
0x1c6: {  	vm3 =	vle.s32 v17, s18;
	v17 =	vadd.s32 $0x22, v0;
	vm13 =	vle.s32 v19, s18  }
0x1c7: {  	v16 =	vadd.s32 $0x32, v0;
	vm15 =	vle.s32 v20, s18;
	vm0 =	vmand vm0, vm1  }
0x1c8: {  	vm11 =	vmand vm2, vm3;
	vm12 =	vlt.s32 v18, v17;
	v21 =	vsel vm0, $0x1, v8  }
0x1c9: {  	vm14 =	vlt.s32 v18, v16;
	v22 =	vsel vm11, $0x1, v8;
	vm0 =	vmand vm12, vm13;
	(xrf0) =	vadd.scan.msk.s32 $0xffff, v21  }
0x1ca: {  	vm1 =	vmand vm14, vm15;
	v19 =	vsel vm0, $0x1, v8;
	(xrf0) =	vadd.scan.msk.s32 $0xffff, v22  }
0x1cb: {  	(xrf0) =	vadd.scan.msk.s32 $0xffff, v19;
	v19 =	vsel vm1, $0x1, v8  }
0x1cc: {  	(xrf0) =	vadd.scan.msk.s32 $0xffff, v19;
	_ =	sdelay $0x2  }
0x1cd: {  	v19, _, _ =	vpop (xrf0)  }
0x1ce: {  	v20, _, _ =	vpop (xrf0);
	(v2sf) =	vpush v19, $0xF  }
0x1cf: {  	v19, _, _ =	vpop (xrf0);
	(v2sf) =	vpush v20, $0xF  }
0x1d0: {  	(v2sf) =	vpush v19, $0xF;
	v19, _, _ =	vpop (xrf0)  }
0x1d1: {  	(v2sf) =	vpush v19, $0xF;
	_ =	sdelay $0xb  }
0x1d2: {  	s22 =	spop (v2sf)  }
0x1d3: {  	s23 =	spop (v2sf)  }
0x1d4: {  	s7 =	spop (v2sf);
	s1 =	sadd.s32 s23, s22  }
0x1d5: {  	s31 =	spop (v2sf);
	s1 =	sadd.s32 s7, s1  }
0x1d6: {  	s1 =	sadd.s32 s31, s1  }
0x1d7: {  	s20 =	sadd.s32 $0x1, s1  }
0x1d8: {  	p0 =	slt.s32 s20, $0x1  }
.Ltmp5:
0x1d9: {  	_ = 	snop;
	(pc) =	sbr.rel @p0 .LBB2_15-.Ltmp5, $1  }
0x1da: {  	_ =	sdelay $0x3  }
0x1db: {  	p0 =	slt.s32 s3, $0x184A0;
	s1 =	smov.u32 s3  }
.Ltmp6:
0x1dc: {  	s1 =	simm.s32 @!p0 $0x184A0;
	(pc) =	sbr.rel .LBB2_5-.Ltmp6, $4  }
0x1dd: {  	s4 =	sshll.u32 s1, $0x7  }
0x1de: {  	s31 =	smov.u32 s6;
	s4 =	ssub.s32 $0x0, s4  }
0x1df: {  	p0 =	slt.s32 s2, s6;
	s21 =	ssub.s32 $0x0, s1;
	s23 =	sshra.s32 s4, $0x2  }
0x1e0: {  	s31 =	smov.u32 @p0 s2;
	s22 =	sadd.s32 $0x3700, s23;
	s23 =	simm.s32 $0x0  }
.LBB2_12:
0x1e1: {  	v12 =	vmax.f32 v12, v18  }
.LBB2_13:
0x1e2: {  	s23 =	sadd.s32 $0x1, s23  }
0x1e3: {  	p1 =	sne.s32 s23, s20  }
.Ltmp7:
0x1e4: {  	_ = 	snop;
	(pc) =	sbr.rel @!p1 .LBB2_14-.Ltmp7, $4  }
0x1e5: {  	s1 =	sshll.u32 s14, $0x7  }
0x1e6: {  	s1 =	sshra.s32 s1, $0x2  }
0x1e7: {  	s7 =	sadd.s32 $0x1, s14;
	p0 =	sle.s32 s4, s18;
	[tilespmem:s1+$0xB680] =	vst v13  }
0x1e8: {  	s31 =	smov.u32 s2;
	s14 =	smov.u32 @p0 s7;
	[tilespmem:s1+$0xB690] =	vst v12;
	v13 =	vpsel p0, $0xFF800000, v13;
	v12 =	vpsel p0, $0xFF800000, v12  }
.LBB2_5:
0x1e9: {  	v18 =	vld [tilespmem:s14+$0x1];
	_ =	sdelay $0x4  }
0x1ea: {  	(v2sf) =	vpush v18, $0x0;
	_ =	sdelay $0xe  }
0x1eb: {  	s4 =	spop (v2sf)  }
0x1ec: {  	s2 =	smov.u32 s18;
	p0 =	slt.s32 s4, s18  }
0x1ed: {  	s2 =	smov.u32 @p0 s4  }
0x1ee: {  	s7 =	ssub.s32 s2, s31  }
0x1ef: {  	s1 =	sshra.s32 s7, $0x3  }
0x1f0: {  	p0 =	slt.s32 s1, $0x1  }
.Ltmp8:
0x1f1: {  	_ = 	snop;
	(pc) =	sbr.rel @p0 .LBB2_9-.Ltmp8, $1  }
0x1f2: {  	_ =	sdelay $0x3  }
0x1f3: {  	s9 =	sshll.u32 s31, $0x7  }
0x1f4: {  	s9 =	sshra.s32 s9, $0x2  }
0x1f5: {  	s9 =	sadd.s32 s9, s22  }
0x1f6: {  	v18 =	vld [tilespmem:s9+$0xFFFFFF90]  }
0x1f7: {  	v19 =	vld [tilespmem:s9+$0xFFFFFFB0]  }
0x1f8: {  	p0 =	sne.s32 s1, $0x1;
	v20 =	vld [tilespmem:s9+$0xFFFFFFD0]  }
.Ltmp9:
0x1f9: {  	v21 =	vld [tilespmem:s9+$0xFFFFFFF0];
	(pc) =	sbr.rel @!p0 .LBB2_8-.Ltmp9, $4  }
0x1fa: {  	v22 =	vld [tilespmem:s9+$0x10]  }
0x1fb: {  	v23 =	vld [tilespmem:s9+$0x30]  }
0x1fc: {  	v24 =	vld [tilespmem:s9+$0x50]  }
0x1fd: {  	s1 =	sadd.s32 $0xFFFFFFFF, s1;
	v25 =	vld [tilespmem:s9+$0x70]  }
.LBB2_7:
0x1fe: {  	p0 =	sne.s32 s1, $0x1;
	v26 =	vld [tilespmem:s9+$0xFFFFFFA0]  }
0x1ff: {  	v27 =	vld [tilespmem:s9+$0xFFFFFFC0]  }
0x200: {  	v28 =	vld [tilespmem:s9+$0xFFFFFFE0]  }
0x201: {  	v18 =	vmax.f32 v18, v19;
	v29 =	vld [tilespmem:s9+$0x0]  }
0x202: {  	v19 =	vmax.f32 v20, v21;
	v20 =	vmax.f32 v22, v23;
	v30 =	vld [tilespmem:s9+$0x20];
	v21 =	vmax.f32 v24, v25  }
0x203: {  	v18 =	vmax.f32 v18, v19;
	v22 =	vld [tilespmem:s9+$0x40];
	v19 =	vmax.f32 v20, v21  }
0x204: {  	v23 =	vld [tilespmem:s9+$0x60];
	v18 =	vmax.f32 v18, v19  }
0x205: {  	v24 =	vld [tilespmem:s9+$0xFFFFFF80];
	v25 =	vmax.f32 v27, v28;
	v12 =	vmax.f32 v12, v18;
	s9 =	sadd.s32 $0x100, s9  }
0x206: {  	v18 =	vld [tilespmem:s9+$0xFFFFFF90]  }
0x207: {  	v19 =	vld [tilespmem:s9+$0xFFFFFFB0];
	v27 =	vmax.f32 v29, v30  }
0x208: {  	v20 =	vld [tilespmem:s9+$0xFFFFFFD0]  }
.Ltmp10:
0x209: {  	v21 =	vld [tilespmem:s9+$0xFFFFFFF0];
	v23 =	vmax.f32 v22, v23;
	(pc) =	sbr.rel @p0 .LBB2_7-.Ltmp10, $4  }
0x20a: {  	v22 =	vld [tilespmem:s9+$0x10];
	v24 =	vmax.f32 v24, v26;
	v26 =	vmax.f32 v27, v23  }
0x20b: {  	v23 =	vld [tilespmem:s9+$0x30];
	v25 =	vmax.f32 v24, v25  }
0x20c: {  	v24 =	vld [tilespmem:s9+$0x50];
	v26 =	vmax.f32 v25, v26  }
0x20d: {  	s1 =	sadd.s32 $0xFFFFFFFF, s1;
	v25 =	vld [tilespmem:s9+$0x70];
	v13 =	vmax.f32 v13, v26  }
.LBB2_8:
0x20e: {  	v26 =	vld [tilespmem:s9+$0xFFFFFFA0]  }
0x20f: {  	v27 =	vld [tilespmem:s9+$0xFFFFFFC0]  }
0x210: {  	v28 =	vld [tilespmem:s9+$0xFFFFFFE0]  }
0x211: {  	v29 =	vld [tilespmem:s9+$0x0]  }
0x212: {  	v30 =	vld [tilespmem:s9+$0x20]  }
0x213: {  	v31 =	vld [tilespmem:s9+$0x40]  }
0x214: {  	v32 =	vld [tilespmem:s9+$0x60]  }
0x215: {  	v33 =	vld [tilespmem:s9+$0xFFFFFF80];
	_ =	sdelay $0x1  }
0x216: {  	v18 =	vmax.f32 v18, v19;
	v19 =	vmax.f32 v20, v21  }
0x217: {  	v18 =	vmax.f32 v18, v19  }
0x218: {  	v58 =	vmax.f32 v22, v23;
	v59 =	vmax.f32 v24, v25;
	v19 =	vmax.f32 v27, v28  }
0x219: {  	v60 =	vmax.f32 v29, v30;
	v61 =	vmax.f32 v31, v32;
	v62 =	vmax.f32 v33, v26  }
0x21a: {  	v20 =	vmax.f32 v58, v59;
	v63 =	vmax.f32 v60, v61;
	v19 =	vmax.f32 v62, v19  }
0x21b: {  	v18 =	vmax.f32 v18, v20;
	v19 =	vmax.f32 v19, v63  }
0x21c: {  	v12 =	vmax.f32 v12, v18;
	v13 =	vmax.f32 v13, v19  }
.LBB2_9:
0x21d: {  	s1 =	sand.u32 $0xFFFFFFF8, s7  }
0x21e: {  	s1 =	sadd.s32 s31, s1  }
0x21f: {  	p0 =	sge.s32 s1, s2  }
.Ltmp11:
0x220: {  	_ = 	snop;
	(pc) =	sbr.rel @p0 .LBB2_13-.Ltmp11, $1  }
0x221: {  	_ =	sdelay $0x3  }
0x222: {  	p0 =	slt.s32 s4, s6;
	s7 =	smov.u32 s6  }
0x223: {  	s7 =	smov.u32 @p0 s4  }
0x224: {  	s9 =	smov.u32 s13;
	p0 =	slt.s32 s7, s13  }
0x225: {  	s9 =	smov.u32 @p0 s7  }
0x226: {  	s7 =	ssub.s32 s9, s31  }
0x227: {  	s31 =	sadd.s32 s31, s21;
	s7 =	sand.u32 $0x1FFFFF8, s7  }
0x228: {  	s7 =	sadd.s32 s7, s31  }
0x229: {  	s7 =	sshll.u32 s7, $0x7  }
0x22a: {  	s7 =	sshra.s32 s7, $0x2  }
0x22b: {  	s1 =	sadd.s32 $0x1, s1;
	s7 =	sadd.s32 $0x3690, s7  }
0x22c: {  	p0 =	slt.s32 s1, s2;
	v19 =	vld [tilespmem:s7+$0xFFFFFFF0]  }
.Ltmp12:
0x22d: {  	v18 =	vld [tilespmem:s7+$0x0];
	(pc) =	sbr.rel @!p0 .LBB2_12-.Ltmp12, $2  }
0x22e: {  	_ =	sdelay $0x2  }
0x22f: {  	s7 =	sadd.s32 $0x20, s7;
	v13 =	vmax.f32 v13, v19  }
.LBB2_11:
0x230: {  	s1 =	sadd.s32 $0x1, s1  }
0x231: {  	v19 =	vld [tilespmem:s7+$0xFFFFFFF0];
	v12 =	vmax.f32 v12, v18;
	p0 =	slt.s32 s1, s2  }
.Ltmp13:
0x232: {  	v18 =	vld [tilespmem:s7+$0x0];
	(pc) =	sbr.rel @p0 .LBB2_11-.Ltmp13, $2  }
0x233: {  	_ =	sdelay $0x2  }
0x234: {  	s7 =	sadd.s32 $0x20, s7;
	v13 =	vmax.f32 v13, v19  }
.Ltmp14:
0x235: {  	_ = 	snop;
	(pc) =	sbr.rel .LBB2_12-.Ltmp14, $1  }
0x236: {  	_ =	sdelay $0x3  }
.LBB2_14:
0x237: {  	s1 =	sadd.s32 $0x1, s14  }
0x238: {  	v18 =	vmov s1  }
.LBB2_15:
0x239: {  	s1 =	sadd.s32 s19, s15  }
0x23a: {  	p0 =	slt.s32 s1, $0x184A0;
	s2 =	smov.u32 s1  }
0x23b: {  	s2 =	simm.s32 @!p0 $0x184A0  }
0x23c: {  	s2 =	sshll.u32 s2, $0x4  }
0x23d: {  	s2 =	sand.u32 $0x1FFFFFF0, s2  }
0x23e: {  	s2 =	sadd.s32 s2, s5  }
0x23f: {  	[tilespmem:s28], [sflag:$0x1] =	stream.strided.gather [hbm4b:s2+s25], $0x4000, s26, s25, $0x38;
	[tilespmem:$0xBF80] =	vst v63  }
0x240: {  	_ =	swait.ge [sflag:s30], $0x4000  }
0x241: {  	[sflag:s30] =	ssyncset.done $0x0  }
0x242: {  	[sflag:s30] =	ssyncadd.s32 $0xFFFFC000  }
0x243: {  	v19 =	vld [tilespmem:$0x1]  }
0x244: {  	v20 =	vld [tilespmem:$0x11]  }
0x245: {  	v21 =	vld [tilespmem:$0x21]  }
0x246: {  	s19 =	smov.u32 s6;
	p0 =	slt.s32 s1, s6;
	v22 =	vld [tilespmem:$0x31]  }
0x247: {  	vm0 =	vlt.s32 v18, v14;
	s19 =	smov.u32 @p0 s1  }
0x248: {  	vm2 =	vlt.s32 v18, v15;
	vm11 =	vlt.s32 v18, v17;
	vm1 =	vle.s32 v19, s19  }
0x249: {  	vm13 =	vlt.s32 v18, v16;
	vm10 =	vle.s32 v20, s19;
	vm0 =	vmand vm0, vm1  }
0x24a: {  	vm12 =	vle.s32 v21, s19;
	vm1 =	vmand vm2, vm10;
	v14 =	vsel vm0, $0x1, v8  }
0x24b: {  	vm14 =	vle.s32 v22, s19;
	v15 =	vsel vm1, $0x1, v8;
	vm0 =	vmand vm11, vm12;
	(xrf0) =	vadd.scan.msk.s32 $0xffff, v14  }
0x24c: {  	vm15 =	vmand vm13, vm14;
	v14 =	vsel vm0, $0x1, v8;
	(xrf0) =	vadd.scan.msk.s32 $0xffff, v15  }
0x24d: {  	(xrf0) =	vadd.scan.msk.s32 $0xffff, v14;
	v14 =	vsel vm15, $0x1, v8  }
0x24e: {  	(xrf0) =	vadd.scan.msk.s32 $0xffff, v14;
	_ =	sdelay $0x2  }
0x24f: {  	v14, _, _ =	vpop (xrf0)  }
0x250: {  	v15, _, _ =	vpop (xrf0);
	(v2sf) =	vpush v14, $0xF  }
0x251: {  	v14, _, _ =	vpop (xrf0);
	(v2sf) =	vpush v15, $0xF  }
0x252: {  	(v2sf) =	vpush v14, $0xF;
	v14, _, _ =	vpop (xrf0)  }
0x253: {  	(v2sf) =	vpush v14, $0xF;
	_ =	sdelay $0xb  }
0x254: {  	s22 =	spop (v2sf)  }
0x255: {  	s23 =	spop (v2sf)  }
0x256: {  	s4 =	spop (v2sf);
	s1 =	sadd.s32 s23, s22  }
0x257: {  	s31 =	spop (v2sf);
	s1 =	sadd.s32 s4, s1  }
0x258: {  	s1 =	sadd.s32 s31, s1  }
0x259: {  	s20 =	sadd.s32 $0x1, s1  }
0x25a: {  	p0 =	slt.s32 s20, $0x1  }
.Ltmp15:
0x25b: {  	_ = 	snop;
	(pc) =	sbr.rel @p0 .LBB2_26-.Ltmp15, $1  }
0x25c: {  	_ =	sdelay $0x3  }
0x25d: {  	p0 =	slt.s32 s13, $0x184A0;
	s1 =	smov.u32 s13  }
.Ltmp16:
0x25e: {  	s1 =	simm.s32 @!p0 $0x184A0;
	(pc) =	sbr.rel .LBB2_17-.Ltmp16, $4  }
0x25f: {  	s2 =	sshll.u32 s1, $0x7  }
0x260: {  	s2 =	ssub.s32 $0x0, s2  }
0x261: {  	s2 =	sshra.s32 s2, $0x2  }
0x262: {  	s23 =	simm.s32 $0x0;
	s21 =	ssub.s32 $0x0, s1;
	s22 =	sadd.s32 $0x7700, s2  }
.LBB2_24:
0x263: {  	v12 =	vmax.f32 v12, v14  }
.LBB2_25:
0x264: {  	s23 =	sadd.s32 $0x1, s23  }
0x265: {  	p1 =	sne.s32 s23, s20  }
.Ltmp17:
0x266: {  	_ = 	snop;
	(pc) =	sbr.rel @!p1 .LBB2_26-.Ltmp17, $4  }
0x267: {  	s1 =	sshll.u32 s14, $0x7  }
0x268: {  	s1 =	sshra.s32 s1, $0x2  }
0x269: {  	s7 =	sadd.s32 $0x1, s14;
	p0 =	sle.s32 s4, s19;
	[tilespmem:s1+$0xB680] =	vst v13  }
0x26a: {  	s18 =	smov.u32 s2;
	s14 =	smov.u32 @p0 s7;
	[tilespmem:s1+$0xB690] =	vst v12;
	v13 =	vpsel p0, $0xFF800000, v13;
	v12 =	vpsel p0, $0xFF800000, v12  }
.LBB2_17:
0x26b: {  	v14 =	vld [tilespmem:s14+$0x1];
	_ =	sdelay $0x4  }
0x26c: {  	(v2sf) =	vpush v14, $0x0;
	_ =	sdelay $0xe  }
0x26d: {  	s4 =	spop (v2sf)  }
0x26e: {  	s2 =	smov.u32 s19;
	p0 =	slt.s32 s4, s19  }
0x26f: {  	s2 =	smov.u32 @p0 s4  }
0x270: {  	s7 =	ssub.s32 s2, s18  }
0x271: {  	s1 =	sshra.s32 s7, $0x3  }
0x272: {  	p0 =	slt.s32 s1, $0x1  }
.Ltmp18:
0x273: {  	_ = 	snop;
	(pc) =	sbr.rel @p0 .LBB2_21-.Ltmp18, $1  }
0x274: {  	_ =	sdelay $0x3  }
0x275: {  	s9 =	sshll.u32 s18, $0x7  }
0x276: {  	s9 =	sshra.s32 s9, $0x2  }
0x277: {  	s9 =	sadd.s32 s9, s22  }
0x278: {  	v14 =	vld [tilespmem:s9+$0xFFFFFF90]  }
0x279: {  	v15 =	vld [tilespmem:s9+$0xFFFFFFB0]  }
0x27a: {  	p0 =	sne.s32 s1, $0x1;
	v16 =	vld [tilespmem:s9+$0xFFFFFFD0]  }
.Ltmp19:
0x27b: {  	v17 =	vld [tilespmem:s9+$0xFFFFFFF0];
	(pc) =	sbr.rel @!p0 .LBB2_20-.Ltmp19, $4  }
0x27c: {  	v18 =	vld [tilespmem:s9+$0x10]  }
0x27d: {  	v19 =	vld [tilespmem:s9+$0x30]  }
0x27e: {  	v20 =	vld [tilespmem:s9+$0x50]  }
0x27f: {  	s1 =	sadd.s32 $0xFFFFFFFF, s1;
	v21 =	vld [tilespmem:s9+$0x70]  }
.LBB2_19:
0x280: {  	p0 =	sne.s32 s1, $0x1;
	v22 =	vld [tilespmem:s9+$0xFFFFFFA0]  }
0x281: {  	v23 =	vld [tilespmem:s9+$0xFFFFFFC0]  }
0x282: {  	v24 =	vld [tilespmem:s9+$0xFFFFFFE0]  }
0x283: {  	v14 =	vmax.f32 v14, v15;
	v25 =	vld [tilespmem:s9+$0x0]  }
0x284: {  	v15 =	vmax.f32 v16, v17;
	v16 =	vmax.f32 v18, v19;
	v26 =	vld [tilespmem:s9+$0x20];
	v17 =	vmax.f32 v20, v21  }
0x285: {  	v14 =	vmax.f32 v14, v15;
	v18 =	vld [tilespmem:s9+$0x40];
	v15 =	vmax.f32 v16, v17  }
0x286: {  	v19 =	vld [tilespmem:s9+$0x60];
	v14 =	vmax.f32 v14, v15  }
0x287: {  	v20 =	vld [tilespmem:s9+$0xFFFFFF80];
	v21 =	vmax.f32 v23, v24;
	v12 =	vmax.f32 v12, v14;
	s9 =	sadd.s32 $0x100, s9  }
0x288: {  	v14 =	vld [tilespmem:s9+$0xFFFFFF90]  }
0x289: {  	v15 =	vld [tilespmem:s9+$0xFFFFFFB0];
	v23 =	vmax.f32 v25, v26  }
0x28a: {  	v16 =	vld [tilespmem:s9+$0xFFFFFFD0]  }
.Ltmp20:
0x28b: {  	v17 =	vld [tilespmem:s9+$0xFFFFFFF0];
	v19 =	vmax.f32 v18, v19;
	(pc) =	sbr.rel @p0 .LBB2_19-.Ltmp20, $4  }
0x28c: {  	v18 =	vld [tilespmem:s9+$0x10];
	v20 =	vmax.f32 v20, v22;
	v22 =	vmax.f32 v23, v19  }
0x28d: {  	v19 =	vld [tilespmem:s9+$0x30];
	v21 =	vmax.f32 v20, v21  }
0x28e: {  	v20 =	vld [tilespmem:s9+$0x50];
	v22 =	vmax.f32 v21, v22  }
0x28f: {  	s1 =	sadd.s32 $0xFFFFFFFF, s1;
	v21 =	vld [tilespmem:s9+$0x70];
	v13 =	vmax.f32 v13, v22  }
.LBB2_20:
0x290: {  	v22 =	vld [tilespmem:s9+$0xFFFFFFA0]  }
0x291: {  	v23 =	vld [tilespmem:s9+$0xFFFFFFC0]  }
0x292: {  	v24 =	vld [tilespmem:s9+$0xFFFFFFE0]  }
0x293: {  	v25 =	vld [tilespmem:s9+$0x0]  }
0x294: {  	v26 =	vld [tilespmem:s9+$0x20]  }
0x295: {  	v27 =	vld [tilespmem:s9+$0x40]  }
0x296: {  	v28 =	vld [tilespmem:s9+$0x60]  }
0x297: {  	v29 =	vld [tilespmem:s9+$0xFFFFFF80];
	_ =	sdelay $0x1  }
0x298: {  	v14 =	vmax.f32 v14, v15;
	v15 =	vmax.f32 v16, v17  }
0x299: {  	v14 =	vmax.f32 v14, v15  }
0x29a: {  	v58 =	vmax.f32 v18, v19;
	v59 =	vmax.f32 v20, v21;
	v15 =	vmax.f32 v23, v24  }
0x29b: {  	v60 =	vmax.f32 v25, v26;
	v61 =	vmax.f32 v27, v28;
	v62 =	vmax.f32 v29, v22  }
0x29c: {  	v16 =	vmax.f32 v58, v59;
	v63 =	vmax.f32 v60, v61;
	v15 =	vmax.f32 v62, v15  }
0x29d: {  	v14 =	vmax.f32 v14, v16;
	v15 =	vmax.f32 v15, v63  }
0x29e: {  	v12 =	vmax.f32 v12, v14;
	v13 =	vmax.f32 v13, v15  }
.LBB2_21:
0x29f: {  	s1 =	sand.u32 $0xFFFFFFF8, s7  }
0x2a0: {  	s1 =	sadd.s32 s18, s1  }
0x2a1: {  	p0 =	sge.s32 s1, s2  }
.Ltmp21:
0x2a2: {  	_ = 	snop;
	(pc) =	sbr.rel @p0 .LBB2_25-.Ltmp21, $1  }
0x2a3: {  	_ =	sdelay $0x3  }
0x2a4: {  	p0 =	slt.s32 s4, s6;
	s7 =	smov.u32 s6  }
0x2a5: {  	s7 =	smov.u32 @p0 s4  }
0x2a6: {  	s9 =	smov.u32 s12;
	p0 =	slt.s32 s7, s12  }
0x2a7: {  	s9 =	smov.u32 @p0 s7  }
0x2a8: {  	s7 =	ssub.s32 s9, s18  }
0x2a9: {  	s31 =	sadd.s32 s18, s21;
	s7 =	sand.u32 $0x1FFFFF8, s7  }
0x2aa: {  	s7 =	sadd.s32 s7, s31  }
0x2ab: {  	s7 =	sshll.u32 s7, $0x7  }
0x2ac: {  	s7 =	sshra.s32 s7, $0x2  }
0x2ad: {  	s1 =	sadd.s32 $0x1, s1;
	s7 =	sadd.s32 $0x7690, s7  }
0x2ae: {  	p0 =	slt.s32 s1, s2;
	v15 =	vld [tilespmem:s7+$0xFFFFFFF0]  }
.Ltmp22:
0x2af: {  	v14 =	vld [tilespmem:s7+$0x0];
	(pc) =	sbr.rel @!p0 .LBB2_24-.Ltmp22, $2  }
0x2b0: {  	_ =	sdelay $0x2  }
0x2b1: {  	s7 =	sadd.s32 $0x20, s7;
	v13 =	vmax.f32 v13, v15  }
.LBB2_23:
0x2b2: {  	s1 =	sadd.s32 $0x1, s1  }
0x2b3: {  	v15 =	vld [tilespmem:s7+$0xFFFFFFF0];
	v12 =	vmax.f32 v12, v14;
	p0 =	slt.s32 s1, s2  }
.Ltmp23:
0x2b4: {  	v14 =	vld [tilespmem:s7+$0x0];
	(pc) =	sbr.rel @p0 .LBB2_23-.Ltmp23, $2  }
0x2b5: {  	_ =	sdelay $0x2  }
0x2b6: {  	s7 =	sadd.s32 $0x20, s7;
	v13 =	vmax.f32 v13, v15  }
.Ltmp24:
0x2b7: {  	_ = 	snop;
	(pc) =	sbr.rel .LBB2_24-.Ltmp24, $1  }
0x2b8: {  	_ =	sdelay $0x3  }
.LBB2_28:
0x2b9: {  	_ =	sfence.sel $0x180000  }
0x2ba: {  	[bflag:$0x0] =	sbarrier.arrive $0xFFFF  }
0x2bb: {  	_ =	strace $0x90000047  }
0x2bc: {  	s0 =	stileid.u32;
	[bflag:$0x2] =	sbarrier.arrive $0xFFFF  }
0x2bd: {  	p0 =	sne.s32 s0, $0x0;
	s0 =	rddreg [dreg:$0x4]  }
0x2be: {  	s0 =	sadd.s32 @!p0 $0x100000, s0  }
0x2bf: {  	[sflag:s0] =	ssyncadd.tile.s32 @!p0 $0x1;
	_ =	shalt  }
.Lfunc_end2:
_tile_overlayer_lowered:
.L_overlay_start_2:
0x2c0: {  	(tag) =	ssettag $0x2  }
0x2c1: {  	s0 =	rddreg [dreg:$0x0];
	s2 =	stileid.u32  }
0x2c2: {  	s1 =	rddreg [dreg:$0x1];
	p0 =	sne.s32 s2, $0x0  }
0x2c3: {  	s3 =	rddreg [dreg:$0x2];
	[bflag:$0x3] =	sbarrier.arrive $0xFFFF;
	s2 =	simm.s32 @!p0 $0x1C03  }
0x2c4: {  	[timem:s3], [sflag:s2] =	dma.local @!p0 [hbm:s0], s1  }
0x2c5: {  	s0 =	simm.s32 @!p0 $0x3  }
0x2c6: {  	_ =	swait.ge @!p0 [sflag:s0], s1  }
0x2c7: {  	s1 =	ssub.s32 @!p0 $0x0, s1;
	[sflag:s0] =	ssyncset.done @!p0 $0x0  }
0x2c8: {  	[sflag:s0] =	ssyncadd.s32 @!p0 s1  }
0x2c9: {  	[bflag:$0x3] =	sbarrier.arrive $0xFFFF  }
0x2ca: {  	_ =	shalt  }

</sc_bundles>
